<compile_context>
chip_gen: v7x
topology: tpu7x:2x2x1
jax: 0.10.2.dev20260603
libtpu: 0.0.44.dev20260713+nightly
codegen_flags: <defaults>
</compile_context>

<pallas_src>
import functools

import jax
import jax.numpy as jnp
from jax import lax
from jax.experimental import pallas as pl
from jax.experimental.pallas import tpu as pltpu, tpu_sc as plsc

_info = plsc.get_sparse_core_info()
_NC = _info.num_cores
_NS = _info.num_subcores
_NW = _NC * _NS

_CHUNK = 256


@functools.lru_cache(maxsize=None)
def _make_gather(ns: int, nb: int, D: int):
    assert D == 64
    b_per_w = nb // _NW
    hpw = b_per_w // _CHUNK
    n_chunks = ns * hpw

    mesh = plsc.VectorSubcoreMesh(core_axis_name="c", subcore_axis_name="s")

    @functools.partial(
        pl.kernel,
        out_type=jax.ShapeDtypeStruct((ns, D, nb), jnp.float32),
        mesh=mesh,
        scratch_types=(
            [pltpu.VMEM((_CHUNK,), jnp.int32) for _ in range(2)]
            + [pltpu.VMEM((_CHUNK,), jnp.int32) for _ in range(2)]
            + [pltpu.VMEM((_CHUNK, 2 * D), jnp.float32) for _ in range(2)]
            + [pltpu.VMEM((D, _CHUNK), jnp.float32) for _ in range(2)]
            + [pltpu.SemaphoreType.DMA for _ in range(4)]
        ),
        compiler_params=pltpu.CompilerParams(
            use_tc_tiling_on_sc=True, needs_layout_passes=False
        ),
    )
    def gather_kernel(table2_hbm, ih_hbm, io_hbm, out_hbm, *refs):
        ih = refs[0:2]
        io = refs[2:4]
        rows = refs[4:6]
        tb = refs[6:8]
        gsem = refs[8:10]
        osem = refs[10:12]

        wid = lax.axis_index("s") * _NC + lax.axis_index("c")
        bbase = wid * b_per_w

        iota = lax.iota(jnp.int32, 16)

        def split(c):
            s = c // hpw
            b0 = bbase + (c % hpw) * _CHUNK
            return s, b0

        def stage_idx(c, b):
            s, b0 = split(c)
            p0 = pl.multiple_of(s * nb + b0, _CHUNK)
            pltpu.sync_copy(ih_hbm.at[pl.ds(p0, _CHUNK)], ih[b])
            pltpu.sync_copy(io_hbm.at[pl.ds(p0, _CHUNK)], io[b])

        def gather_copy(b):
            return pltpu.make_async_copy(table2_hbm.at[ih[b]], rows[b], gsem[b])

        def out_copy(c, b):
            s, b0 = split(c)
            return pltpu.make_async_copy(
                tb[b],
                out_hbm.at[s, :, pl.ds(pl.multiple_of(b0, _CHUNK), _CHUNK)],
                osem[b],
            )

        stage_idx(0, 0)
        gather_copy(0).start()

        def step(c, b):
            @pl.when(c + 1 < n_chunks)
            def _():
                stage_idx(c + 1, 1 - b)
                gather_copy(1 - b).start()

            gather_copy(b).wait()

            @pl.when(c >= 2)
            def _():
                out_copy(c - 2, b).wait()

            @plsc.parallel_loop(0, _CHUNK // 16, unroll=2)
            def blk(R):
                rr = R * 16 + iota
                iov = io[b][pl.ds(pl.multiple_of(R * 16, 16), 16)]
                for j in range(16):
                    t = (iota + j) & 15
                    sc = iov + t
                    vals = [
                        plsc.load_gather(rows[b], [rr, sc + (16 * C)])
                        for C in range(4)
                    ]
                    for C in range(4):
                        plsc.store_scatter(tb[b], [t + (16 * C), rr], vals[C])

            out_copy(c, b).start()

        def pair(g, carry):
            step(2 * g, 0)
            step(2 * g + 1, 1)
            return carry

        lax.fori_loop(0, n_chunks // 2, pair, 0)

        out_copy(n_chunks - 2, 0).wait()
        out_copy(n_chunks - 1, 1).wait()

    return gather_kernel


def kernel(indices, table):
    nb, ns = indices.shape
    V, D = table.shape
    half = V // 2
    flat = indices.T.reshape(nb * ns).astype(jnp.int32)
    table2 = table.reshape(half, 2 * D)
    ih = flat >> 1
    io = (flat & 1) << 6
    out = _make_gather(ns, nb, D)(table2, ih, io)
    return out.transpose(2, 0, 1)

# --- scband reference (transcript-rebuilt; emitter-appended) ---
"""Pipeline reference for scband-root-embeddings-72404558676557 (READ-ONLY COPY).

The authoritative reference and input builder live on the scoring server;
editing this copy changes nothing except your own understanding.
"""

import jax, jax.numpy as jnp
import numpy as np

VOCAB = 1000000
DIM = 64

def setup_inputs(seed: int = 0) -> dict:
    key = jax.random.key(seed)
    k_idx, k_tab = jax.random.split(key)
    indices = jax.random.randint(k_idx, (16384, 50), 0, VOCAB, dtype=jnp.int64 if jax.config.jax_enable_x64 else jnp.int32)
    table = jax.random.normal(k_tab, (VOCAB, DIM), dtype=jnp.float32) * 0.5
    return {"indices": indices, "table": table}

def reference(indices, table):
    # RootEmbeddings.forward: embedding lookup
    return jnp.take(table, indices, axis=0)

if __name__ == "__main__":
    import jax
    _d = setup_inputs()
    print(jax.jit(kernel)(*tuple(_d.values())))

</pallas_src>

<mosaic_0001>
#map = affine_map<(d0, d1) -> (0, 0)>
#map1 = affine_map<(d0, d1) -> (0)>
#map2 = affine_map<(d0, d1) -> (0, 0, 0)>
module attributes {stable_mosaic.version = 14 : i64} {
  func.func @gather_kernel(%arg0: i32, %arg1: i32, %arg2: memref<500000x128xf32, #tpu.memory_space<hbm>>, %arg3: memref<819200xi32, #tpu.memory_space<hbm>>, %arg4: memref<819200xi32, #tpu.memory_space<hbm>>, %arg5: memref<50x64x16384xf32, #tpu.memory_space<hbm>>, %arg6: memref<256xi32, #tpu.memory_space<vmem>>, %arg7: memref<256xi32, #tpu.memory_space<vmem>>, %arg8: memref<256xi32, #tpu.memory_space<vmem>>, %arg9: memref<256xi32, #tpu.memory_space<vmem>>, %arg10: memref<256x128xf32, #tpu.memory_space<vmem>>, %arg11: memref<256x128xf32, #tpu.memory_space<vmem>>, %arg12: memref<64x256xf32, #tpu.memory_space<vmem>>, %arg13: memref<64x256xf32, #tpu.memory_space<vmem>>, %arg14: memref<!tpu.dma_semaphore, #tpu.memory_space<semaphore_mem>>, %arg15: memref<!tpu.dma_semaphore, #tpu.memory_space<semaphore_mem>>, %arg16: memref<!tpu.dma_semaphore, #tpu.memory_space<semaphore_mem>>, %arg17: memref<!tpu.dma_semaphore, #tpu.memory_space<semaphore_mem>>) attributes {dimension_semantics = [#tpu.dimension_semantics<core_parallel>, #tpu.dimension_semantics<subcore_parallel>], iteration_bounds = array<i64: 2, 16>, scalar_prefetch = 0 : i64, scratch_operands = 12 : i64, tpu.core_type = #tpu.core_type<sc_vector_subcore>, window_params = [{transform_indices = #map}, {transform_indices = #map1}, {transform_indices = #map1}, {transform_indices = #map2}]} {
    %mul3A = arith.constant 2 : i32
    %mul3A_0 = arith.muli %arg1, %mul3A : i32
    %add3A = arith.addi %mul3A_0, %arg0 : i32
    %mul3A_1 = arith.constant 512 : i32
    %mul3A_2 = arith.muli %add3A, %mul3A_1 : i32
    %iota3A = tpu.iota {dimensions = array<i32: 0>} : vector<16xi32>
    %add3A_3 = arith.constant 0 : i32
    %add3A_4 = arith.addi %mul3A_2, %add3A_3 : i32
    %add3A_5 = arith.constant 0 : i32
    %add3A_6 = arith.addi %add3A_5, %add3A_4 : i32
    %multiple_of3A = tpu.assume_multiple %add3A_6, 256 : i32
    "tpu.region"() ({
      %run_scoped3A = tpu.sem_alloc : memref<!tpu.dma_semaphore, #tpu.memory_space<semaphore_mem>>
      %dma_start3A_33 = tpu.memref_slice %arg3[%multiple_of3A] : memref<819200xi32, #tpu.memory_space<hbm>> -> memref<256xi32, #tpu.memory_space<hbm>>
      %dma_start3A_34 = tpu.memref_slice %arg3[%multiple_of3A] : memref<819200xi32, #tpu.memory_space<hbm>> -> memref<256xi32, #tpu.memory_space<hbm>>
      tpu.enqueue_dma source(%dma_start3A_34 : memref<256xi32, #tpu.memory_space<hbm>>) target(%arg6 : memref<256xi32, #tpu.memory_space<vmem>>) target_semaphore(%run_scoped3A : memref<!tpu.dma_semaphore, #tpu.memory_space<semaphore_mem>>)
      %dma_wait3A_35 = tpu.memref_slice %arg3[%multiple_of3A] : memref<819200xi32, #tpu.memory_space<hbm>> -> memref<256xi32, #tpu.memory_space<hbm>>
      %dma_wait3A_36 = tpu.memref_slice %arg3[%multiple_of3A] : memref<819200xi32, #tpu.memory_space<hbm>> -> memref<256xi32, #tpu.memory_space<hbm>>
      tpu.wait_dma2 semaphore(%run_scoped3A : memref<!tpu.dma_semaphore, #tpu.memory_space<semaphore_mem>>) src(%dma_wait3A_36 : memref<256xi32, #tpu.memory_space<hbm>>) dst(%arg6 : memref<256xi32, #tpu.memory_space<vmem>>)
      tpu.yield
    }) : () -> ()
    "tpu.region"() ({
      %run_scoped3A = tpu.sem_alloc : memref<!tpu.dma_semaphore, #tpu.memory_space<semaphore_mem>>
      %dma_start3A_33 = tpu.memref_slice %arg4[%multiple_of3A] : memref<819200xi32, #tpu.memory_space<hbm>> -> memref<256xi32, #tpu.memory_space<hbm>>
      %dma_start3A_34 = tpu.memref_slice %arg4[%multiple_of3A] : memref<819200xi32, #tpu.memory_space<hbm>> -> memref<256xi32, #tpu.memory_space<hbm>>
      tpu.enqueue_dma source(%dma_start3A_34 : memref<256xi32, #tpu.memory_space<hbm>>) target(%arg8 : memref<256xi32, #tpu.memory_space<vmem>>) target_semaphore(%run_scoped3A : memref<!tpu.dma_semaphore, #tpu.memory_space<semaphore_mem>>)
      %dma_wait3A_35 = tpu.memref_slice %arg4[%multiple_of3A] : memref<819200xi32, #tpu.memory_space<hbm>> -> memref<256xi32, #tpu.memory_space<hbm>>
      %dma_wait3A_36 = tpu.memref_slice %arg4[%multiple_of3A] : memref<819200xi32, #tpu.memory_space<hbm>> -> memref<256xi32, #tpu.memory_space<hbm>>
      tpu.wait_dma2 semaphore(%run_scoped3A : memref<!tpu.dma_semaphore, #tpu.memory_space<semaphore_mem>>) src(%dma_wait3A_36 : memref<256xi32, #tpu.memory_space<hbm>>) dst(%arg8 : memref<256xi32, #tpu.memory_space<vmem>>)
      tpu.yield
    }) : () -> ()
    %dma_start3A = arith.constant 0 : i32
    %dma_start3A_7 = arith.constant 0 : i32
    %dma_start3A_8 = tpu.memref_slice %arg2[%dma_start3A, %dma_start3A_7] : memref<500000x128xf32, #tpu.memory_space<hbm>> -> memref<500000x128xf32, #tpu.memory_space<hbm>>
    tpu.enqueue_indirect_dma source(%dma_start3A_8 : memref<500000x128xf32, #tpu.memory_space<hbm>>) target(%arg10 : memref<256x128xf32, #tpu.memory_space<vmem>>) offsets(%arg6 : memref<256xi32, #tpu.memory_space<vmem>>) semaphore(%arg14 : memref<!tpu.dma_semaphore, #tpu.memory_space<semaphore_mem>>)
    %scan3A = arith.constant 0 : i32
    %scan3A_9 = arith.constant 0 : i32
    %scan3A_10 = arith.constant 50 : i32
    %scan3A_11 = arith.addi %scan3A_9, %scan3A_10 : i32
    %scan3A_12 = arith.constant 1 : i32
    scf.for %scan3A_33 = %scan3A_9 to %scan3A_11 step %scan3A_12  : i32 {
      %mul3A_34 = arith.constant 2 : i32
      %mul3A_35 = arith.muli %mul3A_34, %scan3A_33 : i32
      %add3A_36 = arith.constant 1 : i32
      %add3A_37 = arith.addi %mul3A_35, %add3A_36 : i32
      %lt3A = arith.constant 100 : i32
      %lt3A_38 = arith.cmpi slt, %add3A_37, %lt3A : i32
      %convert_element_type3A = arith.extui %lt3A_38 : i1 to i32
      %cond3A = arith.constant 0 : i32
      %cond3A_39 = arith.cmpi ne, %convert_element_type3A, %cond3A : i32
      scf.if %cond3A_39 {
        %add3A_162 = arith.constant 1 : i32
        %add3A_163 = arith.addi %mul3A_35, %add3A_162 : i32
        %jit3A_164 = arith.constant 2 : i32
        %div3A_165 = arith.divsi %add3A_163, %jit3A_164 : i32
        %sign3A_166 = arith.constant 0 : i32
        %sign3A_167 = arith.cmpi sgt, %add3A_163, %sign3A_166 : i32
        %sign3A_168 = arith.extui %sign3A_167 : i1 to i32
        %sign3A_169 = arith.constant 0 : i32
        %sign3A_170 = arith.cmpi slt, %add3A_163, %sign3A_169 : i32
        %sign3A_171 = arith.extui %sign3A_170 : i1 to i32
        %sign3A_172 = arith.subi %sign3A_168, %sign3A_171 : i32
        %sign3A_173 = arith.constant 0 : i32
        %sign3A_174 = arith.cmpi sgt, %jit3A_164, %sign3A_173 : i32
        %sign3A_175 = arith.extui %sign3A_174 : i1 to i32
        %sign3A_176 = arith.constant 0 : i32
        %sign3A_177 = arith.cmpi slt, %jit3A_164, %sign3A_176 : i32
        %sign3A_178 = arith.extui %sign3A_177 : i1 to i32
        %sign3A_179 = arith.subi %sign3A_175, %sign3A_178 : i32
        %ne3A_180 = arith.cmpi ne, %sign3A_172, %sign3A_179 : i32
        %rem3A_181 = arith.remsi %add3A_163, %jit3A_164 : i32
        %ne3A_182 = arith.constant 0 : i32
        %ne3A_183 = arith.cmpi ne, %rem3A_181, %ne3A_182 : i32
        %and3A_184 = arith.andi %ne3A_180, %ne3A_183 : i1
        %sub3A_185 = arith.constant 1 : i32
        %sub3A_186 = arith.subi %div3A_165, %sub3A_185 : i32
        %select_n3A_187 = arith.select %and3A_184, %sub3A_186, %div3A_165 : i32
        %jit3A_188 = arith.constant 2 : i32
        %eq3A_189 = arith.constant 0 : i32
        %eq3A_190 = arith.cmpi eq, %jit3A_188, %eq3A_189 : i32
        %jit3A_191 = arith.constant 1 : i32
        %select_n3A_192 = arith.select %eq3A_190, %jit3A_191, %jit3A_188 : i32
        %rem3A_193 = arith.remsi %add3A_163, %select_n3A_192 : i32
        %ne3A_194 = arith.constant 0 : i32
        %ne3A_195 = arith.cmpi ne, %rem3A_193, %ne3A_194 : i32
        %lt3A_196 = arith.constant 0 : i32
        %lt3A_197 = arith.cmpi slt, %rem3A_193, %lt3A_196 : i32
        %lt3A_198 = arith.constant 0 : i32
        %lt3A_199 = arith.cmpi slt, %select_n3A_192, %lt3A_198 : i32
        %ne3A_200 = arith.xori %lt3A_197, %lt3A_199 : i1
        %and3A_201 = arith.andi %ne3A_200, %ne3A_195 : i1
        %add3A_202 = arith.addi %rem3A_193, %select_n3A_192 : i32
        %select_n3A_203 = arith.select %and3A_201, %add3A_202, %rem3A_193 : i32
        %mul3A_204 = arith.constant 256 : i32
        %mul3A_205 = arith.muli %select_n3A_203, %mul3A_204 : i32
        %add3A_206 = arith.addi %mul3A_2, %mul3A_205 : i32
        %mul3A_207 = arith.constant 16384 : i32
        %mul3A_208 = arith.muli %select_n3A_187, %mul3A_207 : i32
        %add3A_209 = arith.addi %mul3A_208, %add3A_206 : i32
        %multiple_of3A_210 = tpu.assume_multiple %add3A_209, 256 : i32
        "tpu.region"() ({
          %run_scoped3A = tpu.sem_alloc : memref<!tpu.dma_semaphore, #tpu.memory_space<semaphore_mem>>
          %dma_start3A_214 = tpu.memref_slice %arg3[%multiple_of3A_210] : memref<819200xi32, #tpu.memory_space<hbm>> -> memref<256xi32, #tpu.memory_space<hbm>>
          %dma_start3A_215 = tpu.memref_slice %arg3[%multiple_of3A_210] : memref<819200xi32, #tpu.memory_space<hbm>> -> memref<256xi32, #tpu.memory_space<hbm>>
          tpu.enqueue_dma source(%dma_start3A_215 : memref<256xi32, #tpu.memory_space<hbm>>) target(%arg7 : memref<256xi32, #tpu.memory_space<vmem>>) target_semaphore(%run_scoped3A : memref<!tpu.dma_semaphore, #tpu.memory_space<semaphore_mem>>)
          %dma_wait3A_216 = tpu.memref_slice %arg3[%multiple_of3A_210] : memref<819200xi32, #tpu.memory_space<hbm>> -> memref<256xi32, #tpu.memory_space<hbm>>
          %dma_wait3A_217 = tpu.memref_slice %arg3[%multiple_of3A_210] : memref<819200xi32, #tpu.memory_space<hbm>> -> memref<256xi32, #tpu.memory_space<hbm>>
          tpu.wait_dma2 semaphore(%run_scoped3A : memref<!tpu.dma_semaphore, #tpu.memory_space<semaphore_mem>>) src(%dma_wait3A_217 : memref<256xi32, #tpu.memory_space<hbm>>) dst(%arg7 : memref<256xi32, #tpu.memory_space<vmem>>)
          tpu.yield
        }) : () -> ()
        "tpu.region"() ({
          %run_scoped3A = tpu.sem_alloc : memref<!tpu.dma_semaphore, #tpu.memory_space<semaphore_mem>>
          %dma_start3A_214 = tpu.memref_slice %arg4[%multiple_of3A_210] : memref<819200xi32, #tpu.memory_space<hbm>> -> memref<256xi32, #tpu.memory_space<hbm>>
          %dma_start3A_215 = tpu.memref_slice %arg4[%multiple_of3A_210] : memref<819200xi32, #tpu.memory_space<hbm>> -> memref<256xi32, #tpu.memory_space<hbm>>
          tpu.enqueue_dma source(%dma_start3A_215 : memref<256xi32, #tpu.memory_space<hbm>>) target(%arg9 : memref<256xi32, #tpu.memory_space<vmem>>) target_semaphore(%run_scoped3A : memref<!tpu.dma_semaphore, #tpu.memory_space<semaphore_mem>>)
          %dma_wait3A_216 = tpu.memref_slice %arg4[%multiple_of3A_210] : memref<819200xi32, #tpu.memory_space<hbm>> -> memref<256xi32, #tpu.memory_space<hbm>>
          %dma_wait3A_217 = tpu.memref_slice %arg4[%multiple_of3A_210] : memref<819200xi32, #tpu.memory_space<hbm>> -> memref<256xi32, #tpu.memory_space<hbm>>
          tpu.wait_dma2 semaphore(%run_scoped3A : memref<!tpu.dma_semaphore, #tpu.memory_space<semaphore_mem>>) src(%dma_wait3A_217 : memref<256xi32, #tpu.memory_space<hbm>>) dst(%arg9 : memref<256xi32, #tpu.memory_space<vmem>>)
          tpu.yield
        }) : () -> ()
        %dma_start3A_211 = arith.constant 0 : i32
        %dma_start3A_212 = arith.constant 0 : i32
        %dma_start3A_213 = tpu.memref_slice %arg2[%dma_start3A_211, %dma_start3A_212] : memref<500000x128xf32, #tpu.memory_space<hbm>> -> memref<500000x128xf32, #tpu.memory_space<hbm>>
        tpu.enqueue_indirect_dma source(%dma_start3A_213 : memref<500000x128xf32, #tpu.memory_space<hbm>>) target(%arg11 : memref<256x128xf32, #tpu.memory_space<vmem>>) offsets(%arg7 : memref<256xi32, #tpu.memory_space<vmem>>) semaphore(%arg15 : memref<!tpu.dma_semaphore, #tpu.memory_space<semaphore_mem>>)
      } else {
      }
      %dma_wait3A_40 = arith.constant 0 : i32
      %dma_wait3A_41 = arith.constant 0 : i32
      %dma_wait3A_42 = tpu.memref_slice %arg2[%dma_wait3A_40, %dma_wait3A_41] : memref<500000x128xf32, #tpu.memory_space<hbm>> -> memref<500000x128xf32, #tpu.memory_space<hbm>>
      tpu.wait_indirect_dma semaphore(%arg14 : memref<!tpu.dma_semaphore, #tpu.memory_space<semaphore_mem>>) src(%dma_wait3A_42 : memref<500000x128xf32, #tpu.memory_space<hbm>>) dst(%arg10 : memref<256x128xf32, #tpu.memory_space<vmem>>)
      %ge3A = arith.constant 2 : i32
      %ge3A_43 = arith.cmpi sge, %mul3A_35, %ge3A : i32
      %convert_element_type3A_44 = arith.extui %ge3A_43 : i1 to i32
      %cond3A_45 = arith.constant 0 : i32
      %cond3A_46 = arith.cmpi ne, %convert_element_type3A_44, %cond3A_45 : i32
      scf.if %cond3A_46 {
        %sub3A_162 = arith.constant 2 : i32
        %sub3A_163 = arith.subi %mul3A_35, %sub3A_162 : i32
        %jit3A_164 = arith.constant 2 : i32
        %div3A_165 = arith.divsi %sub3A_163, %jit3A_164 : i32
        %sign3A_166 = arith.constant 0 : i32
        %sign3A_167 = arith.cmpi sgt, %sub3A_163, %sign3A_166 : i32
        %sign3A_168 = arith.extui %sign3A_167 : i1 to i32
        %sign3A_169 = arith.constant 0 : i32
        %sign3A_170 = arith.cmpi slt, %sub3A_163, %sign3A_169 : i32
        %sign3A_171 = arith.extui %sign3A_170 : i1 to i32
        %sign3A_172 = arith.subi %sign3A_168, %sign3A_171 : i32
        %sign3A_173 = arith.constant 0 : i32
        %sign3A_174 = arith.cmpi sgt, %jit3A_164, %sign3A_173 : i32
        %sign3A_175 = arith.extui %sign3A_174 : i1 to i32
        %sign3A_176 = arith.constant 0 : i32
        %sign3A_177 = arith.cmpi slt, %jit3A_164, %sign3A_176 : i32
        %sign3A_178 = arith.extui %sign3A_177 : i1 to i32
        %sign3A_179 = arith.subi %sign3A_175, %sign3A_178 : i32
        %ne3A_180 = arith.cmpi ne, %sign3A_172, %sign3A_179 : i32
        %rem3A_181 = arith.remsi %sub3A_163, %jit3A_164 : i32
        %ne3A_182 = arith.constant 0 : i32
        %ne3A_183 = arith.cmpi ne, %rem3A_181, %ne3A_182 : i32
        %and3A_184 = arith.andi %ne3A_180, %ne3A_183 : i1
        %sub3A_185 = arith.constant 1 : i32
        %sub3A_186 = arith.subi %div3A_165, %sub3A_185 : i32
        %select_n3A_187 = arith.select %and3A_184, %sub3A_186, %div3A_165 : i32
        %jit3A_188 = arith.constant 2 : i32
        %eq3A_189 = arith.constant 0 : i32
        %eq3A_190 = arith.cmpi eq, %jit3A_188, %eq3A_189 : i32
        %jit3A_191 = arith.constant 1 : i32
        %select_n3A_192 = arith.select %eq3A_190, %jit3A_191, %jit3A_188 : i32
        %rem3A_193 = arith.remsi %sub3A_163, %select_n3A_192 : i32
        %ne3A_194 = arith.constant 0 : i32
        %ne3A_195 = arith.cmpi ne, %rem3A_193, %ne3A_194 : i32
        %lt3A_196 = arith.constant 0 : i32
        %lt3A_197 = arith.cmpi slt, %rem3A_193, %lt3A_196 : i32
        %lt3A_198 = arith.constant 0 : i32
        %lt3A_199 = arith.cmpi slt, %select_n3A_192, %lt3A_198 : i32
        %ne3A_200 = arith.xori %lt3A_197, %lt3A_199 : i1
        %and3A_201 = arith.andi %ne3A_200, %ne3A_195 : i1
        %add3A_202 = arith.addi %rem3A_193, %select_n3A_192 : i32
        %select_n3A_203 = arith.select %and3A_201, %add3A_202, %rem3A_193 : i32
        %mul3A_204 = arith.constant 256 : i32
        %mul3A_205 = arith.muli %select_n3A_203, %mul3A_204 : i32
        %add3A_206 = arith.addi %mul3A_2, %mul3A_205 : i32
        %multiple_of3A_207 = tpu.assume_multiple %add3A_206, 256 : i32
        %dma_wait3A_208 = arith.constant 0 : i32
        %dma_wait3A_209 = tpu.memref_slice %arg5[%select_n3A_187, %dma_wait3A_208, %multiple_of3A_207] : memref<50x64x16384xf32, #tpu.memory_space<hbm>> -> memref<1x64x256xf32, #tpu.memory_space<hbm>>
        %dma_wait3A_210 = tpu.memref_squeeze %dma_wait3A_209 : memref<1x64x256xf32, #tpu.memory_space<hbm>> -> memref<64x256xf32, #tpu.memory_space<hbm>>
        %dma_wait3A_211 = arith.constant 0 : i32
        %dma_wait3A_212 = tpu.memref_slice %arg5[%select_n3A_187, %dma_wait3A_211, %multiple_of3A_207] : memref<50x64x16384xf32, #tpu.memory_space<hbm>> -> memref<1x64x256xf32, #tpu.memory_space<hbm>>
        %dma_wait3A_213 = tpu.memref_squeeze %dma_wait3A_212 : memref<1x64x256xf32, #tpu.memory_space<hbm>> -> memref<64x256xf32, #tpu.memory_space<hbm>>
        tpu.wait_dma2 semaphore(%arg16 : memref<!tpu.dma_semaphore, #tpu.memory_space<semaphore_mem>>) src(%arg12 : memref<64x256xf32, #tpu.memory_space<vmem>>) dst(%dma_wait3A_213 : memref<64x256xf32, #tpu.memory_space<hbm>>)
      } else {
      }
      %parallel_loop3A = arith.constant 0 : i32
      %parallel_loop3A_47 = arith.constant 16 : i32
      %parallel_loop3A_48 = arith.constant 1 : i32
      scf.for %parallel_loop3A_162 = %parallel_loop3A to %parallel_loop3A_47 step %parallel_loop3A_48  : i32 {
        %parallel_loop3A_163 = arith.constant 16 : i32
        %parallel_loop3A_164 = arith.muli %parallel_loop3A_162, %parallel_loop3A_163 : i32
        %parallel_loop3A_165 = vector.broadcast %parallel_loop3A_164 : i32 to vector<16xi32>
        %parallel_loop3A_166 = arith.addi %parallel_loop3A_165, %iota3A : vector<16xi32>
        %parallel_loop3A_167 = arith.constant 16 : i32
        %parallel_loop3A_168 = arith.muli %parallel_loop3A_162, %parallel_loop3A_167 : i32
        %parallel_loop3A_169 = tpu.assume_multiple %parallel_loop3A_168, 16 : i32
        %parallel_loop3A_170 = arith.index_cast %parallel_loop3A_169 : i32 to index
        %parallel_loop3A_171 = tpu.vector_load %arg8[%parallel_loop3A_170] {strides = array<i32>} : memref<256xi32, #tpu.memory_space<vmem>>, vector<16xi32>,
        %parallel_loop3A_172 = arith.constant 0 : i32
        %parallel_loop3A_173 = vector.broadcast %parallel_loop3A_172 : i32 to vector<16xi32>
        %parallel_loop3A_174 = arith.addi %iota3A, %parallel_loop3A_173 : vector<16xi32>
        %parallel_loop3A_175 = arith.constant 15 : i32
        %parallel_loop3A_176 = vector.broadcast %parallel_loop3A_175 : i32 to vector<16xi32>
        %parallel_loop3A_177 = arith.andi %parallel_loop3A_174, %parallel_loop3A_176 : vector<16xi32>
        %parallel_loop3A_178 = arith.addi %parallel_loop3A_171, %parallel_loop3A_177 : vector<16xi32>
        %parallel_loop3A_179 = arith.constant 0 : i32
        %parallel_loop3A_180 = vector.broadcast %parallel_loop3A_179 : i32 to vector<16xi32>
        %parallel_loop3A_181 = arith.addi %parallel_loop3A_178, %parallel_loop3A_180 : vector<16xi32>
        %parallel_loop3A_182 = tpu.vector_load_idx %arg10[%parallel_loop3A_166, %parallel_loop3A_181] : memref<256x128xf32, #tpu.memory_space<vmem>>[vector<16xi32>, vector<16xi32>], vector<16xf32>,
        %parallel_loop3A_183 = arith.constant 16 : i32
        %parallel_loop3A_184 = vector.broadcast %parallel_loop3A_183 : i32 to vector<16xi32>
        %parallel_loop3A_185 = arith.addi %parallel_loop3A_178, %parallel_loop3A_184 : vector<16xi32>
        %parallel_loop3A_186 = tpu.vector_load_idx %arg10[%parallel_loop3A_166, %parallel_loop3A_185] : memref<256x128xf32, #tpu.memory_space<vmem>>[vector<16xi32>, vector<16xi32>], vector<16xf32>,
        %parallel_loop3A_187 = arith.constant 32 : i32
        %parallel_loop3A_188 = vector.broadcast %parallel_loop3A_187 : i32 to vector<16xi32>
        %parallel_loop3A_189 = arith.addi %parallel_loop3A_178, %parallel_loop3A_188 : vector<16xi32>
        %parallel_loop3A_190 = tpu.vector_load_idx %arg10[%parallel_loop3A_166, %parallel_loop3A_189] : memref<256x128xf32, #tpu.memory_space<vmem>>[vector<16xi32>, vector<16xi32>], vector<16xf32>,
        %parallel_loop3A_191 = arith.constant 48 : i32
        %parallel_loop3A_192 = vector.broadcast %parallel_loop3A_191 : i32 to vector<16xi32>
        %parallel_loop3A_193 = arith.addi %parallel_loop3A_178, %parallel_loop3A_192 : vector<16xi32>
        %parallel_loop3A_194 = tpu.vector_load_idx %arg10[%parallel_loop3A_166, %parallel_loop3A_193] : memref<256x128xf32, #tpu.memory_space<vmem>>[vector<16xi32>, vector<16xi32>], vector<16xf32>,
        %parallel_loop3A_195 = arith.constant 0 : i32
        %parallel_loop3A_196 = vector.broadcast %parallel_loop3A_195 : i32 to vector<16xi32>
        %parallel_loop3A_197 = arith.addi %parallel_loop3A_177, %parallel_loop3A_196 : vector<16xi32>
        tpu.vector_store_idx %arg12[%parallel_loop3A_197, %parallel_loop3A_166], %parallel_loop3A_182 : memref<64x256xf32, #tpu.memory_space<vmem>>[vector<16xi32>, vector<16xi32>], vector<16xf32>,
        %parallel_loop3A_198 = arith.constant 16 : i32
        %parallel_loop3A_199 = vector.broadcast %parallel_loop3A_198 : i32 to vector<16xi32>
        %parallel_loop3A_200 = arith.addi %parallel_loop3A_177, %parallel_loop3A_199 : vector<16xi32>
        tpu.vector_store_idx %arg12[%parallel_loop3A_200, %parallel_loop3A_166], %parallel_loop3A_186 : memref<64x256xf32, #tpu.memory_space<vmem>>[vector<16xi32>, vector<16xi32>], vector<16xf32>,
        %parallel_loop3A_201 = arith.constant 32 : i32
        %parallel_loop3A_202 = vector.broadcast %parallel_loop3A_201 : i32 to vector<16xi32>
        %parallel_loop3A_203 = arith.addi %parallel_loop3A_177, %parallel_loop3A_202 : vector<16xi32>
        tpu.vector_store_idx %arg12[%parallel_loop3A_203, %parallel_loop3A_166], %parallel_loop3A_190 : memref<64x256xf32, #tpu.memory_space<vmem>>[vector<16xi32>, vector<16xi32>], vector<16xf32>,
        %parallel_loop3A_204 = arith.constant 48 : i32
        %parallel_loop3A_205 = vector.broadcast %parallel_loop3A_204 : i32 to vector<16xi32>
        %parallel_loop3A_206 = arith.addi %parallel_loop3A_177, %parallel_loop3A_205 : vector<16xi32>
        tpu.vector_store_idx %arg12[%parallel_loop3A_206, %parallel_loop3A_166], %parallel_loop3A_194 : memref<64x256xf32, #tpu.memory_space<vmem>>[vector<16xi32>, vector<16xi32>], vector<16xf32>,
        %parallel_loop3A_207 = arith.constant 1 : i32
        %parallel_loop3A_208 = vector.broadcast %parallel_loop3A_207 : i32 to vector<16xi32>
        %parallel_loop3A_209 = arith.addi %iota3A, %parallel_loop3A_208 : vector<16xi32>
        %parallel_loop3A_210 = arith.constant 15 : i32
        %parallel_loop3A_211 = vector.broadcast %parallel_loop3A_210 : i32 to vector<16xi32>
        %parallel_loop3A_212 = arith.andi %parallel_loop3A_209, %parallel_loop3A_211 : vector<16xi32>
        %parallel_loop3A_213 = arith.addi %parallel_loop3A_171, %parallel_loop3A_212 : vector<16xi32>
        %parallel_loop3A_214 = arith.constant 0 : i32
        %parallel_loop3A_215 = vector.broadcast %parallel_loop3A_214 : i32 to vector<16xi32>
        %parallel_loop3A_216 = arith.addi %parallel_loop3A_213, %parallel_loop3A_215 : vector<16xi32>
        %parallel_loop3A_217 = tpu.vector_load_idx %arg10[%parallel_loop3A_166, %parallel_loop3A_216] : memref<256x128xf32, #tpu.memory_space<vmem>>[vector<16xi32>, vector<16xi32>], vector<16xf32>,
        %parallel_loop3A_218 = arith.constant 16 : i32
        %parallel_loop3A_219 = vector.broadcast %parallel_loop3A_218 : i32 to vector<16xi32>
        %parallel_loop3A_220 = arith.addi %parallel_loop3A_213, %parallel_loop3A_219 : vector<16xi32>
        %parallel_loop3A_221 = tpu.vector_load_idx %arg10[%parallel_loop3A_166, %parallel_loop3A_220] : memref<256x128xf32, #tpu.memory_space<vmem>>[vector<16xi32>, vector<16xi32>], vector<16xf32>,
        %parallel_loop3A_222 = arith.constant 32 : i32
        %parallel_loop3A_223 = vector.broadcast %parallel_loop3A_222 : i32 to vector<16xi32>
        %parallel_loop3A_224 = arith.addi %parallel_loop3A_213, %parallel_loop3A_223 : vector<16xi32>
        %parallel_loop3A_225 = tpu.vector_load_idx %arg10[%parallel_loop3A_166, %parallel_loop3A_224] : memref<256x128xf32, #tpu.memory_space<vmem>>[vector<16xi32>, vector<16xi32>], vector<16xf32>,
        %parallel_loop3A_226 = arith.constant 48 : i32
        %parallel_loop3A_227 = vector.broadcast %parallel_loop3A_226 : i32 to vector<16xi32>
        %parallel_loop3A_228 = arith.addi %parallel_loop3A_213, %parallel_loop3A_227 : vector<16xi32>
        %parallel_loop3A_229 = tpu.vector_load_idx %arg10[%parallel_loop3A_166, %parallel_loop3A_228] : memref<256x128xf32, #tpu.memory_space<vmem>>[vector<16xi32>, vector<16xi32>], vector<16xf32>,
        %parallel_loop3A_230 = arith.constant 0 : i32
        %parallel_loop3A_231 = vector.broadcast %parallel_loop3A_230 : i32 to vector<16xi32>
        %parallel_loop3A_232 = arith.addi %parallel_loop3A_212, %parallel_loop3A_231 : vector<16xi32>
        tpu.vector_store_idx %arg12[%parallel_loop3A_232, %parallel_loop3A_166], %parallel_loop3A_217 : memref<64x256xf32, #tpu.memory_space<vmem>>[vector<16xi32>, vector<16xi32>], vector<16xf32>,
        %parallel_loop3A_233 = arith.constant 16 : i32
        %parallel_loop3A_234 = vector.broadcast %parallel_loop3A_233 : i32 to vector<16xi32>
        %parallel_loop3A_235 = arith.addi %parallel_loop3A_212, %parallel_loop3A_234 : vector<16xi32>
        tpu.vector_store_idx %arg12[%parallel_loop3A_235, %parallel_loop3A_166], %parallel_loop3A_221 : memref<64x256xf32, #tpu.memory_space<vmem>>[vector<16xi32>, vector<16xi32>], vector<16xf32>,
        %parallel_loop3A_236 = arith.constant 32 : i32
        %parallel_loop3A_237 = vector.broadcast %parallel_loop3A_236 : i32 to vector<16xi32>
        %parallel_loop3A_238 = arith.addi %parallel_loop3A_212, %parallel_loop3A_237 : vector<16xi32>
        tpu.vector_store_idx %arg12[%parallel_loop3A_238, %parallel_loop3A_166], %parallel_loop3A_225 : memref<64x256xf32, #tpu.memory_space<vmem>>[vector<16xi32>, vector<16xi32>], vector<16xf32>,
        %parallel_loop3A_239 = arith.constant 48 : i32
        %parallel_loop3A_240 = vector.broadcast %parallel_loop3A_239 : i32 to vector<16xi32>
        %parallel_loop3A_241 = arith.addi %parallel_loop3A_212, %parallel_loop3A_240 : vector<16xi32>
        tpu.vector_store_idx %arg12[%parallel_loop3A_241, %parallel_loop3A_166], %parallel_loop3A_229 : memref<64x256xf32, #tpu.memory_space<vmem>>[vector<16xi32>, vector<16xi32>], vector<16xf32>,
        %parallel_loop3A_242 = arith.constant 2 : i32
        %parallel_loop3A_243 = vector.broadcast %parallel_loop3A_242 : i32 to vector<16xi32>
        %parallel_loop3A_244 = arith.addi %iota3A, %parallel_loop3A_243 : vector<16xi32>
        %parallel_loop3A_245 = arith.constant 15 : i32
        %parallel_loop3A_246 = vector.broadcast %parallel_loop3A_245 : i32 to vector<16xi32>
        %parallel_loop3A_247 = arith.andi %parallel_loop3A_244, %parallel_loop3A_246 : vector<16xi32>
        %parallel_loop3A_248 = arith.addi %parallel_loop3A_171, %parallel_loop3A_247 : vector<16xi32>
        %parallel_loop3A_249 = arith.constant 0 : i32
        %parallel_loop3A_250 = vector.broadcast %parallel_loop3A_249 : i32 to vector<16xi32>
        %parallel_loop3A_251 = arith.addi %parallel_loop3A_248, %parallel_loop3A_250 : vector<16xi32>
        %parallel_loop3A_252 = tpu.vector_load_idx %arg10[%parallel_loop3A_166, %parallel_loop3A_251] : memref<256x128xf32, #tpu.memory_space<vmem>>[vector<16xi32>, vector<16xi32>], vector<16xf32>,
        %parallel_loop3A_253 = arith.constant 16 : i32
        %parallel_loop3A_254 = vector.broadcast %parallel_loop3A_253 : i32 to vector<16xi32>
        %parallel_loop3A_255 = arith.addi %parallel_loop3A_248, %parallel_loop3A_254 : vector<16xi32>
        %parallel_loop3A_256 = tpu.vector_load_idx %arg10[%parallel_loop3A_166, %parallel_loop3A_255] : memref<256x128xf32, #tpu.memory_space<vmem>>[vector<16xi32>, vector<16xi32>], vector<16xf32>,
        %parallel_loop3A_257 = arith.constant 32 : i32
        %parallel_loop3A_258 = vector.broadcast %parallel_loop3A_257 : i32 to vector<16xi32>
        %parallel_loop3A_259 = arith.addi %parallel_loop3A_248, %parallel_loop3A_258 : vector<16xi32>
        %parallel_loop3A_260 = tpu.vector_load_idx %arg10[%parallel_loop3A_166, %parallel_loop3A_259] : memref<256x128xf32, #tpu.memory_space<vmem>>[vector<16xi32>, vector<16xi32>], vector<16xf32>,
        %parallel_loop3A_261 = arith.constant 48 : i32
        %parallel_loop3A_262 = vector.broadcast %parallel_loop3A_261 : i32 to vector<16xi32>
        %parallel_loop3A_263 = arith.addi %parallel_loop3A_248, %parallel_loop3A_262 : vector<16xi32>
        %parallel_loop3A_264 = tpu.vector_load_idx %arg10[%parallel_loop3A_166, %parallel_loop3A_263] : memref<256x128xf32, #tpu.memory_space<vmem>>[vector<16xi32>, vector<16xi32>], vector<16xf32>,
        %parallel_loop3A_265 = arith.constant 0 : i32
        %parallel_loop3A_266 = vector.broadcast %parallel_loop3A_265 : i32 to vector<16xi32>
        %parallel_loop3A_267 = arith.addi %parallel_loop3A_247, %parallel_loop3A_266 : vector<16xi32>
        tpu.vector_store_idx %arg12[%parallel_loop3A_267, %parallel_loop3A_166], %parallel_loop3A_252 : memref<64x256xf32, #tpu.memory_space<vmem>>[vector<16xi32>, vector<16xi32>], vector<16xf32>,
        %parallel_loop3A_268 = arith.constant 16 : i32
        %parallel_loop3A_269 = vector.broadcast %parallel_loop3A_268 : i32 to vector<16xi32>
        %parallel_loop3A_270 = arith.addi %parallel_loop3A_247, %parallel_loop3A_269 : vector<16xi32>
        tpu.vector_store_idx %arg12[%parallel_loop3A_270, %parallel_loop3A_166], %parallel_loop3A_256 : memref<64x256xf32, #tpu.memory_space<vmem>>[vector<16xi32>, vector<16xi32>], vector<16xf32>,
        %parallel_loop3A_271 = arith.constant 32 : i32
        %parallel_loop3A_272 = vector.broadcast %parallel_loop3A_271 : i32 to vector<16xi32>
        %parallel_loop3A_273 = arith.addi %parallel_loop3A_247, %parallel_loop3A_272 : vector<16xi32>
        tpu.vector_store_idx %arg12[%parallel_loop3A_273, %parallel_loop3A_166], %parallel_loop3A_260 : memref<64x256xf32, #tpu.memory_space<vmem>>[vector<16xi32>, vector<16xi32>], vector<16xf32>,
        %parallel_loop3A_274 = arith.constant 48 : i32
        %parallel_loop3A_275 = vector.broadcast %parallel_loop3A_274 : i32 to vector<16xi32>
        %parallel_loop3A_276 = arith.addi %parallel_loop3A_247, %parallel_loop3A_275 : vector<16xi32>
        tpu.vector_store_idx %arg12[%parallel_loop3A_276, %parallel_loop3A_166], %parallel_loop3A_264 : memref<64x256xf32, #tpu.memory_space<vmem>>[vector<16xi32>, vector<16xi32>], vector<16xf32>,
        %parallel_loop3A_277 = arith.constant 3 : i32
        %parallel_loop3A_278 = vector.broadcast %parallel_loop3A_277 : i32 to vector<16xi32>
        %parallel_loop3A_279 = arith.addi %iota3A, %parallel_loop3A_278 : vector<16xi32>
        %parallel_loop3A_280 = arith.constant 15 : i32
        %parallel_loop3A_281 = vector.broadcast %parallel_loop3A_280 : i32 to vector<16xi32>
        %parallel_loop3A_282 = arith.andi %parallel_loop3A_279, %parallel_loop3A_281 : vector<16xi32>
        %parallel_loop3A_283 = arith.addi %parallel_loop3A_171, %parallel_loop3A_282 : vector<16xi32>
        %parallel_loop3A_284 = arith.constant 0 : i32
        %parallel_loop3A_285 = vector.broadcast %parallel_loop3A_284 : i32 to vector<16xi32>
        %parallel_loop3A_286 = arith.addi %parallel_loop3A_283, %parallel_loop3A_285 : vector<16xi32>
        %parallel_loop3A_287 = tpu.vector_load_idx %arg10[%parallel_loop3A_166, %parallel_loop3A_286] : memref<256x128xf32, #tpu.memory_space<vmem>>[vector<16xi32>, vector<16xi32>], vector<16xf32>,
        %parallel_loop3A_288 = arith.constant 16 : i32
        %parallel_loop3A_289 = vector.broadcast %parallel_loop3A_288 : i32 to vector<16xi32>
        %parallel_loop3A_290 = arith.addi %parallel_loop3A_283, %parallel_loop3A_289 : vector<16xi32>
        %parallel_loop3A_291 = tpu.vector_load_idx %arg10[%parallel_loop3A_166, %parallel_loop3A_290] : memref<256x128xf32, #tpu.memory_space<vmem>>[vector<16xi32>, vector<16xi32>], vector<16xf32>,
        %parallel_loop3A_292 = arith.constant 32 : i32
        %parallel_loop3A_293 = vector.broadcast %parallel_loop3A_292 : i32 to vector<16xi32>
        %parallel_loop3A_294 = arith.addi %parallel_loop3A_283, %parallel_loop3A_293 : vector<16xi32>
        %parallel_loop3A_295 = tpu.vector_load_idx %arg10[%parallel_loop3A_166, %parallel_loop3A_294] : memref<256x128xf32, #tpu.memory_space<vmem>>[vector<16xi32>, vector<16xi32>], vector<16xf32>,
        %parallel_loop3A_296 = arith.constant 48 : i32
        %parallel_loop3A_297 = vector.broadcast %parallel_loop3A_296 : i32 to vector<16xi32>
        %parallel_loop3A_298 = arith.addi %parallel_loop3A_283, %parallel_loop3A_297 : vector<16xi32>
        %parallel_loop3A_299 = tpu.vector_load_idx %arg10[%parallel_loop3A_166, %parallel_loop3A_298] : memref<256x128xf32, #tpu.memory_space<vmem>>[vector<16xi32>, vector<16xi32>], vector<16xf32>,
        %parallel_loop3A_300 = arith.constant 0 : i32
        %parallel_loop3A_301 = vector.broadcast %parallel_loop3A_300 : i32 to vector<16xi32>
        %parallel_loop3A_302 = arith.addi %parallel_loop3A_282, %parallel_loop3A_301 : vector<16xi32>
        tpu.vector_store_idx %arg12[%parallel_loop3A_302, %parallel_loop3A_166], %parallel_loop3A_287 : memref<64x256xf32, #tpu.memory_space<vmem>>[vector<16xi32>, vector<16xi32>], vector<16xf32>,
        %parallel_loop3A_303 = arith.constant 16 : i32
        %parallel_loop3A_304 = vector.broadcast %parallel_loop3A_303 : i32 to vector<16xi32>
        %parallel_loop3A_305 = arith.addi %parallel_loop3A_282, %parallel_loop3A_304 : vector<16xi32>
        tpu.vector_store_idx %arg12[%parallel_loop3A_305, %parallel_loop3A_166], %parallel_loop3A_291 : memref<64x256xf32, #tpu.memory_space<vmem>>[vector<16xi32>, vector<16xi32>], vector<16xf32>,
        %parallel_loop3A_306 = arith.constant 32 : i32
        %parallel_loop3A_307 = vector.broadcast %parallel_loop3A_306 : i32 to vector<16xi32>
        %parallel_loop3A_308 = arith.addi %parallel_loop3A_282, %parallel_loop3A_307 : vector<16xi32>
        tpu.vector_store_idx %arg12[%parallel_loop3A_308, %parallel_loop3A_166], %parallel_loop3A_295 : memref<64x256xf32, #tpu.memory_space<vmem>>[vector<16xi32>, vector<16xi32>], vector<16xf32>,
        %parallel_loop3A_309 = arith.constant 48 : i32
        %parallel_loop3A_310 = vector.broadcast %parallel_loop3A_309 : i32 to vector<16xi32>
        %parallel_loop3A_311 = arith.addi %parallel_loop3A_282, %parallel_loop3A_310 : vector<16xi32>
        tpu.vector_store_idx %arg12[%parallel_loop3A_311, %parallel_loop3A_166], %parallel_loop3A_299 : memref<64x256xf32, #tpu.memory_space<vmem>>[vector<16xi32>, vector<16xi32>], vector<16xf32>,
        %parallel_loop3A_312 = arith.constant 4 : i32
        %parallel_loop3A_313 = vector.broadcast %parallel_loop3A_312 : i32 to vector<16xi32>
        %parallel_loop3A_314 = arith.addi %iota3A, %parallel_loop3A_313 : vector<16xi32>
        %parallel_loop3A_315 = arith.constant 15 : i32
        %parallel_loop3A_316 = vector.broadcast %parallel_loop3A_315 : i32 to vector<16xi32>
        %parallel_loop3A_317 = arith.andi %parallel_loop3A_314, %parallel_loop3A_316 : vector<16xi32>
        %parallel_loop3A_318 = arith.addi %parallel_loop3A_171, %parallel_loop3A_317 : vector<16xi32>
        %parallel_loop3A_319 = arith.constant 0 : i32
        %parallel_loop3A_320 = vector.broadcast %parallel_loop3A_319 : i32 to vector<16xi32>
        %parallel_loop3A_321 = arith.addi %parallel_loop3A_318, %parallel_loop3A_320 : vector<16xi32>
        %parallel_loop3A_322 = tpu.vector_load_idx %arg10[%parallel_loop3A_166, %parallel_loop3A_321] : memref<256x128xf32, #tpu.memory_space<vmem>>[vector<16xi32>, vector<16xi32>], vector<16xf32>,
        %parallel_loop3A_323 = arith.constant 16 : i32
        %parallel_loop3A_324 = vector.broadcast %parallel_loop3A_323 : i32 to vector<16xi32>
        %parallel_loop3A_325 = arith.addi %parallel_loop3A_318, %parallel_loop3A_324 : vector<16xi32>
        %parallel_loop3A_326 = tpu.vector_load_idx %arg10[%parallel_loop3A_166, %parallel_loop3A_325] : memref<256x128xf32, #tpu.memory_space<vmem>>[vector<16xi32>, vector<16xi32>], vector<16xf32>,
        %parallel_loop3A_327 = arith.constant 32 : i32
        %parallel_loop3A_328 = vector.broadcast %parallel_loop3A_327 : i32 to vector<16xi32>
        %parallel_loop3A_329 = arith.addi %parallel_loop3A_318, %parallel_loop3A_328 : vector<16xi32>
        %parallel_loop3A_330 = tpu.vector_load_idx %arg10[%parallel_loop3A_166, %parallel_loop3A_329] : memref<256x128xf32, #tpu.memory_space<vmem>>[vector<16xi32>, vector<16xi32>], vector<16xf32>,
        %parallel_loop3A_331 = arith.constant 48 : i32
        %parallel_loop3A_332 = vector.broadcast %parallel_loop3A_331 : i32 to vector<16xi32>
        %parallel_loop3A_333 = arith.addi %parallel_loop3A_318, %parallel_loop3A_332 : vector<16xi32>
        %parallel_loop3A_334 = tpu.vector_load_idx %arg10[%parallel_loop3A_166, %parallel_loop3A_333] : memref<256x128xf32, #tpu.memory_space<vmem>>[vector<16xi32>, vector<16xi32>], vector<16xf32>,
        %parallel_loop3A_335 = arith.constant 0 : i32
        %parallel_loop3A_336 = vector.broadcast %parallel_loop3A_335 : i32 to vector<16xi32>
        %parallel_loop3A_337 = arith.addi %parallel_loop3A_317, %parallel_loop3A_336 : vector<16xi32>
        tpu.vector_store_idx %arg12[%parallel_loop3A_337, %parallel_loop3A_166], %parallel_loop3A_322 : memref<64x256xf32, #tpu.memory_space<vmem>>[vector<16xi32>, vector<16xi32>], vector<16xf32>,
        %parallel_loop3A_338 = arith.constant 16 : i32
        %parallel_loop3A_339 = vector.broadcast %parallel_loop3A_338 : i32 to vector<16xi32>
        %parallel_loop3A_340 = arith.addi %parallel_loop3A_317, %parallel_loop3A_339 : vector<16xi32>
        tpu.vector_store_idx %arg12[%parallel_loop3A_340, %parallel_loop3A_166], %parallel_loop3A_326 : memref<64x256xf32, #tpu.memory_space<vmem>>[vector<16xi32>, vector<16xi32>], vector<16xf32>,
        %parallel_loop3A_341 = arith.constant 32 : i32
        %parallel_loop3A_342 = vector.broadcast %parallel_loop3A_341 : i32 to vector<16xi32>
        %parallel_loop3A_343 = arith.addi %parallel_loop3A_317, %parallel_loop3A_342 : vector<16xi32>
        tpu.vector_store_idx %arg12[%parallel_loop3A_343, %parallel_loop3A_166], %parallel_loop3A_330 : memref<64x256xf32, #tpu.memory_space<vmem>>[vector<16xi32>, vector<16xi32>], vector<16xf32>,
        %parallel_loop3A_344 = arith.constant 48 : i32
        %parallel_loop3A_345 = vector.broadcast %parallel_loop3A_344 : i32 to vector<16xi32>
        %parallel_loop3A_346 = arith.addi %parallel_loop3A_317, %parallel_loop3A_345 : vector<16xi32>
        tpu.vector_store_idx %arg12[%parallel_loop3A_346, %parallel_loop3A_166], %parallel_loop3A_334 : memref<64x256xf32, #tpu.memory_space<vmem>>[vector<16xi32>, vector<16xi32>], vector<16xf32>,
        %parallel_loop3A_347 = arith.constant 5 : i32
        %parallel_loop3A_348 = vector.broadcast %parallel_loop3A_347 : i32 to vector<16xi32>
        %parallel_loop3A_349 = arith.addi %iota3A, %parallel_loop3A_348 : vector<16xi32>
        %parallel_loop3A_350 = arith.constant 15 : i32
        %parallel_loop3A_351 = vector.broadcast %parallel_loop3A_350 : i32 to vector<16xi32>
        %parallel_loop3A_352 = arith.andi %parallel_loop3A_349, %parallel_loop3A_351 : vector<16xi32>
        %parallel_loop3A_353 = arith.addi %parallel_loop3A_171, %parallel_loop3A_352 : vector<16xi32>
        %parallel_loop3A_354 = arith.constant 0 : i32
        %parallel_loop3A_355 = vector.broadcast %parallel_loop3A_354 : i32 to vector<16xi32>
        %parallel_loop3A_356 = arith.addi %parallel_loop3A_353, %parallel_loop3A_355 : vector<16xi32>
        %parallel_loop3A_357 = tpu.vector_load_idx %arg10[%parallel_loop3A_166, %parallel_loop3A_356] : memref<256x128xf32, #tpu.memory_space<vmem>>[vector<16xi32>, vector<16xi32>], vector<16xf32>,
        %parallel_loop3A_358 = arith.constant 16 : i32
        %parallel_loop3A_359 = vector.broadcast %parallel_loop3A_358 : i32 to vector<16xi32>
        %parallel_loop3A_360 = arith.addi %parallel_loop3A_353, %parallel_loop3A_359 : vector<16xi32>
        %parallel_loop3A_361 = tpu.vector_load_idx %arg10[%parallel_loop3A_166, %parallel_loop3A_360] : memref<256x128xf32, #tpu.memory_space<vmem>>[vector<16xi32>, vector<16xi32>], vector<16xf32>,
        %parallel_loop3A_362 = arith.constant 32 : i32
        %parallel_loop3A_363 = vector.broadcast %parallel_loop3A_362 : i32 to vector<16xi32>
        %parallel_loop3A_364 = arith.addi %parallel_loop3A_353, %parallel_loop3A_363 : vector<16xi32>
        %parallel_loop3A_365 = tpu.vector_load_idx %arg10[%parallel_loop3A_166, %parallel_loop3A_364] : memref<256x128xf32, #tpu.memory_space<vmem>>[vector<16xi32>, vector<16xi32>], vector<16xf32>,
        %parallel_loop3A_366 = arith.constant 48 : i32
        %parallel_loop3A_367 = vector.broadcast %parallel_loop3A_366 : i32 to vector<16xi32>
        %parallel_loop3A_368 = arith.addi %parallel_loop3A_353, %parallel_loop3A_367 : vector<16xi32>
        %parallel_loop3A_369 = tpu.vector_load_idx %arg10[%parallel_loop3A_166, %parallel_loop3A_368] : memref<256x128xf32, #tpu.memory_space<vmem>>[vector<16xi32>, vector<16xi32>], vector<16xf32>,
        %parallel_loop3A_370 = arith.constant 0 : i32
        %parallel_loop3A_371 = vector.broadcast %parallel_loop3A_370 : i32 to vector<16xi32>
        %parallel_loop3A_372 = arith.addi %parallel_loop3A_352, %parallel_loop3A_371 : vector<16xi32>
        tpu.vector_store_idx %arg12[%parallel_loop3A_372, %parallel_loop3A_166], %parallel_loop3A_357 : memref<64x256xf32, #tpu.memory_space<vmem>>[vector<16xi32>, vector<16xi32>], vector<16xf32>,
        %parallel_loop3A_373 = arith.constant 16 : i32
        %parallel_loop3A_374 = vector.broadcast %parallel_loop3A_373 : i32 to vector<16xi32>
        %parallel_loop3A_375 = arith.addi %parallel_loop3A_352, %parallel_loop3A_374 : vector<16xi32>
        tpu.vector_store_idx %arg12[%parallel_loop3A_375, %parallel_loop3A_166], %parallel_loop3A_361 : memref<64x256xf32, #tpu.memory_space<vmem>>[vector<16xi32>, vector<16xi32>], vector<16xf32>,
        %parallel_loop3A_376 = arith.constant 32 : i32
        %parallel_loop3A_377 = vector.broadcast %parallel_loop3A_376 : i32 to vector<16xi32>
        %parallel_loop3A_378 = arith.addi %parallel_loop3A_352, %parallel_loop3A_377 : vector<16xi32>
        tpu.vector_store_idx %arg12[%parallel_loop3A_378, %parallel_loop3A_166], %parallel_loop3A_365 : memref<64x256xf32, #tpu.memory_space<vmem>>[vector<16xi32>, vector<16xi32>], vector<16xf32>,
        %parallel_loop3A_379 = arith.constant 48 : i32
        %parallel_loop3A_380 = vector.broadcast %parallel_loop3A_379 : i32 to vector<16xi32>
        %parallel_loop3A_381 = arith.addi %parallel_loop3A_352, %parallel_loop3A_380 : vector<16xi32>
        tpu.vector_store_idx %arg12[%parallel_loop3A_381, %parallel_loop3A_166], %parallel_loop3A_369 : memref<64x256xf32, #tpu.memory_space<vmem>>[vector<16xi32>, vector<16xi32>], vector<16xf32>,
        %parallel_loop3A_382 = arith.constant 6 : i32
        %parallel_loop3A_383 = vector.broadcast %parallel_loop3A_382 : i32 to vector<16xi32>
        %parallel_loop3A_384 = arith.addi %iota3A, %parallel_loop3A_383 : vector<16xi32>
        %parallel_loop3A_385 = arith.constant 15 : i32
        %parallel_loop3A_386 = vector.broadcast %parallel_loop3A_385 : i32 to vector<16xi32>
        %parallel_loop3A_387 = arith.andi %parallel_loop3A_384, %parallel_loop3A_386 : vector<16xi32>
        %parallel_loop3A_388 = arith.addi %parallel_loop3A_171, %parallel_loop3A_387 : vector<16xi32>
        %parallel_loop3A_389 = arith.constant 0 : i32
        %parallel_loop3A_390 = vector.broadcast %parallel_loop3A_389 : i32 to vector<16xi32>
        %parallel_loop3A_391 = arith.addi %parallel_loop3A_388, %parallel_loop3A_390 : vector<16xi32>
        %parallel_loop3A_392 = tpu.vector_load_idx %arg10[%parallel_loop3A_166, %parallel_loop3A_391] : memref<256x128xf32, #tpu.memory_space<vmem>>[vector<16xi32>, vector<16xi32>], vector<16xf32>,
        %parallel_loop3A_393 = arith.constant 16 : i32
        %parallel_loop3A_394 = vector.broadcast %parallel_loop3A_393 : i32 to vector<16xi32>
        %parallel_loop3A_395 = arith.addi %parallel_loop3A_388, %parallel_loop3A_394 : vector<16xi32>
        %parallel_loop3A_396 = tpu.vector_load_idx %arg10[%parallel_loop3A_166, %parallel_loop3A_395] : memref<256x128xf32, #tpu.memory_space<vmem>>[vector<16xi32>, vector<16xi32>], vector<16xf32>,
        %parallel_loop3A_397 = arith.constant 32 : i32
        %parallel_loop3A_398 = vector.broadcast %parallel_loop3A_397 : i32 to vector<16xi32>
        %parallel_loop3A_399 = arith.addi %parallel_loop3A_388, %parallel_loop3A_398 : vector<16xi32>
        %parallel_loop3A_400 = tpu.vector_load_idx %arg10[%parallel_loop3A_166, %parallel_loop3A_399] : memref<256x128xf32, #tpu.memory_space<vmem>>[vector<16xi32>, vector<16xi32>], vector<16xf32>,
        %parallel_loop3A_401 = arith.constant 48 : i32
        %parallel_loop3A_402 = vector.broadcast %parallel_loop3A_401 : i32 to vector<16xi32>
        %parallel_loop3A_403 = arith.addi %parallel_loop3A_388, %parallel_loop3A_402 : vector<16xi32>
        %parallel_loop3A_404 = tpu.vector_load_idx %arg10[%parallel_loop3A_166, %parallel_loop3A_403] : memref<256x128xf32, #tpu.memory_space<vmem>>[vector<16xi32>, vector<16xi32>], vector<16xf32>,
        %parallel_loop3A_405 = arith.constant 0 : i32
        %parallel_loop3A_406 = vector.broadcast %parallel_loop3A_405 : i32 to vector<16xi32>
        %parallel_loop3A_407 = arith.addi %parallel_loop3A_387, %parallel_loop3A_406 : vector<16xi32>
        tpu.vector_store_idx %arg12[%parallel_loop3A_407, %parallel_loop3A_166], %parallel_loop3A_392 : memref<64x256xf32, #tpu.memory_space<vmem>>[vector<16xi32>, vector<16xi32>], vector<16xf32>,
        %parallel_loop3A_408 = arith.constant 16 : i32
        %parallel_loop3A_409 = vector.broadcast %parallel_loop3A_408 : i32 to vector<16xi32>
        %parallel_loop3A_410 = arith.addi %parallel_loop3A_387, %parallel_loop3A_409 : vector<16xi32>
        tpu.vector_store_idx %arg12[%parallel_loop3A_410, %parallel_loop3A_166], %parallel_loop3A_396 : memref<64x256xf32, #tpu.memory_space<vmem>>[vector<16xi32>, vector<16xi32>], vector<16xf32>,
        %parallel_loop3A_411 = arith.constant 32 : i32
        %parallel_loop3A_412 = vector.broadcast %parallel_loop3A_411 : i32 to vector<16xi32>
        %parallel_loop3A_413 = arith.addi %parallel_loop3A_387, %parallel_loop3A_412 : vector<16xi32>
        tpu.vector_store_idx %arg12[%parallel_loop3A_413, %parallel_loop3A_166], %parallel_loop3A_400 : memref<64x256xf32, #tpu.memory_space<vmem>>[vector<16xi32>, vector<16xi32>], vector<16xf32>,
        %parallel_loop3A_414 = arith.constant 48 : i32
        %parallel_loop3A_415 = vector.broadcast %parallel_loop3A_414 : i32 to vector<16xi32>
        %parallel_loop3A_416 = arith.addi %parallel_loop3A_387, %parallel_loop3A_415 : vector<16xi32>
        tpu.vector_store_idx %arg12[%parallel_loop3A_416, %parallel_loop3A_166], %parallel_loop3A_404 : memref<64x256xf32, #tpu.memory_space<vmem>>[vector<16xi32>, vector<16xi32>], vector<16xf32>,
        %parallel_loop3A_417 = arith.constant 7 : i32
        %parallel_loop3A_418 = vector.broadcast %parallel_loop3A_417 : i32 to vector<16xi32>
        %parallel_loop3A_419 = arith.addi %iota3A, %parallel_loop3A_418 : vector<16xi32>
        %parallel_loop3A_420 = arith.constant 15 : i32
        %parallel_loop3A_421 = vector.broadcast %parallel_loop3A_420 : i32 to vector<16xi32>
        %parallel_loop3A_422 = arith.andi %parallel_loop3A_419, %parallel_loop3A_421 : vector<16xi32>
        %parallel_loop3A_423 = arith.addi %parallel_loop3A_171, %parallel_loop3A_422 : vector<16xi32>
        %parallel_loop3A_424 = arith.constant 0 : i32
        %parallel_loop3A_425 = vector.broadcast %parallel_loop3A_424 : i32 to vector<16xi32>
        %parallel_loop3A_426 = arith.addi %parallel_loop3A_423, %parallel_loop3A_425 : vector<16xi32>
        %parallel_loop3A_427 = tpu.vector_load_idx %arg10[%parallel_loop3A_166, %parallel_loop3A_426] : memref<256x128xf32, #tpu.memory_space<vmem>>[vector<16xi32>, vector<16xi32>], vector<16xf32>,
        %parallel_loop3A_428 = arith.constant 16 : i32
        %parallel_loop3A_429 = vector.broadcast %parallel_loop3A_428 : i32 to vector<16xi32>
        %parallel_loop3A_430 = arith.addi %parallel_loop3A_423, %parallel_loop3A_429 : vector<16xi32>
        %parallel_loop3A_431 = tpu.vector_load_idx %arg10[%parallel_loop3A_166, %parallel_loop3A_430] : memref<256x128xf32, #tpu.memory_space<vmem>>[vector<16xi32>, vector<16xi32>], vector<16xf32>,
        %parallel_loop3A_432 = arith.constant 32 : i32
        %parallel_loop3A_433 = vector.broadcast %parallel_loop3A_432 : i32 to vector<16xi32>
        %parallel_loop3A_434 = arith.addi %parallel_loop3A_423, %parallel_loop3A_433 : vector<16xi32>
        %parallel_loop3A_435 = tpu.vector_load_idx %arg10[%parallel_loop3A_166, %parallel_loop3A_434] : memref<256x128xf32, #tpu.memory_space<vmem>>[vector<16xi32>, vector<16xi32>], vector<16xf32>,
        %parallel_loop3A_436 = arith.constant 48 : i32
        %parallel_loop3A_437 = vector.broadcast %parallel_loop3A_436 : i32 to vector<16xi32>
        %parallel_loop3A_438 = arith.addi %parallel_loop3A_423, %parallel_loop3A_437 : vector<16xi32>
        %parallel_loop3A_439 = tpu.vector_load_idx %arg10[%parallel_loop3A_166, %parallel_loop3A_438] : memref<256x128xf32, #tpu.memory_space<vmem>>[vector<16xi32>, vector<16xi32>], vector<16xf32>,
        %parallel_loop3A_440 = arith.constant 0 : i32
        %parallel_loop3A_441 = vector.broadcast %parallel_loop3A_440 : i32 to vector<16xi32>
        %parallel_loop3A_442 = arith.addi %parallel_loop3A_422, %parallel_loop3A_441 : vector<16xi32>
        tpu.vector_store_idx %arg12[%parallel_loop3A_442, %parallel_loop3A_166], %parallel_loop3A_427 : memref<64x256xf32, #tpu.memory_space<vmem>>[vector<16xi32>, vector<16xi32>], vector<16xf32>,
        %parallel_loop3A_443 = arith.constant 16 : i32
        %parallel_loop3A_444 = vector.broadcast %parallel_loop3A_443 : i32 to vector<16xi32>
        %parallel_loop3A_445 = arith.addi %parallel_loop3A_422, %parallel_loop3A_444 : vector<16xi32>
        tpu.vector_store_idx %arg12[%parallel_loop3A_445, %parallel_loop3A_166], %parallel_loop3A_431 : memref<64x256xf32, #tpu.memory_space<vmem>>[vector<16xi32>, vector<16xi32>], vector<16xf32>,
        %parallel_loop3A_446 = arith.constant 32 : i32
        %parallel_loop3A_447 = vector.broadcast %parallel_loop3A_446 : i32 to vector<16xi32>
        %parallel_loop3A_448 = arith.addi %parallel_loop3A_422, %parallel_loop3A_447 : vector<16xi32>
        tpu.vector_store_idx %arg12[%parallel_loop3A_448, %parallel_loop3A_166], %parallel_loop3A_435 : memref<64x256xf32, #tpu.memory_space<vmem>>[vector<16xi32>, vector<16xi32>], vector<16xf32>,
        %parallel_loop3A_449 = arith.constant 48 : i32
        %parallel_loop3A_450 = vector.broadcast %parallel_loop3A_449 : i32 to vector<16xi32>
        %parallel_loop3A_451 = arith.addi %parallel_loop3A_422, %parallel_loop3A_450 : vector<16xi32>
        tpu.vector_store_idx %arg12[%parallel_loop3A_451, %parallel_loop3A_166], %parallel_loop3A_439 : memref<64x256xf32, #tpu.memory_space<vmem>>[vector<16xi32>, vector<16xi32>], vector<16xf32>,
        %parallel_loop3A_452 = arith.constant 8 : i32
        %parallel_loop3A_453 = vector.broadcast %parallel_loop3A_452 : i32 to vector<16xi32>
        %parallel_loop3A_454 = arith.addi %iota3A, %parallel_loop3A_453 : vector<16xi32>
        %parallel_loop3A_455 = arith.constant 15 : i32
        %parallel_loop3A_456 = vector.broadcast %parallel_loop3A_455 : i32 to vector<16xi32>
        %parallel_loop3A_457 = arith.andi %parallel_loop3A_454, %parallel_loop3A_456 : vector<16xi32>
        %parallel_loop3A_458 = arith.addi %parallel_loop3A_171, %parallel_loop3A_457 : vector<16xi32>
        %parallel_loop3A_459 = arith.constant 0 : i32
        %parallel_loop3A_460 = vector.broadcast %parallel_loop3A_459 : i32 to vector<16xi32>
        %parallel_loop3A_461 = arith.addi %parallel_loop3A_458, %parallel_loop3A_460 : vector<16xi32>
        %parallel_loop3A_462 = tpu.vector_load_idx %arg10[%parallel_loop3A_166, %parallel_loop3A_461] : memref<256x128xf32, #tpu.memory_space<vmem>>[vector<16xi32>, vector<16xi32>], vector<16xf32>,
        %parallel_loop3A_463 = arith.constant 16 : i32
        %parallel_loop3A_464 = vector.broadcast %parallel_loop3A_463 : i32 to vector<16xi32>
        %parallel_loop3A_465 = arith.addi %parallel_loop3A_458, %parallel_loop3A_464 : vector<16xi32>
        %parallel_loop3A_466 = tpu.vector_load_idx %arg10[%parallel_loop3A_166, %parallel_loop3A_465] : memref<256x128xf32, #tpu.memory_space<vmem>>[vector<16xi32>, vector<16xi32>], vector<16xf32>,
        %parallel_loop3A_467 = arith.constant 32 : i32
        %parallel_loop3A_468 = vector.broadcast %parallel_loop3A_467 : i32 to vector<16xi32>
        %parallel_loop3A_469 = arith.addi %parallel_loop3A_458, %parallel_loop3A_468 : vector<16xi32>
        %parallel_loop3A_470 = tpu.vector_load_idx %arg10[%parallel_loop3A_166, %parallel_loop3A_469] : memref<256x128xf32, #tpu.memory_space<vmem>>[vector<16xi32>, vector<16xi32>], vector<16xf32>,
        %parallel_loop3A_471 = arith.constant 48 : i32
        %parallel_loop3A_472 = vector.broadcast %parallel_loop3A_471 : i32 to vector<16xi32>
        %parallel_loop3A_473 = arith.addi %parallel_loop3A_458, %parallel_loop3A_472 : vector<16xi32>
        %parallel_loop3A_474 = tpu.vector_load_idx %arg10[%parallel_loop3A_166, %parallel_loop3A_473] : memref<256x128xf32, #tpu.memory_space<vmem>>[vector<16xi32>, vector<16xi32>], vector<16xf32>,
        %parallel_loop3A_475 = arith.constant 0 : i32
        %parallel_loop3A_476 = vector.broadcast %parallel_loop3A_475 : i32 to vector<16xi32>
        %parallel_loop3A_477 = arith.addi %parallel_loop3A_457, %parallel_loop3A_476 : vector<16xi32>
        tpu.vector_store_idx %arg12[%parallel_loop3A_477, %parallel_loop3A_166], %parallel_loop3A_462 : memref<64x256xf32, #tpu.memory_space<vmem>>[vector<16xi32>, vector<16xi32>], vector<16xf32>,
        %parallel_loop3A_478 = arith.constant 16 : i32
        %parallel_loop3A_479 = vector.broadcast %parallel_loop3A_478 : i32 to vector<16xi32>
        %parallel_loop3A_480 = arith.addi %parallel_loop3A_457, %parallel_loop3A_479 : vector<16xi32>
        tpu.vector_store_idx %arg12[%parallel_loop3A_480, %parallel_loop3A_166], %parallel_loop3A_466 : memref<64x256xf32, #tpu.memory_space<vmem>>[vector<16xi32>, vector<16xi32>], vector<16xf32>,
        %parallel_loop3A_481 = arith.constant 32 : i32
        %parallel_loop3A_482 = vector.broadcast %parallel_loop3A_481 : i32 to vector<16xi32>
        %parallel_loop3A_483 = arith.addi %parallel_loop3A_457, %parallel_loop3A_482 : vector<16xi32>
        tpu.vector_store_idx %arg12[%parallel_loop3A_483, %parallel_loop3A_166], %parallel_loop3A_470 : memref<64x256xf32, #tpu.memory_space<vmem>>[vector<16xi32>, vector<16xi32>], vector<16xf32>,
        %parallel_loop3A_484 = arith.constant 48 : i32
        %parallel_loop3A_485 = vector.broadcast %parallel_loop3A_484 : i32 to vector<16xi32>
        %parallel_loop3A_486 = arith.addi %parallel_loop3A_457, %parallel_loop3A_485 : vector<16xi32>
        tpu.vector_store_idx %arg12[%parallel_loop3A_486, %parallel_loop3A_166], %parallel_loop3A_474 : memref<64x256xf32, #tpu.memory_space<vmem>>[vector<16xi32>, vector<16xi32>], vector<16xf32>,
        %parallel_loop3A_487 = arith.constant 9 : i32
        %parallel_loop3A_488 = vector.broadcast %parallel_loop3A_487 : i32 to vector<16xi32>
        %parallel_loop3A_489 = arith.addi %iota3A, %parallel_loop3A_488 : vector<16xi32>
        %parallel_loop3A_490 = arith.constant 15 : i32
        %parallel_loop3A_491 = vector.broadcast %parallel_loop3A_490 : i32 to vector<16xi32>
        %parallel_loop3A_492 = arith.andi %parallel_loop3A_489, %parallel_loop3A_491 : vector<16xi32>
        %parallel_loop3A_493 = arith.addi %parallel_loop3A_171, %parallel_loop3A_492 : vector<16xi32>
        %parallel_loop3A_494 = arith.constant 0 : i32
        %parallel_loop3A_495 = vector.broadcast %parallel_loop3A_494 : i32 to vector<16xi32>
        %parallel_loop3A_496 = arith.addi %parallel_loop3A_493, %parallel_loop3A_495 : vector<16xi32>
        %parallel_loop3A_497 = tpu.vector_load_idx %arg10[%parallel_loop3A_166, %parallel_loop3A_496] : memref<256x128xf32, #tpu.memory_space<vmem>>[vector<16xi32>, vector<16xi32>], vector<16xf32>,
        %parallel_loop3A_498 = arith.constant 16 : i32
        %parallel_loop3A_499 = vector.broadcast %parallel_loop3A_498 : i32 to vector<16xi32>
        %parallel_loop3A_500 = arith.addi %parallel_loop3A_493, %parallel_loop3A_499 : vector<16xi32>
        %parallel_loop3A_501 = tpu.vector_load_idx %arg10[%parallel_loop3A_166, %parallel_loop3A_500] : memref<256x128xf32, #tpu.memory_space<vmem>>[vector<16xi32>, vector<16xi32>], vector<16xf32>,
        %parallel_loop3A_502 = arith.constant 32 : i32
        %parallel_loop3A_503 = vector.broadcast %parallel_loop3A_502 : i32 to vector<16xi32>
        %parallel_loop3A_504 = arith.addi %parallel_loop3A_493, %parallel_loop3A_503 : vector<16xi32>
        %parallel_loop3A_505 = tpu.vector_load_idx %arg10[%parallel_loop3A_166, %parallel_loop3A_504] : memref<256x128xf32, #tpu.memory_space<vmem>>[vector<16xi32>, vector<16xi32>], vector<16xf32>,
        %parallel_loop3A_506 = arith.constant 48 : i32
        %parallel_loop3A_507 = vector.broadcast %parallel_loop3A_506 : i32 to vector<16xi32>
        %parallel_loop3A_508 = arith.addi %parallel_loop3A_493, %parallel_loop3A_507 : vector<16xi32>
        %parallel_loop3A_509 = tpu.vector_load_idx %arg10[%parallel_loop3A_166, %parallel_loop3A_508] : memref<256x128xf32, #tpu.memory_space<vmem>>[vector<16xi32>, vector<16xi32>], vector<16xf32>,
        %parallel_loop3A_510 = arith.constant 0 : i32
        %parallel_loop3A_511 = vector.broadcast %parallel_loop3A_510 : i32 to vector<16xi32>
        %parallel_loop3A_512 = arith.addi %parallel_loop3A_492, %parallel_loop3A_511 : vector<16xi32>
        tpu.vector_store_idx %arg12[%parallel_loop3A_512, %parallel_loop3A_166], %parallel_loop3A_497 : memref<64x256xf32, #tpu.memory_space<vmem>>[vector<16xi32>, vector<16xi32>], vector<16xf32>,
        %parallel_loop3A_513 = arith.constant 16 : i32
        %parallel_loop3A_514 = vector.broadcast %parallel_loop3A_513 : i32 to vector<16xi32>
        %parallel_loop3A_515 = arith.addi %parallel_loop3A_492, %parallel_loop3A_514 : vector<16xi32>
        tpu.vector_store_idx %arg12[%parallel_loop3A_515, %parallel_loop3A_166], %parallel_loop3A_501 : memref<64x256xf32, #tpu.memory_space<vmem>>[vector<16xi32>, vector<16xi32>], vector<16xf32>,
        %parallel_loop3A_516 = arith.constant 32 : i32
        %parallel_loop3A_517 = vector.broadcast %parallel_loop3A_516 : i32 to vector<16xi32>
        %parallel_loop3A_518 = arith.addi %parallel_loop3A_492, %parallel_loop3A_517 : vector<16xi32>
        tpu.vector_store_idx %arg12[%parallel_loop3A_518, %parallel_loop3A_166], %parallel_loop3A_505 : memref<64x256xf32, #tpu.memory_space<vmem>>[vector<16xi32>, vector<16xi32>], vector<16xf32>,
        %parallel_loop3A_519 = arith.constant 48 : i32
        %parallel_loop3A_520 = vector.broadcast %parallel_loop3A_519 : i32 to vector<16xi32>
        %parallel_loop3A_521 = arith.addi %parallel_loop3A_492, %parallel_loop3A_520 : vector<16xi32>
        tpu.vector_store_idx %arg12[%parallel_loop3A_521, %parallel_loop3A_166], %parallel_loop3A_509 : memref<64x256xf32, #tpu.memory_space<vmem>>[vector<16xi32>, vector<16xi32>], vector<16xf32>,
        %parallel_loop3A_522 = arith.constant 10 : i32
        %parallel_loop3A_523 = vector.broadcast %parallel_loop3A_522 : i32 to vector<16xi32>
        %parallel_loop3A_524 = arith.addi %iota3A, %parallel_loop3A_523 : vector<16xi32>
        %parallel_loop3A_525 = arith.constant 15 : i32
        %parallel_loop3A_526 = vector.broadcast %parallel_loop3A_525 : i32 to vector<16xi32>
        %parallel_loop3A_527 = arith.andi %parallel_loop3A_524, %parallel_loop3A_526 : vector<16xi32>
        %parallel_loop3A_528 = arith.addi %parallel_loop3A_171, %parallel_loop3A_527 : vector<16xi32>
        %parallel_loop3A_529 = arith.constant 0 : i32
        %parallel_loop3A_530 = vector.broadcast %parallel_loop3A_529 : i32 to vector<16xi32>
        %parallel_loop3A_531 = arith.addi %parallel_loop3A_528, %parallel_loop3A_530 : vector<16xi32>
        %parallel_loop3A_532 = tpu.vector_load_idx %arg10[%parallel_loop3A_166, %parallel_loop3A_531] : memref<256x128xf32, #tpu.memory_space<vmem>>[vector<16xi32>, vector<16xi32>], vector<16xf32>,
        %parallel_loop3A_533 = arith.constant 16 : i32
        %parallel_loop3A_534 = vector.broadcast %parallel_loop3A_533 : i32 to vector<16xi32>
        %parallel_loop3A_535 = arith.addi %parallel_loop3A_528, %parallel_loop3A_534 : vector<16xi32>
        %parallel_loop3A_536 = tpu.vector_load_idx %arg10[%parallel_loop3A_166, %parallel_loop3A_535] : memref<256x128xf32, #tpu.memory_space<vmem>>[vector<16xi32>, vector<16xi32>], vector<16xf32>,
        %parallel_loop3A_537 = arith.constant 32 : i32
        %parallel_loop3A_538 = vector.broadcast %parallel_loop3A_537 : i32 to vector<16xi32>
        %parallel_loop3A_539 = arith.addi %parallel_loop3A_528, %parallel_loop3A_538 : vector<16xi32>
        %parallel_loop3A_540 = tpu.vector_load_idx %arg10[%parallel_loop3A_166, %parallel_loop3A_539] : memref<256x128xf32, #tpu.memory_space<vmem>>[vector<16xi32>, vector<16xi32>], vector<16xf32>,
        %parallel_loop3A_541 = arith.constant 48 : i32
        %parallel_loop3A_542 = vector.broadcast %parallel_loop3A_541 : i32 to vector<16xi32>
        %parallel_loop3A_543 = arith.addi %parallel_loop3A_528, %parallel_loop3A_542 : vector<16xi32>
        %parallel_loop3A_544 = tpu.vector_load_idx %arg10[%parallel_loop3A_166, %parallel_loop3A_543] : memref<256x128xf32, #tpu.memory_space<vmem>>[vector<16xi32>, vector<16xi32>], vector<16xf32>,
        %parallel_loop3A_545 = arith.constant 0 : i32
        %parallel_loop3A_546 = vector.broadcast %parallel_loop3A_545 : i32 to vector<16xi32>
        %parallel_loop3A_547 = arith.addi %parallel_loop3A_527, %parallel_loop3A_546 : vector<16xi32>
        tpu.vector_store_idx %arg12[%parallel_loop3A_547, %parallel_loop3A_166], %parallel_loop3A_532 : memref<64x256xf32, #tpu.memory_space<vmem>>[vector<16xi32>, vector<16xi32>], vector<16xf32>,
        %parallel_loop3A_548 = arith.constant 16 : i32
        %parallel_loop3A_549 = vector.broadcast %parallel_loop3A_548 : i32 to vector<16xi32>
        %parallel_loop3A_550 = arith.addi %parallel_loop3A_527, %parallel_loop3A_549 : vector<16xi32>
        tpu.vector_store_idx %arg12[%parallel_loop3A_550, %parallel_loop3A_166], %parallel_loop3A_536 : memref<64x256xf32, #tpu.memory_space<vmem>>[vector<16xi32>, vector<16xi32>], vector<16xf32>,
        %parallel_loop3A_551 = arith.constant 32 : i32
        %parallel_loop3A_552 = vector.broadcast %parallel_loop3A_551 : i32 to vector<16xi32>
        %parallel_loop3A_553 = arith.addi %parallel_loop3A_527, %parallel_loop3A_552 : vector<16xi32>
        tpu.vector_store_idx %arg12[%parallel_loop3A_553, %parallel_loop3A_166], %parallel_loop3A_540 : memref<64x256xf32, #tpu.memory_space<vmem>>[vector<16xi32>, vector<16xi32>], vector<16xf32>,
        %parallel_loop3A_554 = arith.constant 48 : i32
        %parallel_loop3A_555 = vector.broadcast %parallel_loop3A_554 : i32 to vector<16xi32>
        %parallel_loop3A_556 = arith.addi %parallel_loop3A_527, %parallel_loop3A_555 : vector<16xi32>
        tpu.vector_store_idx %arg12[%parallel_loop3A_556, %parallel_loop3A_166], %parallel_loop3A_544 : memref<64x256xf32, #tpu.memory_space<vmem>>[vector<16xi32>, vector<16xi32>], vector<16xf32>,
        %parallel_loop3A_557 = arith.constant 11 : i32
        %parallel_loop3A_558 = vector.broadcast %parallel_loop3A_557 : i32 to vector<16xi32>
        %parallel_loop3A_559 = arith.addi %iota3A, %parallel_loop3A_558 : vector<16xi32>
        %parallel_loop3A_560 = arith.constant 15 : i32
        %parallel_loop3A_561 = vector.broadcast %parallel_loop3A_560 : i32 to vector<16xi32>
        %parallel_loop3A_562 = arith.andi %parallel_loop3A_559, %parallel_loop3A_561 : vector<16xi32>
        %parallel_loop3A_563 = arith.addi %parallel_loop3A_171, %parallel_loop3A_562 : vector<16xi32>
        %parallel_loop3A_564 = arith.constant 0 : i32
        %parallel_loop3A_565 = vector.broadcast %parallel_loop3A_564 : i32 to vector<16xi32>
        %parallel_loop3A_566 = arith.addi %parallel_loop3A_563, %parallel_loop3A_565 : vector<16xi32>
        %parallel_loop3A_567 = tpu.vector_load_idx %arg10[%parallel_loop3A_166, %parallel_loop3A_566] : memref<256x128xf32, #tpu.memory_space<vmem>>[vector<16xi32>, vector<16xi32>], vector<16xf32>,
        %parallel_loop3A_568 = arith.constant 16 : i32
        %parallel_loop3A_569 = vector.broadcast %parallel_loop3A_568 : i32 to vector<16xi32>
        %parallel_loop3A_570 = arith.addi %parallel_loop3A_563, %parallel_loop3A_569 : vector<16xi32>
        %parallel_loop3A_571 = tpu.vector_load_idx %arg10[%parallel_loop3A_166, %parallel_loop3A_570] : memref<256x128xf32, #tpu.memory_space<vmem>>[vector<16xi32>, vector<16xi32>], vector<16xf32>,
        %parallel_loop3A_572 = arith.constant 32 : i32
        %parallel_loop3A_573 = vector.broadcast %parallel_loop3A_572 : i32 to vector<16xi32>
        %parallel_loop3A_574 = arith.addi %parallel_loop3A_563, %parallel_loop3A_573 : vector<16xi32>
        %parallel_loop3A_575 = tpu.vector_load_idx %arg10[%parallel_loop3A_166, %parallel_loop3A_574] : memref<256x128xf32, #tpu.memory_space<vmem>>[vector<16xi32>, vector<16xi32>], vector<16xf32>,
        %parallel_loop3A_576 = arith.constant 48 : i32
        %parallel_loop3A_577 = vector.broadcast %parallel_loop3A_576 : i32 to vector<16xi32>
        %parallel_loop3A_578 = arith.addi %parallel_loop3A_563, %parallel_loop3A_577 : vector<16xi32>
        %parallel_loop3A_579 = tpu.vector_load_idx %arg10[%parallel_loop3A_166, %parallel_loop3A_578] : memref<256x128xf32, #tpu.memory_space<vmem>>[vector<16xi32>, vector<16xi32>], vector<16xf32>,
        %parallel_loop3A_580 = arith.constant 0 : i32
        %parallel_loop3A_581 = vector.broadcast %parallel_loop3A_580 : i32 to vector<16xi32>
        %parallel_loop3A_582 = arith.addi %parallel_loop3A_562, %parallel_loop3A_581 : vector<16xi32>
        tpu.vector_store_idx %arg12[%parallel_loop3A_582, %parallel_loop3A_166], %parallel_loop3A_567 : memref<64x256xf32, #tpu.memory_space<vmem>>[vector<16xi32>, vector<16xi32>], vector<16xf32>,
        %parallel_loop3A_583 = arith.constant 16 : i32
        %parallel_loop3A_584 = vector.broadcast %parallel_loop3A_583 : i32 to vector<16xi32>
        %parallel_loop3A_585 = arith.addi %parallel_loop3A_562, %parallel_loop3A_584 : vector<16xi32>
        tpu.vector_store_idx %arg12[%parallel_loop3A_585, %parallel_loop3A_166], %parallel_loop3A_571 : memref<64x256xf32, #tpu.memory_space<vmem>>[vector<16xi32>, vector<16xi32>], vector<16xf32>,
        %parallel_loop3A_586 = arith.constant 32 : i32
        %parallel_loop3A_587 = vector.broadcast %parallel_loop3A_586 : i32 to vector<16xi32>
        %parallel_loop3A_588 = arith.addi %parallel_loop3A_562, %parallel_loop3A_587 : vector<16xi32>
        tpu.vector_store_idx %arg12[%parallel_loop3A_588, %parallel_loop3A_166], %parallel_loop3A_575 : memref<64x256xf32, #tpu.memory_space<vmem>>[vector<16xi32>, vector<16xi32>], vector<16xf32>,
        %parallel_loop3A_589 = arith.constant 48 : i32
        %parallel_loop3A_590 = vector.broadcast %parallel_loop3A_589 : i32 to vector<16xi32>
        %parallel_loop3A_591 = arith.addi %parallel_loop3A_562, %parallel_loop3A_590 : vector<16xi32>
        tpu.vector_store_idx %arg12[%parallel_loop3A_591, %parallel_loop3A_166], %parallel_loop3A_579 : memref<64x256xf32, #tpu.memory_space<vmem>>[vector<16xi32>, vector<16xi32>], vector<16xf32>,
        %parallel_loop3A_592 = arith.constant 12 : i32
        %parallel_loop3A_593 = vector.broadcast %parallel_loop3A_592 : i32 to vector<16xi32>
        %parallel_loop3A_594 = arith.addi %iota3A, %parallel_loop3A_593 : vector<16xi32>
        %parallel_loop3A_595 = arith.constant 15 : i32
        %parallel_loop3A_596 = vector.broadcast %parallel_loop3A_595 : i32 to vector<16xi32>
        %parallel_loop3A_597 = arith.andi %parallel_loop3A_594, %parallel_loop3A_596 : vector<16xi32>
        %parallel_loop3A_598 = arith.addi %parallel_loop3A_171, %parallel_loop3A_597 : vector<16xi32>
        %parallel_loop3A_599 = arith.constant 0 : i32
        %parallel_loop3A_600 = vector.broadcast %parallel_loop3A_599 : i32 to vector<16xi32>
        %parallel_loop3A_601 = arith.addi %parallel_loop3A_598, %parallel_loop3A_600 : vector<16xi32>
        %parallel_loop3A_602 = tpu.vector_load_idx %arg10[%parallel_loop3A_166, %parallel_loop3A_601] : memref<256x128xf32, #tpu.memory_space<vmem>>[vector<16xi32>, vector<16xi32>], vector<16xf32>,
        %parallel_loop3A_603 = arith.constant 16 : i32
        %parallel_loop3A_604 = vector.broadcast %parallel_loop3A_603 : i32 to vector<16xi32>
        %parallel_loop3A_605 = arith.addi %parallel_loop3A_598, %parallel_loop3A_604 : vector<16xi32>
        %parallel_loop3A_606 = tpu.vector_load_idx %arg10[%parallel_loop3A_166, %parallel_loop3A_605] : memref<256x128xf32, #tpu.memory_space<vmem>>[vector<16xi32>, vector<16xi32>], vector<16xf32>,
        %parallel_loop3A_607 = arith.constant 32 : i32
        %parallel_loop3A_608 = vector.broadcast %parallel_loop3A_607 : i32 to vector<16xi32>
        %parallel_loop3A_609 = arith.addi %parallel_loop3A_598, %parallel_loop3A_608 : vector<16xi32>
        %parallel_loop3A_610 = tpu.vector_load_idx %arg10[%parallel_loop3A_166, %parallel_loop3A_609] : memref<256x128xf32, #tpu.memory_space<vmem>>[vector<16xi32>, vector<16xi32>], vector<16xf32>,
        %parallel_loop3A_611 = arith.constant 48 : i32
        %parallel_loop3A_612 = vector.broadcast %parallel_loop3A_611 : i32 to vector<16xi32>
        %parallel_loop3A_613 = arith.addi %parallel_loop3A_598, %parallel_loop3A_612 : vector<16xi32>
        %parallel_loop3A_614 = tpu.vector_load_idx %arg10[%parallel_loop3A_166, %parallel_loop3A_613] : memref<256x128xf32, #tpu.memory_space<vmem>>[vector<16xi32>, vector<16xi32>], vector<16xf32>,
        %parallel_loop3A_615 = arith.constant 0 : i32
        %parallel_loop3A_616 = vector.broadcast %parallel_loop3A_615 : i32 to vector<16xi32>
        %parallel_loop3A_617 = arith.addi %parallel_loop3A_597, %parallel_loop3A_616 : vector<16xi32>
        tpu.vector_store_idx %arg12[%parallel_loop3A_617, %parallel_loop3A_166], %parallel_loop3A_602 : memref<64x256xf32, #tpu.memory_space<vmem>>[vector<16xi32>, vector<16xi32>], vector<16xf32>,
        %parallel_loop3A_618 = arith.constant 16 : i32
        %parallel_loop3A_619 = vector.broadcast %parallel_loop3A_618 : i32 to vector<16xi32>
        %parallel_loop3A_620 = arith.addi %parallel_loop3A_597, %parallel_loop3A_619 : vector<16xi32>
        tpu.vector_store_idx %arg12[%parallel_loop3A_620, %parallel_loop3A_166], %parallel_loop3A_606 : memref<64x256xf32, #tpu.memory_space<vmem>>[vector<16xi32>, vector<16xi32>], vector<16xf32>,
        %parallel_loop3A_621 = arith.constant 32 : i32
        %parallel_loop3A_622 = vector.broadcast %parallel_loop3A_621 : i32 to vector<16xi32>
        %parallel_loop3A_623 = arith.addi %parallel_loop3A_597, %parallel_loop3A_622 : vector<16xi32>
        tpu.vector_store_idx %arg12[%parallel_loop3A_623, %parallel_loop3A_166], %parallel_loop3A_610 : memref<64x256xf32, #tpu.memory_space<vmem>>[vector<16xi32>, vector<16xi32>], vector<16xf32>,
        %parallel_loop3A_624 = arith.constant 48 : i32
        %parallel_loop3A_625 = vector.broadcast %parallel_loop3A_624 : i32 to vector<16xi32>
        %parallel_loop3A_626 = arith.addi %parallel_loop3A_597, %parallel_loop3A_625 : vector<16xi32>
        tpu.vector_store_idx %arg12[%parallel_loop3A_626, %parallel_loop3A_166], %parallel_loop3A_614 : memref<64x256xf32, #tpu.memory_space<vmem>>[vector<16xi32>, vector<16xi32>], vector<16xf32>,
        %parallel_loop3A_627 = arith.constant 13 : i32
        %parallel_loop3A_628 = vector.broadcast %parallel_loop3A_627 : i32 to vector<16xi32>
        %parallel_loop3A_629 = arith.addi %iota3A, %parallel_loop3A_628 : vector<16xi32>
        %parallel_loop3A_630 = arith.constant 15 : i32
        %parallel_loop3A_631 = vector.broadcast %parallel_loop3A_630 : i32 to vector<16xi32>
        %parallel_loop3A_632 = arith.andi %parallel_loop3A_629, %parallel_loop3A_631 : vector<16xi32>
        %parallel_loop3A_633 = arith.addi %parallel_loop3A_171, %parallel_loop3A_632 : vector<16xi32>
        %parallel_loop3A_634 = arith.constant 0 : i32
        %parallel_loop3A_635 = vector.broadcast %parallel_loop3A_634 : i32 to vector<16xi32>
        %parallel_loop3A_636 = arith.addi %parallel_loop3A_633, %parallel_loop3A_635 : vector<16xi32>
        %parallel_loop3A_637 = tpu.vector_load_idx %arg10[%parallel_loop3A_166, %parallel_loop3A_636] : memref<256x128xf32, #tpu.memory_space<vmem>>[vector<16xi32>, vector<16xi32>], vector<16xf32>,
        %parallel_loop3A_638 = arith.constant 16 : i32
        %parallel_loop3A_639 = vector.broadcast %parallel_loop3A_638 : i32 to vector<16xi32>
        %parallel_loop3A_640 = arith.addi %parallel_loop3A_633, %parallel_loop3A_639 : vector<16xi32>
        %parallel_loop3A_641 = tpu.vector_load_idx %arg10[%parallel_loop3A_166, %parallel_loop3A_640] : memref<256x128xf32, #tpu.memory_space<vmem>>[vector<16xi32>, vector<16xi32>], vector<16xf32>,
        %parallel_loop3A_642 = arith.constant 32 : i32
        %parallel_loop3A_643 = vector.broadcast %parallel_loop3A_642 : i32 to vector<16xi32>
        %parallel_loop3A_644 = arith.addi %parallel_loop3A_633, %parallel_loop3A_643 : vector<16xi32>
        %parallel_loop3A_645 = tpu.vector_load_idx %arg10[%parallel_loop3A_166, %parallel_loop3A_644] : memref<256x128xf32, #tpu.memory_space<vmem>>[vector<16xi32>, vector<16xi32>], vector<16xf32>,
        %parallel_loop3A_646 = arith.constant 48 : i32
        %parallel_loop3A_647 = vector.broadcast %parallel_loop3A_646 : i32 to vector<16xi32>
        %parallel_loop3A_648 = arith.addi %parallel_loop3A_633, %parallel_loop3A_647 : vector<16xi32>
        %parallel_loop3A_649 = tpu.vector_load_idx %arg10[%parallel_loop3A_166, %parallel_loop3A_648] : memref<256x128xf32, #tpu.memory_space<vmem>>[vector<16xi32>, vector<16xi32>], vector<16xf32>,
        %parallel_loop3A_650 = arith.constant 0 : i32
        %parallel_loop3A_651 = vector.broadcast %parallel_loop3A_650 : i32 to vector<16xi32>
        %parallel_loop3A_652 = arith.addi %parallel_loop3A_632, %parallel_loop3A_651 : vector<16xi32>
        tpu.vector_store_idx %arg12[%parallel_loop3A_652, %parallel_loop3A_166], %parallel_loop3A_637 : memref<64x256xf32, #tpu.memory_space<vmem>>[vector<16xi32>, vector<16xi32>], vector<16xf32>,
        %parallel_loop3A_653 = arith.constant 16 : i32
        %parallel_loop3A_654 = vector.broadcast %parallel_loop3A_653 : i32 to vector<16xi32>
        %parallel_loop3A_655 = arith.addi %parallel_loop3A_632, %parallel_loop3A_654 : vector<16xi32>
        tpu.vector_store_idx %arg12[%parallel_loop3A_655, %parallel_loop3A_166], %parallel_loop3A_641 : memref<64x256xf32, #tpu.memory_space<vmem>>[vector<16xi32>, vector<16xi32>], vector<16xf32>,
        %parallel_loop3A_656 = arith.constant 32 : i32
        %parallel_loop3A_657 = vector.broadcast %parallel_loop3A_656 : i32 to vector<16xi32>
        %parallel_loop3A_658 = arith.addi %parallel_loop3A_632, %parallel_loop3A_657 : vector<16xi32>
        tpu.vector_store_idx %arg12[%parallel_loop3A_658, %parallel_loop3A_166], %parallel_loop3A_645 : memref<64x256xf32, #tpu.memory_space<vmem>>[vector<16xi32>, vector<16xi32>], vector<16xf32>,
        %parallel_loop3A_659 = arith.constant 48 : i32
        %parallel_loop3A_660 = vector.broadcast %parallel_loop3A_659 : i32 to vector<16xi32>
        %parallel_loop3A_661 = arith.addi %parallel_loop3A_632, %parallel_loop3A_660 : vector<16xi32>
        tpu.vector_store_idx %arg12[%parallel_loop3A_661, %parallel_loop3A_166], %parallel_loop3A_649 : memref<64x256xf32, #tpu.memory_space<vmem>>[vector<16xi32>, vector<16xi32>], vector<16xf32>,
        %parallel_loop3A_662 = arith.constant 14 : i32
        %parallel_loop3A_663 = vector.broadcast %parallel_loop3A_662 : i32 to vector<16xi32>
        %parallel_loop3A_664 = arith.addi %iota3A, %parallel_loop3A_663 : vector<16xi32>
        %parallel_loop3A_665 = arith.constant 15 : i32
        %parallel_loop3A_666 = vector.broadcast %parallel_loop3A_665 : i32 to vector<16xi32>
        %parallel_loop3A_667 = arith.andi %parallel_loop3A_664, %parallel_loop3A_666 : vector<16xi32>
        %parallel_loop3A_668 = arith.addi %parallel_loop3A_171, %parallel_loop3A_667 : vector<16xi32>
        %parallel_loop3A_669 = arith.constant 0 : i32
        %parallel_loop3A_670 = vector.broadcast %parallel_loop3A_669 : i32 to vector<16xi32>
        %parallel_loop3A_671 = arith.addi %parallel_loop3A_668, %parallel_loop3A_670 : vector<16xi32>
        %parallel_loop3A_672 = tpu.vector_load_idx %arg10[%parallel_loop3A_166, %parallel_loop3A_671] : memref<256x128xf32, #tpu.memory_space<vmem>>[vector<16xi32>, vector<16xi32>], vector<16xf32>,
        %parallel_loop3A_673 = arith.constant 16 : i32
        %parallel_loop3A_674 = vector.broadcast %parallel_loop3A_673 : i32 to vector<16xi32>
        %parallel_loop3A_675 = arith.addi %parallel_loop3A_668, %parallel_loop3A_674 : vector<16xi32>
        %parallel_loop3A_676 = tpu.vector_load_idx %arg10[%parallel_loop3A_166, %parallel_loop3A_675] : memref<256x128xf32, #tpu.memory_space<vmem>>[vector<16xi32>, vector<16xi32>], vector<16xf32>,
        %parallel_loop3A_677 = arith.constant 32 : i32
        %parallel_loop3A_678 = vector.broadcast %parallel_loop3A_677 : i32 to vector<16xi32>
        %parallel_loop3A_679 = arith.addi %parallel_loop3A_668, %parallel_loop3A_678 : vector<16xi32>
        %parallel_loop3A_680 = tpu.vector_load_idx %arg10[%parallel_loop3A_166, %parallel_loop3A_679] : memref<256x128xf32, #tpu.memory_space<vmem>>[vector<16xi32>, vector<16xi32>], vector<16xf32>,
        %parallel_loop3A_681 = arith.constant 48 : i32
        %parallel_loop3A_682 = vector.broadcast %parallel_loop3A_681 : i32 to vector<16xi32>
        %parallel_loop3A_683 = arith.addi %parallel_loop3A_668, %parallel_loop3A_682 : vector<16xi32>
        %parallel_loop3A_684 = tpu.vector_load_idx %arg10[%parallel_loop3A_166, %parallel_loop3A_683] : memref<256x128xf32, #tpu.memory_space<vmem>>[vector<16xi32>, vector<16xi32>], vector<16xf32>,
        %parallel_loop3A_685 = arith.constant 0 : i32
        %parallel_loop3A_686 = vector.broadcast %parallel_loop3A_685 : i32 to vector<16xi32>
        %parallel_loop3A_687 = arith.addi %parallel_loop3A_667, %parallel_loop3A_686 : vector<16xi32>
        tpu.vector_store_idx %arg12[%parallel_loop3A_687, %parallel_loop3A_166], %parallel_loop3A_672 : memref<64x256xf32, #tpu.memory_space<vmem>>[vector<16xi32>, vector<16xi32>], vector<16xf32>,
        %parallel_loop3A_688 = arith.constant 16 : i32
        %parallel_loop3A_689 = vector.broadcast %parallel_loop3A_688 : i32 to vector<16xi32>
        %parallel_loop3A_690 = arith.addi %parallel_loop3A_667, %parallel_loop3A_689 : vector<16xi32>
        tpu.vector_store_idx %arg12[%parallel_loop3A_690, %parallel_loop3A_166], %parallel_loop3A_676 : memref<64x256xf32, #tpu.memory_space<vmem>>[vector<16xi32>, vector<16xi32>], vector<16xf32>,
        %parallel_loop3A_691 = arith.constant 32 : i32
        %parallel_loop3A_692 = vector.broadcast %parallel_loop3A_691 : i32 to vector<16xi32>
        %parallel_loop3A_693 = arith.addi %parallel_loop3A_667, %parallel_loop3A_692 : vector<16xi32>
        tpu.vector_store_idx %arg12[%parallel_loop3A_693, %parallel_loop3A_166], %parallel_loop3A_680 : memref<64x256xf32, #tpu.memory_space<vmem>>[vector<16xi32>, vector<16xi32>], vector<16xf32>,
        %parallel_loop3A_694 = arith.constant 48 : i32
        %parallel_loop3A_695 = vector.broadcast %parallel_loop3A_694 : i32 to vector<16xi32>
        %parallel_loop3A_696 = arith.addi %parallel_loop3A_667, %parallel_loop3A_695 : vector<16xi32>
        tpu.vector_store_idx %arg12[%parallel_loop3A_696, %parallel_loop3A_166], %parallel_loop3A_684 : memref<64x256xf32, #tpu.memory_space<vmem>>[vector<16xi32>, vector<16xi32>], vector<16xf32>,
        %parallel_loop3A_697 = arith.constant 15 : i32
        %parallel_loop3A_698 = vector.broadcast %parallel_loop3A_697 : i32 to vector<16xi32>
        %parallel_loop3A_699 = arith.addi %iota3A, %parallel_loop3A_698 : vector<16xi32>
        %parallel_loop3A_700 = arith.constant 15 : i32
        %parallel_loop3A_701 = vector.broadcast %parallel_loop3A_700 : i32 to vector<16xi32>
        %parallel_loop3A_702 = arith.andi %parallel_loop3A_699, %parallel_loop3A_701 : vector<16xi32>
        %parallel_loop3A_703 = arith.addi %parallel_loop3A_171, %parallel_loop3A_702 : vector<16xi32>
        %parallel_loop3A_704 = arith.constant 0 : i32
        %parallel_loop3A_705 = vector.broadcast %parallel_loop3A_704 : i32 to vector<16xi32>
        %parallel_loop3A_706 = arith.addi %parallel_loop3A_703, %parallel_loop3A_705 : vector<16xi32>
        %parallel_loop3A_707 = tpu.vector_load_idx %arg10[%parallel_loop3A_166, %parallel_loop3A_706] : memref<256x128xf32, #tpu.memory_space<vmem>>[vector<16xi32>, vector<16xi32>], vector<16xf32>,
        %parallel_loop3A_708 = arith.constant 16 : i32
        %parallel_loop3A_709 = vector.broadcast %parallel_loop3A_708 : i32 to vector<16xi32>
        %parallel_loop3A_710 = arith.addi %parallel_loop3A_703, %parallel_loop3A_709 : vector<16xi32>
        %parallel_loop3A_711 = tpu.vector_load_idx %arg10[%parallel_loop3A_166, %parallel_loop3A_710] : memref<256x128xf32, #tpu.memory_space<vmem>>[vector<16xi32>, vector<16xi32>], vector<16xf32>,
        %parallel_loop3A_712 = arith.constant 32 : i32
        %parallel_loop3A_713 = vector.broadcast %parallel_loop3A_712 : i32 to vector<16xi32>
        %parallel_loop3A_714 = arith.addi %parallel_loop3A_703, %parallel_loop3A_713 : vector<16xi32>
        %parallel_loop3A_715 = tpu.vector_load_idx %arg10[%parallel_loop3A_166, %parallel_loop3A_714] : memref<256x128xf32, #tpu.memory_space<vmem>>[vector<16xi32>, vector<16xi32>], vector<16xf32>,
        %parallel_loop3A_716 = arith.constant 48 : i32
        %parallel_loop3A_717 = vector.broadcast %parallel_loop3A_716 : i32 to vector<16xi32>
        %parallel_loop3A_718 = arith.addi %parallel_loop3A_703, %parallel_loop3A_717 : vector<16xi32>
        %parallel_loop3A_719 = tpu.vector_load_idx %arg10[%parallel_loop3A_166, %parallel_loop3A_718] : memref<256x128xf32, #tpu.memory_space<vmem>>[vector<16xi32>, vector<16xi32>], vector<16xf32>,
        %parallel_loop3A_720 = arith.constant 0 : i32
        %parallel_loop3A_721 = vector.broadcast %parallel_loop3A_720 : i32 to vector<16xi32>
        %parallel_loop3A_722 = arith.addi %parallel_loop3A_702, %parallel_loop3A_721 : vector<16xi32>
        tpu.vector_store_idx %arg12[%parallel_loop3A_722, %parallel_loop3A_166], %parallel_loop3A_707 : memref<64x256xf32, #tpu.memory_space<vmem>>[vector<16xi32>, vector<16xi32>], vector<16xf32>,
        %parallel_loop3A_723 = arith.constant 16 : i32
        %parallel_loop3A_724 = vector.broadcast %parallel_loop3A_723 : i32 to vector<16xi32>
        %parallel_loop3A_725 = arith.addi %parallel_loop3A_702, %parallel_loop3A_724 : vector<16xi32>
        tpu.vector_store_idx %arg12[%parallel_loop3A_725, %parallel_loop3A_166], %parallel_loop3A_711 : memref<64x256xf32, #tpu.memory_space<vmem>>[vector<16xi32>, vector<16xi32>], vector<16xf32>,
        %parallel_loop3A_726 = arith.constant 32 : i32
        %parallel_loop3A_727 = vector.broadcast %parallel_loop3A_726 : i32 to vector<16xi32>
        %parallel_loop3A_728 = arith.addi %parallel_loop3A_702, %parallel_loop3A_727 : vector<16xi32>
        tpu.vector_store_idx %arg12[%parallel_loop3A_728, %parallel_loop3A_166], %parallel_loop3A_715 : memref<64x256xf32, #tpu.memory_space<vmem>>[vector<16xi32>, vector<16xi32>], vector<16xf32>,
        %parallel_loop3A_729 = arith.constant 48 : i32
        %parallel_loop3A_730 = vector.broadcast %parallel_loop3A_729 : i32 to vector<16xi32>
        %parallel_loop3A_731 = arith.addi %parallel_loop3A_702, %parallel_loop3A_730 : vector<16xi32>
        tpu.vector_store_idx %arg12[%parallel_loop3A_731, %parallel_loop3A_166], %parallel_loop3A_719 : memref<64x256xf32, #tpu.memory_space<vmem>>[vector<16xi32>, vector<16xi32>], vector<16xf32>,
      } {sc.loop_unroll_factor = 2 : i64, sc.parallel_access}
      %jit3A = arith.constant 2 : i32
      %div3A = arith.divsi %mul3A_35, %jit3A : i32
      %sign3A = arith.constant 0 : i32
      %sign3A_49 = arith.cmpi sgt, %mul3A_35, %sign3A : i32
      %sign3A_50 = arith.extui %sign3A_49 : i1 to i32
      %sign3A_51 = arith.constant 0 : i32
      %sign3A_52 = arith.cmpi slt, %mul3A_35, %sign3A_51 : i32
      %sign3A_53 = arith.extui %sign3A_52 : i1 to i32
      %sign3A_54 = arith.subi %sign3A_50, %sign3A_53 : i32
      %sign3A_55 = arith.constant 0 : i32
      %sign3A_56 = arith.cmpi sgt, %jit3A, %sign3A_55 : i32
      %sign3A_57 = arith.extui %sign3A_56 : i1 to i32
      %sign3A_58 = arith.constant 0 : i32
      %sign3A_59 = arith.cmpi slt, %jit3A, %sign3A_58 : i32
      %sign3A_60 = arith.extui %sign3A_59 : i1 to i32
      %sign3A_61 = arith.subi %sign3A_57, %sign3A_60 : i32
      %ne3A = arith.cmpi ne, %sign3A_54, %sign3A_61 : i32
      %rem3A = arith.remsi %mul3A_35, %jit3A : i32
      %ne3A_62 = arith.constant 0 : i32
      %ne3A_63 = arith.cmpi ne, %rem3A, %ne3A_62 : i32
      %and3A = arith.andi %ne3A, %ne3A_63 : i1
      %sub3A = arith.constant 1 : i32
      %sub3A_64 = arith.subi %div3A, %sub3A : i32
      %select_n3A = arith.select %and3A, %sub3A_64, %div3A : i32
      %jit3A_65 = arith.constant 2 : i32
      %eq3A = arith.constant 0 : i32
      %eq3A_66 = arith.cmpi eq, %jit3A_65, %eq3A : i32
      %jit3A_67 = arith.constant 1 : i32
      %select_n3A_68 = arith.select %eq3A_66, %jit3A_67, %jit3A_65 : i32
      %rem3A_69 = arith.remsi %mul3A_35, %select_n3A_68 : i32
      %ne3A_70 = arith.constant 0 : i32
      %ne3A_71 = arith.cmpi ne, %rem3A_69, %ne3A_70 : i32
      %lt3A_72 = arith.constant 0 : i32
      %lt3A_73 = arith.cmpi slt, %rem3A_69, %lt3A_72 : i32
      %lt3A_74 = arith.constant 0 : i32
      %lt3A_75 = arith.cmpi slt, %select_n3A_68, %lt3A_74 : i32
      %ne3A_76 = arith.xori %lt3A_73, %lt3A_75 : i1
      %and3A_77 = arith.andi %ne3A_76, %ne3A_71 : i1
      %add3A_78 = arith.addi %rem3A_69, %select_n3A_68 : i32
      %select_n3A_79 = arith.select %and3A_77, %add3A_78, %rem3A_69 : i32
      %mul3A_80 = arith.constant 256 : i32
      %mul3A_81 = arith.muli %select_n3A_79, %mul3A_80 : i32
      %add3A_82 = arith.addi %mul3A_2, %mul3A_81 : i32
      %multiple_of3A_83 = tpu.assume_multiple %add3A_82, 256 : i32
      %dma_start3A_84 = arith.constant 0 : i32
      %dma_start3A_85 = tpu.memref_slice %arg5[%select_n3A, %dma_start3A_84, %multiple_of3A_83] : memref<50x64x16384xf32, #tpu.memory_space<hbm>> -> memref<1x64x256xf32, #tpu.memory_space<hbm>>
      %dma_start3A_86 = tpu.memref_squeeze %dma_start3A_85 : memref<1x64x256xf32, #tpu.memory_space<hbm>> -> memref<64x256xf32, #tpu.memory_space<hbm>>
      %dma_start3A_87 = arith.constant 0 : i32
      %dma_start3A_88 = tpu.memref_slice %arg5[%select_n3A, %dma_start3A_87, %multiple_of3A_83] : memref<50x64x16384xf32, #tpu.memory_space<hbm>> -> memref<1x64x256xf32, #tpu.memory_space<hbm>>
      %dma_start3A_89 = tpu.memref_squeeze %dma_start3A_88 : memref<1x64x256xf32, #tpu.memory_space<hbm>> -> memref<64x256xf32, #tpu.memory_space<hbm>>
      tpu.enqueue_dma source(%arg12 : memref<64x256xf32, #tpu.memory_space<vmem>>) target(%dma_start3A_89 : memref<64x256xf32, #tpu.memory_space<hbm>>) target_semaphore(%arg16 : memref<!tpu.dma_semaphore, #tpu.memory_space<semaphore_mem>>)
      %mul3A_90 = arith.constant 2 : i32
      %mul3A_91 = arith.muli %mul3A_90, %scan3A_33 : i32
      %add3A_92 = arith.constant 1 : i32
      %add3A_93 = arith.addi %mul3A_91, %add3A_92 : i32
      %add3A_94 = arith.constant 1 : i32
      %add3A_95 = arith.addi %add3A_93, %add3A_94 : i32
      %lt3A_96 = arith.constant 100 : i32
      %lt3A_97 = arith.cmpi slt, %add3A_95, %lt3A_96 : i32
      %convert_element_type3A_98 = arith.extui %lt3A_97 : i1 to i32
      %cond3A_99 = arith.constant 0 : i32
      %cond3A_100 = arith.cmpi ne, %convert_element_type3A_98, %cond3A_99 : i32
      scf.if %cond3A_100 {
        %add3A_162 = arith.constant 1 : i32
        %add3A_163 = arith.addi %add3A_93, %add3A_162 : i32
        %jit3A_164 = arith.constant 2 : i32
        %div3A_165 = arith.divsi %add3A_163, %jit3A_164 : i32
        %sign3A_166 = arith.constant 0 : i32
        %sign3A_167 = arith.cmpi sgt, %add3A_163, %sign3A_166 : i32
        %sign3A_168 = arith.extui %sign3A_167 : i1 to i32
        %sign3A_169 = arith.constant 0 : i32
        %sign3A_170 = arith.cmpi slt, %add3A_163, %sign3A_169 : i32
        %sign3A_171 = arith.extui %sign3A_170 : i1 to i32
        %sign3A_172 = arith.subi %sign3A_168, %sign3A_171 : i32
        %sign3A_173 = arith.constant 0 : i32
        %sign3A_174 = arith.cmpi sgt, %jit3A_164, %sign3A_173 : i32
        %sign3A_175 = arith.extui %sign3A_174 : i1 to i32
        %sign3A_176 = arith.constant 0 : i32
        %sign3A_177 = arith.cmpi slt, %jit3A_164, %sign3A_176 : i32
        %sign3A_178 = arith.extui %sign3A_177 : i1 to i32
        %sign3A_179 = arith.subi %sign3A_175, %sign3A_178 : i32
        %ne3A_180 = arith.cmpi ne, %sign3A_172, %sign3A_179 : i32
        %rem3A_181 = arith.remsi %add3A_163, %jit3A_164 : i32
        %ne3A_182 = arith.constant 0 : i32
        %ne3A_183 = arith.cmpi ne, %rem3A_181, %ne3A_182 : i32
        %and3A_184 = arith.andi %ne3A_180, %ne3A_183 : i1
        %sub3A_185 = arith.constant 1 : i32
        %sub3A_186 = arith.subi %div3A_165, %sub3A_185 : i32
        %select_n3A_187 = arith.select %and3A_184, %sub3A_186, %div3A_165 : i32
        %jit3A_188 = arith.constant 2 : i32
        %eq3A_189 = arith.constant 0 : i32
        %eq3A_190 = arith.cmpi eq, %jit3A_188, %eq3A_189 : i32
        %jit3A_191 = arith.constant 1 : i32
        %select_n3A_192 = arith.select %eq3A_190, %jit3A_191, %jit3A_188 : i32
        %rem3A_193 = arith.remsi %add3A_163, %select_n3A_192 : i32
        %ne3A_194 = arith.constant 0 : i32
        %ne3A_195 = arith.cmpi ne, %rem3A_193, %ne3A_194 : i32
        %lt3A_196 = arith.constant 0 : i32
        %lt3A_197 = arith.cmpi slt, %rem3A_193, %lt3A_196 : i32
        %lt3A_198 = arith.constant 0 : i32
        %lt3A_199 = arith.cmpi slt, %select_n3A_192, %lt3A_198 : i32
        %ne3A_200 = arith.xori %lt3A_197, %lt3A_199 : i1
        %and3A_201 = arith.andi %ne3A_200, %ne3A_195 : i1
        %add3A_202 = arith.addi %rem3A_193, %select_n3A_192 : i32
        %select_n3A_203 = arith.select %and3A_201, %add3A_202, %rem3A_193 : i32
        %mul3A_204 = arith.constant 256 : i32
        %mul3A_205 = arith.muli %select_n3A_203, %mul3A_204 : i32
        %add3A_206 = arith.addi %mul3A_2, %mul3A_205 : i32
        %mul3A_207 = arith.constant 16384 : i32
        %mul3A_208 = arith.muli %select_n3A_187, %mul3A_207 : i32
        %add3A_209 = arith.addi %mul3A_208, %add3A_206 : i32
        %multiple_of3A_210 = tpu.assume_multiple %add3A_209, 256 : i32
        "tpu.region"() ({
          %run_scoped3A = tpu.sem_alloc : memref<!tpu.dma_semaphore, #tpu.memory_space<semaphore_mem>>
          %dma_start3A_214 = tpu.memref_slice %arg3[%multiple_of3A_210] : memref<819200xi32, #tpu.memory_space<hbm>> -> memref<256xi32, #tpu.memory_space<hbm>>
          %dma_start3A_215 = tpu.memref_slice %arg3[%multiple_of3A_210] : memref<819200xi32, #tpu.memory_space<hbm>> -> memref<256xi32, #tpu.memory_space<hbm>>
          tpu.enqueue_dma source(%dma_start3A_215 : memref<256xi32, #tpu.memory_space<hbm>>) target(%arg6 : memref<256xi32, #tpu.memory_space<vmem>>) target_semaphore(%run_scoped3A : memref<!tpu.dma_semaphore, #tpu.memory_space<semaphore_mem>>)
          %dma_wait3A_216 = tpu.memref_slice %arg3[%multiple_of3A_210] : memref<819200xi32, #tpu.memory_space<hbm>> -> memref<256xi32, #tpu.memory_space<hbm>>
          %dma_wait3A_217 = tpu.memref_slice %arg3[%multiple_of3A_210] : memref<819200xi32, #tpu.memory_space<hbm>> -> memref<256xi32, #tpu.memory_space<hbm>>
          tpu.wait_dma2 semaphore(%run_scoped3A : memref<!tpu.dma_semaphore, #tpu.memory_space<semaphore_mem>>) src(%dma_wait3A_217 : memref<256xi32, #tpu.memory_space<hbm>>) dst(%arg6 : memref<256xi32, #tpu.memory_space<vmem>>)
          tpu.yield
        }) : () -> ()
        "tpu.region"() ({
          %run_scoped3A = tpu.sem_alloc : memref<!tpu.dma_semaphore, #tpu.memory_space<semaphore_mem>>
          %dma_start3A_214 = tpu.memref_slice %arg4[%multiple_of3A_210] : memref<819200xi32, #tpu.memory_space<hbm>> -> memref<256xi32, #tpu.memory_space<hbm>>
          %dma_start3A_215 = tpu.memref_slice %arg4[%multiple_of3A_210] : memref<819200xi32, #tpu.memory_space<hbm>> -> memref<256xi32, #tpu.memory_space<hbm>>
          tpu.enqueue_dma source(%dma_start3A_215 : memref<256xi32, #tpu.memory_space<hbm>>) target(%arg8 : memref<256xi32, #tpu.memory_space<vmem>>) target_semaphore(%run_scoped3A : memref<!tpu.dma_semaphore, #tpu.memory_space<semaphore_mem>>)
          %dma_wait3A_216 = tpu.memref_slice %arg4[%multiple_of3A_210] : memref<819200xi32, #tpu.memory_space<hbm>> -> memref<256xi32, #tpu.memory_space<hbm>>
          %dma_wait3A_217 = tpu.memref_slice %arg4[%multiple_of3A_210] : memref<819200xi32, #tpu.memory_space<hbm>> -> memref<256xi32, #tpu.memory_space<hbm>>
          tpu.wait_dma2 semaphore(%run_scoped3A : memref<!tpu.dma_semaphore, #tpu.memory_space<semaphore_mem>>) src(%dma_wait3A_217 : memref<256xi32, #tpu.memory_space<hbm>>) dst(%arg8 : memref<256xi32, #tpu.memory_space<vmem>>)
          tpu.yield
        }) : () -> ()
        %dma_start3A_211 = arith.constant 0 : i32
        %dma_start3A_212 = arith.constant 0 : i32
        %dma_start3A_213 = tpu.memref_slice %arg2[%dma_start3A_211, %dma_start3A_212] : memref<500000x128xf32, #tpu.memory_space<hbm>> -> memref<500000x128xf32, #tpu.memory_space<hbm>>
        tpu.enqueue_indirect_dma source(%dma_start3A_213 : memref<500000x128xf32, #tpu.memory_space<hbm>>) target(%arg10 : memref<256x128xf32, #tpu.memory_space<vmem>>) offsets(%arg6 : memref<256xi32, #tpu.memory_space<vmem>>) semaphore(%arg14 : memref<!tpu.dma_semaphore, #tpu.memory_space<semaphore_mem>>)
      } else {
      }
      %dma_wait3A_101 = arith.constant 0 : i32
      %dma_wait3A_102 = arith.constant 0 : i32
      %dma_wait3A_103 = tpu.memref_slice %arg2[%dma_wait3A_101, %dma_wait3A_102] : memref<500000x128xf32, #tpu.memory_space<hbm>> -> memref<500000x128xf32, #tpu.memory_space<hbm>>
      tpu.wait_indirect_dma semaphore(%arg15 : memref<!tpu.dma_semaphore, #tpu.memory_space<semaphore_mem>>) src(%dma_wait3A_103 : memref<500000x128xf32, #tpu.memory_space<hbm>>) dst(%arg11 : memref<256x128xf32, #tpu.memory_space<vmem>>)
      %ge3A_104 = arith.constant 2 : i32
      %ge3A_105 = arith.cmpi sge, %add3A_93, %ge3A_104 : i32
      %convert_element_type3A_106 = arith.extui %ge3A_105 : i1 to i32
      %cond3A_107 = arith.constant 0 : i32
      %cond3A_108 = arith.cmpi ne, %convert_element_type3A_106, %cond3A_107 : i32
      scf.if %cond3A_108 {
        %sub3A_162 = arith.constant 2 : i32
        %sub3A_163 = arith.subi %add3A_93, %sub3A_162 : i32
        %jit3A_164 = arith.constant 2 : i32
        %div3A_165 = arith.divsi %sub3A_163, %jit3A_164 : i32
        %sign3A_166 = arith.constant 0 : i32
        %sign3A_167 = arith.cmpi sgt, %sub3A_163, %sign3A_166 : i32
        %sign3A_168 = arith.extui %sign3A_167 : i1 to i32
        %sign3A_169 = arith.constant 0 : i32
        %sign3A_170 = arith.cmpi slt, %sub3A_163, %sign3A_169 : i32
        %sign3A_171 = arith.extui %sign3A_170 : i1 to i32
        %sign3A_172 = arith.subi %sign3A_168, %sign3A_171 : i32
        %sign3A_173 = arith.constant 0 : i32
        %sign3A_174 = arith.cmpi sgt, %jit3A_164, %sign3A_173 : i32
        %sign3A_175 = arith.extui %sign3A_174 : i1 to i32
        %sign3A_176 = arith.constant 0 : i32
        %sign3A_177 = arith.cmpi slt, %jit3A_164, %sign3A_176 : i32
        %sign3A_178 = arith.extui %sign3A_177 : i1 to i32
        %sign3A_179 = arith.subi %sign3A_175, %sign3A_178 : i32
        %ne3A_180 = arith.cmpi ne, %sign3A_172, %sign3A_179 : i32
        %rem3A_181 = arith.remsi %sub3A_163, %jit3A_164 : i32
        %ne3A_182 = arith.constant 0 : i32
        %ne3A_183 = arith.cmpi ne, %rem3A_181, %ne3A_182 : i32
        %and3A_184 = arith.andi %ne3A_180, %ne3A_183 : i1
        %sub3A_185 = arith.constant 1 : i32
        %sub3A_186 = arith.subi %div3A_165, %sub3A_185 : i32
        %select_n3A_187 = arith.select %and3A_184, %sub3A_186, %div3A_165 : i32
        %jit3A_188 = arith.constant 2 : i32
        %eq3A_189 = arith.constant 0 : i32
        %eq3A_190 = arith.cmpi eq, %jit3A_188, %eq3A_189 : i32
        %jit3A_191 = arith.constant 1 : i32
        %select_n3A_192 = arith.select %eq3A_190, %jit3A_191, %jit3A_188 : i32
        %rem3A_193 = arith.remsi %sub3A_163, %select_n3A_192 : i32
        %ne3A_194 = arith.constant 0 : i32
        %ne3A_195 = arith.cmpi ne, %rem3A_193, %ne3A_194 : i32
        %lt3A_196 = arith.constant 0 : i32
        %lt3A_197 = arith.cmpi slt, %rem3A_193, %lt3A_196 : i32
        %lt3A_198 = arith.constant 0 : i32
        %lt3A_199 = arith.cmpi slt, %select_n3A_192, %lt3A_198 : i32
        %ne3A_200 = arith.xori %lt3A_197, %lt3A_199 : i1
        %and3A_201 = arith.andi %ne3A_200, %ne3A_195 : i1
        %add3A_202 = arith.addi %rem3A_193, %select_n3A_192 : i32
        %select_n3A_203 = arith.select %and3A_201, %add3A_202, %rem3A_193 : i32
        %mul3A_204 = arith.constant 256 : i32
        %mul3A_205 = arith.muli %select_n3A_203, %mul3A_204 : i32
        %add3A_206 = arith.addi %mul3A_2, %mul3A_205 : i32
        %multiple_of3A_207 = tpu.assume_multiple %add3A_206, 256 : i32
        %dma_wait3A_208 = arith.constant 0 : i32
        %dma_wait3A_209 = tpu.memref_slice %arg5[%select_n3A_187, %dma_wait3A_208, %multiple_of3A_207] : memref<50x64x16384xf32, #tpu.memory_space<hbm>> -> memref<1x64x256xf32, #tpu.memory_space<hbm>>
        %dma_wait3A_210 = tpu.memref_squeeze %dma_wait3A_209 : memref<1x64x256xf32, #tpu.memory_space<hbm>> -> memref<64x256xf32, #tpu.memory_space<hbm>>
        %dma_wait3A_211 = arith.constant 0 : i32
        %dma_wait3A_212 = tpu.memref_slice %arg5[%select_n3A_187, %dma_wait3A_211, %multiple_of3A_207] : memref<50x64x16384xf32, #tpu.memory_space<hbm>> -> memref<1x64x256xf32, #tpu.memory_space<hbm>>
        %dma_wait3A_213 = tpu.memref_squeeze %dma_wait3A_212 : memref<1x64x256xf32, #tpu.memory_space<hbm>> -> memref<64x256xf32, #tpu.memory_space<hbm>>
        tpu.wait_dma2 semaphore(%arg17 : memref<!tpu.dma_semaphore, #tpu.memory_space<semaphore_mem>>) src(%arg13 : memref<64x256xf32, #tpu.memory_space<vmem>>) dst(%dma_wait3A_213 : memref<64x256xf32, #tpu.memory_space<hbm>>)
      } else {
      }
      %parallel_loop3A_109 = arith.constant 0 : i32
      %parallel_loop3A_110 = arith.constant 16 : i32
      %parallel_loop3A_111 = arith.constant 1 : i32
      scf.for %parallel_loop3A_162 = %parallel_loop3A_109 to %parallel_loop3A_110 step %parallel_loop3A_111  : i32 {
        %parallel_loop3A_163 = arith.constant 16 : i32
        %parallel_loop3A_164 = arith.muli %parallel_loop3A_162, %parallel_loop3A_163 : i32
        %parallel_loop3A_165 = vector.broadcast %parallel_loop3A_164 : i32 to vector<16xi32>
        %parallel_loop3A_166 = arith.addi %parallel_loop3A_165, %iota3A : vector<16xi32>
        %parallel_loop3A_167 = arith.constant 16 : i32
        %parallel_loop3A_168 = arith.muli %parallel_loop3A_162, %parallel_loop3A_167 : i32
        %parallel_loop3A_169 = tpu.assume_multiple %parallel_loop3A_168, 16 : i32
        %parallel_loop3A_170 = arith.index_cast %parallel_loop3A_169 : i32 to index
        %parallel_loop3A_171 = tpu.vector_load %arg9[%parallel_loop3A_170] {strides = array<i32>} : memref<256xi32, #tpu.memory_space<vmem>>, vector<16xi32>,
        %parallel_loop3A_172 = arith.constant 0 : i32
        %parallel_loop3A_173 = vector.broadcast %parallel_loop3A_172 : i32 to vector<16xi32>
        %parallel_loop3A_174 = arith.addi %iota3A, %parallel_loop3A_173 : vector<16xi32>
        %parallel_loop3A_175 = arith.constant 15 : i32
        %parallel_loop3A_176 = vector.broadcast %parallel_loop3A_175 : i32 to vector<16xi32>
        %parallel_loop3A_177 = arith.andi %parallel_loop3A_174, %parallel_loop3A_176 : vector<16xi32>
        %parallel_loop3A_178 = arith.addi %parallel_loop3A_171, %parallel_loop3A_177 : vector<16xi32>
        %parallel_loop3A_179 = arith.constant 0 : i32
        %parallel_loop3A_180 = vector.broadcast %parallel_loop3A_179 : i32 to vector<16xi32>
        %parallel_loop3A_181 = arith.addi %parallel_loop3A_178, %parallel_loop3A_180 : vector<16xi32>
        %parallel_loop3A_182 = tpu.vector_load_idx %arg11[%parallel_loop3A_166, %parallel_loop3A_181] : memref<256x128xf32, #tpu.memory_space<vmem>>[vector<16xi32>, vector<16xi32>], vector<16xf32>,
        %parallel_loop3A_183 = arith.constant 16 : i32
        %parallel_loop3A_184 = vector.broadcast %parallel_loop3A_183 : i32 to vector<16xi32>
        %parallel_loop3A_185 = arith.addi %parallel_loop3A_178, %parallel_loop3A_184 : vector<16xi32>
        %parallel_loop3A_186 = tpu.vector_load_idx %arg11[%parallel_loop3A_166, %parallel_loop3A_185] : memref<256x128xf32, #tpu.memory_space<vmem>>[vector<16xi32>, vector<16xi32>], vector<16xf32>,
        %parallel_loop3A_187 = arith.constant 32 : i32
        %parallel_loop3A_188 = vector.broadcast %parallel_loop3A_187 : i32 to vector<16xi32>
        %parallel_loop3A_189 = arith.addi %parallel_loop3A_178, %parallel_loop3A_188 : vector<16xi32>
        %parallel_loop3A_190 = tpu.vector_load_idx %arg11[%parallel_loop3A_166, %parallel_loop3A_189] : memref<256x128xf32, #tpu.memory_space<vmem>>[vector<16xi32>, vector<16xi32>], vector<16xf32>,
        %parallel_loop3A_191 = arith.constant 48 : i32
        %parallel_loop3A_192 = vector.broadcast %parallel_loop3A_191 : i32 to vector<16xi32>
        %parallel_loop3A_193 = arith.addi %parallel_loop3A_178, %parallel_loop3A_192 : vector<16xi32>
        %parallel_loop3A_194 = tpu.vector_load_idx %arg11[%parallel_loop3A_166, %parallel_loop3A_193] : memref<256x128xf32, #tpu.memory_space<vmem>>[vector<16xi32>, vector<16xi32>], vector<16xf32>,
        %parallel_loop3A_195 = arith.constant 0 : i32
        %parallel_loop3A_196 = vector.broadcast %parallel_loop3A_195 : i32 to vector<16xi32>
        %parallel_loop3A_197 = arith.addi %parallel_loop3A_177, %parallel_loop3A_196 : vector<16xi32>
        tpu.vector_store_idx %arg13[%parallel_loop3A_197, %parallel_loop3A_166], %parallel_loop3A_182 : memref<64x256xf32, #tpu.memory_space<vmem>>[vector<16xi32>, vector<16xi32>], vector<16xf32>,
        %parallel_loop3A_198 = arith.constant 16 : i32
        %parallel_loop3A_199 = vector.broadcast %parallel_loop3A_198 : i32 to vector<16xi32>
        %parallel_loop3A_200 = arith.addi %parallel_loop3A_177, %parallel_loop3A_199 : vector<16xi32>
        tpu.vector_store_idx %arg13[%parallel_loop3A_200, %parallel_loop3A_166], %parallel_loop3A_186 : memref<64x256xf32, #tpu.memory_space<vmem>>[vector<16xi32>, vector<16xi32>], vector<16xf32>,
        %parallel_loop3A_201 = arith.constant 32 : i32
        %parallel_loop3A_202 = vector.broadcast %parallel_loop3A_201 : i32 to vector<16xi32>
        %parallel_loop3A_203 = arith.addi %parallel_loop3A_177, %parallel_loop3A_202 : vector<16xi32>
        tpu.vector_store_idx %arg13[%parallel_loop3A_203, %parallel_loop3A_166], %parallel_loop3A_190 : memref<64x256xf32, #tpu.memory_space<vmem>>[vector<16xi32>, vector<16xi32>], vector<16xf32>,
        %parallel_loop3A_204 = arith.constant 48 : i32
        %parallel_loop3A_205 = vector.broadcast %parallel_loop3A_204 : i32 to vector<16xi32>
        %parallel_loop3A_206 = arith.addi %parallel_loop3A_177, %parallel_loop3A_205 : vector<16xi32>
        tpu.vector_store_idx %arg13[%parallel_loop3A_206, %parallel_loop3A_166], %parallel_loop3A_194 : memref<64x256xf32, #tpu.memory_space<vmem>>[vector<16xi32>, vector<16xi32>], vector<16xf32>,
        %parallel_loop3A_207 = arith.constant 1 : i32
        %parallel_loop3A_208 = vector.broadcast %parallel_loop3A_207 : i32 to vector<16xi32>
        %parallel_loop3A_209 = arith.addi %iota3A, %parallel_loop3A_208 : vector<16xi32>
        %parallel_loop3A_210 = arith.constant 15 : i32
        %parallel_loop3A_211 = vector.broadcast %parallel_loop3A_210 : i32 to vector<16xi32>
        %parallel_loop3A_212 = arith.andi %parallel_loop3A_209, %parallel_loop3A_211 : vector<16xi32>
        %parallel_loop3A_213 = arith.addi %parallel_loop3A_171, %parallel_loop3A_212 : vector<16xi32>
        %parallel_loop3A_214 = arith.constant 0 : i32
        %parallel_loop3A_215 = vector.broadcast %parallel_loop3A_214 : i32 to vector<16xi32>
        %parallel_loop3A_216 = arith.addi %parallel_loop3A_213, %parallel_loop3A_215 : vector<16xi32>
        %parallel_loop3A_217 = tpu.vector_load_idx %arg11[%parallel_loop3A_166, %parallel_loop3A_216] : memref<256x128xf32, #tpu.memory_space<vmem>>[vector<16xi32>, vector<16xi32>], vector<16xf32>,
        %parallel_loop3A_218 = arith.constant 16 : i32
        %parallel_loop3A_219 = vector.broadcast %parallel_loop3A_218 : i32 to vector<16xi32>
        %parallel_loop3A_220 = arith.addi %parallel_loop3A_213, %parallel_loop3A_219 : vector<16xi32>
        %parallel_loop3A_221 = tpu.vector_load_idx %arg11[%parallel_loop3A_166, %parallel_loop3A_220] : memref<256x128xf32, #tpu.memory_space<vmem>>[vector<16xi32>, vector<16xi32>], vector<16xf32>,
        %parallel_loop3A_222 = arith.constant 32 : i32
        %parallel_loop3A_223 = vector.broadcast %parallel_loop3A_222 : i32 to vector<16xi32>
        %parallel_loop3A_224 = arith.addi %parallel_loop3A_213, %parallel_loop3A_223 : vector<16xi32>
        %parallel_loop3A_225 = tpu.vector_load_idx %arg11[%parallel_loop3A_166, %parallel_loop3A_224] : memref<256x128xf32, #tpu.memory_space<vmem>>[vector<16xi32>, vector<16xi32>], vector<16xf32>,
        %parallel_loop3A_226 = arith.constant 48 : i32
        %parallel_loop3A_227 = vector.broadcast %parallel_loop3A_226 : i32 to vector<16xi32>
        %parallel_loop3A_228 = arith.addi %parallel_loop3A_213, %parallel_loop3A_227 : vector<16xi32>
        %parallel_loop3A_229 = tpu.vector_load_idx %arg11[%parallel_loop3A_166, %parallel_loop3A_228] : memref<256x128xf32, #tpu.memory_space<vmem>>[vector<16xi32>, vector<16xi32>], vector<16xf32>,
        %parallel_loop3A_230 = arith.constant 0 : i32
        %parallel_loop3A_231 = vector.broadcast %parallel_loop3A_230 : i32 to vector<16xi32>
        %parallel_loop3A_232 = arith.addi %parallel_loop3A_212, %parallel_loop3A_231 : vector<16xi32>
        tpu.vector_store_idx %arg13[%parallel_loop3A_232, %parallel_loop3A_166], %parallel_loop3A_217 : memref<64x256xf32, #tpu.memory_space<vmem>>[vector<16xi32>, vector<16xi32>], vector<16xf32>,
        %parallel_loop3A_233 = arith.constant 16 : i32
        %parallel_loop3A_234 = vector.broadcast %parallel_loop3A_233 : i32 to vector<16xi32>
        %parallel_loop3A_235 = arith.addi %parallel_loop3A_212, %parallel_loop3A_234 : vector<16xi32>
        tpu.vector_store_idx %arg13[%parallel_loop3A_235, %parallel_loop3A_166], %parallel_loop3A_221 : memref<64x256xf32, #tpu.memory_space<vmem>>[vector<16xi32>, vector<16xi32>], vector<16xf32>,
        %parallel_loop3A_236 = arith.constant 32 : i32
        %parallel_loop3A_237 = vector.broadcast %parallel_loop3A_236 : i32 to vector<16xi32>
        %parallel_loop3A_238 = arith.addi %parallel_loop3A_212, %parallel_loop3A_237 : vector<16xi32>
        tpu.vector_store_idx %arg13[%parallel_loop3A_238, %parallel_loop3A_166], %parallel_loop3A_225 : memref<64x256xf32, #tpu.memory_space<vmem>>[vector<16xi32>, vector<16xi32>], vector<16xf32>,
        %parallel_loop3A_239 = arith.constant 48 : i32
        %parallel_loop3A_240 = vector.broadcast %parallel_loop3A_239 : i32 to vector<16xi32>
        %parallel_loop3A_241 = arith.addi %parallel_loop3A_212, %parallel_loop3A_240 : vector<16xi32>
        tpu.vector_store_idx %arg13[%parallel_loop3A_241, %parallel_loop3A_166], %parallel_loop3A_229 : memref<64x256xf32, #tpu.memory_space<vmem>>[vector<16xi32>, vector<16xi32>], vector<16xf32>,
        %parallel_loop3A_242 = arith.constant 2 : i32
        %parallel_loop3A_243 = vector.broadcast %parallel_loop3A_242 : i32 to vector<16xi32>
        %parallel_loop3A_244 = arith.addi %iota3A, %parallel_loop3A_243 : vector<16xi32>
        %parallel_loop3A_245 = arith.constant 15 : i32
        %parallel_loop3A_246 = vector.broadcast %parallel_loop3A_245 : i32 to vector<16xi32>
        %parallel_loop3A_247 = arith.andi %parallel_loop3A_244, %parallel_loop3A_246 : vector<16xi32>
        %parallel_loop3A_248 = arith.addi %parallel_loop3A_171, %parallel_loop3A_247 : vector<16xi32>
        %parallel_loop3A_249 = arith.constant 0 : i32
        %parallel_loop3A_250 = vector.broadcast %parallel_loop3A_249 : i32 to vector<16xi32>
        %parallel_loop3A_251 = arith.addi %parallel_loop3A_248, %parallel_loop3A_250 : vector<16xi32>
        %parallel_loop3A_252 = tpu.vector_load_idx %arg11[%parallel_loop3A_166, %parallel_loop3A_251] : memref<256x128xf32, #tpu.memory_space<vmem>>[vector<16xi32>, vector<16xi32>], vector<16xf32>,
        %parallel_loop3A_253 = arith.constant 16 : i32
        %parallel_loop3A_254 = vector.broadcast %parallel_loop3A_253 : i32 to vector<16xi32>
        %parallel_loop3A_255 = arith.addi %parallel_loop3A_248, %parallel_loop3A_254 : vector<16xi32>
        %parallel_loop3A_256 = tpu.vector_load_idx %arg11[%parallel_loop3A_166, %parallel_loop3A_255] : memref<256x128xf32, #tpu.memory_space<vmem>>[vector<16xi32>, vector<16xi32>], vector<16xf32>,
        %parallel_loop3A_257 = arith.constant 32 : i32
        %parallel_loop3A_258 = vector.broadcast %parallel_loop3A_257 : i32 to vector<16xi32>
        %parallel_loop3A_259 = arith.addi %parallel_loop3A_248, %parallel_loop3A_258 : vector<16xi32>
        %parallel_loop3A_260 = tpu.vector_load_idx %arg11[%parallel_loop3A_166, %parallel_loop3A_259] : memref<256x128xf32, #tpu.memory_space<vmem>>[vector<16xi32>, vector<16xi32>], vector<16xf32>,
        %parallel_loop3A_261 = arith.constant 48 : i32
        %parallel_loop3A_262 = vector.broadcast %parallel_loop3A_261 : i32 to vector<16xi32>
        %parallel_loop3A_263 = arith.addi %parallel_loop3A_248, %parallel_loop3A_262 : vector<16xi32>
        %parallel_loop3A_264 = tpu.vector_load_idx %arg11[%parallel_loop3A_166, %parallel_loop3A_263] : memref<256x128xf32, #tpu.memory_space<vmem>>[vector<16xi32>, vector<16xi32>], vector<16xf32>,
        %parallel_loop3A_265 = arith.constant 0 : i32
        %parallel_loop3A_266 = vector.broadcast %parallel_loop3A_265 : i32 to vector<16xi32>
        %parallel_loop3A_267 = arith.addi %parallel_loop3A_247, %parallel_loop3A_266 : vector<16xi32>
        tpu.vector_store_idx %arg13[%parallel_loop3A_267, %parallel_loop3A_166], %parallel_loop3A_252 : memref<64x256xf32, #tpu.memory_space<vmem>>[vector<16xi32>, vector<16xi32>], vector<16xf32>,
        %parallel_loop3A_268 = arith.constant 16 : i32
        %parallel_loop3A_269 = vector.broadcast %parallel_loop3A_268 : i32 to vector<16xi32>
        %parallel_loop3A_270 = arith.addi %parallel_loop3A_247, %parallel_loop3A_269 : vector<16xi32>
        tpu.vector_store_idx %arg13[%parallel_loop3A_270, %parallel_loop3A_166], %parallel_loop3A_256 : memref<64x256xf32, #tpu.memory_space<vmem>>[vector<16xi32>, vector<16xi32>], vector<16xf32>,
        %parallel_loop3A_271 = arith.constant 32 : i32
        %parallel_loop3A_272 = vector.broadcast %parallel_loop3A_271 : i32 to vector<16xi32>
        %parallel_loop3A_273 = arith.addi %parallel_loop3A_247, %parallel_loop3A_272 : vector<16xi32>
        tpu.vector_store_idx %arg13[%parallel_loop3A_273, %parallel_loop3A_166], %parallel_loop3A_260 : memref<64x256xf32, #tpu.memory_space<vmem>>[vector<16xi32>, vector<16xi32>], vector<16xf32>,
        %parallel_loop3A_274 = arith.constant 48 : i32
        %parallel_loop3A_275 = vector.broadcast %parallel_loop3A_274 : i32 to vector<16xi32>
        %parallel_loop3A_276 = arith.addi %parallel_loop3A_247, %parallel_loop3A_275 : vector<16xi32>
        tpu.vector_store_idx %arg13[%parallel_loop3A_276, %parallel_loop3A_166], %parallel_loop3A_264 : memref<64x256xf32, #tpu.memory_space<vmem>>[vector<16xi32>, vector<16xi32>], vector<16xf32>,
        %parallel_loop3A_277 = arith.constant 3 : i32
        %parallel_loop3A_278 = vector.broadcast %parallel_loop3A_277 : i32 to vector<16xi32>
        %parallel_loop3A_279 = arith.addi %iota3A, %parallel_loop3A_278 : vector<16xi32>
        %parallel_loop3A_280 = arith.constant 15 : i32
        %parallel_loop3A_281 = vector.broadcast %parallel_loop3A_280 : i32 to vector<16xi32>
        %parallel_loop3A_282 = arith.andi %parallel_loop3A_279, %parallel_loop3A_281 : vector<16xi32>
        %parallel_loop3A_283 = arith.addi %parallel_loop3A_171, %parallel_loop3A_282 : vector<16xi32>
        %parallel_loop3A_284 = arith.constant 0 : i32
        %parallel_loop3A_285 = vector.broadcast %parallel_loop3A_284 : i32 to vector<16xi32>
        %parallel_loop3A_286 = arith.addi %parallel_loop3A_283, %parallel_loop3A_285 : vector<16xi32>
        %parallel_loop3A_287 = tpu.vector_load_idx %arg11[%parallel_loop3A_166, %parallel_loop3A_286] : memref<256x128xf32, #tpu.memory_space<vmem>>[vector<16xi32>, vector<16xi32>], vector<16xf32>,
        %parallel_loop3A_288 = arith.constant 16 : i32
        %parallel_loop3A_289 = vector.broadcast %parallel_loop3A_288 : i32 to vector<16xi32>
        %parallel_loop3A_290 = arith.addi %parallel_loop3A_283, %parallel_loop3A_289 : vector<16xi32>
        %parallel_loop3A_291 = tpu.vector_load_idx %arg11[%parallel_loop3A_166, %parallel_loop3A_290] : memref<256x128xf32, #tpu.memory_space<vmem>>[vector<16xi32>, vector<16xi32>], vector<16xf32>,
        %parallel_loop3A_292 = arith.constant 32 : i32
        %parallel_loop3A_293 = vector.broadcast %parallel_loop3A_292 : i32 to vector<16xi32>
        %parallel_loop3A_294 = arith.addi %parallel_loop3A_283, %parallel_loop3A_293 : vector<16xi32>
        %parallel_loop3A_295 = tpu.vector_load_idx %arg11[%parallel_loop3A_166, %parallel_loop3A_294] : memref<256x128xf32, #tpu.memory_space<vmem>>[vector<16xi32>, vector<16xi32>], vector<16xf32>,
        %parallel_loop3A_296 = arith.constant 48 : i32
        %parallel_loop3A_297 = vector.broadcast %parallel_loop3A_296 : i32 to vector<16xi32>
        %parallel_loop3A_298 = arith.addi %parallel_loop3A_283, %parallel_loop3A_297 : vector<16xi32>
        %parallel_loop3A_299 = tpu.vector_load_idx %arg11[%parallel_loop3A_166, %parallel_loop3A_298] : memref<256x128xf32, #tpu.memory_space<vmem>>[vector<16xi32>, vector<16xi32>], vector<16xf32>,
        %parallel_loop3A_300 = arith.constant 0 : i32
        %parallel_loop3A_301 = vector.broadcast %parallel_loop3A_300 : i32 to vector<16xi32>
        %parallel_loop3A_302 = arith.addi %parallel_loop3A_282, %parallel_loop3A_301 : vector<16xi32>
        tpu.vector_store_idx %arg13[%parallel_loop3A_302, %parallel_loop3A_166], %parallel_loop3A_287 : memref<64x256xf32, #tpu.memory_space<vmem>>[vector<16xi32>, vector<16xi32>], vector<16xf32>,
        %parallel_loop3A_303 = arith.constant 16 : i32
        %parallel_loop3A_304 = vector.broadcast %parallel_loop3A_303 : i32 to vector<16xi32>
        %parallel_loop3A_305 = arith.addi %parallel_loop3A_282, %parallel_loop3A_304 : vector<16xi32>
        tpu.vector_store_idx %arg13[%parallel_loop3A_305, %parallel_loop3A_166], %parallel_loop3A_291 : memref<64x256xf32, #tpu.memory_space<vmem>>[vector<16xi32>, vector<16xi32>], vector<16xf32>,
        %parallel_loop3A_306 = arith.constant 32 : i32
        %parallel_loop3A_307 = vector.broadcast %parallel_loop3A_306 : i32 to vector<16xi32>
        %parallel_loop3A_308 = arith.addi %parallel_loop3A_282, %parallel_loop3A_307 : vector<16xi32>
        tpu.vector_store_idx %arg13[%parallel_loop3A_308, %parallel_loop3A_166], %parallel_loop3A_295 : memref<64x256xf32, #tpu.memory_space<vmem>>[vector<16xi32>, vector<16xi32>], vector<16xf32>,
        %parallel_loop3A_309 = arith.constant 48 : i32
        %parallel_loop3A_310 = vector.broadcast %parallel_loop3A_309 : i32 to vector<16xi32>
        %parallel_loop3A_311 = arith.addi %parallel_loop3A_282, %parallel_loop3A_310 : vector<16xi32>
        tpu.vector_store_idx %arg13[%parallel_loop3A_311, %parallel_loop3A_166], %parallel_loop3A_299 : memref<64x256xf32, #tpu.memory_space<vmem>>[vector<16xi32>, vector<16xi32>], vector<16xf32>,
        %parallel_loop3A_312 = arith.constant 4 : i32
        %parallel_loop3A_313 = vector.broadcast %parallel_loop3A_312 : i32 to vector<16xi32>
        %parallel_loop3A_314 = arith.addi %iota3A, %parallel_loop3A_313 : vector<16xi32>
        %parallel_loop3A_315 = arith.constant 15 : i32
        %parallel_loop3A_316 = vector.broadcast %parallel_loop3A_315 : i32 to vector<16xi32>
        %parallel_loop3A_317 = arith.andi %parallel_loop3A_314, %parallel_loop3A_316 : vector<16xi32>
        %parallel_loop3A_318 = arith.addi %parallel_loop3A_171, %parallel_loop3A_317 : vector<16xi32>
        %parallel_loop3A_319 = arith.constant 0 : i32
        %parallel_loop3A_320 = vector.broadcast %parallel_loop3A_319 : i32 to vector<16xi32>
        %parallel_loop3A_321 = arith.addi %parallel_loop3A_318, %parallel_loop3A_320 : vector<16xi32>
        %parallel_loop3A_322 = tpu.vector_load_idx %arg11[%parallel_loop3A_166, %parallel_loop3A_321] : memref<256x128xf32, #tpu.memory_space<vmem>>[vector<16xi32>, vector<16xi32>], vector<16xf32>,
        %parallel_loop3A_323 = arith.constant 16 : i32
        %parallel_loop3A_324 = vector.broadcast %parallel_loop3A_323 : i32 to vector<16xi32>
        %parallel_loop3A_325 = arith.addi %parallel_loop3A_318, %parallel_loop3A_324 : vector<16xi32>
        %parallel_loop3A_326 = tpu.vector_load_idx %arg11[%parallel_loop3A_166, %parallel_loop3A_325] : memref<256x128xf32, #tpu.memory_space<vmem>>[vector<16xi32>, vector<16xi32>], vector<16xf32>,
        %parallel_loop3A_327 = arith.constant 32 : i32
        %parallel_loop3A_328 = vector.broadcast %parallel_loop3A_327 : i32 to vector<16xi32>
        %parallel_loop3A_329 = arith.addi %parallel_loop3A_318, %parallel_loop3A_328 : vector<16xi32>
        %parallel_loop3A_330 = tpu.vector_load_idx %arg11[%parallel_loop3A_166, %parallel_loop3A_329] : memref<256x128xf32, #tpu.memory_space<vmem>>[vector<16xi32>, vector<16xi32>], vector<16xf32>,
        %parallel_loop3A_331 = arith.constant 48 : i32
        %parallel_loop3A_332 = vector.broadcast %parallel_loop3A_331 : i32 to vector<16xi32>
        %parallel_loop3A_333 = arith.addi %parallel_loop3A_318, %parallel_loop3A_332 : vector<16xi32>
        %parallel_loop3A_334 = tpu.vector_load_idx %arg11[%parallel_loop3A_166, %parallel_loop3A_333] : memref<256x128xf32, #tpu.memory_space<vmem>>[vector<16xi32>, vector<16xi32>], vector<16xf32>,
        %parallel_loop3A_335 = arith.constant 0 : i32
        %parallel_loop3A_336 = vector.broadcast %parallel_loop3A_335 : i32 to vector<16xi32>
        %parallel_loop3A_337 = arith.addi %parallel_loop3A_317, %parallel_loop3A_336 : vector<16xi32>
        tpu.vector_store_idx %arg13[%parallel_loop3A_337, %parallel_loop3A_166], %parallel_loop3A_322 : memref<64x256xf32, #tpu.memory_space<vmem>>[vector<16xi32>, vector<16xi32>], vector<16xf32>,
        %parallel_loop3A_338 = arith.constant 16 : i32
        %parallel_loop3A_339 = vector.broadcast %parallel_loop3A_338 : i32 to vector<16xi32>
        %parallel_loop3A_340 = arith.addi %parallel_loop3A_317, %parallel_loop3A_339 : vector<16xi32>
        tpu.vector_store_idx %arg13[%parallel_loop3A_340, %parallel_loop3A_166], %parallel_loop3A_326 : memref<64x256xf32, #tpu.memory_space<vmem>>[vector<16xi32>, vector<16xi32>], vector<16xf32>,
        %parallel_loop3A_341 = arith.constant 32 : i32
        %parallel_loop3A_342 = vector.broadcast %parallel_loop3A_341 : i32 to vector<16xi32>
        %parallel_loop3A_343 = arith.addi %parallel_loop3A_317, %parallel_loop3A_342 : vector<16xi32>
        tpu.vector_store_idx %arg13[%parallel_loop3A_343, %parallel_loop3A_166], %parallel_loop3A_330 : memref<64x256xf32, #tpu.memory_space<vmem>>[vector<16xi32>, vector<16xi32>], vector<16xf32>,
        %parallel_loop3A_344 = arith.constant 48 : i32
        %parallel_loop3A_345 = vector.broadcast %parallel_loop3A_344 : i32 to vector<16xi32>
        %parallel_loop3A_346 = arith.addi %parallel_loop3A_317, %parallel_loop3A_345 : vector<16xi32>
        tpu.vector_store_idx %arg13[%parallel_loop3A_346, %parallel_loop3A_166], %parallel_loop3A_334 : memref<64x256xf32, #tpu.memory_space<vmem>>[vector<16xi32>, vector<16xi32>], vector<16xf32>,
        %parallel_loop3A_347 = arith.constant 5 : i32
        %parallel_loop3A_348 = vector.broadcast %parallel_loop3A_347 : i32 to vector<16xi32>
        %parallel_loop3A_349 = arith.addi %iota3A, %parallel_loop3A_348 : vector<16xi32>
        %parallel_loop3A_350 = arith.constant 15 : i32
        %parallel_loop3A_351 = vector.broadcast %parallel_loop3A_350 : i32 to vector<16xi32>
        %parallel_loop3A_352 = arith.andi %parallel_loop3A_349, %parallel_loop3A_351 : vector<16xi32>
        %parallel_loop3A_353 = arith.addi %parallel_loop3A_171, %parallel_loop3A_352 : vector<16xi32>
        %parallel_loop3A_354 = arith.constant 0 : i32
        %parallel_loop3A_355 = vector.broadcast %parallel_loop3A_354 : i32 to vector<16xi32>
        %parallel_loop3A_356 = arith.addi %parallel_loop3A_353, %parallel_loop3A_355 : vector<16xi32>
        %parallel_loop3A_357 = tpu.vector_load_idx %arg11[%parallel_loop3A_166, %parallel_loop3A_356] : memref<256x128xf32, #tpu.memory_space<vmem>>[vector<16xi32>, vector<16xi32>], vector<16xf32>,
        %parallel_loop3A_358 = arith.constant 16 : i32
        %parallel_loop3A_359 = vector.broadcast %parallel_loop3A_358 : i32 to vector<16xi32>
        %parallel_loop3A_360 = arith.addi %parallel_loop3A_353, %parallel_loop3A_359 : vector<16xi32>
        %parallel_loop3A_361 = tpu.vector_load_idx %arg11[%parallel_loop3A_166, %parallel_loop3A_360] : memref<256x128xf32, #tpu.memory_space<vmem>>[vector<16xi32>, vector<16xi32>], vector<16xf32>,
        %parallel_loop3A_362 = arith.constant 32 : i32
        %parallel_loop3A_363 = vector.broadcast %parallel_loop3A_362 : i32 to vector<16xi32>
        %parallel_loop3A_364 = arith.addi %parallel_loop3A_353, %parallel_loop3A_363 : vector<16xi32>
        %parallel_loop3A_365 = tpu.vector_load_idx %arg11[%parallel_loop3A_166, %parallel_loop3A_364] : memref<256x128xf32, #tpu.memory_space<vmem>>[vector<16xi32>, vector<16xi32>], vector<16xf32>,
        %parallel_loop3A_366 = arith.constant 48 : i32
        %parallel_loop3A_367 = vector.broadcast %parallel_loop3A_366 : i32 to vector<16xi32>
        %parallel_loop3A_368 = arith.addi %parallel_loop3A_353, %parallel_loop3A_367 : vector<16xi32>
        %parallel_loop3A_369 = tpu.vector_load_idx %arg11[%parallel_loop3A_166, %parallel_loop3A_368] : memref<256x128xf32, #tpu.memory_space<vmem>>[vector<16xi32>, vector<16xi32>], vector<16xf32>,
        %parallel_loop3A_370 = arith.constant 0 : i32
        %parallel_loop3A_371 = vector.broadcast %parallel_loop3A_370 : i32 to vector<16xi32>
        %parallel_loop3A_372 = arith.addi %parallel_loop3A_352, %parallel_loop3A_371 : vector<16xi32>
        tpu.vector_store_idx %arg13[%parallel_loop3A_372, %parallel_loop3A_166], %parallel_loop3A_357 : memref<64x256xf32, #tpu.memory_space<vmem>>[vector<16xi32>, vector<16xi32>], vector<16xf32>,
        %parallel_loop3A_373 = arith.constant 16 : i32
        %parallel_loop3A_374 = vector.broadcast %parallel_loop3A_373 : i32 to vector<16xi32>
        %parallel_loop3A_375 = arith.addi %parallel_loop3A_352, %parallel_loop3A_374 : vector<16xi32>
        tpu.vector_store_idx %arg13[%parallel_loop3A_375, %parallel_loop3A_166], %parallel_loop3A_361 : memref<64x256xf32, #tpu.memory_space<vmem>>[vector<16xi32>, vector<16xi32>], vector<16xf32>,
        %parallel_loop3A_376 = arith.constant 32 : i32
        %parallel_loop3A_377 = vector.broadcast %parallel_loop3A_376 : i32 to vector<16xi32>
        %parallel_loop3A_378 = arith.addi %parallel_loop3A_352, %parallel_loop3A_377 : vector<16xi32>
        tpu.vector_store_idx %arg13[%parallel_loop3A_378, %parallel_loop3A_166], %parallel_loop3A_365 : memref<64x256xf32, #tpu.memory_space<vmem>>[vector<16xi32>, vector<16xi32>], vector<16xf32>,
        %parallel_loop3A_379 = arith.constant 48 : i32
        %parallel_loop3A_380 = vector.broadcast %parallel_loop3A_379 : i32 to vector<16xi32>
        %parallel_loop3A_381 = arith.addi %parallel_loop3A_352, %parallel_loop3A_380 : vector<16xi32>
        tpu.vector_store_idx %arg13[%parallel_loop3A_381, %parallel_loop3A_166], %parallel_loop3A_369 : memref<64x256xf32, #tpu.memory_space<vmem>>[vector<16xi32>, vector<16xi32>], vector<16xf32>,
        %parallel_loop3A_382 = arith.constant 6 : i32
        %parallel_loop3A_383 = vector.broadcast %parallel_loop3A_382 : i32 to vector<16xi32>
        %parallel_loop3A_384 = arith.addi %iota3A, %parallel_loop3A_383 : vector<16xi32>
        %parallel_loop3A_385 = arith.constant 15 : i32
        %parallel_loop3A_386 = vector.broadcast %parallel_loop3A_385 : i32 to vector<16xi32>
        %parallel_loop3A_387 = arith.andi %parallel_loop3A_384, %parallel_loop3A_386 : vector<16xi32>
        %parallel_loop3A_388 = arith.addi %parallel_loop3A_171, %parallel_loop3A_387 : vector<16xi32>
        %parallel_loop3A_389 = arith.constant 0 : i32
        %parallel_loop3A_390 = vector.broadcast %parallel_loop3A_389 : i32 to vector<16xi32>
        %parallel_loop3A_391 = arith.addi %parallel_loop3A_388, %parallel_loop3A_390 : vector<16xi32>
        %parallel_loop3A_392 = tpu.vector_load_idx %arg11[%parallel_loop3A_166, %parallel_loop3A_391] : memref<256x128xf32, #tpu.memory_space<vmem>>[vector<16xi32>, vector<16xi32>], vector<16xf32>,
        %parallel_loop3A_393 = arith.constant 16 : i32
        %parallel_loop3A_394 = vector.broadcast %parallel_loop3A_393 : i32 to vector<16xi32>
        %parallel_loop3A_395 = arith.addi %parallel_loop3A_388, %parallel_loop3A_394 : vector<16xi32>
        %parallel_loop3A_396 = tpu.vector_load_idx %arg11[%parallel_loop3A_166, %parallel_loop3A_395] : memref<256x128xf32, #tpu.memory_space<vmem>>[vector<16xi32>, vector<16xi32>], vector<16xf32>,
        %parallel_loop3A_397 = arith.constant 32 : i32
        %parallel_loop3A_398 = vector.broadcast %parallel_loop3A_397 : i32 to vector<16xi32>
        %parallel_loop3A_399 = arith.addi %parallel_loop3A_388, %parallel_loop3A_398 : vector<16xi32>
        %parallel_loop3A_400 = tpu.vector_load_idx %arg11[%parallel_loop3A_166, %parallel_loop3A_399] : memref<256x128xf32, #tpu.memory_space<vmem>>[vector<16xi32>, vector<16xi32>], vector<16xf32>,
        %parallel_loop3A_401 = arith.constant 48 : i32
        %parallel_loop3A_402 = vector.broadcast %parallel_loop3A_401 : i32 to vector<16xi32>
        %parallel_loop3A_403 = arith.addi %parallel_loop3A_388, %parallel_loop3A_402 : vector<16xi32>
        %parallel_loop3A_404 = tpu.vector_load_idx %arg11[%parallel_loop3A_166, %parallel_loop3A_403] : memref<256x128xf32, #tpu.memory_space<vmem>>[vector<16xi32>, vector<16xi32>], vector<16xf32>,
        %parallel_loop3A_405 = arith.constant 0 : i32
        %parallel_loop3A_406 = vector.broadcast %parallel_loop3A_405 : i32 to vector<16xi32>
        %parallel_loop3A_407 = arith.addi %parallel_loop3A_387, %parallel_loop3A_406 : vector<16xi32>
        tpu.vector_store_idx %arg13[%parallel_loop3A_407, %parallel_loop3A_166], %parallel_loop3A_392 : memref<64x256xf32, #tpu.memory_space<vmem>>[vector<16xi32>, vector<16xi32>], vector<16xf32>,
        %parallel_loop3A_408 = arith.constant 16 : i32
        %parallel_loop3A_409 = vector.broadcast %parallel_loop3A_408 : i32 to vector<16xi32>
        %parallel_loop3A_410 = arith.addi %parallel_loop3A_387, %parallel_loop3A_409 : vector<16xi32>
        tpu.vector_store_idx %arg13[%parallel_loop3A_410, %parallel_loop3A_166], %parallel_loop3A_396 : memref<64x256xf32, #tpu.memory_space<vmem>>[vector<16xi32>, vector<16xi32>], vector<16xf32>,
        %parallel_loop3A_411 = arith.constant 32 : i32
        %parallel_loop3A_412 = vector.broadcast %parallel_loop3A_411 : i32 to vector<16xi32>
        %parallel_loop3A_413 = arith.addi %parallel_loop3A_387, %parallel_loop3A_412 : vector<16xi32>
        tpu.vector_store_idx %arg13[%parallel_loop3A_413, %parallel_loop3A_166], %parallel_loop3A_400 : memref<64x256xf32, #tpu.memory_space<vmem>>[vector<16xi32>, vector<16xi32>], vector<16xf32>,
        %parallel_loop3A_414 = arith.constant 48 : i32
        %parallel_loop3A_415 = vector.broadcast %parallel_loop3A_414 : i32 to vector<16xi32>
        %parallel_loop3A_416 = arith.addi %parallel_loop3A_387, %parallel_loop3A_415 : vector<16xi32>
        tpu.vector_store_idx %arg13[%parallel_loop3A_416, %parallel_loop3A_166], %parallel_loop3A_404 : memref<64x256xf32, #tpu.memory_space<vmem>>[vector<16xi32>, vector<16xi32>], vector<16xf32>,
        %parallel_loop3A_417 = arith.constant 7 : i32
        %parallel_loop3A_418 = vector.broadcast %parallel_loop3A_417 : i32 to vector<16xi32>
        %parallel_loop3A_419 = arith.addi %iota3A, %parallel_loop3A_418 : vector<16xi32>
        %parallel_loop3A_420 = arith.constant 15 : i32
        %parallel_loop3A_421 = vector.broadcast %parallel_loop3A_420 : i32 to vector<16xi32>
        %parallel_loop3A_422 = arith.andi %parallel_loop3A_419, %parallel_loop3A_421 : vector<16xi32>
        %parallel_loop3A_423 = arith.addi %parallel_loop3A_171, %parallel_loop3A_422 : vector<16xi32>
        %parallel_loop3A_424 = arith.constant 0 : i32
        %parallel_loop3A_425 = vector.broadcast %parallel_loop3A_424 : i32 to vector<16xi32>
        %parallel_loop3A_426 = arith.addi %parallel_loop3A_423, %parallel_loop3A_425 : vector<16xi32>
        %parallel_loop3A_427 = tpu.vector_load_idx %arg11[%parallel_loop3A_166, %parallel_loop3A_426] : memref<256x128xf32, #tpu.memory_space<vmem>>[vector<16xi32>, vector<16xi32>], vector<16xf32>,
        %parallel_loop3A_428 = arith.constant 16 : i32
        %parallel_loop3A_429 = vector.broadcast %parallel_loop3A_428 : i32 to vector<16xi32>
        %parallel_loop3A_430 = arith.addi %parallel_loop3A_423, %parallel_loop3A_429 : vector<16xi32>
        %parallel_loop3A_431 = tpu.vector_load_idx %arg11[%parallel_loop3A_166, %parallel_loop3A_430] : memref<256x128xf32, #tpu.memory_space<vmem>>[vector<16xi32>, vector<16xi32>], vector<16xf32>,
        %parallel_loop3A_432 = arith.constant 32 : i32
        %parallel_loop3A_433 = vector.broadcast %parallel_loop3A_432 : i32 to vector<16xi32>
        %parallel_loop3A_434 = arith.addi %parallel_loop3A_423, %parallel_loop3A_433 : vector<16xi32>
        %parallel_loop3A_435 = tpu.vector_load_idx %arg11[%parallel_loop3A_166, %parallel_loop3A_434] : memref<256x128xf32, #tpu.memory_space<vmem>>[vector<16xi32>, vector<16xi32>], vector<16xf32>,
        %parallel_loop3A_436 = arith.constant 48 : i32
        %parallel_loop3A_437 = vector.broadcast %parallel_loop3A_436 : i32 to vector<16xi32>
        %parallel_loop3A_438 = arith.addi %parallel_loop3A_423, %parallel_loop3A_437 : vector<16xi32>
        %parallel_loop3A_439 = tpu.vector_load_idx %arg11[%parallel_loop3A_166, %parallel_loop3A_438] : memref<256x128xf32, #tpu.memory_space<vmem>>[vector<16xi32>, vector<16xi32>], vector<16xf32>,
        %parallel_loop3A_440 = arith.constant 0 : i32
        %parallel_loop3A_441 = vector.broadcast %parallel_loop3A_440 : i32 to vector<16xi32>
        %parallel_loop3A_442 = arith.addi %parallel_loop3A_422, %parallel_loop3A_441 : vector<16xi32>
        tpu.vector_store_idx %arg13[%parallel_loop3A_442, %parallel_loop3A_166], %parallel_loop3A_427 : memref<64x256xf32, #tpu.memory_space<vmem>>[vector<16xi32>, vector<16xi32>], vector<16xf32>,
        %parallel_loop3A_443 = arith.constant 16 : i32
        %parallel_loop3A_444 = vector.broadcast %parallel_loop3A_443 : i32 to vector<16xi32>
        %parallel_loop3A_445 = arith.addi %parallel_loop3A_422, %parallel_loop3A_444 : vector<16xi32>
        tpu.vector_store_idx %arg13[%parallel_loop3A_445, %parallel_loop3A_166], %parallel_loop3A_431 : memref<64x256xf32, #tpu.memory_space<vmem>>[vector<16xi32>, vector<16xi32>], vector<16xf32>,
        %parallel_loop3A_446 = arith.constant 32 : i32
        %parallel_loop3A_447 = vector.broadcast %parallel_loop3A_446 : i32 to vector<16xi32>
        %parallel_loop3A_448 = arith.addi %parallel_loop3A_422, %parallel_loop3A_447 : vector<16xi32>
        tpu.vector_store_idx %arg13[%parallel_loop3A_448, %parallel_loop3A_166], %parallel_loop3A_435 : memref<64x256xf32, #tpu.memory_space<vmem>>[vector<16xi32>, vector<16xi32>], vector<16xf32>,
        %parallel_loop3A_449 = arith.constant 48 : i32
        %parallel_loop3A_450 = vector.broadcast %parallel_loop3A_449 : i32 to vector<16xi32>
        %parallel_loop3A_451 = arith.addi %parallel_loop3A_422, %parallel_loop3A_450 : vector<16xi32>
        tpu.vector_store_idx %arg13[%parallel_loop3A_451, %parallel_loop3A_166], %parallel_loop3A_439 : memref<64x256xf32, #tpu.memory_space<vmem>>[vector<16xi32>, vector<16xi32>], vector<16xf32>,
        %parallel_loop3A_452 = arith.constant 8 : i32
        %parallel_loop3A_453 = vector.broadcast %parallel_loop3A_452 : i32 to vector<16xi32>
        %parallel_loop3A_454 = arith.addi %iota3A, %parallel_loop3A_453 : vector<16xi32>
        %parallel_loop3A_455 = arith.constant 15 : i32
        %parallel_loop3A_456 = vector.broadcast %parallel_loop3A_455 : i32 to vector<16xi32>
        %parallel_loop3A_457 = arith.andi %parallel_loop3A_454, %parallel_loop3A_456 : vector<16xi32>
        %parallel_loop3A_458 = arith.addi %parallel_loop3A_171, %parallel_loop3A_457 : vector<16xi32>
        %parallel_loop3A_459 = arith.constant 0 : i32
        %parallel_loop3A_460 = vector.broadcast %parallel_loop3A_459 : i32 to vector<16xi32>
        %parallel_loop3A_461 = arith.addi %parallel_loop3A_458, %parallel_loop3A_460 : vector<16xi32>
        %parallel_loop3A_462 = tpu.vector_load_idx %arg11[%parallel_loop3A_166, %parallel_loop3A_461] : memref<256x128xf32, #tpu.memory_space<vmem>>[vector<16xi32>, vector<16xi32>], vector<16xf32>,
        %parallel_loop3A_463 = arith.constant 16 : i32
        %parallel_loop3A_464 = vector.broadcast %parallel_loop3A_463 : i32 to vector<16xi32>
        %parallel_loop3A_465 = arith.addi %parallel_loop3A_458, %parallel_loop3A_464 : vector<16xi32>
        %parallel_loop3A_466 = tpu.vector_load_idx %arg11[%parallel_loop3A_166, %parallel_loop3A_465] : memref<256x128xf32, #tpu.memory_space<vmem>>[vector<16xi32>, vector<16xi32>], vector<16xf32>,
        %parallel_loop3A_467 = arith.constant 32 : i32
        %parallel_loop3A_468 = vector.broadcast %parallel_loop3A_467 : i32 to vector<16xi32>
        %parallel_loop3A_469 = arith.addi %parallel_loop3A_458, %parallel_loop3A_468 : vector<16xi32>
        %parallel_loop3A_470 = tpu.vector_load_idx %arg11[%parallel_loop3A_166, %parallel_loop3A_469] : memref<256x128xf32, #tpu.memory_space<vmem>>[vector<16xi32>, vector<16xi32>], vector<16xf32>,
        %parallel_loop3A_471 = arith.constant 48 : i32
        %parallel_loop3A_472 = vector.broadcast %parallel_loop3A_471 : i32 to vector<16xi32>
        %parallel_loop3A_473 = arith.addi %parallel_loop3A_458, %parallel_loop3A_472 : vector<16xi32>
        %parallel_loop3A_474 = tpu.vector_load_idx %arg11[%parallel_loop3A_166, %parallel_loop3A_473] : memref<256x128xf32, #tpu.memory_space<vmem>>[vector<16xi32>, vector<16xi32>], vector<16xf32>,
        %parallel_loop3A_475 = arith.constant 0 : i32
        %parallel_loop3A_476 = vector.broadcast %parallel_loop3A_475 : i32 to vector<16xi32>
        %parallel_loop3A_477 = arith.addi %parallel_loop3A_457, %parallel_loop3A_476 : vector<16xi32>
        tpu.vector_store_idx %arg13[%parallel_loop3A_477, %parallel_loop3A_166], %parallel_loop3A_462 : memref<64x256xf32, #tpu.memory_space<vmem>>[vector<16xi32>, vector<16xi32>], vector<16xf32>,
        %parallel_loop3A_478 = arith.constant 16 : i32
        %parallel_loop3A_479 = vector.broadcast %parallel_loop3A_478 : i32 to vector<16xi32>
        %parallel_loop3A_480 = arith.addi %parallel_loop3A_457, %parallel_loop3A_479 : vector<16xi32>
        tpu.vector_store_idx %arg13[%parallel_loop3A_480, %parallel_loop3A_166], %parallel_loop3A_466 : memref<64x256xf32, #tpu.memory_space<vmem>>[vector<16xi32>, vector<16xi32>], vector<16xf32>,
        %parallel_loop3A_481 = arith.constant 32 : i32
        %parallel_loop3A_482 = vector.broadcast %parallel_loop3A_481 : i32 to vector<16xi32>
        %parallel_loop3A_483 = arith.addi %parallel_loop3A_457, %parallel_loop3A_482 : vector<16xi32>
        tpu.vector_store_idx %arg13[%parallel_loop3A_483, %parallel_loop3A_166], %parallel_loop3A_470 : memref<64x256xf32, #tpu.memory_space<vmem>>[vector<16xi32>, vector<16xi32>], vector<16xf32>,
        %parallel_loop3A_484 = arith.constant 48 : i32
        %parallel_loop3A_485 = vector.broadcast %parallel_loop3A_484 : i32 to vector<16xi32>
        %parallel_loop3A_486 = arith.addi %parallel_loop3A_457, %parallel_loop3A_485 : vector<16xi32>
        tpu.vector_store_idx %arg13[%parallel_loop3A_486, %parallel_loop3A_166], %parallel_loop3A_474 : memref<64x256xf32, #tpu.memory_space<vmem>>[vector<16xi32>, vector<16xi32>], vector<16xf32>,
        %parallel_loop3A_487 = arith.constant 9 : i32
        %parallel_loop3A_488 = vector.broadcast %parallel_loop3A_487 : i32 to vector<16xi32>
        %parallel_loop3A_489 = arith.addi %iota3A, %parallel_loop3A_488 : vector<16xi32>
        %parallel_loop3A_490 = arith.constant 15 : i32
        %parallel_loop3A_491 = vector.broadcast %parallel_loop3A_490 : i32 to vector<16xi32>
        %parallel_loop3A_492 = arith.andi %parallel_loop3A_489, %parallel_loop3A_491 : vector<16xi32>
        %parallel_loop3A_493 = arith.addi %parallel_loop3A_171, %parallel_loop3A_492 : vector<16xi32>
        %parallel_loop3A_494 = arith.constant 0 : i32
        %parallel_loop3A_495 = vector.broadcast %parallel_loop3A_494 : i32 to vector<16xi32>
        %parallel_loop3A_496 = arith.addi %parallel_loop3A_493, %parallel_loop3A_495 : vector<16xi32>
        %parallel_loop3A_497 = tpu.vector_load_idx %arg11[%parallel_loop3A_166, %parallel_loop3A_496] : memref<256x128xf32, #tpu.memory_space<vmem>>[vector<16xi32>, vector<16xi32>], vector<16xf32>,
        %parallel_loop3A_498 = arith.constant 16 : i32
        %parallel_loop3A_499 = vector.broadcast %parallel_loop3A_498 : i32 to vector<16xi32>
        %parallel_loop3A_500 = arith.addi %parallel_loop3A_493, %parallel_loop3A_499 : vector<16xi32>
        %parallel_loop3A_501 = tpu.vector_load_idx %arg11[%parallel_loop3A_166, %parallel_loop3A_500] : memref<256x128xf32, #tpu.memory_space<vmem>>[vector<16xi32>, vector<16xi32>], vector<16xf32>,
        %parallel_loop3A_502 = arith.constant 32 : i32
        %parallel_loop3A_503 = vector.broadcast %parallel_loop3A_502 : i32 to vector<16xi32>
        %parallel_loop3A_504 = arith.addi %parallel_loop3A_493, %parallel_loop3A_503 : vector<16xi32>
        %parallel_loop3A_505 = tpu.vector_load_idx %arg11[%parallel_loop3A_166, %parallel_loop3A_504] : memref<256x128xf32, #tpu.memory_space<vmem>>[vector<16xi32>, vector<16xi32>], vector<16xf32>,
        %parallel_loop3A_506 = arith.constant 48 : i32
        %parallel_loop3A_507 = vector.broadcast %parallel_loop3A_506 : i32 to vector<16xi32>
        %parallel_loop3A_508 = arith.addi %parallel_loop3A_493, %parallel_loop3A_507 : vector<16xi32>
        %parallel_loop3A_509 = tpu.vector_load_idx %arg11[%parallel_loop3A_166, %parallel_loop3A_508] : memref<256x128xf32, #tpu.memory_space<vmem>>[vector<16xi32>, vector<16xi32>], vector<16xf32>,
        %parallel_loop3A_510 = arith.constant 0 : i32
        %parallel_loop3A_511 = vector.broadcast %parallel_loop3A_510 : i32 to vector<16xi32>
        %parallel_loop3A_512 = arith.addi %parallel_loop3A_492, %parallel_loop3A_511 : vector<16xi32>
        tpu.vector_store_idx %arg13[%parallel_loop3A_512, %parallel_loop3A_166], %parallel_loop3A_497 : memref<64x256xf32, #tpu.memory_space<vmem>>[vector<16xi32>, vector<16xi32>], vector<16xf32>,
        %parallel_loop3A_513 = arith.constant 16 : i32
        %parallel_loop3A_514 = vector.broadcast %parallel_loop3A_513 : i32 to vector<16xi32>
        %parallel_loop3A_515 = arith.addi %parallel_loop3A_492, %parallel_loop3A_514 : vector<16xi32>
        tpu.vector_store_idx %arg13[%parallel_loop3A_515, %parallel_loop3A_166], %parallel_loop3A_501 : memref<64x256xf32, #tpu.memory_space<vmem>>[vector<16xi32>, vector<16xi32>], vector<16xf32>,
        %parallel_loop3A_516 = arith.constant 32 : i32
        %parallel_loop3A_517 = vector.broadcast %parallel_loop3A_516 : i32 to vector<16xi32>
        %parallel_loop3A_518 = arith.addi %parallel_loop3A_492, %parallel_loop3A_517 : vector<16xi32>
        tpu.vector_store_idx %arg13[%parallel_loop3A_518, %parallel_loop3A_166], %parallel_loop3A_505 : memref<64x256xf32, #tpu.memory_space<vmem>>[vector<16xi32>, vector<16xi32>], vector<16xf32>,
        %parallel_loop3A_519 = arith.constant 48 : i32
        %parallel_loop3A_520 = vector.broadcast %parallel_loop3A_519 : i32 to vector<16xi32>
        %parallel_loop3A_521 = arith.addi %parallel_loop3A_492, %parallel_loop3A_520 : vector<16xi32>
        tpu.vector_store_idx %arg13[%parallel_loop3A_521, %parallel_loop3A_166], %parallel_loop3A_509 : memref<64x256xf32, #tpu.memory_space<vmem>>[vector<16xi32>, vector<16xi32>], vector<16xf32>,
        %parallel_loop3A_522 = arith.constant 10 : i32
        %parallel_loop3A_523 = vector.broadcast %parallel_loop3A_522 : i32 to vector<16xi32>
        %parallel_loop3A_524 = arith.addi %iota3A, %parallel_loop3A_523 : vector<16xi32>
        %parallel_loop3A_525 = arith.constant 15 : i32
        %parallel_loop3A_526 = vector.broadcast %parallel_loop3A_525 : i32 to vector<16xi32>
        %parallel_loop3A_527 = arith.andi %parallel_loop3A_524, %parallel_loop3A_526 : vector<16xi32>
        %parallel_loop3A_528 = arith.addi %parallel_loop3A_171, %parallel_loop3A_527 : vector<16xi32>
        %parallel_loop3A_529 = arith.constant 0 : i32
        %parallel_loop3A_530 = vector.broadcast %parallel_loop3A_529 : i32 to vector<16xi32>
        %parallel_loop3A_531 = arith.addi %parallel_loop3A_528, %parallel_loop3A_530 : vector<16xi32>
        %parallel_loop3A_532 = tpu.vector_load_idx %arg11[%parallel_loop3A_166, %parallel_loop3A_531] : memref<256x128xf32, #tpu.memory_space<vmem>>[vector<16xi32>, vector<16xi32>], vector<16xf32>,
        %parallel_loop3A_533 = arith.constant 16 : i32
        %parallel_loop3A_534 = vector.broadcast %parallel_loop3A_533 : i32 to vector<16xi32>
        %parallel_loop3A_535 = arith.addi %parallel_loop3A_528, %parallel_loop3A_534 : vector<16xi32>
        %parallel_loop3A_536 = tpu.vector_load_idx %arg11[%parallel_loop3A_166, %parallel_loop3A_535] : memref<256x128xf32, #tpu.memory_space<vmem>>[vector<16xi32>, vector<16xi32>], vector<16xf32>,
        %parallel_loop3A_537 = arith.constant 32 : i32
        %parallel_loop3A_538 = vector.broadcast %parallel_loop3A_537 : i32 to vector<16xi32>
        %parallel_loop3A_539 = arith.addi %parallel_loop3A_528, %parallel_loop3A_538 : vector<16xi32>
        %parallel_loop3A_540 = tpu.vector_load_idx %arg11[%parallel_loop3A_166, %parallel_loop3A_539] : memref<256x128xf32, #tpu.memory_space<vmem>>[vector<16xi32>, vector<16xi32>], vector<16xf32>,
        %parallel_loop3A_541 = arith.constant 48 : i32
        %parallel_loop3A_542 = vector.broadcast %parallel_loop3A_541 : i32 to vector<16xi32>
        %parallel_loop3A_543 = arith.addi %parallel_loop3A_528, %parallel_loop3A_542 : vector<16xi32>
        %parallel_loop3A_544 = tpu.vector_load_idx %arg11[%parallel_loop3A_166, %parallel_loop3A_543] : memref<256x128xf32, #tpu.memory_space<vmem>>[vector<16xi32>, vector<16xi32>], vector<16xf32>,
        %parallel_loop3A_545 = arith.constant 0 : i32
        %parallel_loop3A_546 = vector.broadcast %parallel_loop3A_545 : i32 to vector<16xi32>
        %parallel_loop3A_547 = arith.addi %parallel_loop3A_527, %parallel_loop3A_546 : vector<16xi32>
        tpu.vector_store_idx %arg13[%parallel_loop3A_547, %parallel_loop3A_166], %parallel_loop3A_532 : memref<64x256xf32, #tpu.memory_space<vmem>>[vector<16xi32>, vector<16xi32>], vector<16xf32>,
        %parallel_loop3A_548 = arith.constant 16 : i32
        %parallel_loop3A_549 = vector.broadcast %parallel_loop3A_548 : i32 to vector<16xi32>
        %parallel_loop3A_550 = arith.addi %parallel_loop3A_527, %parallel_loop3A_549 : vector<16xi32>
        tpu.vector_store_idx %arg13[%parallel_loop3A_550, %parallel_loop3A_166], %parallel_loop3A_536 : memref<64x256xf32, #tpu.memory_space<vmem>>[vector<16xi32>, vector<16xi32>], vector<16xf32>,
        %parallel_loop3A_551 = arith.constant 32 : i32
        %parallel_loop3A_552 = vector.broadcast %parallel_loop3A_551 : i32 to vector<16xi32>
        %parallel_loop3A_553 = arith.addi %parallel_loop3A_527, %parallel_loop3A_552 : vector<16xi32>
        tpu.vector_store_idx %arg13[%parallel_loop3A_553, %parallel_loop3A_166], %parallel_loop3A_540 : memref<64x256xf32, #tpu.memory_space<vmem>>[vector<16xi32>, vector<16xi32>], vector<16xf32>,
        %parallel_loop3A_554 = arith.constant 48 : i32
        %parallel_loop3A_555 = vector.broadcast %parallel_loop3A_554 : i32 to vector<16xi32>
        %parallel_loop3A_556 = arith.addi %parallel_loop3A_527, %parallel_loop3A_555 : vector<16xi32>
        tpu.vector_store_idx %arg13[%parallel_loop3A_556, %parallel_loop3A_166], %parallel_loop3A_544 : memref<64x256xf32, #tpu.memory_space<vmem>>[vector<16xi32>, vector<16xi32>], vector<16xf32>,
        %parallel_loop3A_557 = arith.constant 11 : i32
        %parallel_loop3A_558 = vector.broadcast %parallel_loop3A_557 : i32 to vector<16xi32>
        %parallel_loop3A_559 = arith.addi %iota3A, %parallel_loop3A_558 : vector<16xi32>
        %parallel_loop3A_560 = arith.constant 15 : i32
        %parallel_loop3A_561 = vector.broadcast %parallel_loop3A_560 : i32 to vector<16xi32>
        %parallel_loop3A_562 = arith.andi %parallel_loop3A_559, %parallel_loop3A_561 : vector<16xi32>
        %parallel_loop3A_563 = arith.addi %parallel_loop3A_171, %parallel_loop3A_562 : vector<16xi32>
        %parallel_loop3A_564 = arith.constant 0 : i32
        %parallel_loop3A_565 = vector.broadcast %parallel_loop3A_564 : i32 to vector<16xi32>
        %parallel_loop3A_566 = arith.addi %parallel_loop3A_563, %parallel_loop3A_565 : vector<16xi32>
        %parallel_loop3A_567 = tpu.vector_load_idx %arg11[%parallel_loop3A_166, %parallel_loop3A_566] : memref<256x128xf32, #tpu.memory_space<vmem>>[vector<16xi32>, vector<16xi32>], vector<16xf32>,
        %parallel_loop3A_568 = arith.constant 16 : i32
        %parallel_loop3A_569 = vector.broadcast %parallel_loop3A_568 : i32 to vector<16xi32>
        %parallel_loop3A_570 = arith.addi %parallel_loop3A_563, %parallel_loop3A_569 : vector<16xi32>
        %parallel_loop3A_571 = tpu.vector_load_idx %arg11[%parallel_loop3A_166, %parallel_loop3A_570] : memref<256x128xf32, #tpu.memory_space<vmem>>[vector<16xi32>, vector<16xi32>], vector<16xf32>,
        %parallel_loop3A_572 = arith.constant 32 : i32
        %parallel_loop3A_573 = vector.broadcast %parallel_loop3A_572 : i32 to vector<16xi32>
        %parallel_loop3A_574 = arith.addi %parallel_loop3A_563, %parallel_loop3A_573 : vector<16xi32>
        %parallel_loop3A_575 = tpu.vector_load_idx %arg11[%parallel_loop3A_166, %parallel_loop3A_574] : memref<256x128xf32, #tpu.memory_space<vmem>>[vector<16xi32>, vector<16xi32>], vector<16xf32>,
        %parallel_loop3A_576 = arith.constant 48 : i32
        %parallel_loop3A_577 = vector.broadcast %parallel_loop3A_576 : i32 to vector<16xi32>
        %parallel_loop3A_578 = arith.addi %parallel_loop3A_563, %parallel_loop3A_577 : vector<16xi32>
        %parallel_loop3A_579 = tpu.vector_load_idx %arg11[%parallel_loop3A_166, %parallel_loop3A_578] : memref<256x128xf32, #tpu.memory_space<vmem>>[vector<16xi32>, vector<16xi32>], vector<16xf32>,
        %parallel_loop3A_580 = arith.constant 0 : i32
        %parallel_loop3A_581 = vector.broadcast %parallel_loop3A_580 : i32 to vector<16xi32>
        %parallel_loop3A_582 = arith.addi %parallel_loop3A_562, %parallel_loop3A_581 : vector<16xi32>
        tpu.vector_store_idx %arg13[%parallel_loop3A_582, %parallel_loop3A_166], %parallel_loop3A_567 : memref<64x256xf32, #tpu.memory_space<vmem>>[vector<16xi32>, vector<16xi32>], vector<16xf32>,
        %parallel_loop3A_583 = arith.constant 16 : i32
        %parallel_loop3A_584 = vector.broadcast %parallel_loop3A_583 : i32 to vector<16xi32>
        %parallel_loop3A_585 = arith.addi %parallel_loop3A_562, %parallel_loop3A_584 : vector<16xi32>
        tpu.vector_store_idx %arg13[%parallel_loop3A_585, %parallel_loop3A_166], %parallel_loop3A_571 : memref<64x256xf32, #tpu.memory_space<vmem>>[vector<16xi32>, vector<16xi32>], vector<16xf32>,
        %parallel_loop3A_586 = arith.constant 32 : i32
        %parallel_loop3A_587 = vector.broadcast %parallel_loop3A_586 : i32 to vector<16xi32>
        %parallel_loop3A_588 = arith.addi %parallel_loop3A_562, %parallel_loop3A_587 : vector<16xi32>
        tpu.vector_store_idx %arg13[%parallel_loop3A_588, %parallel_loop3A_166], %parallel_loop3A_575 : memref<64x256xf32, #tpu.memory_space<vmem>>[vector<16xi32>, vector<16xi32>], vector<16xf32>,
        %parallel_loop3A_589 = arith.constant 48 : i32
        %parallel_loop3A_590 = vector.broadcast %parallel_loop3A_589 : i32 to vector<16xi32>
        %parallel_loop3A_591 = arith.addi %parallel_loop3A_562, %parallel_loop3A_590 : vector<16xi32>
        tpu.vector_store_idx %arg13[%parallel_loop3A_591, %parallel_loop3A_166], %parallel_loop3A_579 : memref<64x256xf32, #tpu.memory_space<vmem>>[vector<16xi32>, vector<16xi32>], vector<16xf32>,
        %parallel_loop3A_592 = arith.constant 12 : i32
        %parallel_loop3A_593 = vector.broadcast %parallel_loop3A_592 : i32 to vector<16xi32>
        %parallel_loop3A_594 = arith.addi %iota3A, %parallel_loop3A_593 : vector<16xi32>
        %parallel_loop3A_595 = arith.constant 15 : i32
        %parallel_loop3A_596 = vector.broadcast %parallel_loop3A_595 : i32 to vector<16xi32>
        %parallel_loop3A_597 = arith.andi %parallel_loop3A_594, %parallel_loop3A_596 : vector<16xi32>
        %parallel_loop3A_598 = arith.addi %parallel_loop3A_171, %parallel_loop3A_597 : vector<16xi32>
        %parallel_loop3A_599 = arith.constant 0 : i32
        %parallel_loop3A_600 = vector.broadcast %parallel_loop3A_599 : i32 to vector<16xi32>
        %parallel_loop3A_601 = arith.addi %parallel_loop3A_598, %parallel_loop3A_600 : vector<16xi32>
        %parallel_loop3A_602 = tpu.vector_load_idx %arg11[%parallel_loop3A_166, %parallel_loop3A_601] : memref<256x128xf32, #tpu.memory_space<vmem>>[vector<16xi32>, vector<16xi32>], vector<16xf32>,
        %parallel_loop3A_603 = arith.constant 16 : i32
        %parallel_loop3A_604 = vector.broadcast %parallel_loop3A_603 : i32 to vector<16xi32>
        %parallel_loop3A_605 = arith.addi %parallel_loop3A_598, %parallel_loop3A_604 : vector<16xi32>
        %parallel_loop3A_606 = tpu.vector_load_idx %arg11[%parallel_loop3A_166, %parallel_loop3A_605] : memref<256x128xf32, #tpu.memory_space<vmem>>[vector<16xi32>, vector<16xi32>], vector<16xf32>,
        %parallel_loop3A_607 = arith.constant 32 : i32
        %parallel_loop3A_608 = vector.broadcast %parallel_loop3A_607 : i32 to vector<16xi32>
        %parallel_loop3A_609 = arith.addi %parallel_loop3A_598, %parallel_loop3A_608 : vector<16xi32>
        %parallel_loop3A_610 = tpu.vector_load_idx %arg11[%parallel_loop3A_166, %parallel_loop3A_609] : memref<256x128xf32, #tpu.memory_space<vmem>>[vector<16xi32>, vector<16xi32>], vector<16xf32>,
        %parallel_loop3A_611 = arith.constant 48 : i32
        %parallel_loop3A_612 = vector.broadcast %parallel_loop3A_611 : i32 to vector<16xi32>
        %parallel_loop3A_613 = arith.addi %parallel_loop3A_598, %parallel_loop3A_612 : vector<16xi32>
        %parallel_loop3A_614 = tpu.vector_load_idx %arg11[%parallel_loop3A_166, %parallel_loop3A_613] : memref<256x128xf32, #tpu.memory_space<vmem>>[vector<16xi32>, vector<16xi32>], vector<16xf32>,
        %parallel_loop3A_615 = arith.constant 0 : i32
        %parallel_loop3A_616 = vector.broadcast %parallel_loop3A_615 : i32 to vector<16xi32>
        %parallel_loop3A_617 = arith.addi %parallel_loop3A_597, %parallel_loop3A_616 : vector<16xi32>
        tpu.vector_store_idx %arg13[%parallel_loop3A_617, %parallel_loop3A_166], %parallel_loop3A_602 : memref<64x256xf32, #tpu.memory_space<vmem>>[vector<16xi32>, vector<16xi32>], vector<16xf32>,
        %parallel_loop3A_618 = arith.constant 16 : i32
        %parallel_loop3A_619 = vector.broadcast %parallel_loop3A_618 : i32 to vector<16xi32>
        %parallel_loop3A_620 = arith.addi %parallel_loop3A_597, %parallel_loop3A_619 : vector<16xi32>
        tpu.vector_store_idx %arg13[%parallel_loop3A_620, %parallel_loop3A_166], %parallel_loop3A_606 : memref<64x256xf32, #tpu.memory_space<vmem>>[vector<16xi32>, vector<16xi32>], vector<16xf32>,
        %parallel_loop3A_621 = arith.constant 32 : i32
        %parallel_loop3A_622 = vector.broadcast %parallel_loop3A_621 : i32 to vector<16xi32>
        %parallel_loop3A_623 = arith.addi %parallel_loop3A_597, %parallel_loop3A_622 : vector<16xi32>
        tpu.vector_store_idx %arg13[%parallel_loop3A_623, %parallel_loop3A_166], %parallel_loop3A_610 : memref<64x256xf32, #tpu.memory_space<vmem>>[vector<16xi32>, vector<16xi32>], vector<16xf32>,
        %parallel_loop3A_624 = arith.constant 48 : i32
        %parallel_loop3A_625 = vector.broadcast %parallel_loop3A_624 : i32 to vector<16xi32>
        %parallel_loop3A_626 = arith.addi %parallel_loop3A_597, %parallel_loop3A_625 : vector<16xi32>
        tpu.vector_store_idx %arg13[%parallel_loop3A_626, %parallel_loop3A_166], %parallel_loop3A_614 : memref<64x256xf32, #tpu.memory_space<vmem>>[vector<16xi32>, vector<16xi32>], vector<16xf32>,
        %parallel_loop3A_627 = arith.constant 13 : i32
        %parallel_loop3A_628 = vector.broadcast %parallel_loop3A_627 : i32 to vector<16xi32>
        %parallel_loop3A_629 = arith.addi %iota3A, %parallel_loop3A_628 : vector<16xi32>
        %parallel_loop3A_630 = arith.constant 15 : i32
        %parallel_loop3A_631 = vector.broadcast %parallel_loop3A_630 : i32 to vector<16xi32>
        %parallel_loop3A_632 = arith.andi %parallel_loop3A_629, %parallel_loop3A_631 : vector<16xi32>
        %parallel_loop3A_633 = arith.addi %parallel_loop3A_171, %parallel_loop3A_632 : vector<16xi32>
        %parallel_loop3A_634 = arith.constant 0 : i32
        %parallel_loop3A_635 = vector.broadcast %parallel_loop3A_634 : i32 to vector<16xi32>
        %parallel_loop3A_636 = arith.addi %parallel_loop3A_633, %parallel_loop3A_635 : vector<16xi32>
        %parallel_loop3A_637 = tpu.vector_load_idx %arg11[%parallel_loop3A_166, %parallel_loop3A_636] : memref<256x128xf32, #tpu.memory_space<vmem>>[vector<16xi32>, vector<16xi32>], vector<16xf32>,
        %parallel_loop3A_638 = arith.constant 16 : i32
        %parallel_loop3A_639 = vector.broadcast %parallel_loop3A_638 : i32 to vector<16xi32>
        %parallel_loop3A_640 = arith.addi %parallel_loop3A_633, %parallel_loop3A_639 : vector<16xi32>
        %parallel_loop3A_641 = tpu.vector_load_idx %arg11[%parallel_loop3A_166, %parallel_loop3A_640] : memref<256x128xf32, #tpu.memory_space<vmem>>[vector<16xi32>, vector<16xi32>], vector<16xf32>,
        %parallel_loop3A_642 = arith.constant 32 : i32
        %parallel_loop3A_643 = vector.broadcast %parallel_loop3A_642 : i32 to vector<16xi32>
        %parallel_loop3A_644 = arith.addi %parallel_loop3A_633, %parallel_loop3A_643 : vector<16xi32>
        %parallel_loop3A_645 = tpu.vector_load_idx %arg11[%parallel_loop3A_166, %parallel_loop3A_644] : memref<256x128xf32, #tpu.memory_space<vmem>>[vector<16xi32>, vector<16xi32>], vector<16xf32>,
        %parallel_loop3A_646 = arith.constant 48 : i32
        %parallel_loop3A_647 = vector.broadcast %parallel_loop3A_646 : i32 to vector<16xi32>
        %parallel_loop3A_648 = arith.addi %parallel_loop3A_633, %parallel_loop3A_647 : vector<16xi32>
        %parallel_loop3A_649 = tpu.vector_load_idx %arg11[%parallel_loop3A_166, %parallel_loop3A_648] : memref<256x128xf32, #tpu.memory_space<vmem>>[vector<16xi32>, vector<16xi32>], vector<16xf32>,
        %parallel_loop3A_650 = arith.constant 0 : i32
        %parallel_loop3A_651 = vector.broadcast %parallel_loop3A_650 : i32 to vector<16xi32>
        %parallel_loop3A_652 = arith.addi %parallel_loop3A_632, %parallel_loop3A_651 : vector<16xi32>
        tpu.vector_store_idx %arg13[%parallel_loop3A_652, %parallel_loop3A_166], %parallel_loop3A_637 : memref<64x256xf32, #tpu.memory_space<vmem>>[vector<16xi32>, vector<16xi32>], vector<16xf32>,
        %parallel_loop3A_653 = arith.constant 16 : i32
        %parallel_loop3A_654 = vector.broadcast %parallel_loop3A_653 : i32 to vector<16xi32>
        %parallel_loop3A_655 = arith.addi %parallel_loop3A_632, %parallel_loop3A_654 : vector<16xi32>
        tpu.vector_store_idx %arg13[%parallel_loop3A_655, %parallel_loop3A_166], %parallel_loop3A_641 : memref<64x256xf32, #tpu.memory_space<vmem>>[vector<16xi32>, vector<16xi32>], vector<16xf32>,
        %parallel_loop3A_656 = arith.constant 32 : i32
        %parallel_loop3A_657 = vector.broadcast %parallel_loop3A_656 : i32 to vector<16xi32>
        %parallel_loop3A_658 = arith.addi %parallel_loop3A_632, %parallel_loop3A_657 : vector<16xi32>
        tpu.vector_store_idx %arg13[%parallel_loop3A_658, %parallel_loop3A_166], %parallel_loop3A_645 : memref<64x256xf32, #tpu.memory_space<vmem>>[vector<16xi32>, vector<16xi32>], vector<16xf32>,
        %parallel_loop3A_659 = arith.constant 48 : i32
        %parallel_loop3A_660 = vector.broadcast %parallel_loop3A_659 : i32 to vector<16xi32>
        %parallel_loop3A_661 = arith.addi %parallel_loop3A_632, %parallel_loop3A_660 : vector<16xi32>
        tpu.vector_store_idx %arg13[%parallel_loop3A_661, %parallel_loop3A_166], %parallel_loop3A_649 : memref<64x256xf32, #tpu.memory_space<vmem>>[vector<16xi32>, vector<16xi32>], vector<16xf32>,
        %parallel_loop3A_662 = arith.constant 14 : i32
        %parallel_loop3A_663 = vector.broadcast %parallel_loop3A_662 : i32 to vector<16xi32>
        %parallel_loop3A_664 = arith.addi %iota3A, %parallel_loop3A_663 : vector<16xi32>
        %parallel_loop3A_665 = arith.constant 15 : i32
        %parallel_loop3A_666 = vector.broadcast %parallel_loop3A_665 : i32 to vector<16xi32>
        %parallel_loop3A_667 = arith.andi %parallel_loop3A_664, %parallel_loop3A_666 : vector<16xi32>
        %parallel_loop3A_668 = arith.addi %parallel_loop3A_171, %parallel_loop3A_667 : vector<16xi32>
        %parallel_loop3A_669 = arith.constant 0 : i32
        %parallel_loop3A_670 = vector.broadcast %parallel_loop3A_669 : i32 to vector<16xi32>
        %parallel_loop3A_671 = arith.addi %parallel_loop3A_668, %parallel_loop3A_670 : vector<16xi32>
        %parallel_loop3A_672 = tpu.vector_load_idx %arg11[%parallel_loop3A_166, %parallel_loop3A_671] : memref<256x128xf32, #tpu.memory_space<vmem>>[vector<16xi32>, vector<16xi32>], vector<16xf32>,
        %parallel_loop3A_673 = arith.constant 16 : i32
        %parallel_loop3A_674 = vector.broadcast %parallel_loop3A_673 : i32 to vector<16xi32>
        %parallel_loop3A_675 = arith.addi %parallel_loop3A_668, %parallel_loop3A_674 : vector<16xi32>
        %parallel_loop3A_676 = tpu.vector_load_idx %arg11[%parallel_loop3A_166, %parallel_loop3A_675] : memref<256x128xf32, #tpu.memory_space<vmem>>[vector<16xi32>, vector<16xi32>], vector<16xf32>,
        %parallel_loop3A_677 = arith.constant 32 : i32
        %parallel_loop3A_678 = vector.broadcast %parallel_loop3A_677 : i32 to vector<16xi32>
        %parallel_loop3A_679 = arith.addi %parallel_loop3A_668, %parallel_loop3A_678 : vector<16xi32>
        %parallel_loop3A_680 = tpu.vector_load_idx %arg11[%parallel_loop3A_166, %parallel_loop3A_679] : memref<256x128xf32, #tpu.memory_space<vmem>>[vector<16xi32>, vector<16xi32>], vector<16xf32>,
        %parallel_loop3A_681 = arith.constant 48 : i32
        %parallel_loop3A_682 = vector.broadcast %parallel_loop3A_681 : i32 to vector<16xi32>
        %parallel_loop3A_683 = arith.addi %parallel_loop3A_668, %parallel_loop3A_682 : vector<16xi32>
        %parallel_loop3A_684 = tpu.vector_load_idx %arg11[%parallel_loop3A_166, %parallel_loop3A_683] : memref<256x128xf32, #tpu.memory_space<vmem>>[vector<16xi32>, vector<16xi32>], vector<16xf32>,
        %parallel_loop3A_685 = arith.constant 0 : i32
        %parallel_loop3A_686 = vector.broadcast %parallel_loop3A_685 : i32 to vector<16xi32>
        %parallel_loop3A_687 = arith.addi %parallel_loop3A_667, %parallel_loop3A_686 : vector<16xi32>
        tpu.vector_store_idx %arg13[%parallel_loop3A_687, %parallel_loop3A_166], %parallel_loop3A_672 : memref<64x256xf32, #tpu.memory_space<vmem>>[vector<16xi32>, vector<16xi32>], vector<16xf32>,
        %parallel_loop3A_688 = arith.constant 16 : i32
        %parallel_loop3A_689 = vector.broadcast %parallel_loop3A_688 : i32 to vector<16xi32>
        %parallel_loop3A_690 = arith.addi %parallel_loop3A_667, %parallel_loop3A_689 : vector<16xi32>
        tpu.vector_store_idx %arg13[%parallel_loop3A_690, %parallel_loop3A_166], %parallel_loop3A_676 : memref<64x256xf32, #tpu.memory_space<vmem>>[vector<16xi32>, vector<16xi32>], vector<16xf32>,
        %parallel_loop3A_691 = arith.constant 32 : i32
        %parallel_loop3A_692 = vector.broadcast %parallel_loop3A_691 : i32 to vector<16xi32>
        %parallel_loop3A_693 = arith.addi %parallel_loop3A_667, %parallel_loop3A_692 : vector<16xi32>
        tpu.vector_store_idx %arg13[%parallel_loop3A_693, %parallel_loop3A_166], %parallel_loop3A_680 : memref<64x256xf32, #tpu.memory_space<vmem>>[vector<16xi32>, vector<16xi32>], vector<16xf32>,
        %parallel_loop3A_694 = arith.constant 48 : i32
        %parallel_loop3A_695 = vector.broadcast %parallel_loop3A_694 : i32 to vector<16xi32>
        %parallel_loop3A_696 = arith.addi %parallel_loop3A_667, %parallel_loop3A_695 : vector<16xi32>
        tpu.vector_store_idx %arg13[%parallel_loop3A_696, %parallel_loop3A_166], %parallel_loop3A_684 : memref<64x256xf32, #tpu.memory_space<vmem>>[vector<16xi32>, vector<16xi32>], vector<16xf32>,
        %parallel_loop3A_697 = arith.constant 15 : i32
        %parallel_loop3A_698 = vector.broadcast %parallel_loop3A_697 : i32 to vector<16xi32>
        %parallel_loop3A_699 = arith.addi %iota3A, %parallel_loop3A_698 : vector<16xi32>
        %parallel_loop3A_700 = arith.constant 15 : i32
        %parallel_loop3A_701 = vector.broadcast %parallel_loop3A_700 : i32 to vector<16xi32>
        %parallel_loop3A_702 = arith.andi %parallel_loop3A_699, %parallel_loop3A_701 : vector<16xi32>
        %parallel_loop3A_703 = arith.addi %parallel_loop3A_171, %parallel_loop3A_702 : vector<16xi32>
        %parallel_loop3A_704 = arith.constant 0 : i32
        %parallel_loop3A_705 = vector.broadcast %parallel_loop3A_704 : i32 to vector<16xi32>
        %parallel_loop3A_706 = arith.addi %parallel_loop3A_703, %parallel_loop3A_705 : vector<16xi32>
        %parallel_loop3A_707 = tpu.vector_load_idx %arg11[%parallel_loop3A_166, %parallel_loop3A_706] : memref<256x128xf32, #tpu.memory_space<vmem>>[vector<16xi32>, vector<16xi32>], vector<16xf32>,
        %parallel_loop3A_708 = arith.constant 16 : i32
        %parallel_loop3A_709 = vector.broadcast %parallel_loop3A_708 : i32 to vector<16xi32>
        %parallel_loop3A_710 = arith.addi %parallel_loop3A_703, %parallel_loop3A_709 : vector<16xi32>
        %parallel_loop3A_711 = tpu.vector_load_idx %arg11[%parallel_loop3A_166, %parallel_loop3A_710] : memref<256x128xf32, #tpu.memory_space<vmem>>[vector<16xi32>, vector<16xi32>], vector<16xf32>,
        %parallel_loop3A_712 = arith.constant 32 : i32
        %parallel_loop3A_713 = vector.broadcast %parallel_loop3A_712 : i32 to vector<16xi32>
        %parallel_loop3A_714 = arith.addi %parallel_loop3A_703, %parallel_loop3A_713 : vector<16xi32>
        %parallel_loop3A_715 = tpu.vector_load_idx %arg11[%parallel_loop3A_166, %parallel_loop3A_714] : memref<256x128xf32, #tpu.memory_space<vmem>>[vector<16xi32>, vector<16xi32>], vector<16xf32>,
        %parallel_loop3A_716 = arith.constant 48 : i32
        %parallel_loop3A_717 = vector.broadcast %parallel_loop3A_716 : i32 to vector<16xi32>
        %parallel_loop3A_718 = arith.addi %parallel_loop3A_703, %parallel_loop3A_717 : vector<16xi32>
        %parallel_loop3A_719 = tpu.vector_load_idx %arg11[%parallel_loop3A_166, %parallel_loop3A_718] : memref<256x128xf32, #tpu.memory_space<vmem>>[vector<16xi32>, vector<16xi32>], vector<16xf32>,
        %parallel_loop3A_720 = arith.constant 0 : i32
        %parallel_loop3A_721 = vector.broadcast %parallel_loop3A_720 : i32 to vector<16xi32>
        %parallel_loop3A_722 = arith.addi %parallel_loop3A_702, %parallel_loop3A_721 : vector<16xi32>
        tpu.vector_store_idx %arg13[%parallel_loop3A_722, %parallel_loop3A_166], %parallel_loop3A_707 : memref<64x256xf32, #tpu.memory_space<vmem>>[vector<16xi32>, vector<16xi32>], vector<16xf32>,
        %parallel_loop3A_723 = arith.constant 16 : i32
        %parallel_loop3A_724 = vector.broadcast %parallel_loop3A_723 : i32 to vector<16xi32>
        %parallel_loop3A_725 = arith.addi %parallel_loop3A_702, %parallel_loop3A_724 : vector<16xi32>
        tpu.vector_store_idx %arg13[%parallel_loop3A_725, %parallel_loop3A_166], %parallel_loop3A_711 : memref<64x256xf32, #tpu.memory_space<vmem>>[vector<16xi32>, vector<16xi32>], vector<16xf32>,
        %parallel_loop3A_726 = arith.constant 32 : i32
        %parallel_loop3A_727 = vector.broadcast %parallel_loop3A_726 : i32 to vector<16xi32>
        %parallel_loop3A_728 = arith.addi %parallel_loop3A_702, %parallel_loop3A_727 : vector<16xi32>
        tpu.vector_store_idx %arg13[%parallel_loop3A_728, %parallel_loop3A_166], %parallel_loop3A_715 : memref<64x256xf32, #tpu.memory_space<vmem>>[vector<16xi32>, vector<16xi32>], vector<16xf32>,
        %parallel_loop3A_729 = arith.constant 48 : i32
        %parallel_loop3A_730 = vector.broadcast %parallel_loop3A_729 : i32 to vector<16xi32>
        %parallel_loop3A_731 = arith.addi %parallel_loop3A_702, %parallel_loop3A_730 : vector<16xi32>
        tpu.vector_store_idx %arg13[%parallel_loop3A_731, %parallel_loop3A_166], %parallel_loop3A_719 : memref<64x256xf32, #tpu.memory_space<vmem>>[vector<16xi32>, vector<16xi32>], vector<16xf32>,
      } {sc.loop_unroll_factor = 2 : i64, sc.parallel_access}
      %jit3A_112 = arith.constant 2 : i32
      %div3A_113 = arith.divsi %add3A_93, %jit3A_112 : i32
      %sign3A_114 = arith.constant 0 : i32
      %sign3A_115 = arith.cmpi sgt, %add3A_93, %sign3A_114 : i32
      %sign3A_116 = arith.extui %sign3A_115 : i1 to i32
      %sign3A_117 = arith.constant 0 : i32
      %sign3A_118 = arith.cmpi slt, %add3A_93, %sign3A_117 : i32
      %sign3A_119 = arith.extui %sign3A_118 : i1 to i32
      %sign3A_120 = arith.subi %sign3A_116, %sign3A_119 : i32
      %sign3A_121 = arith.constant 0 : i32
      %sign3A_122 = arith.cmpi sgt, %jit3A_112, %sign3A_121 : i32
      %sign3A_123 = arith.extui %sign3A_122 : i1 to i32
      %sign3A_124 = arith.constant 0 : i32
      %sign3A_125 = arith.cmpi slt, %jit3A_112, %sign3A_124 : i32
      %sign3A_126 = arith.extui %sign3A_125 : i1 to i32
      %sign3A_127 = arith.subi %sign3A_123, %sign3A_126 : i32
      %ne3A_128 = arith.cmpi ne, %sign3A_120, %sign3A_127 : i32
      %rem3A_129 = arith.remsi %add3A_93, %jit3A_112 : i32
      %ne3A_130 = arith.constant 0 : i32
      %ne3A_131 = arith.cmpi ne, %rem3A_129, %ne3A_130 : i32
      %and3A_132 = arith.andi %ne3A_128, %ne3A_131 : i1
      %sub3A_133 = arith.constant 1 : i32
      %sub3A_134 = arith.subi %div3A_113, %sub3A_133 : i32
      %select_n3A_135 = arith.select %and3A_132, %sub3A_134, %div3A_113 : i32
      %jit3A_136 = arith.constant 2 : i32
      %eq3A_137 = arith.constant 0 : i32
      %eq3A_138 = arith.cmpi eq, %jit3A_136, %eq3A_137 : i32
      %jit3A_139 = arith.constant 1 : i32
      %select_n3A_140 = arith.select %eq3A_138, %jit3A_139, %jit3A_136 : i32
      %rem3A_141 = arith.remsi %add3A_93, %select_n3A_140 : i32
      %ne3A_142 = arith.constant 0 : i32
      %ne3A_143 = arith.cmpi ne, %rem3A_141, %ne3A_142 : i32
      %lt3A_144 = arith.constant 0 : i32
      %lt3A_145 = arith.cmpi slt, %rem3A_141, %lt3A_144 : i32
      %lt3A_146 = arith.constant 0 : i32
      %lt3A_147 = arith.cmpi slt, %select_n3A_140, %lt3A_146 : i32
      %ne3A_148 = arith.xori %lt3A_145, %lt3A_147 : i1
      %and3A_149 = arith.andi %ne3A_148, %ne3A_143 : i1
      %add3A_150 = arith.addi %rem3A_141, %select_n3A_140 : i32
      %select_n3A_151 = arith.select %and3A_149, %add3A_150, %rem3A_141 : i32
      %mul3A_152 = arith.constant 256 : i32
      %mul3A_153 = arith.muli %select_n3A_151, %mul3A_152 : i32
      %add3A_154 = arith.addi %mul3A_2, %mul3A_153 : i32
      %multiple_of3A_155 = tpu.assume_multiple %add3A_154, 256 : i32
      %dma_start3A_156 = arith.constant 0 : i32
      %dma_start3A_157 = tpu.memref_slice %arg5[%select_n3A_135, %dma_start3A_156, %multiple_of3A_155] : memref<50x64x16384xf32, #tpu.memory_space<hbm>> -> memref<1x64x256xf32, #tpu.memory_space<hbm>>
      %dma_start3A_158 = tpu.memref_squeeze %dma_start3A_157 : memref<1x64x256xf32, #tpu.memory_space<hbm>> -> memref<64x256xf32, #tpu.memory_space<hbm>>
      %dma_start3A_159 = arith.constant 0 : i32
      %dma_start3A_160 = tpu.memref_slice %arg5[%select_n3A_135, %dma_start3A_159, %multiple_of3A_155] : memref<50x64x16384xf32, #tpu.memory_space<hbm>> -> memref<1x64x256xf32, #tpu.memory_space<hbm>>
      %dma_start3A_161 = tpu.memref_squeeze %dma_start3A_160 : memref<1x64x256xf32, #tpu.memory_space<hbm>> -> memref<64x256xf32, #tpu.memory_space<hbm>>
      tpu.enqueue_dma source(%arg13 : memref<64x256xf32, #tpu.memory_space<vmem>>) target(%dma_start3A_161 : memref<64x256xf32, #tpu.memory_space<hbm>>) target_semaphore(%arg17 : memref<!tpu.dma_semaphore, #tpu.memory_space<semaphore_mem>>)
    }
    %scan3A_13 = arith.constant 50 : i32
    %add3A_14 = arith.constant 0 : i32
    %add3A_15 = arith.addi %mul3A_2, %add3A_14 : i32
    %multiple_of3A_16 = tpu.assume_multiple %add3A_15, 256 : i32
    %dma_wait3A = arith.constant 49 : i32
    %dma_wait3A_17 = arith.constant 0 : i32
    %dma_wait3A_18 = tpu.memref_slice %arg5[%dma_wait3A, %dma_wait3A_17, %multiple_of3A_16] : memref<50x64x16384xf32, #tpu.memory_space<hbm>> -> memref<1x64x256xf32, #tpu.memory_space<hbm>>
    %dma_wait3A_19 = tpu.memref_squeeze %dma_wait3A_18 : memref<1x64x256xf32, #tpu.memory_space<hbm>> -> memref<64x256xf32, #tpu.memory_space<hbm>>
    %dma_wait3A_20 = arith.constant 0 : i32
    %dma_wait3A_21 = tpu.memref_slice %arg5[%dma_wait3A, %dma_wait3A_20, %multiple_of3A_16] : memref<50x64x16384xf32, #tpu.memory_space<hbm>> -> memref<1x64x256xf32, #tpu.memory_space<hbm>>
    %dma_wait3A_22 = tpu.memref_squeeze %dma_wait3A_21 : memref<1x64x256xf32, #tpu.memory_space<hbm>> -> memref<64x256xf32, #tpu.memory_space<hbm>>
    tpu.wait_dma2 semaphore(%arg16 : memref<!tpu.dma_semaphore, #tpu.memory_space<semaphore_mem>>) src(%arg12 : memref<64x256xf32, #tpu.memory_space<vmem>>) dst(%dma_wait3A_22 : memref<64x256xf32, #tpu.memory_space<hbm>>)
    %add3A_23 = arith.constant 256 : i32
    %add3A_24 = arith.addi %mul3A_2, %add3A_23 : i32
    %multiple_of3A_25 = tpu.assume_multiple %add3A_24, 256 : i32
    %dma_wait3A_26 = arith.constant 49 : i32
    %dma_wait3A_27 = arith.constant 0 : i32
    %dma_wait3A_28 = tpu.memref_slice %arg5[%dma_wait3A_26, %dma_wait3A_27, %multiple_of3A_25] : memref<50x64x16384xf32, #tpu.memory_space<hbm>> -> memref<1x64x256xf32, #tpu.memory_space<hbm>>
    %dma_wait3A_29 = tpu.memref_squeeze %dma_wait3A_28 : memref<1x64x256xf32, #tpu.memory_space<hbm>> -> memref<64x256xf32, #tpu.memory_space<hbm>>
    %dma_wait3A_30 = arith.constant 0 : i32
    %dma_wait3A_31 = tpu.memref_slice %arg5[%dma_wait3A_26, %dma_wait3A_30, %multiple_of3A_25] : memref<50x64x16384xf32, #tpu.memory_space<hbm>> -> memref<1x64x256xf32, #tpu.memory_space<hbm>>
    %dma_wait3A_32 = tpu.memref_squeeze %dma_wait3A_31 : memref<1x64x256xf32, #tpu.memory_space<hbm>> -> memref<64x256xf32, #tpu.memory_space<hbm>>
    tpu.wait_dma2 semaphore(%arg17 : memref<!tpu.dma_semaphore, #tpu.memory_space<semaphore_mem>>) src(%arg13 : memref<64x256xf32, #tpu.memory_space<vmem>>) dst(%dma_wait3A_32 : memref<64x256xf32, #tpu.memory_space<hbm>>)
    return
  }
}

</mosaic_0001>

<sc_bundles>
// kernel: kernel.3.cloned.1.call-start
scs
__scs_entry_jumppad:
0x0: {  	(pc) =	sbr.rel $0x88, $3  }
0x1: {  	(tag) =	ssettag $0x0;
	lr =	simm.s32 $0x1  }
0x2: {  	[smem:$0x3F9F] =	sst lr;
	_ =	strace $0xD0000000  }
0x3: {  	_ = 	snop  }
0x4: {  	_ = 	snop  }
0x5: {  	_ = 	snop  }
0x6: {  	_ = 	snop  }
0x7: {  	_ = 	snop  }
__scs_overlays_trampoline_lowered:
0x8: {  	[smem:$0x3FAE] =	sst s0  }
0x9: {  	[smem:$0x3FAF] =	sst s1  }
0xa: {  	[smem:$0x3FB0] =	sst s2  }
0xb: {  	[smem:$0x3FB1] =	sst s3  }
0xc: {  	[smem:$0x3FB2] =	sst s4  }
0xd: {  	[smem:$0x3FB3] =	sst s5  }
0xe: {  	[smem:$0x3FB4] =	sst s6  }
0xf: {  	[smem:$0x3FB5] =	sst s7  }
0x10: {  	[smem:$0x3FB6] =	sst s8  }
0x11: {  	[smem:$0x3FB7] =	sst s9;
	s0 =	simm.s32 @!p0 $0x0  }
0x12: {  	s1 =	sld [smem:$0x3F9D];
	s0 =	simm.s32 @p0 $0x1  }
0x13: {  	[smem:$0x3FB8] =	sst s0;
	s0 =	simm.s32 @!p1 $0x0  }
0x14: {  	s2 =	sld [smem:$0x3F9C];
	s0 =	simm.s32 @p1 $0x1  }
0x15: {  	[smem:$0x3FB9] =	sst s0;
	s0 =	simm.s32 @!p2 $0x0  }
0x16: {  	s3 =	sld [smem:$0x3FDB];
	s0 =	simm.s32 @p2 $0x1  }
0x17: {  	s4 =	simm.s32 $0x1BF5;
	[smem:$0x3FBB] =	sst s0  }
0x18: {  	s0 =	sld [smem:$0x3F9E];
	_ =	swait.ge [sflag:s4], $0x0  }
0x19: {  	s7 =	sld [smem:$0x3F9F]  }
0x1a: {  	s8 =	sadd.s32 $0xFFFFE003, lr  }
0x1b: {  	s9 =	sadd.s32 $0xFFFFFEF7, lr;
	s5 =	simm.s32 $0xFFFFFFFF;
	p2 =	slt.u32 s8, $0xFFFFF086  }
0x1c: {  	p1 =	slt.u32 s9, $0xF7A;
	s5 =	simm.s32 @!p2 $0x0  }
0x1d: {  	s5 =	simm.s32 @p1 $0x1;
	p0 =	seq.s32 s7, s2  }
0x1e: {  	s7 =	smul.u32 @!p0 $0xF7A, s2;
	p2 =	seq.s32 @!p0 s5, $0x0  }
0x1f: {  	s9 =	smul.u32 $0xF7A, s1;
	s8 =	simm.s32 @!p0 $0x1BF5;
	p2 =	por !p2, p0  }
0x20: {  	[sflag:s8] =	ssyncset.s32 @!p0 $0xFFFFF086;
	s6 =	sadd.s32 @!p0 s3, s7;
	s7 =	simm.s32 @!p0 $0x108  }
0x21: {  	s3 =	sadd.s32 s3, s9;
	s6 =	sadd.s32 @!p0 $0x88, s6;
	s7 =	simm.s32 @p2 $0x1082  }
0x22: {  	[simem:s7], [sflag:s8] =	dma.local @!p0 [hbm:s6], $0xF7A  }
0x23: {  	s9 =	sor.u32 $0xD0000000, s2;
	s6 =	simm.s32 $0x108;
	_ =	swait.ge @!p0 [sflag:s8], $0x0  }
0x24: {  	s3 =	sadd.s32 $0x88, s3;
	s6 =	simm.s32 @!p1 $0x1082;
	[sflag:s4] =	ssyncset.s32 $0xFFFFF086  }
0x25: {  	[simem:s6], [sflag:s4] =	dma.local [hbm:s3], $0xF7A  }
0x26: {  	[smem:$0x3F9F] =	sst s1;
	(tag) =	ssettag s2;
	_ =	strace s9  }
0x27: {  	s1 =	sld [smem:$0x3FAF]  }
0x28: {  	s2 =	sld [smem:$0x3FB0]  }
0x29: {  	s4 =	sld [smem:$0x3FB2]  }
0x2a: {  	p0 =	seq.s32 s5, $0x0;
	s5 =	sld [smem:$0x3FB3]  }
0x2b: {  	s6 =	sld [smem:$0x3FB4]  }
0x2c: {  	s7 =	sld [smem:$0x3FB5]  }
0x2d: {  	s3 =	simm.s32 $0x108;
	s8 =	sld [smem:$0x3FB6]  }
0x2e: {  	s3 =	simm.s32 @!p0 $0x1082;
	s9 =	sld [smem:$0x3FB7]  }
0x2f: {  	lr =	sadd.s32 s0, s3;
	s0 =	sld [smem:$0x3FAE]  }
0x30: {  	s3 =	sld [smem:$0x3FB1]  }
0x31: {  	[smem:$0x3FBA] =	sst s10  }
0x32: {  	s10 =	sld [smem:$0x3FB8];
	_ =	sdelay $0x3  }
0x33: {  	p0 =	seq.s32 s10, $0x1;
	s10 =	sld [smem:$0x3FBA];
	_ =	sdelay $0x3  }
0x34: {  	[smem:$0x3FBA] =	sst s10  }
0x35: {  	s10 =	sld [smem:$0x3FB9];
	_ =	sdelay $0x3  }
0x36: {  	p1 =	seq.s32 s10, $0x1;
	s10 =	sld [smem:$0x3FBA];
	_ =	sdelay $0x3  }
0x37: {  	[smem:$0x3FBA] =	sst s10  }
0x38: {  	s10 =	sld [smem:$0x3FBB]  }
0x39: {  	_ = 	snop;
	(pc) =	sbr.ind lr, $3  }
0x3a: {  	_ = 	snop  }
0x3b: {  	_ = 	snop  }
0x3c: {  	p2 =	seq.s32 s10, $0x1;
	s10 =	sld [smem:$0x3FBA]  }
0x3d: {  	_ =	shalt  }
0x3e: {  	_ =	shalt  }
0x3f: {  	_ =	shalt  }
0x40: {  	_ =	shalt  }
0x41: {  	_ =	shalt  }
0x42: {  	_ =	shalt  }
0x43: {  	_ =	shalt  }
0x44: {  	_ =	shalt  }
0x45: {  	_ =	shalt  }
0x46: {  	_ =	shalt  }
0x47: {  	_ =	shalt  }
0x48: {  	_ =	shalt  }
0x49: {  	_ =	shalt  }
0x4a: {  	_ =	shalt  }
0x4b: {  	_ =	shalt  }
0x4c: {  	_ =	shalt  }
0x4d: {  	_ =	shalt  }
0x4e: {  	_ =	shalt  }
0x4f: {  	_ =	shalt  }
0x50: {  	_ =	shalt  }
0x51: {  	_ =	shalt  }
0x52: {  	_ =	shalt  }
0x53: {  	_ =	shalt  }
0x54: {  	_ =	shalt  }
0x55: {  	_ =	shalt  }
0x56: {  	_ =	shalt  }
0x57: {  	_ =	shalt  }
0x58: {  	_ =	shalt  }
0x59: {  	_ =	shalt  }
0x5a: {  	_ =	shalt  }
0x5b: {  	_ =	shalt  }
0x5c: {  	_ =	shalt  }
0x5d: {  	_ =	shalt  }
0x5e: {  	_ =	shalt  }
0x5f: {  	_ =	shalt  }
0x60: {  	_ =	shalt  }
0x61: {  	_ =	shalt  }
0x62: {  	_ =	shalt  }
0x63: {  	_ =	shalt  }
0x64: {  	_ =	shalt  }
0x65: {  	_ =	shalt  }
0x66: {  	_ =	shalt  }
0x67: {  	_ =	shalt  }
0x68: {  	_ =	shalt  }
0x69: {  	_ =	shalt  }
0x6a: {  	_ =	shalt  }
0x6b: {  	_ =	shalt  }
0x6c: {  	_ =	shalt  }
0x6d: {  	_ =	shalt  }
0x6e: {  	_ =	shalt  }
0x6f: {  	_ =	shalt  }
0x70: {  	_ =	shalt  }
0x71: {  	_ =	shalt  }
0x72: {  	_ =	shalt  }
0x73: {  	_ =	shalt  }
0x74: {  	_ =	shalt  }
0x75: {  	_ =	shalt  }
0x76: {  	_ =	shalt  }
0x77: {  	_ =	shalt  }
0x78: {  	_ =	shalt  }
0x79: {  	_ =	shalt  }
0x7a: {  	_ =	shalt  }
0x7b: {  	_ =	shalt  }
0x7c: {  	_ =	shalt  }
0x7d: {  	_ =	shalt  }
0x7e: {  	_ =	shalt  }
0x7f: {  	_ =	shalt  }
0x80: {  	_ =	shalt  }
0x81: {  	_ =	shalt  }
0x82: {  	_ =	shalt  }
0x83: {  	_ =	shalt  }
0x84: {  	_ =	shalt  }
0x85: {  	_ =	shalt  }
0x86: {  	_ =	shalt  }
0x87: {  	_ =	shalt  }
.Lfunc_end0:
.L_simem_size_0:
called_computation_lowered:
.L_overlay_start_0:
0x88: {  	s2 =	sld [smem:$0x3FD9]  }
0x89: {  	s3 =	sld [smem:$0x3FFE];
	_ =	sdelay $0x1  }
0x8a: {  	s1 =	srdreg.scid  }
0x8b: {  	s0 =	sand.u32 $0x1, s1  }
0x8c: {  	s17 =	sshll.u32 s0, $0xA;
	s2 =	sadd.s32 s3, s2  }
0x8d: {  	s2 =	sadd.s32 s2, s17  }
0x8e: {  	[smem:$0x3FC6] =	sst s2  }
0x8f: {  	_ = 	snop  }
0x90: {  	s2 =	sld [smem:$0x3FD0];
	(tm) =	ssettm $0x1  }
0x91: {  	s18 =	sld [smem:$0x3FFB];
	_ =	sdelay $0x3  }
0x92: {  	_ =	strace s18  }
0x93: {  	s3 =	sld [smem:$0x3FFC];
	_ =	sdelay $0x3  }
0x94: {  	_ =	strace s3  }
0x95: {  	s3 =	sld [smem:$0x3FFD];
	_ =	sdelay $0x3  }
0x96: {  	_ =	strace s3  }
0x97: {  	_ =	strace $0x8FFFFFFF  }
0x98: {  	s19 =	sld [smem:$0x3FDB];
	_ =	sdelay $0x1  }
0x99: {  	s4 =	simm.s32 $_scs_section_size  }
0x9a: {  	s5 =	simm.s32 $_size__tile_overlayer_lowered;
	s6 =	simm.s32 $_tile_overlayer_lowered  }
0x9b: {  	s22 =	simm.s32 $0x1BFF;
	s21 =	sshll.u32 s6, $0x1;
	s3 =	sadd.s32 s4, s19  }
0x9c: {  	s7 =	simm.s32 $0x0;
	s20 =	sshll.u32 s5, $0x1;
	s5 =	sadd.s32 s21, s3  }
0x9d: {  	[timem:s7], [sflag:s22] =	dma.local [hbm:s5], s20  }
0x9e: {  	_ =	swait.ge [sflag:s22], s20  }
0x9f: {  	s4 =	ssub.s32 $0x0, s20;
	[sflag:s22] =	ssyncset.done $0x0  }
0xa0: {  	[sflag:s22] =	ssyncadd.s32 s4;
	_ =	sdelay $0x1  }
0xa1: {  	s23 =	simm.s32 $0x1B8B  }
0xa2: {  	_ =	swait.ge [sflag:s23], $0x1  }
0xa3: {  	[sflag:s23] =	ssyncset.done $0x0  }
0xa4: {  	s25 =	simm.s32 $0x1B8E;
	s24 =	sld [smem:$0x3FFE];
	[sflag:s23] =	ssyncadd.s32 $0xFFFFFFFF  }
0xa5: {  	s26 =	simm.s32 $execute0_lowered;
	[smem:$0x3FD2] =	sst s25  }
0xa6: {  	s5 =	sshll.u32 s26, $0x1;
	_ =	strace $0x80000046;
	[dreg:$0x1] =	wrdreg $0xFFFFFFFF  }
0xa7: {  	s28 =	simm.s32 $_size_execute0_lowered;
	s3 =	sadd.s32 s3, s5;
	[dreg:$0x0] =	wrdreg $0x0  }
0xa8: {  	s5 =	sshll.u32 s28, $0x1;
	[dreg:$0x2] =	wrdreg s3  }
0xa9: {  	[dreg:$0x3] =	wrdreg s5  }
0xaa: {  	[dreg:$0x4] =	wrdreg $0xC0  }
0xab: {  	_ =	task [dreg:s7], $0x5FFFF  }
0xac: {  	[dreg:$0x1] =	wrdreg $0xFFFFFFFF  }
0xad: {  	[dreg:$0x0] =	wrdreg $0x60  }
0xae: {  	[dreg:$0x2] =	wrdreg s24  }
0xaf: {  	[dreg:$0x3] =	wrdreg s2  }
0xb0: {  	[dreg:$0x4] =	wrdreg $0x9  }
0xb1: {  	_ =	task.clear_ibuf [dreg:s7], $0x5FFFF;
	_ =	strace $0x90000046  }
0xb2: {  	s29 =	simm.s32 $0x9;
	_ =	strace $0x80000048  }
0xb3: {  	_ =	swait.ge [sflag:s29], $0x1  }
0xb4: {  	[sflag:s29] =	ssyncadd.s32 $0xFFFFFFFF  }
0xb5: {  	_ =	strace $0x90000048  }
0xb6: {  	_ =	sfence  }
0xb7: {  	s30 =	sld [smem:$0x0];
	_ =	sdelay $0x2  }
0xb8: {  	s31 =	sshll.u32 s1, $0xD;
	s1 =	sshrl.u32 s1, $0x2  }
0xb9: {  	s3 =	sand.u32 $0x4000, s31;
	s1 =	sadd.s32 s1, s30  }
0xba: {  	s0 =	sor.u32 s3, s0;
	s1 =	sshll.u32 s1, $0x11  }
0xbb: {  	s0 =	sor.u32 s1, s0  }
0xbc: {  	s0 =	sadd.s32 $0x8F2B, s0  }
0xbd: {  	[sflag:s0] =	ssyncadd.remote.s32 $0x1  }
0xbe: {  	_ =	sfence.sel $0xFFFF  }
0xbf: {  	[dreg:$0x0] =	wrdreg $0xFFFFFFFF;
	(pc) =	sbr.abs _section_cstart, $3  }
0xc0: {  	[dreg:$0x1] =	wrdreg $0xFFFFFFFF  }
0xc1: {  	_ =	task.clear_ibuf [dreg:s7], $0x2FFFF;
	_ =	strace $0x9FFFFFFF  }
0xc2: {  	(tm) =	ssettm $0x7FFFFFFF  }
0xc3: {  	_ =	shalt  }
tec
execute0_lowered:
.L_overlay_start_1:
0x0: {  	(tag) =	ssettag $0x1  }
0x1: {  	vm14 =	vcmask $0x300;
	v0 =	vimm.s32 $0xB80;
	vm13 =	vcmask $0x704  }
0x2: {  	vm12 =	vcmask $0xB08;
	vm10 =	vcmask $0xF0C;
	vm11 =	vcmask $0x1310  }
0x3: {  	vm9 =	vcmask $0x1714;
	vm7 =	vcmask $0x1B18;
	vm8 =	vcmask $0x1F1C  }
0x4: {  	vm6 =	vcmask $0x2320;
	vm4 =	vcmask $0x2724;
	vm5 =	vcmask $0x2B28  }
0x5: {  	vm3 =	vcmask $0x2F2C;
	vm1 =	vcmask $0x3330;
	v1 =	vimm.s32 $0x1B80  }
0x6: {  	vm2 =	vcmask $0x3734;
	v2 =	vimm.s32 $0x2B80;
	vm0 =	vcmask $0x3B38  }
0x7: {  	v5 =	vimm.s32 $0x3B80;
	v3 =	vimm.s32 $0xFEDCBA9;
	v35 =	vimm.s32 $0x1C1B1A19  }
0x8: {  	v36 =	vimm.s32 $0x101F1E1D;
	v37 =	vimm.s32 $0x0;
	v40 =	vimm.s32 $0x14131211  }
0x9: {  	v41 =	vimm.s32 $0x18171615;
	v43 =	vimm.s32 $0x2C2B2A29;
	v44 =	vimm.s32 $0x202F2E2D  }
0xa: {  	v46 =	vimm.s32 $0x24232221;
	v47 =	vimm.s32 $0x28272625;
	v49 =	vimm.s32 $0x3C3B3A39  }
0xb: {  	v50 =	vimm.s32 $0x303F3E3D;
	v52 =	vimm.s32 $0x34333231;
	v53 =	vimm.s32 $0x38373635  }
0xc: {  	v55 =	vimm.s32 $0x1000;
	v56 =	vimm.s32 $0x2000;
	v59 =	vimm.s32 $0x3000  }
0xd: {  	v60 =	vimm.s32 $0x80;
	v61 =	vimm.s32 $0x1080;
	v62 =	vimm.s32 $0x2080  }
0xe: {  	v8 =	vimm.s32 $0x1100;
	v9 =	vimm.s32 $0x2100;
	v10 =	vimm.s32 $0x3100  }
0xf: {  	v11 =	vimm.s32 $0x180;
	v12 =	vimm.s32 $0x1180;
	v13 =	vimm.s32 $0x2180  }
0x10: {  	v14 =	vimm.s32 $0x3180;
	v15 =	vimm.s32 $0x200;
	v16 =	vimm.s32 $0x1200  }
0x11: {  	v17 =	vimm.s32 $0x2200;
	v18 =	vimm.s32 $0x3200;
	v19 =	vimm.s32 $0x280  }
0x12: {  	v20 =	vimm.s32 $0x1280;
	v21 =	vimm.s32 $0x2280;
	v22 =	vimm.s32 $0x3280  }
0x13: {  	v23 =	vimm.s32 $0xFEDCBA98;
	v24 =	vimm.s32 $0x300;
	v25 =	vimm.s32 $0x76543210  }
0x14: {  	v26 =	vimm.s32 $0x1300;
	v27 =	vimm.s32 $0x2300;
	v28 =	vimm.s32 $0x3300  }
0x15: {  	v29 =	vimm.s32 $0x380;
	v30 =	vimm.s32 $0x3380;
	v31 =	vimm.s32 $0x800  }
0x16: {  	v0 =	vsel vm14, $0x0, v0;
	v1 =	vsel vm14, $0x1000, v1;
	v2 =	vsel vm14, $0x2000, v2  }
0x17: {  	v3 =	vunpack.c.l.s4.s8 v3;
	v38 =	vunpack.c.0.s8.s32 v36;
	v39 =	vsel vm14, $0x80, v37  }
0x18: {  	v42 =	vunpack.c.0.s8.s32 v41;
	v45 =	vunpack.c.0.s8.s32 v44;
	v48 =	vunpack.c.0.s8.s32 v47  }
0x19: {  	v51 =	vunpack.c.0.s8.s32 v50;
	v54 =	vunpack.c.0.s8.s32 v53;
	v8 =	vsel vm14, $0x1180, v8  }
0x1a: {  	v9 =	vsel vm14, $0x2180, v9;
	v10 =	vsel vm14, $0x3180, v10;
	v11 =	vsel vm14, $0x200, v11  }
0x1b: {  	v12 =	vsel vm14, $0x1200, v12;
	v13 =	vsel vm14, $0x2200, v13;
	v14 =	vsel vm14, $0x3200, v14  }
0x1c: {  	v15 =	vsel vm14, $0x280, v15;
	v16 =	vsel vm14, $0x1280, v16;
	v17 =	vsel vm14, $0x2280, v17  }
0x1d: {  	v18 =	vsel vm14, $0x3280, v18;
	v19 =	vsel vm14, $0x300, v19;
	v20 =	vsel vm14, $0x1300, v20  }
0x1e: {  	v21 =	vsel vm14, $0x2300, v21;
	v22 =	vsel vm14, $0x3300, v22;
	v23 =	vunpack.c.l.s4.s8 v23  }
0x1f: {  	v24 =	vsel vm14, $0x380, v24;
	v25 =	vunpack.c.l.s4.s8 v25;
	v26 =	vsel vm14, $0x1380, v26  }
0x20: {  	v27 =	vsel vm14, $0x2380, v27;
	v28 =	vsel vm14, $0x3380, v28;
	v30 =	vsel vm14, $0x3800, v30  }
0x21: {  	v31 =	vsel vm14, $0x880, v31;
	v36 =	vimm.s32 $0x1880;
	v37 =	vimm.s32 $0x2880  }
0x22: {  	v41 =	vimm.s32 $0x2900;
	v44 =	vimm.s32 $0x1980;
	v47 =	vimm.s32 $0xA00  }
0x23: {  	v50 =	vimm.s32 $0x3A00;
	v53 =	vimm.s32 $0x2A80;
	v0 =	vsel vm13, $0x80, v0  }
0x24: {  	v1 =	vsel vm13, $0x1080, v1;
	v4 =	vsel vm13, $0x2080, v2;
	v2 =	vsel vm14, $0x3000, v5  }
0x25: {  	v36 =	vsel vm14, $0x1900, v36;
	v37 =	vsel vm14, $0x2900, v37;
	v41 =	vsel vm14, $0x2980, v41  }
0x26: {  	v44 =	vsel vm14, $0x1A00, v44;
	v47 =	vsel vm14, $0xA80, v47;
	v50 =	vsel vm14, $0x3A80, v50  }
0x27: {  	v53 =	vsel vm14, $0x2B00, v53;
	v8 =	vsel vm13, $0x1200, v8;
	v9 =	vsel vm13, $0x2200, v9  }
0x28: {  	v10 =	vsel vm13, $0x3200, v10;
	v11 =	vsel vm13, $0x280, v11;
	v12 =	vsel vm13, $0x1280, v12  }
0x29: {  	v13 =	vsel vm13, $0x2280, v13;
	v14 =	vsel vm13, $0x3280, v14;
	v15 =	vsel vm13, $0x300, v15  }
0x2a: {  	v16 =	vsel vm13, $0x1300, v16;
	v17 =	vsel vm13, $0x2300, v17;
	v18 =	vsel vm13, $0x3300, v18  }
0x2b: {  	v19 =	vsel vm13, $0x380, v19;
	v20 =	vsel vm13, $0x1380, v20;
	v21 =	vsel vm13, $0x2380, v21  }
0x2c: {  	v22 =	vsel vm13, $0x3380, v22;
	v24 =	vsel vm13, $0x800, v24;
	v26 =	vsel vm13, $0x1800, v26  }
0x2d: {  	v27 =	vsel vm13, $0x2800, v27;
	v28 =	vsel vm13, $0x3800, v28;
	v30 =	vsel vm13, $0x3880, v30;
	[tilespmem:$0x1FA70] =	vst v38  }
0x2e: {  	v31 =	vsel vm13, $0x900, v31;
	v0 =	vsel vm12, $0x100, v0;
	v1 =	vsel vm12, $0x1100, v1;
	[tilespmem:$0x1FAF0] =	vst v42  }
0x2f: {  	v2 =	vsel vm13, $0x3080, v2;
	v5 =	vunpack.c.0.s8.s32 v3;
	[tilespmem:$0x1FB10] =	vst v45;
	v23 =	vunpack.c.0.s8.s32 v23  }
0x30: {  	[tilespmem:$0x1FB30] =	vst v48;
	v25 =	vunpack.c.0.s8.s32 v25;
	v38 =	vimm.s32 $0x3880;
	v42 =	vimm.s32 $0x3900  }
0x31: {  	[tilespmem:$0x1FB60] =	vst v51;
	v45 =	vimm.s32 $0x2980;
	v48 =	vimm.s32 $0x1A00;
	v51 =	vimm.s32 $0xA80  }
0x32: {  	[tilespmem:$0x1F7C0] =	vst v54;
	v54 =	vimm.s32 $0x3A80;
	v36 =	vsel vm13, $0x1980, v36;
	v37 =	vsel vm13, $0x2980, v37  }
0x33: {  	v41 =	vsel vm13, $0x2A00, v41;
	v44 =	vsel vm13, $0x1A80, v44;
	v47 =	vsel vm13, $0xB00, v47  }
0x34: {  	v50 =	vsel vm13, $0x3B00, v50;
	v53 =	vsel vm13, $0x2B80, v53;
	v0 =	vsel vm10, $0x180, v0  }
0x35: {  	v63 =	vsel vm10, $0x1180, v1;
	v1 =	vsel vm12, $0x2100, v4;
	v2 =	vsel vm12, $0x3100, v2  }
0x36: {  	v4 =	vimm.s32 $0x87654321;
	v38 =	vsel vm14, $0x3900, v38;
	v42 =	vsel vm14, $0x3980, v42  }
0x37: {  	v45 =	vsel vm14, $0x2A00, v45;
	v48 =	vsel vm14, $0x1A80, v48;
	v51 =	vsel vm14, $0xB00, v51  }
0x38: {  	v54 =	vsel vm14, $0x3B00, v54;
	v0 =	vsel vm11, $0x200, v0;
	v1 =	vsel vm10, $0x2180, v1  }
0x39: {  	v2 =	vsel vm10, $0x3180, v2;
	v4 =	vunpack.c.l.s4.s8 v4;
	v23 =	vand.u32 $0xF, v23  }
0x3a: {  	v38 =	vsel vm13, $0x3980, v38;
	v42 =	vsel vm13, $0x3A00, v42;
	v45 =	vsel vm13, $0x2A80, v45  }
0x3b: {  	v48 =	vsel vm13, $0x1B00, v48;
	v51 =	vsel vm13, $0xB80, v51;
	v54 =	vsel vm13, $0x3B80, v54  }
0x3c: {  	v0 =	vsel vm9, $0x280, v0;
	v1 =	vsel vm11, $0x2200, v1;
	v2 =	vsel vm11, $0x3200, v2  }
0x3d: {  	v23 =	vcombine.low v23, v25;
	v25 =	vimm.s32 $0x1380;
	v0 =	vsel vm7, $0x300, v0  }
0x3e: {  	v1 =	vsel vm9, $0x2280, v1;
	v2 =	vsel vm9, $0x3280, v2;
	v6 =	vunpack.c.0.s8.s32 v4  }
0x3f: {  	v25 =	vsel vm14, $0x1800, v25;
	v0 =	vsel vm8, $0x380, v0;
	v1 =	vsel vm7, $0x2300, v1  }
0x40: {  	v2 =	vsel vm7, $0x3300, v2;
	[tilespmem:$0x1F720] =	vst v23;
	v23 =	vsel vm14, $0x800, v29;
	v29 =	vimm.s32 $0x2380  }
0x41: {  	v25 =	vsel vm13, $0x1880, v25;
	v0 =	vsel vm6, $0x800, v0;
	v1 =	vsel vm8, $0x2380, v1  }
0x42: {  	[tilespmem:$0x1F6C0] =	vst v5;
	v2 =	vsel vm8, $0x3380, v2;
	v3 =	vcombine.low v6, v5;
	v5 =	vsel vm14, $0x2100, v62  }
0x43: {  	[tilespmem:$0x1F6B0] =	vst v6;
	v6 =	vimm.s32 $0x3080;
	v29 =	vsel vm14, $0x2800, v29;
	v23 =	vsel vm13, $0x880, v23  }
0x44: {  	v25 =	vsel vm12, $0x1900, v25;
	v0 =	vsel vm4, $0x880, v0;
	v1 =	vsel vm6, $0x2800, v1  }
0x45: {  	v2 =	vsel vm6, $0x3800, v2;
	v6 =	vsel vm14, $0x3100, v6;
	v5 =	vsel vm13, $0x2180, v5  }
0x46: {  	v29 =	vsel vm13, $0x2880, v29;
	v23 =	vsel vm12, $0x900, v23;
	v25 =	vsel vm10, $0x1980, v25  }
0x47: {  	v0 =	vsel vm5, $0x900, v0;
	v1 =	vsel vm4, $0x2880, v1;
	v2 =	vsel vm4, $0x3880, v2  }
0x48: {  	v34 =	vand.u32 $0xF, v3;
	v3 =	vsel vm14, $0x1100, v61;
	v6 =	vsel vm13, $0x3180, v6  }
0x49: {  	v23 =	vsel vm10, $0x980, v23;
	v25 =	vsel vm11, $0x1A00, v25;
	v0 =	vsel vm3, $0x980, v0  }
0x4a: {  	v1 =	vsel vm5, $0x2900, v1;
	v2 =	vsel vm5, $0x3900, v2;
	[tilespmem:$0x1F700] =	vst v34;
	v34 =	vimm.s32 $0x3800  }
0x4b: {  	v3 =	vsel vm13, $0x1180, v3;
	v23 =	vsel vm11, $0xA00, v23;
	v25 =	vsel vm9, $0x1A80, v25  }
0x4c: {  	v0 =	vsel vm1, $0xA00, v0;
	v1 =	vsel vm3, $0x2980, v1;
	v2 =	vsel vm3, $0x3980, v2  }
0x4d: {  	v34 =	vsel vm14, $0x3880, v34;
	v23 =	vsel vm9, $0xA80, v23;
	v25 =	vsel vm7, $0x1B00, v25  }
0x4e: {  	v0 =	vsel vm2, $0xA80, v0;
	v1 =	vsel vm1, $0x2A00, v1;
	v2 =	vsel vm1, $0x3A00, v2  }
0x4f: {  	v34 =	vsel vm13, $0x3900, v34;
	v23 =	vsel vm7, $0xB00, v23;
	v25 =	vsel vm8, $0x1B80, v25  }
0x50: {  	v0 =	vsel vm0, $0xB00, v0;
	v7 =	vsel vm2, $0x2A80, v1;
	v32 =	vsel vm2, $0x3A80, v2  }
0x51: {  	v1 =	vunpack.c.0.s8.s32 v40;
	v2 =	vsel vm14, $0x2080, v56;
	v40 =	vimm.s32 $0x1900  }
0x52: {  	v56 =	vimm.s32 $0x1B00;
	v23 =	vsel vm8, $0xB80, v23;
	v25 =	vsel vm6, $0x1000, v25  }
0x53: {  	[tilespmem:$0x1F6A0] =	vst v0;
	v0 =	vsel vm11, $0x1200, v63;
	v33 =	vsel vm0, $0x3B00, v32;
	v2 =	vsel vm13, $0x2100, v2  }
0x54: {  	v32 =	vimm.s32 $0x1800;
	v40 =	vsel vm14, $0x1980, v40;
	v56 =	vsel vm14, $0x1B80, v56  }
0x55: {  	v23 =	vsel vm6, $0x0, v23;
	v25 =	vsel vm4, $0x1080, v25;
	v0 =	vsel vm9, $0x1280, v0  }
0x56: {  	[tilespmem:$0x1FAE0] =	vst v1;
	v1 =	vunpack.c.0.s8.s32 v43;
	v58 =	vsel vm12, $0x2180, v2;
	v2 =	vsel vm14, $0x3080, v59  }
0x57: {  	[tilespmem:$0x1F6F0] =	vst v33;
	v33 =	vimm.s32 $0x2800;
	v32 =	vsel vm14, $0x1880, v32;
	v43 =	vimm.s32 $0x980  }
0x58: {  	v59 =	vimm.s32 $0x10FEDCBA;
	v40 =	vsel vm13, $0x1A00, v40;
	v56 =	vsel vm13, $0x1000, v56  }
0x59: {  	v23 =	vsel vm4, $0x80, v23;
	v25 =	vsel vm5, $0x1100, v25;
	v0 =	vsel vm7, $0x1300, v0  }
0x5a: {  	v2 =	vsel vm13, $0x3100, v2;
	v33 =	vsel vm14, $0x2880, v33;
	v43 =	vsel vm14, $0xA00, v43  }
0x5b: {  	v59 =	vunpack.c.l.s4.s8 v59;
	v32 =	vsel vm13, $0x1900, v32;
	v62 =	vsel vm12, $0x1080, v56  }
0x5c: {  	v23 =	vsel vm5, $0x100, v23;
	v25 =	vsel vm3, $0x1180, v25;
	v0 =	vsel vm8, $0x1380, v0  }
0x5d: {  	[tilespmem:$0x1FB00] =	vst v1;
	v1 =	vunpack.c.0.s8.s32 v46;
	v2 =	vsel vm12, $0x3180, v2;
	v46 =	vimm.s32 $0x3980  }
0x5e: {  	v33 =	vsel vm13, $0x2900, v33;
	v43 =	vsel vm13, $0xA80, v43;
	v23 =	vsel vm3, $0x180, v23  }
0x5f: {  	v0 =	vsel vm6, $0x1800, v0;
	v2 =	vsel vm10, $0x3200, v2;
	v46 =	vsel vm14, $0x3A00, v46  }
0x60: {  	v59 =	vunpack.c.0.s8.s32 v59;
	v0 =	vsel vm4, $0x1880, v0;
	[tilespmem:$0x1FB20] =	vst v1;
	v1 =	vunpack.c.0.s8.s32 v49  }
0x61: {  	v2 =	vsel vm11, $0x3280, v2;
	v49 =	vimm.s32 $0x2A00;
	v46 =	vsel vm13, $0x3A80, v46  }
0x62: {  	v0 =	vsel vm5, $0x1900, v0;
	v2 =	vsel vm9, $0x3300, v2;
	v49 =	vsel vm14, $0x2A80, v49  }
0x63: {  	v0 =	vsel vm3, $0x1980, v0;
	[tilespmem:$0x1FB40] =	vst v1;
	v1 =	vunpack.c.0.s8.s32 v52;
	v2 =	vsel vm7, $0x3380, v2  }
0x64: {  	v52 =	vimm.s32 $0x1A80;
	v49 =	vsel vm13, $0x2B00, v49;
	v0 =	vsel vm1, $0x1A00, v0  }
0x65: {  	v2 =	vsel vm8, $0x3800, v2;
	v52 =	vsel vm14, $0x1B00, v52;
	v0 =	vsel vm2, $0x1A80, v0  }
0x66: {  	[tilespmem:$0x1F7E0] =	vst v1;
	v1 =	vsel vm14, $0x1080, v55;
	v2 =	vsel vm6, $0x3880, v2;
	v55 =	vimm.s32 $0xB00  }
0x67: {  	v52 =	vsel vm13, $0x1B80, v52;
	v0 =	vsel vm0, $0x1B00, v0;
	v1 =	vsel vm13, $0x1100, v1  }
0x68: {  	v4 =	vsel vm4, $0x3900, v2;
	v2 =	vsel vm14, $0x100, v60;
	v55 =	vsel vm14, $0xB80, v55  }
0x69: {  	v60 =	vimm.s32 $0x98765432;
	[tilespmem:$0x1F6D0] =	vst v0;
	v0 =	vsel vm0, $0x2B00, v7;
	v57 =	vsel vm12, $0x1180, v1  }
0x6a: {  	v1 =	vsel vm10, $0x2200, v58;
	v7 =	vimm.s32 $0x100;
	v58 =	vimm.s32 $0x3B00  }
0x6b: {  	v4 =	vsel vm5, $0x3980, v4;
	v60 =	vunpack.c.l.s4.s8 v60;
	v2 =	vsel vm13, $0x180, v2  }
0x6c: {  	v55 =	vsel vm13, $0x0, v55;
	[tilespmem:$0x1F6E0] =	vst v0;
	v0 =	vunpack.c.0.s8.s32 v35;
	v1 =	vsel vm11, $0x2280, v1  }
0x6d: {  	v7 =	vsel vm14, $0x180, v7;
	v35 =	vimm.s32 $0x880;
	v58 =	vsel vm14, $0x3B80, v58  }
0x6e: {  	v4 =	vsel vm3, $0x3A00, v4;
	v61 =	vsel vm12, $0x200, v2;
	v2 =	vsel vm12, $0x2200, v5  }
0x6f: {  	v5 =	vsel vm12, $0x1280, v8;
	v8 =	vsel vm12, $0x300, v11;
	v11 =	vsel vm12, $0x3300, v14  }
0x70: {  	v14 =	vsel vm12, $0x2380, v17;
	v17 =	vsel vm12, $0x1800, v20;
	v20 =	vsel vm12, $0x880, v24  }
0x71: {  	v24 =	vsel vm12, $0x3880, v28;
	v28 =	vsel vm12, $0x980, v31;
	v31 =	vsel vm12, $0x3980, v34  }
0x72: {  	v34 =	vsel vm12, $0x2A00, v37;
	v37 =	vsel vm12, $0x1A80, v40;
	v40 =	vsel vm12, $0xB00, v43  }
0x73: {  	v43 =	vsel vm12, $0x3B00, v46;
	v46 =	vsel vm12, $0x2B80, v49;
	v49 =	vsel vm12, $0x1000, v52  }
0x74: {  	v52 =	vsel vm12, $0x80, v55;
	v1 =	vsel vm9, $0x2300, v1;
	v35 =	vsel vm14, $0x900, v35  }
0x75: {  	v4 =	vsel vm1, $0x3A80, v4;
	v60 =	vunpack.c.0.s8.s32 v60;
	v7 =	vsel vm13, $0x200, v7  }
0x76: {  	v58 =	vsel vm13, $0x3000, v58;
	v2 =	vsel vm10, $0x2280, v2;
	v5 =	vsel vm10, $0x1300, v5  }
0x77: {  	v8 =	vsel vm10, $0x380, v8;
	v11 =	vsel vm10, $0x3380, v11;
	v14 =	vsel vm10, $0x2800, v14  }
0x78: {  	v17 =	vsel vm10, $0x1880, v17;
	v20 =	vsel vm10, $0x900, v20;
	v24 =	vsel vm10, $0x3900, v24  }
0x79: {  	v28 =	vsel vm10, $0xA00, v28;
	v31 =	vsel vm10, $0x3A00, v31;
	v34 =	vsel vm10, $0x2A80, v34  }
0x7a: {  	v37 =	vsel vm10, $0x1B00, v37;
	v40 =	vsel vm10, $0xB80, v40;
	v43 =	vsel vm10, $0x3B80, v43  }
0x7b: {  	v46 =	vsel vm10, $0x2000, v46;
	v49 =	vsel vm10, $0x1080, v49;
	v52 =	vsel vm10, $0x100, v52  }
0x7c: {  	[tilespmem:$0x1FA50] =	vst v0;
	v0 =	vsel vm13, $0x100, v39;
	v1 =	vsel vm7, $0x2380, v1;
	v39 =	vimm.s32 $0x900  }
0x7d: {  	v35 =	vsel vm13, $0x980, v35;
	v4 =	vsel vm2, $0x3B00, v4;
	v2 =	vsel vm11, $0x2300, v2  }
0x7e: {  	v5 =	vsel vm11, $0x1380, v5;
	v8 =	vsel vm11, $0x800, v8;
	v11 =	vsel vm11, $0x3800, v11  }
0x7f: {  	v14 =	vsel vm11, $0x2880, v14;
	v17 =	vsel vm11, $0x1900, v17;
	v20 =	vsel vm11, $0x980, v20  }
0x80: {  	v24 =	vsel vm11, $0x3980, v24;
	v28 =	vsel vm11, $0xA80, v28;
	v31 =	vsel vm11, $0x3A80, v31  }
0x81: {  	v34 =	vsel vm11, $0x2B00, v34;
	v37 =	vsel vm11, $0x1B80, v37;
	v40 =	vsel vm11, $0x0, v40  }
0x82: {  	v43 =	vsel vm11, $0x3000, v43;
	v46 =	vsel vm11, $0x2080, v46;
	v49 =	vsel vm11, $0x1100, v49  }
0x83: {  	v52 =	vsel vm11, $0x180, v52;
	v0 =	vsel vm12, $0x180, v0;
	v1 =	vsel vm8, $0x2800, v1  }
0x84: {  	[tilespmem:$0x1F730] =	vst v59;
	v39 =	vsel vm14, $0x980, v39;
	v59 =	vcombine.low v60, v59;
	v2 =	vsel vm9, $0x2380, v2  }
0x85: {  	v5 =	vsel vm9, $0x1800, v5;
	v8 =	vsel vm9, $0x880, v8;
	v11 =	vsel vm9, $0x3880, v11  }
0x86: {  	v14 =	vsel vm9, $0x2900, v14;
	v17 =	vsel vm9, $0x1980, v17;
	v20 =	vsel vm9, $0xA00, v20  }
0x87: {  	v24 =	vsel vm9, $0x3A00, v24;
	v28 =	vsel vm9, $0xB00, v28;
	v31 =	vsel vm9, $0x3B00, v31  }
0x88: {  	v34 =	vsel vm9, $0x2B80, v34;
	v37 =	vsel vm9, $0x1000, v37;
	v40 =	vsel vm9, $0x80, v40  }
0x89: {  	v43 =	vsel vm9, $0x3080, v43;
	v46 =	vsel vm9, $0x2100, v46;
	v49 =	vsel vm9, $0x1180, v49  }
0x8a: {  	v52 =	vsel vm9, $0x200, v52;
	v0 =	vsel vm10, $0x200, v0;
	v1 =	vsel vm6, $0x2880, v1  }
0x8b: {  	v39 =	vsel vm13, $0xA00, v39;
	v2 =	vsel vm7, $0x2800, v2;
	v5 =	vsel vm7, $0x1880, v5  }
0x8c: {  	v8 =	vsel vm7, $0x900, v8;
	v11 =	vsel vm7, $0x3900, v11;
	v14 =	vsel vm7, $0x2980, v14  }
0x8d: {  	v17 =	vsel vm7, $0x1A00, v17;
	v20 =	vsel vm7, $0xA80, v20;
	v24 =	vsel vm7, $0x3A80, v24  }
0x8e: {  	v28 =	vsel vm7, $0xB80, v28;
	v31 =	vsel vm7, $0x3B80, v31;
	v34 =	vsel vm7, $0x2000, v34  }
0x8f: {  	v37 =	vsel vm7, $0x1080, v37;
	v40 =	vsel vm7, $0x100, v40;
	v43 =	vsel vm7, $0x3100, v43  }
0x90: {  	v46 =	vsel vm7, $0x2180, v46;
	v49 =	vsel vm7, $0x1200, v49;
	v52 =	vsel vm7, $0x280, v52  }
0x91: {  	[tilespmem:$0x1F740] =	vst v60;
	v0 =	vsel vm11, $0x280, v0;
	v1 =	vsel vm4, $0x2900, v1;
	v60 =	vand.u32 $0xF, v59  }
0x92: {  	v2 =	vsel vm8, $0x2880, v2;
	v5 =	vsel vm8, $0x1900, v5;
	v8 =	vsel vm8, $0x980, v8  }
0x93: {  	v11 =	vsel vm8, $0x3980, v11;
	v14 =	vsel vm8, $0x2A00, v14;
	v17 =	vsel vm8, $0x1A80, v17  }
0x94: {  	v20 =	vsel vm8, $0xB00, v20;
	v24 =	vsel vm8, $0x3B00, v24;
	v28 =	vsel vm8, $0x0, v28  }
0x95: {  	v31 =	vsel vm8, $0x3000, v31;
	v34 =	vsel vm8, $0x2080, v34;
	v37 =	vsel vm8, $0x1100, v37  }
0x96: {  	v40 =	vsel vm8, $0x180, v40;
	v43 =	vsel vm8, $0x3180, v43;
	v46 =	vsel vm8, $0x2200, v46  }
0x97: {  	v49 =	vsel vm8, $0x1280, v49;
	v52 =	vsel vm8, $0x300, v52;
	v0 =	vsel vm9, $0x300, v0  }
0x98: {  	v1 =	vsel vm5, $0x2980, v1;
	[tilespmem:$0x1F780] =	vst v60;
	v60 =	vsel vm12, $0x3080, v58;
	v2 =	vsel vm6, $0x2900, v2  }
0x99: {  	v5 =	vsel vm6, $0x1980, v5;
	v8 =	vsel vm6, $0xA00, v8;
	v11 =	vsel vm6, $0x3A00, v11  }
0x9a: {  	v14 =	vsel vm6, $0x2A80, v14;
	v17 =	vsel vm6, $0x1B00, v17;
	v20 =	vsel vm6, $0xB80, v20  }
0x9b: {  	v24 =	vsel vm6, $0x3B80, v24;
	v28 =	vsel vm6, $0x80, v28;
	v31 =	vsel vm6, $0x3080, v31  }
0x9c: {  	v34 =	vsel vm6, $0x2100, v34;
	v37 =	vsel vm6, $0x1180, v37;
	v40 =	vsel vm6, $0x200, v40  }
0x9d: {  	v43 =	vsel vm6, $0x3200, v43;
	v46 =	vsel vm6, $0x2280, v46;
	v49 =	vsel vm6, $0x1300, v49  }
0x9e: {  	v52 =	vsel vm6, $0x380, v52;
	v0 =	vsel vm7, $0x380, v0;
	v1 =	vsel vm3, $0x2A00, v1  }
0x9f: {  	v55 =	vsel vm10, $0x3100, v60;
	v2 =	vsel vm4, $0x2980, v2;
	v5 =	vsel vm4, $0x1A00, v5  }
0xa0: {  	v8 =	vsel vm4, $0xA80, v8;
	v11 =	vsel vm4, $0x3A80, v11;
	v14 =	vsel vm4, $0x2B00, v14  }
0xa1: {  	v17 =	vsel vm4, $0x1B80, v17;
	v20 =	vsel vm4, $0x0, v20;
	v24 =	vsel vm4, $0x3000, v24  }
0xa2: {  	v28 =	vsel vm4, $0x100, v28;
	v31 =	vsel vm4, $0x3100, v31;
	v34 =	vsel vm4, $0x2180, v34  }
0xa3: {  	v37 =	vsel vm4, $0x1200, v37;
	v40 =	vsel vm4, $0x280, v40;
	v43 =	vsel vm4, $0x3280, v43  }
0xa4: {  	v46 =	vsel vm4, $0x2300, v46;
	v49 =	vsel vm4, $0x1380, v49;
	v52 =	vsel vm4, $0x800, v52  }
0xa5: {  	v0 =	vsel vm8, $0x800, v0;
	v1 =	vsel vm1, $0x2A80, v1;
	v55 =	vsel vm11, $0x3180, v55  }
0xa6: {  	v2 =	vsel vm5, $0x2A00, v2;
	v5 =	vsel vm5, $0x1A80, v5;
	v8 =	vsel vm5, $0xB00, v8  }
0xa7: {  	v11 =	vsel vm5, $0x3B00, v11;
	v14 =	vsel vm5, $0x2B80, v14;
	v17 =	vsel vm5, $0x1000, v17  }
0xa8: {  	v20 =	vsel vm5, $0x80, v20;
	v24 =	vsel vm5, $0x3080, v24;
	v28 =	vsel vm5, $0x180, v28  }
0xa9: {  	v31 =	vsel vm5, $0x3180, v31;
	v34 =	vsel vm5, $0x2200, v34;
	v37 =	vsel vm5, $0x1280, v37  }
0xaa: {  	v40 =	vsel vm5, $0x300, v40;
	v43 =	vsel vm5, $0x3300, v43;
	v46 =	vsel vm5, $0x2380, v46  }
0xab: {  	v49 =	vsel vm5, $0x1800, v49;
	v52 =	vsel vm5, $0x880, v52;
	v0 =	vsel vm6, $0x880, v0  }
0xac: {  	v1 =	vsel vm2, $0x2B00, v1;
	v55 =	vsel vm9, $0x3200, v55;
	v2 =	vsel vm3, $0x2A80, v2  }
0xad: {  	v5 =	vsel vm3, $0x1B00, v5;
	v8 =	vsel vm3, $0xB80, v8;
	v11 =	vsel vm3, $0x3B80, v11  }
0xae: {  	v14 =	vsel vm3, $0x2000, v14;
	v17 =	vsel vm3, $0x1080, v17;
	v20 =	vsel vm3, $0x100, v20  }
0xaf: {  	v24 =	vsel vm3, $0x3100, v24;
	v28 =	vsel vm3, $0x200, v28;
	v31 =	vsel vm3, $0x3200, v31  }
0xb0: {  	v34 =	vsel vm3, $0x2280, v34;
	v37 =	vsel vm3, $0x1300, v37;
	v40 =	vsel vm3, $0x380, v40  }
0xb1: {  	v43 =	vsel vm3, $0x3380, v43;
	v46 =	vsel vm3, $0x2800, v46;
	v49 =	vsel vm3, $0x1880, v49  }
0xb2: {  	v52 =	vsel vm3, $0x900, v52;
	v0 =	vsel vm4, $0x900, v0;
	v63 =	vsel vm0, $0x2B80, v1  }
0xb3: {  	v1 =	vsel vm12, $0x1200, v3;
	v3 =	vsel vm12, $0x3200, v6;
	v6 =	vsel vm12, $0x2280, v9  }
0xb4: {  	v9 =	vsel vm12, $0x1300, v12;
	v12 =	vsel vm12, $0x380, v15;
	v15 =	vsel vm12, $0x3380, v18  }
0xb5: {  	v18 =	vsel vm12, $0x2800, v21;
	v21 =	vsel vm12, $0x1880, v26;
	v26 =	vsel vm12, $0x2900, v29  }
0xb6: {  	v29 =	vsel vm12, $0x1980, v32;
	v32 =	vsel vm12, $0xA00, v35;
	v35 =	vsel vm12, $0x3A00, v38  }
0xb7: {  	v38 =	vsel vm12, $0x2A80, v41;
	v41 =	vsel vm12, $0x1B00, v44;
	v44 =	vsel vm12, $0xB80, v47  }
0xb8: {  	v47 =	vsel vm12, $0x3B80, v50;
	v50 =	vsel vm12, $0x2000, v53;
	v53 =	vsel vm10, $0x1100, v62  }
0xb9: {  	v62 =	vimm.s32 $0x11101F1E;
	v55 =	vsel vm7, $0x3280, v55;
	v37 =	vsel vm1, $0x1380, v37  }
0xba: {  	v49 =	vsel vm1, $0x1900, v49;
	v52 =	vsel vm1, $0x980, v52;
	v0 =	vsel vm5, $0x980, v0  }
0xbb: {  	v1 =	vsel vm10, $0x1280, v1;
	v3 =	vsel vm10, $0x3280, v3;
	v6 =	vsel vm10, $0x2300, v6  }
0xbc: {  	v9 =	vsel vm10, $0x1380, v9;
	v12 =	vsel vm10, $0x800, v12;
	v15 =	vsel vm10, $0x3800, v15  }
0xbd: {  	v18 =	vsel vm10, $0x2880, v18;
	v21 =	vsel vm10, $0x1900, v21;
	v26 =	vsel vm10, $0x2980, v26  }
0xbe: {  	v29 =	vsel vm10, $0x1A00, v29;
	v32 =	vsel vm10, $0xA80, v32;
	v35 =	vsel vm10, $0x3A80, v35  }
0xbf: {  	v38 =	vsel vm10, $0x2B00, v38;
	v41 =	vsel vm10, $0x1B80, v41;
	v44 =	vsel vm10, $0x0, v44  }
0xc0: {  	v47 =	vsel vm10, $0x3000, v47;
	v50 =	vsel vm10, $0x2080, v50;
	v53 =	vsel vm11, $0x1180, v53  }
0xc1: {  	v56 =	vunpack.c.0.s8.s32 v62;
	v55 =	vsel vm8, $0x3300, v55;
	v62 =	vimm.s32 $0x2D2C2B2A  }
0xc2: {  	v0 =	vsel vm3, $0xA00, v0;
	v1 =	vsel vm11, $0x1300, v1;
	v3 =	vsel vm11, $0x3300, v3  }
0xc3: {  	v6 =	vsel vm11, $0x2380, v6;
	v9 =	vsel vm11, $0x1800, v9;
	v12 =	vsel vm11, $0x880, v12  }
0xc4: {  	v15 =	vsel vm11, $0x3880, v15;
	v18 =	vsel vm11, $0x2900, v18;
	v21 =	vsel vm11, $0x1980, v21  }
0xc5: {  	v26 =	vsel vm11, $0x2A00, v26;
	v29 =	vsel vm11, $0x1A80, v29;
	v32 =	vsel vm11, $0xB00, v32  }
0xc6: {  	v35 =	vsel vm11, $0x3B00, v35;
	v38 =	vsel vm11, $0x2B80, v38;
	v41 =	vsel vm11, $0x1000, v41  }
0xc7: {  	v44 =	vsel vm11, $0x80, v44;
	v47 =	vsel vm11, $0x3080, v47;
	v50 =	vsel vm11, $0x2100, v50  }
0xc8: {  	v53 =	vsel vm9, $0x1200, v53;
	v55 =	vsel vm6, $0x3380, v55;
	v0 =	vsel vm1, $0xA80, v0  }
0xc9: {  	v1 =	vsel vm9, $0x1380, v1;
	v3 =	vsel vm9, $0x3380, v3;
	v6 =	vsel vm9, $0x2800, v6  }
0xca: {  	v9 =	vsel vm9, $0x1880, v9;
	v12 =	vsel vm9, $0x900, v12;
	v15 =	vsel vm9, $0x3900, v15  }
0xcb: {  	v18 =	vsel vm9, $0x2980, v18;
	v21 =	vsel vm9, $0x1A00, v21;
	v26 =	vsel vm9, $0x2A80, v26  }
0xcc: {  	v29 =	vsel vm9, $0x1B00, v29;
	v32 =	vsel vm9, $0xB80, v32;
	v35 =	vsel vm9, $0x3B80, v35  }
0xcd: {  	v38 =	vsel vm9, $0x2000, v38;
	v41 =	vsel vm9, $0x1080, v41;
	v44 =	vsel vm9, $0x100, v44  }
0xce: {  	v47 =	vsel vm9, $0x3100, v47;
	v50 =	vsel vm9, $0x2180, v50;
	v53 =	vsel vm7, $0x1280, v53  }
0xcf: {  	v55 =	vsel vm4, $0x3800, v55;
	v0 =	vsel vm2, $0xB00, v0;
	v1 =	vsel vm7, $0x1800, v1  }
0xd0: {  	v3 =	vsel vm7, $0x3800, v3;
	v6 =	vsel vm7, $0x2880, v6;
	v9 =	vsel vm7, $0x1900, v9  }
0xd1: {  	v12 =	vsel vm7, $0x980, v12;
	v15 =	vsel vm7, $0x3980, v15;
	v18 =	vsel vm7, $0x2A00, v18  }
0xd2: {  	v21 =	vsel vm7, $0x1A80, v21;
	v26 =	vsel vm7, $0x2B00, v26;
	v29 =	vsel vm7, $0x1B80, v29  }
0xd3: {  	v32 =	vsel vm7, $0x0, v32;
	v35 =	vsel vm7, $0x3000, v35;
	v38 =	vsel vm7, $0x2080, v38  }
0xd4: {  	v41 =	vsel vm7, $0x1100, v41;
	v44 =	vsel vm7, $0x180, v44;
	v47 =	vsel vm7, $0x3180, v47  }
0xd5: {  	v50 =	vsel vm7, $0x2200, v50;
	v53 =	vsel vm8, $0x1300, v53;
	v55 =	vsel vm5, $0x3880, v55  }
0xd6: {  	v0 =	vsel vm0, $0xB80, v0;
	v1 =	vsel vm8, $0x1880, v1;
	v3 =	vsel vm8, $0x3880, v3  }
0xd7: {  	v6 =	vsel vm8, $0x2900, v6;
	v9 =	vsel vm8, $0x1980, v9;
	v12 =	vsel vm8, $0xA00, v12  }
0xd8: {  	v15 =	vsel vm8, $0x3A00, v15;
	v18 =	vsel vm8, $0x2A80, v18;
	v21 =	vsel vm8, $0x1B00, v21  }
0xd9: {  	v26 =	vsel vm8, $0x2B80, v26;
	v29 =	vsel vm8, $0x1000, v29;
	v32 =	vsel vm8, $0x80, v32  }
0xda: {  	v35 =	vsel vm8, $0x3080, v35;
	v38 =	vsel vm8, $0x2100, v38;
	v41 =	vsel vm8, $0x1180, v41  }
0xdb: {  	v44 =	vsel vm8, $0x200, v44;
	v47 =	vsel vm8, $0x3200, v47;
	v50 =	vsel vm8, $0x2280, v50  }
0xdc: {  	v53 =	vsel vm6, $0x1380, v53;
	v55 =	vsel vm3, $0x3900, v55;
	[tilespmem:$0x1F710] =	vst v0;
	v0 =	vsel vm10, $0x1200, v57  }
0xdd: {  	v57 =	vimm.s32 $0x2B00;
	v1 =	vsel vm6, $0x1900, v1;
	v3 =	vsel vm6, $0x3900, v3  }
0xde: {  	v6 =	vsel vm6, $0x2980, v6;
	v9 =	vsel vm6, $0x1A00, v9;
	v12 =	vsel vm6, $0xA80, v12  }
0xdf: {  	v15 =	vsel vm6, $0x3A80, v15;
	v18 =	vsel vm6, $0x2B00, v18;
	v21 =	vsel vm6, $0x1B80, v21  }
0xe0: {  	v26 =	vsel vm6, $0x2000, v26;
	v29 =	vsel vm6, $0x1080, v29;
	v32 =	vsel vm6, $0x100, v32  }
0xe1: {  	v35 =	vsel vm6, $0x3100, v35;
	v38 =	vsel vm6, $0x2180, v38;
	v41 =	vsel vm6, $0x1200, v41  }
0xe2: {  	v44 =	vsel vm6, $0x280, v44;
	v47 =	vsel vm6, $0x3280, v47;
	v50 =	vsel vm6, $0x2300, v50  }
0xe3: {  	v53 =	vsel vm4, $0x1800, v53;
	v0 =	vsel vm11, $0x1280, v0;
	v57 =	vsel vm14, $0x2B80, v57  }
0xe4: {  	v1 =	vsel vm4, $0x1980, v1;
	v3 =	vsel vm4, $0x3980, v3;
	v6 =	vsel vm4, $0x2A00, v6  }
0xe5: {  	v9 =	vsel vm4, $0x1A80, v9;
	v12 =	vsel vm4, $0xB00, v12;
	v15 =	vsel vm4, $0x3B00, v15  }
0xe6: {  	v18 =	vsel vm4, $0x2B80, v18;
	v21 =	vsel vm4, $0x1000, v21;
	v26 =	vsel vm4, $0x2080, v26  }
0xe7: {  	v29 =	vsel vm4, $0x1100, v29;
	v32 =	vsel vm4, $0x180, v32;
	v35 =	vsel vm4, $0x3180, v35  }
0xe8: {  	v38 =	vsel vm4, $0x2200, v38;
	v41 =	vsel vm4, $0x1280, v41;
	v44 =	vsel vm4, $0x300, v44  }
0xe9: {  	v47 =	vsel vm4, $0x3300, v47;
	v50 =	vsel vm4, $0x2380, v50;
	v53 =	vsel vm5, $0x1880, v53  }
0xea: {  	v0 =	vsel vm9, $0x1300, v0;
	v57 =	vsel vm13, $0x2000, v57;
	v1 =	vsel vm5, $0x1A00, v1  }
0xeb: {  	v3 =	vsel vm5, $0x3A00, v3;
	v6 =	vsel vm5, $0x2A80, v6;
	v9 =	vsel vm5, $0x1B00, v9  }
0xec: {  	v12 =	vsel vm5, $0xB80, v12;
	v15 =	vsel vm5, $0x3B80, v15;
	v18 =	vsel vm5, $0x2000, v18  }
0xed: {  	v21 =	vsel vm5, $0x1080, v21;
	v26 =	vsel vm5, $0x2100, v26;
	v29 =	vsel vm5, $0x1180, v29  }
0xee: {  	v32 =	vsel vm5, $0x200, v32;
	v35 =	vsel vm5, $0x3200, v35;
	v38 =	vsel vm5, $0x2280, v38  }
0xef: {  	v41 =	vsel vm5, $0x1300, v41;
	v44 =	vsel vm5, $0x380, v44;
	v47 =	vsel vm5, $0x3380, v47  }
0xf0: {  	v50 =	vsel vm5, $0x2800, v50;
	v53 =	vsel vm3, $0x1900, v53;
	v0 =	vsel vm7, $0x1380, v0  }
0xf1: {  	[tilespmem:$0x1F760] =	vst v63;
	v63 =	vsel vm12, $0x2080, v57;
	v57 =	vimm.s32 $0x21202F2E;
	v1 =	vsel vm3, $0x1A80, v1  }
0xf2: {  	v3 =	vsel vm3, $0x3A80, v3;
	v6 =	vsel vm3, $0x2B00, v6;
	v0 =	vsel vm8, $0x1800, v0  }
0xf3: {  	v9 =	vsel vm3, $0x1B80, v9;
	v12 =	vsel vm3, $0x0, v12;
	v0 =	vsel vm6, $0x1880, v0  }
0xf4: {  	v15 =	vsel vm3, $0x3000, v15;
	v18 =	vsel vm3, $0x2080, v18;
	v0 =	vsel vm4, $0x1900, v0  }
0xf5: {  	v21 =	vsel vm3, $0x1100, v21;
	v26 =	vsel vm3, $0x2180, v26;
	v0 =	vsel vm5, $0x1980, v0  }
0xf6: {  	v29 =	vsel vm3, $0x1200, v29;
	v32 =	vsel vm3, $0x280, v32;
	v0 =	vsel vm3, $0x1A00, v0  }
0xf7: {  	v35 =	vsel vm3, $0x3280, v35;
	v38 =	vsel vm3, $0x2300, v38;
	v0 =	vsel vm1, $0x1A80, v0  }
0xf8: {  	v41 =	vsel vm3, $0x1380, v41;
	v44 =	vsel vm3, $0x800, v44;
	v0 =	vsel vm2, $0x1B00, v0  }
0xf9: {  	v47 =	vsel vm3, $0x3800, v47;
	v50 =	vsel vm3, $0x2880, v50;
	v0 =	vsel vm0, $0x1B80, v0  }
0xfa: {  	v1 =	vsel vm1, $0x1B00, v1;
	[tilespmem:$0x1F750] =	vst v0;
	v0 =	vsel vm0, $0x3B80, v4;
	v4 =	vsel vm12, $0x280, v7  }
0xfb: {  	v7 =	vsel vm12, $0x3280, v10;
	v10 =	vsel vm12, $0x2300, v13;
	v13 =	vsel vm12, $0x1380, v16  }
0xfc: {  	v16 =	vsel vm12, $0x800, v19;
	v19 =	vsel vm12, $0x3800, v22;
	v22 =	vsel vm12, $0x2880, v27  }
0xfd: {  	v27 =	vsel vm12, $0x3900, v30;
	v30 =	vsel vm12, $0x2980, v33;
	v33 =	vsel vm12, $0x1A00, v36  }
0xfe: {  	v36 =	vsel vm12, $0xA80, v39;
	v39 =	vsel vm12, $0x3A80, v42;
	v42 =	vsel vm12, $0x2B00, v45  }
0xff: {  	v45 =	vsel vm12, $0x1B80, v48;
	v48 =	vsel vm12, $0x0, v51;
	v51 =	vsel vm12, $0x3000, v54  }
0x100: {  	v54 =	vsel vm10, $0x2100, v63;
	v63 =	vimm.s32 $0x15141312;
	[tilespmem:$0x1F770] =	vst v0;
	v0 =	vsel vm10, $0x280, v61  }
0x101: {  	v61 =	vimm.s32 $0x1D1C1B1A;
	v4 =	vsel vm10, $0x300, v4;
	v7 =	vsel vm10, $0x3300, v7  }
0x102: {  	v10 =	vsel vm10, $0x2380, v10;
	v13 =	vsel vm10, $0x1800, v13;
	v16 =	vsel vm10, $0x880, v16  }
0x103: {  	v19 =	vsel vm10, $0x3880, v19;
	v22 =	vsel vm10, $0x2900, v22;
	v27 =	vsel vm10, $0x3980, v27  }
0x104: {  	v30 =	vsel vm10, $0x2A00, v30;
	v33 =	vsel vm10, $0x1A80, v33;
	v36 =	vsel vm10, $0xB00, v36  }
0x105: {  	v39 =	vsel vm10, $0x3B00, v39;
	v42 =	vsel vm10, $0x2B80, v42;
	v45 =	vsel vm10, $0x1000, v45  }
0x106: {  	v48 =	vsel vm10, $0x80, v48;
	v51 =	vsel vm10, $0x3080, v51;
	v54 =	vsel vm11, $0x2180, v54  }
0x107: {  	v60 =	vunpack.c.0.s8.s32 v63;
	v58 =	vunpack.c.0.s8.s32 v61;
	v0 =	vsel vm11, $0x300, v0  }
0x108: {  	v4 =	vsel vm11, $0x380, v4;
	v7 =	vsel vm11, $0x3380, v7;
	v10 =	vsel vm11, $0x2800, v10  }
0x109: {  	v13 =	vsel vm11, $0x1880, v13;
	v16 =	vsel vm11, $0x900, v16;
	v19 =	vsel vm11, $0x3900, v19  }
0x10a: {  	v22 =	vsel vm11, $0x2980, v22;
	v27 =	vsel vm11, $0x3A00, v27;
	v30 =	vsel vm11, $0x2A80, v30  }
0x10b: {  	v33 =	vsel vm11, $0x1B00, v33;
	v36 =	vsel vm11, $0xB80, v36;
	v39 =	vsel vm11, $0x3B80, v39  }
0x10c: {  	v42 =	vsel vm11, $0x2000, v42;
	v45 =	vsel vm11, $0x1080, v45;
	v48 =	vsel vm11, $0x100, v48  }
0x10d: {  	v51 =	vsel vm11, $0x3100, v51;
	v54 =	vsel vm9, $0x2200, v54;
	v61 =	vimm.s32 $0x19181716  }
0x10e: {  	v0 =	vsel vm9, $0x380, v0;
	v4 =	vsel vm9, $0x800, v4;
	v7 =	vsel vm9, $0x3800, v7  }
0x10f: {  	v10 =	vsel vm9, $0x2880, v10;
	v13 =	vsel vm9, $0x1900, v13;
	v16 =	vsel vm9, $0x980, v16  }
0x110: {  	v19 =	vsel vm9, $0x3980, v19;
	v22 =	vsel vm9, $0x2A00, v22;
	v27 =	vsel vm9, $0x3A80, v27  }
0x111: {  	v30 =	vsel vm9, $0x2B00, v30;
	v33 =	vsel vm9, $0x1B80, v33;
	v36 =	vsel vm9, $0x0, v36  }
0x112: {  	v39 =	vsel vm9, $0x3000, v39;
	v42 =	vsel vm9, $0x2080, v42;
	v45 =	vsel vm9, $0x1100, v45  }
0x113: {  	[tilespmem:$0x1FA10] =	vst v56;
	v48 =	vsel vm9, $0x180, v48;
	v51 =	vsel vm9, $0x3180, v51;
	v56 =	vunpack.c.0.s8.s32 v61  }
0x114: {  	v54 =	vsel vm7, $0x2280, v54;
	v61 =	vunpack.c.0.s8.s32 v62;
	v62 =	vunpack.c.0.s8.s32 v57  }
0x115: {  	v57 =	vsel vm1, $0x2B00, v2;
	v0 =	vsel vm7, $0x800, v0;
	v4 =	vsel vm7, $0x880, v4  }
0x116: {  	v7 =	vsel vm7, $0x3880, v7;
	v10 =	vsel vm7, $0x2900, v10;
	v13 =	vsel vm7, $0x1980, v13  }
0x117: {  	v16 =	vsel vm7, $0xA00, v16;
	v19 =	vsel vm7, $0x3A00, v19;
	v22 =	vsel vm7, $0x2A80, v22  }
0x118: {  	v27 =	vsel vm7, $0x3B00, v27;
	v30 =	vsel vm7, $0x2B80, v30;
	v33 =	vsel vm7, $0x1000, v33  }
0x119: {  	v36 =	vsel vm7, $0x80, v36;
	v39 =	vsel vm7, $0x3080, v39;
	v42 =	vsel vm7, $0x2100, v42  }
0x11a: {  	v45 =	vsel vm7, $0x1180, v45;
	v48 =	vsel vm7, $0x200, v48;
	v51 =	vsel vm7, $0x3200, v51  }
0x11b: {  	v54 =	vsel vm8, $0x2300, v54;
	v0 =	vsel vm8, $0x880, v0;
	v4 =	vsel vm8, $0x900, v4  }
0x11c: {  	v7 =	vsel vm8, $0x3900, v7;
	v10 =	vsel vm8, $0x2980, v10;
	v13 =	vsel vm8, $0x1A00, v13  }
0x11d: {  	v16 =	vsel vm8, $0xA80, v16;
	v19 =	vsel vm8, $0x3A80, v19;
	v22 =	vsel vm8, $0x2B00, v22  }
0x11e: {  	v27 =	vsel vm8, $0x3B80, v27;
	v30 =	vsel vm8, $0x2000, v30;
	v33 =	vsel vm8, $0x1080, v33  }
0x11f: {  	v36 =	vsel vm8, $0x100, v36;
	v39 =	vsel vm8, $0x3100, v39;
	v42 =	vsel vm8, $0x2180, v42  }
0x120: {  	v45 =	vsel vm8, $0x1200, v45;
	v48 =	vsel vm8, $0x280, v48;
	v51 =	vsel vm8, $0x3280, v51  }
0x121: {  	[tilespmem:$0x1FDD0] =	vst v56;
	v56 =	vimm.s32 $0x29282726;
	v0 =	vsel vm6, $0x900, v0;
	v4 =	vsel vm6, $0x980, v4  }
0x122: {  	v7 =	vsel vm6, $0x3980, v7;
	v10 =	vsel vm6, $0x2A00, v10;
	v13 =	vsel vm6, $0x1A80, v13  }
0x123: {  	v16 =	vsel vm6, $0xB00, v16;
	v19 =	vsel vm6, $0x3B00, v19;
	v22 =	vsel vm6, $0x2B80, v22  }
0x124: {  	v27 =	vsel vm6, $0x3000, v27;
	v30 =	vsel vm6, $0x2080, v30;
	v33 =	vsel vm6, $0x1100, v33  }
0x125: {  	v36 =	vsel vm6, $0x180, v36;
	v39 =	vsel vm6, $0x3180, v39;
	v42 =	vsel vm6, $0x2200, v42  }
0x126: {  	v45 =	vsel vm6, $0x1280, v45;
	v48 =	vsel vm6, $0x300, v48;
	v51 =	vsel vm6, $0x3300, v51  }
0x127: {  	v59 =	vunpack.c.0.s8.s32 v56;
	v56 =	vimm.s32 $0x31303F3E;
	v0 =	vsel vm4, $0x980, v0  }
0x128: {  	v4 =	vsel vm4, $0xA00, v4;
	v7 =	vsel vm4, $0x3A00, v7;
	v10 =	vsel vm4, $0x2A80, v10  }
0x129: {  	v13 =	vsel vm4, $0x1B00, v13;
	v16 =	vsel vm4, $0xB80, v16;
	v19 =	vsel vm4, $0x3B80, v19  }
0x12a: {  	v22 =	vsel vm4, $0x2000, v22;
	v27 =	vsel vm4, $0x3080, v27;
	v30 =	vsel vm4, $0x2100, v30  }
0x12b: {  	v33 =	vsel vm4, $0x1180, v33;
	v36 =	vsel vm4, $0x200, v36;
	v39 =	vsel vm4, $0x3200, v39  }
0x12c: {  	v42 =	vsel vm4, $0x2280, v42;
	v45 =	vsel vm4, $0x1300, v45;
	v48 =	vsel vm4, $0x380, v48  }
0x12d: {  	v51 =	vsel vm4, $0x3380, v51;
	v56 =	vunpack.c.0.s8.s32 v56;
	v0 =	vsel vm5, $0xA00, v0  }
0x12e: {  	v4 =	vsel vm5, $0xA80, v4;
	v7 =	vsel vm5, $0x3A80, v7;
	v10 =	vsel vm5, $0x2B00, v10  }
0x12f: {  	v13 =	vsel vm5, $0x1B80, v13;
	v16 =	vsel vm5, $0x0, v16;
	v19 =	vsel vm5, $0x3000, v19  }
0x130: {  	v22 =	vsel vm5, $0x2080, v22;
	v27 =	vsel vm5, $0x3100, v27;
	v30 =	vsel vm5, $0x2180, v30  }
0x131: {  	v33 =	vsel vm5, $0x1200, v33;
	v36 =	vsel vm5, $0x280, v36;
	v39 =	vsel vm5, $0x3280, v39  }
0x132: {  	v42 =	vsel vm5, $0x2300, v42;
	v45 =	vsel vm5, $0x1380, v45;
	v48 =	vsel vm5, $0x800, v48  }
0x133: {  	v51 =	vsel vm5, $0x3800, v51;
	v0 =	vsel vm3, $0xA80, v0;
	v4 =	vsel vm3, $0xB00, v4  }
0x134: {  	v7 =	vsel vm3, $0x3B00, v7;
	v10 =	vsel vm3, $0x2B80, v10;
	v13 =	vsel vm3, $0x1000, v13  }
0x135: {  	v16 =	vsel vm3, $0x80, v16;
	v19 =	vsel vm3, $0x3080, v19;
	v22 =	vsel vm3, $0x2100, v22  }
0x136: {  	v27 =	vsel vm3, $0x3180, v27;
	v30 =	vsel vm3, $0x2200, v30;
	v0 =	vsel vm1, $0xB00, v0  }
0x137: {  	v33 =	vsel vm3, $0x1280, v33;
	v36 =	vsel vm3, $0x300, v36;
	v0 =	vsel vm2, $0xB80, v0  }
0x138: {  	v39 =	vsel vm3, $0x3300, v39;
	[tilespmem:$0x1FE70] =	vst v56;
	v56 =	vsel vm2, $0x1B80, v1;
	v0 =	vsel vm0, $0x0, v0  }
0x139: {  	v42 =	vsel vm3, $0x2380, v42;
	[tilespmem:$0x1F790] =	vst v0;
	v0 =	vsel vm0, $0x1000, v56;
	v56 =	vsel vm2, $0x2B80, v57  }
0x13a: {  	v45 =	vsel vm3, $0x1800, v45;
	v57 =	vsel vm1, $0x3B00, v3;
	[tilespmem:$0x1F7A0] =	vst v0;
	v0 =	vsel vm0, $0x2000, v56  }
0x13b: {  	v36 =	vsel vm1, $0x380, v36;
	v56 =	vsel vm1, $0xB80, v4;
	[tilespmem:$0x1F7B0] =	vst v0;
	v0 =	vsel vm2, $0x3B80, v57  }
0x13c: {  	v1 =	vsel vm2, $0x0, v56;
	v57 =	vsel vm1, $0x1B80, v5;
	v56 =	vsel vm1, $0x2B80, v6  }
0x13d: {  	v42 =	vsel vm1, $0x2800, v42;
	v2 =	vsel vm2, $0x1000, v57;
	v3 =	vsel vm2, $0x2000, v56  }
0x13e: {  	v57 =	vsel vm1, $0x3B80, v7;
	v56 =	vsel vm1, $0x0, v8;
	v8 =	vsel vm1, $0x3000, v11  }
0x13f: {  	v11 =	vsel vm1, $0x2080, v14;
	v14 =	vsel vm1, $0x1100, v17;
	v17 =	vsel vm1, $0x180, v20  }
0x140: {  	v20 =	vsel vm1, $0x3180, v24;
	v24 =	vsel vm1, $0x3200, v27;
	v27 =	vsel vm1, $0x2280, v30  }
0x141: {  	v30 =	vsel vm1, $0x1300, v33;
	v33 =	vsel vm2, $0x800, v36;
	v0 =	vsel vm0, $0x3000, v0  }
0x142: {  	v1 =	vsel vm0, $0x80, v1;
	v4 =	vsel vm2, $0x3000, v57;
	v57 =	vsel vm1, $0x1000, v9  }
0x143: {  	v5 =	vsel vm2, $0x80, v56;
	v56 =	vsel vm1, $0x2000, v10;
	v9 =	vsel vm1, $0x80, v12  }
0x144: {  	[tilespmem:$0x1FDC0] =	vst v60;
	v10 =	vsel vm1, $0x1080, v13;
	v12 =	vsel vm1, $0x3080, v15;
	v11 =	vsel vm2, $0x2100, v11  }
0x145: {  	v13 =	vsel vm1, $0x100, v16;
	v15 =	vsel vm1, $0x2100, v18;
	v16 =	vsel vm1, $0x3100, v19;
	[tilespmem:$0x1F7D0] =	vst v0  }
0x146: {  	v19 =	vsel vm1, $0x2180, v22;
	v22 =	vsel vm1, $0x1200, v25;
	[tilespmem:$0x1F7F0] =	vst v1;
	v33 =	vsel vm0, $0x880, v33  }
0x147: {  	v25 =	vsel vm1, $0x280, v28;
	v28 =	vsel vm1, $0x3280, v31;
	v4 =	vsel vm0, $0x3080, v4;
	[tilespmem:$0x1F9F0] =	vst v33  }
0x148: {  	v31 =	vsel vm1, $0x2300, v34;
	v34 =	vsel vm2, $0x1800, v37;
	v5 =	vsel vm0, $0x100, v5;
	[tilespmem:$0x1F820] =	vst v4  }
0x149: {  	v18 =	vsel vm1, $0x1180, v21;
	v6 =	vsel vm2, $0x1080, v57;
	v34 =	vsel vm0, $0x1880, v34;
	[tilespmem:$0x1F830] =	vst v5  }
0x14a: {  	v21 =	vsel vm1, $0x200, v23;
	v9 =	vsel vm2, $0x100, v9;
	v6 =	vsel vm0, $0x1100, v6;
	[tilespmem:$0x1FA00] =	vst v34  }
0x14b: {  	v23 =	vsel vm1, $0x2200, v26;
	v10 =	vsel vm2, $0x1100, v10;
	v4 =	vsel vm0, $0x180, v9;
	[tilespmem:$0x1F840] =	vst v6  }
0x14c: {  	v26 =	vsel vm1, $0x1280, v29;
	v29 =	vsel vm1, $0x300, v32;
	v5 =	vsel vm0, $0x1180, v10;
	[tilespmem:$0x1F870] =	vst v4  }
0x14d: {  	v7 =	vsel vm2, $0x2080, v56;
	v15 =	vsel vm2, $0x2180, v15;
	[tilespmem:$0x1F880] =	vst v5;
	v6 =	vsel vm0, $0x2180, v11  }
0x14e: {  	v16 =	vsel vm2, $0x3180, v16;
	v57 =	vsel vm1, $0x3300, v35;
	v4 =	vsel vm0, $0x2200, v15;
	[tilespmem:$0x1F890] =	vst v6  }
0x14f: {  	v56 =	vsel vm1, $0x2380, v38;
	v32 =	vsel vm2, $0x3380, v57;
	v5 =	vsel vm0, $0x3200, v16;
	[tilespmem:$0x1F8D0] =	vst v4  }
0x150: {  	v45 =	vsel vm1, $0x1880, v45;
	v35 =	vsel vm2, $0x2800, v56;
	v32 =	vsel vm0, $0x3800, v32;
	[tilespmem:$0x1F8E0] =	vst v5  }
0x151: {  	v57 =	vsel vm1, $0x3380, v39;
	v39 =	vsel vm2, $0x2880, v42;
	v35 =	vsel vm0, $0x2880, v35;
	[tilespmem:$0x1F9E0] =	vst v32  }
0x152: {  	v48 =	vsel vm3, $0x880, v48;
	v42 =	vsel vm2, $0x1900, v45;
	v39 =	vsel vm0, $0x2900, v39;
	[tilespmem:$0x1FA20] =	vst v35  }
0x153: {  	v51 =	vsel vm3, $0x3880, v51;
	v17 =	vsel vm2, $0x200, v17;
	v42 =	vsel vm0, $0x1980, v42;
	[tilespmem:$0x1FA80] =	vst v39  }
0x154: {  	v48 =	vsel vm1, $0x900, v48;
	v21 =	vsel vm2, $0x280, v21;
	v6 =	vsel vm0, $0x280, v17;
	[tilespmem:$0x1FAB0] =	vst v42  }
0x155: {  	v30 =	vsel vm2, $0x1380, v30;
	v22 =	vsel vm2, $0x1280, v22;
	v4 =	vsel vm0, $0x300, v21;
	[tilespmem:$0x1F8F0] =	vst v6  }
0x156: {  	v56 =	vsel vm1, $0x800, v40;
	v36 =	vsel vm2, $0x3800, v57;
	v5 =	vsel vm0, $0x1300, v22;
	[tilespmem:$0x1F930] =	vst v4  }
0x157: {  	v23 =	vsel vm2, $0x2280, v23;
	v37 =	vsel vm2, $0x880, v56;
	v36 =	vsel vm0, $0x3880, v36;
	[tilespmem:$0x1F940] =	vst v5  }
0x158: {  	v25 =	vsel vm2, $0x300, v25;
	v28 =	vsel vm2, $0x3300, v28;
	v37 =	vsel vm0, $0x900, v37;
	[tilespmem:$0x1FA30] =	vst v36  }
0x159: {  	v29 =	vsel vm2, $0x380, v29;
	v45 =	vsel vm2, $0x980, v48;
	v6 =	vsel vm0, $0x2300, v23;
	[tilespmem:$0x1FA40] =	vst v37  }
0x15a: {  	v34 =	vimm.s32 $0x1211101F;
	v57 =	vsel vm1, $0x1800, v41;
	v4 =	vsel vm0, $0x3380, v28;
	[tilespmem:$0x1F950] =	vst v6  }
0x15b: {  	v56 =	vsel vm1, $0x3800, v43;
	v38 =	vsel vm2, $0x1880, v57;
	v5 =	vsel vm0, $0x800, v29;
	[tilespmem:$0x1F9A0] =	vst v4  }
0x15c: {  	v48 =	vld [tilespmem:$0x1F7C0];
	v40 =	vsel vm2, $0x3880, v56;
	v57 =	vsel vm1, $0x880, v44;
	v38 =	vsel vm0, $0x1900, v38;
	[tilespmem:$0x1F9B0] =	vst v5  }
0x15d: {  	v56 =	vsel vm1, $0x2880, v46;
	v35 =	vunpack.c.0.s8.s32 v34;
	v40 =	vsel vm0, $0x3900, v40;
	[tilespmem:$0x1FA60] =	vst v38  }
0x15e: {  	v41 =	vsel vm2, $0x900, v57;
	v43 =	vsel vm2, $0x2900, v56;
	v57 =	vsel vm1, $0x3880, v47;
	[tilespmem:$0x1FA90] =	vst v40  }
0x15f: {  	v56 =	vsel vm1, $0x2900, v50;
	v44 =	vsel vm2, $0x3900, v57;
	v6 =	vsel vm0, $0x1800, v30;
	[tilespmem:$0x1FB80] =	vst v35  }
0x160: {  	v57 =	vsel vm1, $0x3900, v51;
	v47 =	vsel vm2, $0x2980, v56;
	v41 =	vsel vm0, $0x980, v41;
	[tilespmem:$0x1F9C0] =	vst v6  }
0x161: {  	v56 =	vsel vm2, $0x3980, v57;
	v57 =	vsel vm1, $0x1980, v53;
	v11 =	vmovc v48;
	v48 =	vsel vm0, $0x380, v25;
	[tilespmem:$0x1FAA0] =	vst v41  }
0x162: {  	v50 =	vsel vm2, $0x1A00, v57;
	v57 =	vsel vm1, $0x3980, v55;
	v55 =	vsel vm0, $0x1080, v2;
	[tilespmem:$0x1F970] =	vst v48  }
0x163: {  	v12 =	vsel vm2, $0x3100, v12;
	v13 =	vsel vm2, $0x180, v13;
	v48 =	vsel vm0, $0x2980, v43;
	[tilespmem:$0x1F800] =	vst v55  }
0x164: {  	v46 =	vsel vm2, $0x1980, v49;
	v34 =	vimm.s32 $0x36353433;
	v55 =	vsel vm0, $0x2100, v7;
	[tilespmem:$0x1FAC0] =	vst v48  }
0x165: {  	v49 =	vsel vm2, $0xA00, v52;
	v2 =	vunpack.c.0.s8.s32 v34;
	v7 =	vsel vm0, $0x3180, v12;
	[tilespmem:$0x1F850] =	vst v55  }
0x166: {  	v53 =	vimm.s32 $0x210FEDCB;
	v52 =	vsel vm2, $0x3A00, v57;
	v57 =	vimm.s32 $0xA9876543;
	[tilespmem:$0x1F8A0] =	vst v7  }
0x167: {  	v0 =	vunpack.c.l.s4.s8 v53;
	v53 =	vunpack.c.l.s4.s8 v57;
	v57 =	vsel vm0, $0x2080, v3;
	[tilespmem:$0x1FC10] =	vst v2  }
0x168: {  	v54 =	vsel vm6, $0x2380, v54;
	v18 =	vsel vm2, $0x1200, v18;
	v55 =	vsel vm0, $0x200, v13;
	[tilespmem:$0x1F810] =	vst v57  }
0x169: {  	v54 =	vsel vm4, $0x2800, v54;
	v8 =	vsel vm2, $0x3080, v8;
	v7 =	vsel vm0, $0x1280, v18;
	[tilespmem:$0x1F8B0] =	vst v55  }
0x16a: {  	v54 =	vsel vm5, $0x2880, v54;
	v19 =	vsel vm2, $0x2200, v19;
	v57 =	vsel vm0, $0x3100, v8;
	[tilespmem:$0x1F900] =	vst v7  }
0x16b: {  	v24 =	vsel vm2, $0x3280, v24;
	v33 =	vimm.s32 $0x1E1D1C1B;
	v55 =	vsel vm0, $0x2280, v19;
	[tilespmem:$0x1F860] =	vst v57  }
0x16c: {  	v39 =	vunpack.c.0.s8.s32 v0;
	v0 =	vunpack.c.0.s8.s32 v33;
	v7 =	vsel vm0, $0x3300, v24;
	[tilespmem:$0x1F910] =	vst v55  }
0x16d: {  	v54 =	vsel vm3, $0x2900, v54;
	v26 =	vsel vm2, $0x1300, v26;
	v36 =	vimm.s32 $0x16151413;
	[tilespmem:$0x1F960] =	vst v7  }
0x16e: {  	v54 =	vsel vm1, $0x2980, v54;
	v55 =	vsel vm0, $0x1380, v26;
	[tilespmem:$0x1FB70] =	vst v0;
	v0 =	vunpack.c.0.s8.s32 v36  }
0x16f: {  	v14 =	vsel vm2, $0x1180, v14;
	[tilespmem:$0x1F980] =	vst v55;
	v55 =	vsel vm0, $0x3980, v44;
	v44 =	vimm.s32 $0x1A191817  }
0x170: {  	v51 =	vsel vm2, $0x2A00, v54;
	v57 =	vsel vm0, $0x1200, v14;
	[tilespmem:$0x1FB90] =	vst v0;
	v0 =	vunpack.c.0.s8.s32 v44  }
0x171: {  	v31 =	vsel vm2, $0x2380, v31;
	v41 =	vsel vm0, $0x2A80, v51;
	v51 =	vimm.s32 $0x2221202F;
	[tilespmem:$0x1F8C0] =	vst v57  }
0x172: {  	v20 =	vsel vm2, $0x3200, v20;
	v7 =	vsel vm0, $0x2800, v31;
	[tilespmem:$0x1FBA0] =	vst v0;
	v0 =	vunpack.c.0.s8.s32 v51  }
0x173: {  	v40 =	vsel vm0, $0xA80, v49;
	v6 =	vsel vm0, $0x3A80, v52;
	v52 =	vimm.s32 $0x26252423;
	[tilespmem:$0x1F9D0] =	vst v7  }
0x174: {  	v5 =	vimm.s32 $0x39383736;
	v57 =	vsel vm0, $0x3280, v20;
	[tilespmem:$0x1FBC0] =	vst v0;
	v0 =	vunpack.c.0.s8.s32 v52  }
0x175: {  	v42 =	vsel vm0, $0x3A00, v56;
	v56 =	vimm.s32 $0x3E3D3C3B;
	v32 =	vunpack.c.0.s8.s32 v53;
	[tilespmem:$0x1F920] =	vst v57  }
0x176: {  	v4 =	vimm.s32 $0x35343332;
	v9 =	vunpack.c.0.s8.s32 v5;
	[tilespmem:$0x1FBD0] =	vst v0;
	v0 =	vunpack.c.0.s8.s32 v56  }
0x177: {  	v5 =	vimm.s32 $0x3210FEDC;
	v8 =	vunpack.c.0.s8.s32 v4;
	v4 =	vimm.s32 $0x3231303F;
	[tilespmem:$0x1FB50] =	vst v32  }
0x178: {  	v49 =	vimm.s32 $0x2E2D2C2B;
	v32 =	vunpack.c.l.s4.s8 v5;
	[tilespmem:$0x1FBF0] =	vst v0;
	v0 =	vunpack.c.0.s8.s32 v4  }
0x179: {  	v26 =	vsel vm0, $0x1A80, v50;
	v50 =	vunpack.c.0.s8.s32 v49;
	[tilespmem:$0x1FAD0] =	vst v55  }
0x17a: {  	v35 =	vimm.s32 $0x3A393837;
	[tilespmem:$0x1FC00] =	vst v0;
	v0 =	vunpack.c.0.s8.s32 v32  }
0x17b: {  	v36 =	vunpack.c.0.s8.s32 v35;
	v49 =	vimm.s32 $0x1F1E1D1C;
	[tilespmem:$0x1FBB0] =	vst v50  }
0x17c: {  	[tilespmem:$0x1FC30] =	vst v0;
	v0 =	vunpack.c.0.s8.s32 v49  }
0x17d: {  	v27 =	vsel vm2, $0x2300, v27;
	v33 =	vimm.s32 $0xBA987654;
	[tilespmem:$0x1FC20] =	vst v36;
	v52 =	vimm.s32 $0x17161514  }
0x17e: {  	v53 =	vimm.s32 $0x2A292827;
	v57 =	vsel vm0, $0x2380, v27;
	[tilespmem:$0x1FC50] =	vst v0;
	v0 =	vunpack.c.0.s8.s32 v52  }
0x17f: {  	v1 =	vunpack.c.l.s4.s8 v33;
	v55 =	vunpack.c.0.s8.s32 v53;
	v53 =	vimm.s32 $0x1B1A1918;
	[tilespmem:$0x1F990] =	vst v57  }
0x180: {  	[tilespmem:$0x1FC70] =	vst v0;
	v0 =	vunpack.c.0.s8.s32 v53  }
0x181: {  	v44 =	vunpack.c.0.s8.s32 v1;
	[tilespmem:$0x1FBE0] =	vst v55;
	v4 =	vimm.s32 $0x23222120  }
0x182: {  	v15 =	vld [tilespmem:$0x1FB40];
	v50 =	vimm.s32 $0x13121110;
	[tilespmem:$0x1FC80] =	vst v0;
	v0 =	vunpack.c.0.s8.s32 v4  }
0x183: {  	v37 =	vld [tilespmem:$0x1FA50];
	v5 =	vimm.s32 $0x27262524;
	[tilespmem:$0x1FC40] =	vst v44;
	v51 =	vunpack.c.0.s8.s32 v50  }
0x184: {  	v28 =	vld [tilespmem:$0x1FB00];
	v43 =	vsel vm0, $0x1A00, v46;
	v36 =	vimm.s32 $0x37363534;
	[tilespmem:$0x1FCA0] =	vst v0;
	v0 =	vunpack.c.0.s8.s32 v5  }
0x185: {  	v54 =	vld [tilespmem:$0x1F7E0];
	v34 =	vimm.s32 $0x3F3E3D3C;
	v35 =	vimm.s32 $0x33323130;
	v44 =	vunpack.c.0.s8.s32 v36;
	[tilespmem:$0x1FC60] =	vst v51  }
0x186: {  	v38 =	vld [tilespmem:$0x1FA70];
	v7 =	vsel vm0, $0xA00, v45;
	v55 =	vimm.s32 $0x2F2E2D2C;
	[tilespmem:$0x1FCB0] =	vst v0;
	v0 =	vunpack.c.0.s8.s32 v34  }
0x187: {  	v46 =	vld [tilespmem:$0x1FAE0];
	v45 =	vsel vm0, $0x2A00, v47;
	[tilespmem:$0x1FCF0] =	vst v44;
	v51 =	vimm.s32 $0xCBA98765;
	v56 =	vunpack.c.0.s8.s32 v55  }
0x188: {  	v48 =	vld [tilespmem:$0x1FB20];
	v1 =	vunpack.c.l.s4.s8 v51;
	v32 =	vimm.s32 $0x2B2A2928;
	[tilespmem:$0x1FCD0] =	vst v0;
	v0 =	vunpack.c.0.s8.s32 v35  }
0x189: {  	v13 =	vld [tilespmem:$0x1FB60];
	[tilespmem:$0x1FC90] =	vst v56;
	v33 =	vunpack.c.0.s8.s32 v32;
	v49 =	vimm.s32 $0x3B3A3938;
	v52 =	vimm.s32 $0x543210FE  }
0x18a: {  	v14 =	vld [tilespmem:$0x1FB30];
	v2 =	vunpack.c.l.s4.s8 v52;
	v53 =	vimm.s32 $0xDCBA9876;
	[tilespmem:$0x1FCE0] =	vst v0;
	v0 =	vunpack.c.0.s8.s32 v49  }
0x18b: {  	s0 =	rddreg [dreg:$0x0];
	s1 =	simm.s32 $0x0;
	v47 =	vld [tilespmem:$0x1FAF0];
	v55 =	vimm.s32 $0x6543210F;
	v32 =	vunpack.c.0.s8.s32 v1;
	[tilespmem:$0x1FCC0] =	vst v33;
	v3 =	vunpack.c.l.s4.s8 v53  }
0x18c: {  	[smem:$0x7FF] =	sst s1;
	v27 =	vld [tilespmem:$0x1FB10];
	v4 =	vunpack.c.l.s4.s8 v55;
	v34 =	vunpack.c.0.s8.s32 v2;
	[tilespmem:$0x1FD00] =	vst v0  }
0x18d: {  	s2 =	rddreg [dreg:$0x1];
	v57 =	vld [tilespmem:$0x1FA10];
	v35 =	vunpack.c.0.s8.s32 v3;
	_ =	strace $0x80000047;
	[tilespmem:$0x1FD20] =	vst v32  }
0x18e: {  	v36 =	vunpack.c.0.s8.s32 v4;
	[tilespmem:$0x1FD30] =	vst v34  }
0x18f: {  	vm0 =	vcmask $0x1F10;
	v50 =	vimm.s32 $0x43210FED;
	[tilespmem:$0x1FD40] =	vst v35  }
0x190: {  	v0 =	vunpack.c.l.s4.s8 v50;
	v50 =	vsel vm0, v38, v37;
	[tilespmem:$0x1FD50] =	vst v36  }
0x191: {  	v51 =	vsel vm0, v47, v46;
	[tilespmem:$0x1FD70] =	vst v50  }
0x192: {  	v52 =	vsel vm0, v27, v28;
	[tilespmem:$0x1FD80] =	vst v51  }
0x193: {  	v10 =	vsel vm0, v14, v48;
	[tilespmem:$0x1FD90] =	vst v52  }
0x194: {  	[tilespmem:$0x1FDA0] =	vst v10  }
0x195: {  	v53 =	vsel vm0, v13, v15;
	[tilespmem:$0x1FDB0] =	vst v58  }
0x196: {  	v12 =	vmov v54;
	v54 =	vsel vm0, v11, v54;
	[tilespmem:$0x1FDE0] =	vst v53  }
0x197: {  	v55 =	vsel vm0, v57, v58;
	[tilespmem:$0x1FDF0] =	vst v54  }
0x198: {  	v63 =	vimm.s32 $0x25242322;
	[tilespmem:$0x1FE00] =	vst v55  }
0x199: {  	v63 =	vunpack.c.0.s8.s32 v63;
	[tilespmem:$0x1FE20] =	vst v61  }
0x19a: {  	v60 =	vimm.s32 $0x3D3C3B3A;
	[tilespmem:$0x1FE30] =	vst v62  }
0x19b: {  	v60 =	vunpack.c.0.s8.s32 v60;
	[tilespmem:$0x1FE40] =	vst v63  }
0x19c: {  	[tilespmem:$0x1FE50] =	vst v59  }
0x19d: {  	[tilespmem:$0x1FE60] =	vst v60  }
0x19e: {  	[tilespmem:$0x1FE80] =	vst v8  }
0x19f: {  	v57 =	vsel vm0, v62, v61;
	[tilespmem:$0x1FE90] =	vst v9  }
0x1a0: {  	[tilespmem:$0x1FEB0] =	vst v57  }
0x1a1: {  	[tilespmem:$0x1FF10] =	vst v7  }
0x1a2: {  	[tilespmem:$0x1FF20] =	vst v43  }
0x1a3: {  	[tilespmem:$0x1FF30] =	vst v45  }
0x1a4: {  	[tilespmem:$0x1FF40] =	vst v40  }
0x1a5: {  	[tilespmem:$0x1FF50] =	vst v26  }
0x1a6: {  	[tilespmem:$0x1FF60] =	vst v41  }
0x1a7: {  	v44 =	vlaneseq.u32;
	[tilespmem:$0x1FF70] =	vst v6  }
0x1a8: {  	v49 =	vor.u32 $0x10, v44;
	[tilespmem:$0x1FF80] =	vst v39  }
0x1a9: {  	v19 =	vor.u32 $0x20, v44;
	v23 =	vcombine.low v10, v52;
	[tilespmem:$0x1FF90] =	vst v49  }
0x1aa: {  	v24 =	vcombine.low v54, v53;
	[tilespmem:$0x1FFA0] =	vst v19  }
0x1ab: {  	[tilespmem:$0x1FFC0] =	vst v23  }
0x1ac: {  	v56 =	vimm.s32 $0xEDCBA987;
	[tilespmem:$0x1FFD0] =	vst v24  }
0x1ad: {  	s3 =	srdreg.scid;
	s5 =	stileid.u32;
	s13 =	simm.s32 $0x5;
	v33 =	vunpack.c.l.s4.s8 v56;
	v58 =	vsel vm0, v59, v63;
	[tilespmem:$0x1FFF0] =	vst v42;
	v56 =	vld [tilespmem:$0x1FDC0]  }
0x1ae: {  	s14 =	simm.s32 $0x200;
	s15 =	simm.s32 $0x100;
	s16 =	simm.s32 $0x400;
	v20 =	vcombine.low v51, v50;
	v8 =	vsel vm0, v9, v8;
	v10 =	vld [tilespmem:$0x1FDD0];
	[tilespmem:$0x1FEC0] =	vst v58  }
0x1af: {  	s17 =	simm.s32 $0x300;
	s18 =	simm.s32 $0x8400;
	s19 =	simm.s32 $0x1;
	v0 =	vunpack.c.0.s8.s32 v0;
	v59 =	vld [tilespmem:$0x1FE70];
	[tilespmem:$0x1FEF0] =	vst v8  }
0x1b0: {  	s20 =	simm.s32 $0x10400;
	s21 =	simm.s32 $0x800;
	s22 =	simm.s32 $0x20000;
	v62 =	vcombine.low v58, v57;
	[tilespmem:$0x1FFB0] =	vst v20  }
0x1b1: {  	s23 =	simm.s32 $0x2;
	s24 =	simm.s32 $0x4;
	s25 =	simm.s32 $0x14400;
	[tilespmem:$0x1FD10] =	vst v0;
	v0 =	vunpack.c.0.s8.s32 v33  }
0x1b2: {  	s26 =	simm.s32 $0x3;
	s28 =	simm.s32 $0x0;
	s4 =	sand.u32 $0x1, s3;
	[tilespmem:$0x1FED0] =	vst v62  }
0x1b3: {  	s5 =	sshll.u32 s5, $0xA;
	s3 =	sadd.s32 $0xF42C00, s0;
	s6 =	sshll.u32 s4, $0x9;
	[tilespmem:$0x1FD60] =	vst v0;
	v0 =	vor.u32 $0x30, v44  }
0x1b4: {  	s7 =	ssub.s32 $0x2, s4;
	s4 =	sadd.s32 $0x800, s0;
	s10 =	sor.u32 s6, s5;
	v10 =	vsel vm0, v10, v56;
	v61 =	vsel vm0, v59, v60;
	[tilespmem:$0x1FEA0] =	vst v0  }
0x1b5: {  	s29 =	sshrl.u32 s7, $0x1;
	s5 =	sadd.s32 $0x19800, s0;
	s8 =	sshrl.u32 s10, $0x3;
	[tilespmem:$0x1FE10] =	vst v10;
	v63 =	vcombine.low v8, v61  }
0x1b6: {  	s30 =	ssub.s32 s7, s29;
	s9 =	sor.u32 $0x4000, s10;
	s31 =	sadd.s32 s4, s8;
	v25 =	vcombine.low v10, v55;
	[tilespmem:$0x1FEE0] =	vst v61  }
0x1b7: {  	s7 =	sadd.s32 s5, s8;
	s8 =	sor.u32 $0x100, s10;
	s10 =	sadd.s32 s2, s10;
	[tilespmem:$0x1FF00] =	vst v63  }
0x1b8: {  	s12 =	smax.u32 s30, $0x1;
	s11 =	sadd.s32 s2, s8;
	[dreg:$0x3] =	wrdreg s31;
	[tilespmem:$0x1FFE0] =	vst v25  }
.LBB2_1:
0x1b9: {  	s0 =	rddreg [dreg:$0x3]  }
0x1ba: {  	[tilespmem:s1], [sflag:$0x5] =	stream.linear.gather [hbm4b:s0+s1], $0x100, $0x38;
	[tilespmem:$0x18400] =	vst v63  }
0x1bb: {  	_ =	swait.ge [sflag:s13], $0x100  }
0x1bc: {  	[sflag:s13] =	ssyncset.done $0x0  }
0x1bd: {  	[sflag:s13] =	ssyncadd.s32 $0xFFFFFF00  }
0x1be: {  	[tilespmem:s14], [sflag:$0x5] =	stream.linear.gather [hbm4b:s7+s1], $0x100, $0x38;
	[tilespmem:$0x18400] =	vst v63  }
0x1bf: {  	_ =	swait.ge [sflag:s13], $0x100  }
0x1c0: {  	[sflag:s13] =	ssyncset.done $0x0  }
0x1c1: {  	s29 =	simm.s32 $0x0;
	[sflag:s13] =	ssyncadd.s32 $0xFFFFFF00  }
0x1c2: {  	[tilespmem:s16], [sflag:$0x1] =	stream.indirect.gather [hbm4b:s3+s15], $0x80, s1, s15, $0xb8;
	[tilespmem:$0x18400] =	vst v63  }
.LBB2_2:
0x1c3: {  	s30 =	sshll.u32 s29, $0xE  }
0x1c4: {  	s0 =	sor.u32 s8, s30  }
0x1c5: {  	s0 =	sshrl.u32 s0, $0x3  }
0x1c6: {  	s2 =	sadd.s32 s4, s0  }
0x1c7: {  	[tilespmem:s15], [sflag:$0x5] =	stream.linear.gather [hbm4b:s2+s1], $0x100, $0x38;
	[tilespmem:$0x18400] =	vst v63  }
0x1c8: {  	_ =	swait.ge [sflag:s13], $0x100  }
0x1c9: {  	[sflag:s13] =	ssyncset.done $0x0  }
0x1ca: {  	s0 =	sadd.s32 s5, s0;
	[sflag:s13] =	ssyncadd.s32 $0xFFFFFF00  }
0x1cb: {  	[tilespmem:s17], [sflag:$0x5] =	stream.linear.gather [hbm4b:s0+s1], $0x100, $0x38;
	[tilespmem:$0x18400] =	vst v63  }
0x1cc: {  	_ =	swait.ge [sflag:s13], $0x100  }
0x1cd: {  	[sflag:s13] =	ssyncset.done $0x0  }
0x1ce: {  	[sflag:s13] =	ssyncadd.s32 $0xFFFFFF00  }
0x1cf: {  	[tilespmem:s18], [sflag:$0x2] =	stream.indirect.gather [hbm4b:s3+s15], $0x80, s15, s15, $0xb8;
	[tilespmem:$0x18400] =	vst v63  }
0x1d0: {  	_ =	swait.ge [sflag:s19], $0x8000  }
0x1d1: {  	p0 =	seq.s32 s29, $0x0;
	[sflag:s19] =	ssyncset.done $0x0  }
0x1d2: {  	s0 =	simm.s32 @!p0 $0x3;
	[sflag:s19] =	ssyncadd.s32 $0xFFFF8000  }
0x1d3: {  	_ =	swait.ge @!p0 [sflag:s0], $0x4000  }
0x1d4: {  	s31 =	simm.s32 $0xFFFFFFFE;
	[sflag:s0] =	ssyncset.done @!p0 $0x0  }
0x1d5: {  	v58 =	vmov v11;
	v57 =	vmov v12;
	s2 =	simm.s32 $0x10;
	[sflag:s0] =	ssyncadd.s32 @!p0 $0xFFFFC000;
	s0 =	simm.s32 $0x210  }
.LBB2_3:
0x1d6: {  	v21 =	vld [tilespmem:$0x1F780]  }
0x1d7: {  	v10 =	vld [tilespmem:$0x1F6D0]  }
0x1d8: {  	v4 =	vld [tilespmem:s0+$0xFFFFFFF0]  }
0x1d9: {  	v5 =	vld [tilespmem:$0x1FF90]  }
0x1da: {  	s6 =	sadd.s32 $0xFFFFFFF0, s2;
	v8 =	vld [tilespmem:$0x1FEA0]  }
0x1db: {  	v0 =	vlaneseq.u32;
	v56 =	vld [tilespmem:$0x1F700];
	v6 =	vmov s6  }
0x1dc: {  	v22 =	vld [tilespmem:$0x1F750];
	v1 =	vlaneseq.u32;
	v0 =	vor.u32 s6, v0;
	v6 =	vshll.u32 v6, $0x3  }
0x1dd: {  	v53 =	vld [tilespmem:$0x1F6A0];
	v3 =	vshll.u32 v0, $0x7;
	v0 =	vand.u32 $0x6F, v0;
	v6 =	vand.u32 $0x400, v6  }
0x1de: {  	v55 =	vld [tilespmem:$0x1F6E0];
	v0 =	vor.u32 v6, v0;
	v1 =	vadd.s32 v1, v4;
	v5 =	vadd.s32 v5, v4  }
0x1df: {  	v11 =	vld [tilespmem:$0x1F6F0];
	v7 =	vadd.s32 v19, v4;
	v8 =	vadd.s32 v8, v4;
	v54 =	vor.u32 v10, v0  }
0x1e0: {  	v36 =	vld [tilespmem:$0x1F710];
	v10 =	vadd.s32 v56, v4;
	v13 =	vadd.s32 v20, v4;
	v61 =	vadd.s32 v23, v4  }
0x1e1: {  	v41 =	vld [tilespmem:$0x1F760];
	v62 =	vadd.s32 v24, v4;
	v43 =	vadd.s32 v25, v4;
	v2 =	vand.u32 $0xFFFFFF80, v1  }
0x1e2: {  	v42 =	vld [tilespmem:$0x1F770];
	v1 =	vand.u32 $0x7F, v1;
	v50 =	vand.u32 $0xFFFFFF80, v5;
	v5 =	vand.u32 $0x7F, v5  }
0x1e3: {  	v45 =	vld [tilespmem:$0x1FED0];
	v51 =	vand.u32 $0xFFFFFF80, v7;
	v7 =	vand.u32 $0x7F, v7;
	v9 =	vand.u32 $0xFFFFFF80, v8  }
0x1e4: {  	v20 =	vld [tilespmem:$0x1FF00];
	v8 =	vand.u32 $0x7F, v8;
	v12 =	vand.u32 $0xFFFFFF80, v10;
	v14 =	vand.u32 $0xFFFFFF80, v13  }
0x1e5: {  	v56 =	vld [tilespmem:$0x1FB80];
	v59 =	vand.u32 $0x7F, v13;
	v15 =	vand.u32 $0xFFFFFF80, v62;
	v13 =	vand.u32 $0x7F, v62  }
0x1e6: {  	v62 =	vld [tilespmem:$0x1FBE0];
	v2 =	vadd.s32 v3, v2;
	v9 =	vadd.s32 v3, v9;
	v60 =	vadd.s32 v3, v14  }
0x1e7: {  	v1 =	vor.u32 v1, v2;
	v52 =	vor.u32 v8, v9;
	v9 =	vor.u32 v55, v0;
	v55 =	vld [tilespmem:$0x1FB70]  }
0x1e8: {  	v10 =	vand.u32 $0x7F, v10;
	v12 =	vadd.s32 v3, v12;
	v16 =	vor.u32 v59, v60;
	v59 =	vld [tilespmem:$0x1FB90]  }
0x1e9: {  	v33 =	vand.u32 $0xFFFFFF80, v61;
	v2 =	vadd.s32 v3, v50;
	v10 =	vor.u32 v10, v12;
	v60 =	vld [tilespmem:$0x1FBA0]  }
0x1ea: {  	v12 =	vand.u32 $0x7F, v61;
	v61 =	vld [tilespmem:$0x1FBB0];
	v2 =	vor.u32 v5, v2;
	v20 =	vadd.s32 v20, v4  }
0x1eb: {  	v5 =	vadd.s32 v3, v51;
	v25 =	vand.u32 $0xFFFFFF80, v20;
	v49 =	vand.u32 $0x7F, v20;
	v20 =	vld [tilespmem:$0x1FB50]  }
0x1ec: {  	v5 =	vor.u32 v7, v5;
	v1 =	vld.idx.msk [tilespmem:v1+s16+$0x0], $0xffff  }
0x1ed: {  	v6 =	vld.idx.msk [tilespmem:v52+s16+$0x0], $0xffff  }
0x1ee: {  	v7 =	vor.u32 v53, v0;
	v52 =	vld [tilespmem:$0x1F7A0]  }
0x1ef: {  	v51 =	vld [tilespmem:$0x1F790]  }
0x1f0: {  	v11 =	vor.u32 v11, v0;
	v34 =	vadd.s32 v21, v4;
	v19 =	vor.u32 v36, v0;
	v2 =	vld.idx.msk [tilespmem:v2+s16+$0x0], $0xffff  }
0x1f1: {  	v40 =	vand.u32 $0xFFFFFF80, v34;
	v14 =	vadd.s32 v3, v33;
	v15 =	vadd.s32 v3, v15;
	v5 =	vld.idx.msk [tilespmem:v5+s16+$0x0], $0xffff  }
0x1f2: {  	v18 =	vor.u32 v13, v15;
	v13 =	vadd.s32 v3, v40;
	v20 =	vcombine.low v20, v39;
	v39 =	vld [tilespmem:$0x1F7D0]  }
0x1f3: {  	v50 =	vadd.s32 v3, v25;
	[tilespmem:v7+s20+$0x0] =	vst.idx.msk $0xffff, v1;
	v7 =	vor.u32 v52, v0;
	v52 =	vld [tilespmem:$0x1FBF0]  }
0x1f4: {  	v17 =	vor.u32 v12, v14;
	v12 =	vand.u32 $0x7F, v34;
	v1 =	vor.u32 v49, v50;
	v49 =	vld [tilespmem:$0x1FC10]  }
0x1f5: {  	v44 =	vand.u32 $0xFFFFFF80, v43;
	v24 =	vor.u32 v12, v13;
	v53 =	vand.u32 $0xF, v20;
	v50 =	vld [tilespmem:$0x1FC20]  }
0x1f6: {  	v13 =	vadd.s32 v3, v44;
	v33 =	vsel vm0, v60, v59;
	[tilespmem:$0x1F320] =	vst v53;
	v8 =	vadd.s32 v53, v4;
	v53 =	vld [tilespmem:$0x1FBD0]  }
0x1f7: {  	v12 =	vand.u32 $0x7F, v43;
	[tilespmem:v54+s20+$0x0] =	vst.idx.msk $0xffff, v2;
	v2 =	vor.u32 v51, v0;
	v54 =	vsel vm0, v56, v55;
	v51 =	vld [tilespmem:$0x1FC00]  }
0x1f8: {  	v25 =	vor.u32 v12, v13;
	[tilespmem:$0x1F2A0] =	vst v54;
	v36 =	vand.u32 $0xFFFFFF80, v8;
	v12 =	vcombine.low v33, v54;
	v54 =	vld [tilespmem:$0x1FBC0]  }
0x1f9: {  	[tilespmem:v9+s20+$0x0] =	vst.idx.msk $0xffff, v5;
	v9 =	vadd.s32 v3, v36;
	v36 =	vld [tilespmem:$0x1FC30]  }
0x1fa: {  	[tilespmem:v11+s20+$0x0] =	vst.idx.msk $0xffff, v6;
	v5 =	vor.u32 v39, v0;
	v39 =	vld [tilespmem:$0x1FC40]  }
0x1fb: {  	v21 =	vor.u32 v22, v0;
	v10 =	vld.idx.msk [tilespmem:v10+s16+$0x0], $0xffff  }
0x1fc: {  	v22 =	vor.u32 v41, v0;
	v44 =	vsel vm0, v50, v49;
	v43 =	vsel vm0, v51, v52  }
0x1fd: {  	[tilespmem:$0x1F330] =	vst v12;
	v40 =	vadd.s32 v12, v4;
	v16 =	vld.idx.msk [tilespmem:v16+s16+$0x0], $0xffff;
	v12 =	vcombine.low v44, v43  }
0x1fe: {  	v23 =	vor.u32 v42, v0;
	[tilespmem:$0x1F290] =	vst v5;
	v42 =	vsel vm0, v62, v53;
	v41 =	vsel vm0, v54, v61  }
0x1ff: {  	v14 =	vadd.s32 v45, v4;
	v17 =	vld.idx.msk [tilespmem:v17+s16+$0x0], $0xffff;
	v5 =	vcombine.low v42, v41;
	[tilespmem:$0x1F350] =	vst v12  }
0x200: {  	v15 =	vand.u32 $0xFFFFFF80, v14;
	v29 =	vld.idx.msk [tilespmem:v18+s16+$0x0], $0xffff;
	v30 =	vcombine.low v39, v36;
	[tilespmem:v19+s20+$0x0] =	vst.idx.msk $0xffff, v10  }
0x201: {  	v34 =	vld [tilespmem:$0x1F7B0];
	v14 =	vand.u32 $0x7F, v14;
	v15 =	vadd.s32 v3, v15;
	[tilespmem:$0x1F340] =	vst v5  }
0x202: {  	v26 =	vor.u32 v14, v15;
	v15 =	vld [tilespmem:$0x1FC80];
	[tilespmem:v21+s20+$0x0] =	vst.idx.msk $0xffff, v16;
	v13 =	vand.u32 $0xF, v30  }
0x203: {  	v6 =	vmovc v37;
	v37 =	vmov v27;
	v27 =	vadd.s32 v5, v4;
	[tilespmem:$0x1F360] =	vst v13;
	v16 =	vadd.s32 v13, v4;
	v13 =	vld [tilespmem:$0x1FC60]  }
0x204: {  	[tilespmem:v22+s20+$0x0] =	vst.idx.msk $0xffff, v17;
	v5 =	vmovc v38;
	v38 =	vmov v28;
	v28 =	vadd.s32 v12, v4;
	v17 =	vand.u32 $0xFFFFFF80, v16;
	v12 =	vld [tilespmem:$0x1FC70]  }
0x205: {  	v21 =	vadd.s32 v3, v17;
	v17 =	vld [tilespmem:$0x1FC50];
	_ =	sdelay $0x1  }
0x206: {  	[tilespmem:$0x1F2B0] =	vst v33;
	v45 =	vor.u32 v34, v0;
	v33 =	vand.u32 $0xFFFFFF80, v40;
	v34 =	vand.u32 $0xFFFFFF80, v27  }
0x207: {  	v11 =	vand.u32 $0x7F, v40;
	v18 =	vand.u32 $0x7F, v27;
	v40 =	vadd.s32 v3, v34  }
0x208: {  	v30 =	vld [tilespmem:$0x1FCA0];
	v10 =	vor.u32 v18, v40  }
0x209: {  	v34 =	vld [tilespmem:$0x1FC90];
	v18 =	vand.u32 $0x7F, v16;
	v20 =	vsel vm0, v15, v12;
	v16 =	vsel vm0, v13, v17  }
0x20a: {  	[tilespmem:$0x1F310] =	vst v16;
	v31 =	vcombine.low v20, v16;
	v16 =	vld [tilespmem:$0x1FCB0]  }
0x20b: {  	[tilespmem:$0x1F300] =	vst v20;
	v20 =	vld [tilespmem:$0x1FCC0]  }
0x20c: {  	[tilespmem:$0x1F2E0] =	vst v44  }
0x20d: {  	v35 =	vld [tilespmem:$0x1FA10];
	[tilespmem:$0x1F2C0] =	vst v42  }
0x20e: {  	v32 =	vld [tilespmem:$0x1FDB0];
	[tilespmem:$0x1F2F0] =	vst v43;
	v27 =	vand.u32 $0xFFFFFF80, v28  }
0x20f: {  	v63 =	vld [tilespmem:$0x1F6C0];
	[tilespmem:$0x1F2D0] =	vst v41;
	v19 =	vadd.s32 v3, v27;
	v27 =	vsel vm0, v30, v34  }
0x210: {  	v22 =	vld [tilespmem:$0x1F820];
	v41 =	vand.u32 $0x7F, v28;
	[tilespmem:$0x1F370] =	vst v27;
	v28 =	vsel vm0, v20, v16  }
0x211: {  	v43 =	vld [tilespmem:$0x1F800];
	[tilespmem:$0x1F390] =	vst v31;
	v27 =	vcombine.low v28, v27  }
0x212: {  	v44 =	vld [tilespmem:$0x1F810];
	[tilespmem:$0x1F380] =	vst v28  }
0x213: {  	v8 =	vand.u32 $0x7F, v8;
	v42 =	vld [tilespmem:$0x1F7F0];
	[tilespmem:$0x1F3A0] =	vst v27  }
0x214: {  	v8 =	vor.u32 v8, v9;
	v39 =	vld [tilespmem:$0x1FCD0]  }
0x215: {  	v9 =	vadd.s32 v3, v33;
	v33 =	vor.u32 v22, v0;
	v22 =	vadd.s32 v31, v4;
	v31 =	vld [tilespmem:$0x1FCE0]  }
0x216: {  	v9 =	vor.u32 v11, v9;
	v11 =	vor.u32 v41, v19;
	v41 =	vor.u32 v18, v21;
	v18 =	vld [tilespmem:$0x1FCF0]  }
0x217: {  	v21 =	vld [tilespmem:$0x1FD00];
	_ =	sdelay $0x4  }
0x218: {  	v28 =	vsel vm0, v31, v39;
	v36 =	vsel vm0, v21, v18  }
0x219: {  	[tilespmem:v23+s20+$0x0] =	vst.idx.msk $0xffff, v29;
	v23 =	vand.u32 $0xFFFFFF80, v22;
	v29 =	vcombine.low v36, v28  }
0x21a: {  	v27 =	vadd.s32 v27, v4;
	v22 =	vand.u32 $0x7F, v22;
	v23 =	vadd.s32 v3, v23;
	[tilespmem:$0x1F3D0] =	vst v28  }
0x21b: {  	v23 =	vor.u32 v22, v23;
	v28 =	vand.u32 $0xFFFFFF80, v27;
	[tilespmem:$0x1F3B0] =	vst v29;
	v29 =	vadd.s32 v29, v4  }
0x21c: {  	v27 =	vand.u32 $0x7F, v27;
	v28 =	vadd.s32 v3, v28;
	v22 =	vand.u32 $0xFFFFFF80, v29  }
0x21d: {  	[tilespmem:$0x1F3E0] =	vst v36;
	v36 =	vor.u32 v27, v28;
	v27 =	vand.u32 $0x7F, v29;
	v22 =	vadd.s32 v3, v22  }
0x21e: {  	v19 =	vor.u32 v42, v0;
	v42 =	vor.u32 v27, v22;
	v22 =	vld [tilespmem:$0x1F830];
	_ =	sdelay $0x4  }
0x21f: {  	v14 =	vor.u32 v43, v0;
	v43 =	vor.u32 v22, v0;
	v22 =	vld [tilespmem:$0x1F840];
	_ =	sdelay $0x2  }
0x220: {  	v28 =	vld [tilespmem:$0x1FD10]  }
0x221: {  	v29 =	vld [tilespmem:$0x1FD20]  }
0x222: {  	v40 =	vor.u32 v44, v0;
	v44 =	vor.u32 v22, v0;
	v22 =	vld [tilespmem:$0x1F860]  }
0x223: {  	v24 =	vld.idx.msk [tilespmem:v24+s16+$0x0], $0xffff  }
0x224: {  	v25 =	vld.idx.msk [tilespmem:v25+s16+$0x0], $0xffff  }
0x225: {  	v27 =	vsel vm0, v6, v47;
	v47 =	vld [tilespmem:$0x1FB30];
	_ =	sdelay $0x1  }
0x226: {  	v26 =	vld.idx.msk [tilespmem:v26+s16+$0x0], $0xffff;
	v28 =	vcombine.low v29, v28;
	v29 =	vor.u32 v22, v0;
	v22 =	vsel vm0, v46, v5  }
0x227: {  	[tilespmem:$0x1F460] =	vst v22;
	v5 =	vcombine.low v27, v22;
	v22 =	vsel vm0, v48, v37;
	v48 =	vld [tilespmem:$0x1FB60]  }
0x228: {  	v1 =	vld.idx.msk [tilespmem:v1+s16+$0x0], $0xffff;
	[tilespmem:v2+s20+$0x0] =	vst.idx.msk $0xffff, v24  }
0x229: {  	[tilespmem:v7+s20+$0x0] =	vst.idx.msk $0xffff, v25;
	v25 =	vsel vm0, v38, v47;
	v38 =	vld [tilespmem:$0x1F290];
	_ =	sdelay $0x2  }
0x22a: {  	[tilespmem:$0x1F490] =	vst v22;
	v37 =	vcombine.low v25, v22;
	v22 =	vsel vm0, v57, v48;
	v57 =	vld [tilespmem:$0x1FB40];
	_ =	sdelay $0x2  }
0x22b: {  	[tilespmem:v45+s20+$0x0] =	vst.idx.msk $0xffff, v26  }
0x22c: {  	[tilespmem:$0x1F4A0] =	vst v25  }
0x22d: {  	v26 =	vld [tilespmem:$0x1FD30];
	[tilespmem:v38+s20+$0x0] =	vst.idx.msk $0xffff, v1;
	v25 =	vsel vm0, v57, v58  }
0x22e: {  	v28 =	vand.u32 $0xF, v28;
	[tilespmem:$0x1F4F0] =	vst v22;
	v38 =	vcombine.low v25, v22;
	v22 =	vld [tilespmem:$0x1FD40]  }
0x22f: {  	v24 =	vadd.s32 v28, v4  }
0x230: {  	v46 =	vand.u32 $0xFFFFFF80, v24  }
0x231: {  	v24 =	vand.u32 $0x7F, v24;
	v7 =	vadd.s32 v3, v46  }
0x232: {  	v7 =	vor.u32 v24, v7  }
0x233: {  	v24 =	vadd.s32 v5, v4;
	v46 =	vadd.s32 v37, v4;
	v26 =	vcombine.low v22, v26  }
0x234: {  	v8 =	vld.idx.msk [tilespmem:v8+s16+$0x0], $0xffff;
	[tilespmem:$0x1F3F0] =	vst v5;
	v5 =	vand.u32 $0xFFFFFF80, v24;
	v45 =	vand.u32 $0x7F, v24;
	v24 =	vand.u32 $0xFFFFFF80, v46  }
0x235: {  	[tilespmem:$0x1F470] =	vst v27;
	v6 =	vand.u32 $0x7F, v46;
	v24 =	vadd.s32 v3, v24;
	v22 =	vand.u32 $0xF, v26  }
0x236: {  	v27 =	vor.u32 v6, v24;
	[tilespmem:$0x1F420] =	vst v22;
	v24 =	vadd.s32 v22, v4;
	v22 =	vld [tilespmem:$0x1FDC0]  }
0x237: {  	v9 =	vld.idx.msk [tilespmem:v9+s16+$0x0], $0xffff  }
0x238: {  	v11 =	vld.idx.msk [tilespmem:v11+s16+$0x0], $0xffff  }
0x239: {  	v48 =	vld.idx.msk [tilespmem:v10+s16+$0x0], $0xffff;
	[tilespmem:v19+s20+$0x0] =	vst.idx.msk $0xffff, v8  }
0x23a: {  	v19 =	vld [tilespmem:$0x1FE40];
	[tilespmem:$0x1F500] =	vst v25;
	v25 =	vadd.s32 v38, v4  }
0x23b: {  	v47 =	vand.u32 $0xFFFFFF80, v25;
	v57 =	vand.u32 $0x7F, v25;
	v25 =	vsel vm0, v22, v35;
	v35 =	vld [tilespmem:$0x1FE30];
	_ =	sdelay $0x2  }
0x23c: {  	v46 =	vld [tilespmem:$0x1FE20]  }
0x23d: {  	v5 =	vadd.s32 v3, v5;
	v22 =	vld [tilespmem:$0x1FDD0]  }
0x23e: {  	v1 =	vor.u32 v45, v5;
	v45 =	vsel vm0, v19, v35;
	v19 =	vld [tilespmem:$0x1FE50];
	_ =	sdelay $0x1  }
0x23f: {  	v5 =	vadd.s32 v3, v47  }
0x240: {  	v8 =	vor.u32 v57, v5;
	v58 =	vand.u32 $0xFFFFFF80, v24  }
0x241: {  	v5 =	vadd.s32 v3, v58;
	v22 =	vsel vm0, v32, v22;
	v32 =	vand.u32 $0x7F, v24  }
0x242: {  	[tilespmem:v14+s20+$0x0] =	vst.idx.msk $0xffff, v9;
	v9 =	vor.u32 v32, v5;
	v32 =	vld [tilespmem:$0x1FE80];
	v19 =	vsel vm0, v46, v19  }
0x243: {  	[tilespmem:$0x1F5B0] =	vst v19;
	v14 =	vcombine.low v19, v45;
	v19 =	vld [tilespmem:$0x1FE70];
	_ =	sdelay $0x2  }
0x244: {  	[tilespmem:$0x1F590] =	vst v22;
	v22 =	vcombine.low v22, v25  }
0x245: {  	v35 =	vld [tilespmem:$0x1FE90]  }
0x246: {  	[tilespmem:$0x1F430] =	vst v22;
	v47 =	vadd.s32 v22, v4;
	v22 =	vsel vm0, v32, v19;
	v19 =	vld [tilespmem:$0x1FE60]  }
0x247: {  	[tilespmem:v40+s20+$0x0] =	vst.idx.msk $0xffff, v48  }
0x248: {  	v2 =	vld [tilespmem:$0x1F850];
	[tilespmem:v33+s20+$0x0] =	vst.idx.msk $0xffff, v11;
	v48 =	vand.u32 $0xFFFFFF80, v47  }
0x249: {  	[tilespmem:$0x1F580] =	vst v25;
	v5 =	vadd.s32 v3, v48;
	v48 =	vld.idx.msk [tilespmem:v23+s16+$0x0], $0xffff  }
0x24a: {  	[tilespmem:$0x1F5A0] =	vst v45;
	v45 =	vld [tilespmem:$0x1FD50]  }
0x24b: {  	[tilespmem:$0x1F440] =	vst v14;
	v58 =	vadd.s32 v14, v4;
	v14 =	vsel vm0, v19, v35;
	v19 =	vld.idx.msk [tilespmem:v41+s16+$0x0], $0xffff  }
0x24c: {  	v25 =	vsel vm0, v55, v60;
	v40 =	vand.u32 $0xFFFFFF80, v58;
	[tilespmem:$0x1F5E0] =	vst v22;
	v26 =	vcombine.low v14, v22;
	v22 =	vld [tilespmem:$0x1FD60]  }
0x24d: {  	[tilespmem:$0x1F630] =	vst v25;
	v11 =	vadd.s32 v3, v40;
	v40 =	vsel vm0, v53, v54  }
0x24e: {  	v2 =	vor.u32 v2, v0;
	v23 =	vld.idx.msk [tilespmem:v36+s16+$0x0], $0xffff;
	[tilespmem:$0x1F670] =	vst v40  }
0x24f: {  	v57 =	vand.u32 $0x7F, v47;
	[tilespmem:$0x1F5F0] =	vst v14  }
0x250: {  	v42 =	vld.idx.msk [tilespmem:v42+s16+$0x0], $0xffff;
	v14 =	vor.u32 v57, v5;
	v47 =	vadd.s32 v26, v4;
	[tilespmem:v43+s20+$0x0] =	vst.idx.msk $0xffff, v19  }
0x251: {  	v57 =	vand.u32 $0xFFFFFF80, v47;
	v46 =	vcombine.low v22, v45;
	v22 =	vsel vm0, v59, v56;
	[tilespmem:v44+s20+$0x0] =	vst.idx.msk $0xffff, v48  }
0x252: {  	v6 =	vadd.s32 v3, v57;
	v57 =	vsel vm0, v16, v30;
	v30 =	vld [tilespmem:$0x1F900];
	[tilespmem:$0x1F640] =	vst v22  }
0x253: {  	v25 =	vcombine.low v25, v22;
	v22 =	vsel vm0, v61, v62;
	[tilespmem:v2+s20+$0x0] =	vst.idx.msk $0xffff, v23;
	v62 =	vld [tilespmem:$0x1F870]  }
0x254: {  	v51 =	vsel vm0, v49, v51;
	[tilespmem:$0x1F660] =	vst v22;
	v22 =	vcombine.low v22, v40;
	v40 =	vld [tilespmem:$0x1F8B0]  }
0x255: {  	v52 =	vsel vm0, v52, v50;
	v10 =	vand.u32 $0x7F, v58;
	v24 =	vand.u32 $0xF, v46;
	[tilespmem:v29+s20+$0x0] =	vst.idx.msk $0xffff, v42;
	v29 =	vld [tilespmem:$0x1F8E0]  }
0x256: {  	v60 =	vsel vm0, v18, v31;
	v10 =	vor.u32 v10, v11;
	v58 =	vadd.s32 v24, v4;
	v7 =	vld.idx.msk [tilespmem:v7+s16+$0x0], $0xffff  }
0x257: {  	v61 =	vsel vm0, v39, v21;
	v35 =	vadd.s32 v25, v4;
	v1 =	vld.idx.msk [tilespmem:v1+s16+$0x0], $0xffff;
	v32 =	vand.u32 $0xFFFFFF80, v58  }
0x258: {  	v33 =	vand.u32 $0x7F, v58;
	v41 =	vand.u32 $0xFFFFFF80, v35;
	v48 =	vand.u32 $0x7F, v35;
	v35 =	vld [tilespmem:$0x1F880]  }
0x259: {  	[tilespmem:$0x1F680] =	vst v52;
	v53 =	vadd.s32 v22, v4;
	v36 =	vadd.s32 v3, v32;
	v32 =	vcombine.low v52, v51;
	v52 =	vld [tilespmem:$0x1F8A0]  }
0x25a: {  	v54 =	vand.u32 $0xFFFFFF80, v53;
	v11 =	vor.u32 v33, v36;
	v36 =	vsel vm0, v17, v15;
	v17 =	vld [tilespmem:$0x1F890]  }
0x25b: {  	v58 =	vsel vm0, v34, v20;
	v23 =	vadd.s32 v3, v41;
	v2 =	vadd.s32 v3, v54;
	v54 =	vld [tilespmem:$0x1F720]  }
0x25c: {  	v50 =	vld.idx.msk [tilespmem:v27+s16+$0x0], $0xffff;
	v55 =	vand.u32 $0x7F, v53;
	v33 =	vsel vm0, v12, v13;
	v12 =	vcombine.low v58, v57  }
0x25d: {  	v27 =	vld [tilespmem:$0x1F6B0];
	v23 =	vor.u32 v48, v23;
	v43 =	vor.u32 v62, v0;
	v13 =	vcombine.low v61, v60  }
0x25e: {  	v8 =	vld.idx.msk [tilespmem:v8+s16+$0x0], $0xffff;
	v49 =	vcombine.low v36, v33;
	v33 =	vadd.s32 v12, v4;
	v48 =	vor.u32 v35, v0  }
0x25f: {  	[tilespmem:$0x1F690] =	vst v51;
	v60 =	vld [tilespmem:$0x1F730];
	v42 =	vor.u32 v55, v2;
	v36 =	vand.u32 $0xFFFFFF80, v33;
	v51 =	vor.u32 v17, v0  }
0x260: {  	v53 =	vor.u32 v52, v0;
	v39 =	vadd.s32 v3, v36;
	v36 =	vld [tilespmem:$0x1FD70];
	v55 =	vadd.s32 v54, v4  }
0x261: {  	v5 =	vand.u32 $0x7F, v47;
	v52 =	vld [tilespmem:$0x1FDA0];
	v56 =	vand.u32 $0xFFFFFF80, v55  }
0x262: {  	[tilespmem:v43+s20+$0x0] =	vst.idx.msk $0xffff, v7;
	v54 =	vcombine.low v63, v27;
	v27 =	vld [tilespmem:$0x1F8C0];
	v59 =	vand.u32 $0x7F, v55;
	v7 =	vadd.s32 v3, v56  }
0x263: {  	v19 =	vor.u32 v5, v6;
	v63 =	vld [tilespmem:$0x1F8D0];
	[tilespmem:v48+s20+$0x0] =	vst.idx.msk $0xffff, v1;
	v43 =	vor.u32 v59, v7;
	v7 =	vand.u32 $0x7F, v33  }
0x264: {  	v62 =	vadd.s32 v49, v4;
	[tilespmem:v51+s20+$0x0] =	vst.idx.msk $0xffff, v50;
	v50 =	vor.u32 v7, v39;
	v39 =	vld [tilespmem:$0x1FD80]  }
0x265: {  	v34 =	vand.u32 $0xFFFFFF80, v62;
	v51 =	vld [tilespmem:$0x1FD90];
	[tilespmem:v53+s20+$0x0] =	vst.idx.msk $0xffff, v8  }
0x266: {  	v41 =	vor.u32 v40, v0;
	v2 =	vadd.s32 v3, v34;
	v1 =	vand.u32 $0x7F, v62;
	v9 =	vld.idx.msk [tilespmem:v9+s16+$0x0], $0xffff  }
0x267: {  	[tilespmem:$0x1F4E0] =	vst v49;
	v57 =	vand.u32 $0xF, v54;
	v49 =	vor.u32 v1, v2;
	v53 =	vadd.s32 v13, v4;
	v2 =	vld.idx.msk [tilespmem:v14+s16+$0x0], $0xffff  }
0x268: {  	v33 =	vor.u32 v29, v0;
	v58 =	vor.u32 v27, v0;
	v55 =	vand.u32 $0xFFFFFF80, v53;
	v10 =	vld.idx.msk [tilespmem:v10+s16+$0x0], $0xffff  }
0x269: {  	v62 =	vor.u32 v63, v0;
	v56 =	vand.u32 $0x7F, v53;
	v19 =	vld.idx.msk [tilespmem:v19+s16+$0x0], $0xffff;
	v59 =	vadd.s32 v3, v55  }
0x26a: {  	v14 =	vadd.s32 v57, v4;
	v1 =	vcombine.low v51, v52;
	v51 =	vor.u32 v56, v59;
	v59 =	vld [tilespmem:$0x1FDF0]  }
0x26b: {  	v5 =	vadd.s32 v32, v4;
	[tilespmem:$0x1F530] =	vst v57;
	v34 =	vand.u32 $0xFFFFFF80, v14;
	v18 =	vcombine.low v36, v39;
	v36 =	vld [tilespmem:$0x1F8F0]  }
0x26c: {  	v6 =	vand.u32 $0xFFFFFF80, v5;
	[tilespmem:v41+s20+$0x0] =	vst.idx.msk $0xffff, v9;
	v41 =	vadd.s32 v3, v34;
	v34 =	vld [tilespmem:$0x1FE10]  }
0x26d: {  	v44 =	vand.u32 $0x7F, v5;
	v45 =	vadd.s32 v3, v6;
	v55 =	vadd.s32 v1, v4;
	v9 =	vld [tilespmem:$0x1F920];
	[tilespmem:v58+s20+$0x0] =	vst.idx.msk $0xffff, v2  }
0x26e: {  	v45 =	vor.u32 v44, v45;
	v53 =	vadd.s32 v18, v4;
	v57 =	vand.u32 $0xFFFFFF80, v55;
	v58 =	vld [tilespmem:$0x1FDE0];
	[tilespmem:v62+s20+$0x0] =	vst.idx.msk $0xffff, v10  }
0x26f: {  	v54 =	vand.u32 $0xFFFFFF80, v53;
	v8 =	vand.u32 $0x7F, v55;
	v10 =	vadd.s32 v3, v57;
	[tilespmem:v33+s20+$0x0] =	vst.idx.msk $0xffff, v19;
	v19 =	vld [tilespmem:$0x1F740]  }
0x270: {  	v56 =	vadd.s32 v3, v54;
	v54 =	vor.u32 v8, v10;
	v8 =	vld [tilespmem:$0x1FE00]  }
0x271: {  	v5 =	vor.u32 v36, v0;
	v62 =	vld.idx.msk [tilespmem:v11+s16+$0x0], $0xffff  }
0x272: {  	v23 =	vld.idx.msk [tilespmem:v23+s16+$0x0], $0xffff  }
0x273: {  	v42 =	vld.idx.msk [tilespmem:v42+s16+$0x0], $0xffff  }
0x274: {  	v40 =	vand.u32 $0x7F, v14;
	v45 =	vld.idx.msk [tilespmem:v45+s16+$0x0], $0xffff;
	v14 =	vcombine.low v58, v59  }
0x275: {  	v19 =	vcombine.low v60, v19;
	v60 =	vld [tilespmem:$0x1FEB0]  }
0x276: {  	v7 =	vand.u32 $0x7F, v53;
	v61 =	vadd.s32 v14, v4;
	[tilespmem:v5+s20+$0x0] =	vst.idx.msk $0xffff, v62;
	v62 =	vld [tilespmem:$0x1FF80]  }
0x277: {  	[tilespmem:$0x1F550] =	vst v1;
	v53 =	vor.u32 v7, v56;
	v6 =	vand.u32 $0xFFFFFF80, v61;
	v5 =	vld [tilespmem:$0x1FB50];
	v1 =	vand.u32 $0xF, v19  }
0x278: {  	v19 =	vand.u32 $0x7F, v61;
	v61 =	vld [tilespmem:$0x1FEC0];
	[tilespmem:$0x1F570] =	vst v1;
	v7 =	vadd.s32 v1, v4;
	v1 =	vcombine.low v8, v34  }
0x279: {  	v52 =	vor.u32 v40, v41;
	v41 =	vor.u32 v30, v0;
	v8 =	vld [tilespmem:$0x1F910]  }
0x27a: {  	v39 =	vand.u32 $0xFFFFFF80, v7;
	v44 =	vand.u32 $0x7F, v7;
	v7 =	vadd.s32 v1, v4  }
0x27b: {  	v10 =	vld [tilespmem:$0x1FEE0];
	v11 =	vadd.s32 v3, v6;
	v34 =	vand.u32 $0xFFFFFF80, v7  }
0x27c: {  	v55 =	vor.u32 v19, v11;
	v46 =	vadd.s32 v3, v39;
	v11 =	vadd.s32 v3, v34;
	v34 =	vld [tilespmem:$0x1FEF0]  }
0x27d: {  	v39 =	vand.u32 $0x7F, v7;
	v19 =	vcombine.low v62, v5;
	v7 =	vcombine.low v60, v61  }
0x27e: {  	v56 =	vor.u32 v9, v0;
	v40 =	vor.u32 v8, v0  }
0x27f: {  	[tilespmem:v41+s20+$0x0] =	vst.idx.msk $0xffff, v23;
	v44 =	vor.u32 v44, v46;
	v41 =	vand.u32 $0xF, v19;
	v19 =	vld [tilespmem:s0+$0x0];
	v6 =	vadd.s32 v7, v4  }
0x280: {  	v46 =	vor.u32 v39, v11;
	v23 =	vand.u32 $0xFFFFFF80, v6;
	v39 =	vand.u32 $0x7F, v6;
	v6 =	vld [tilespmem:$0x1F2A0]  }
0x281: {  	v2 =	vcombine.low v10, v34;
	v10 =	vld [tilespmem:$0x1F2B0]  }
0x282: {  	[tilespmem:$0x1F5C0] =	vst v1;
	v11 =	vlaneseq.u32;
	v61 =	vadd.s32 v41, v4  }
0x283: {  	v1 =	vand.u32 $0xFFFFFF80, v61;
	v23 =	vadd.s32 v3, v23;
	v34 =	vld [tilespmem:$0x1F940];
	[tilespmem:v40+s20+$0x0] =	vst.idx.msk $0xffff, v42;
	v60 =	vadd.s32 v2, v4  }
0x284: {  	v5 =	vadd.s32 v3, v1;
	v20 =	vadd.s32 v11, v19;
	v11 =	vld [tilespmem:$0x1FFA0];
	[tilespmem:$0x1F5D0] =	vst v2;
	v62 =	vand.u32 $0xFFFFFF80, v60  }
0x285: {  	[tilespmem:v56+s20+$0x0] =	vst.idx.msk $0xffff, v45;
	v2 =	vand.u32 $0x7F, v61;
	v61 =	vld [tilespmem:$0x1F960];
	v57 =	vand.u32 $0x7F, v60;
	v42 =	vadd.s32 v3, v62  }
0x286: {  	v47 =	vor.u32 v57, v42;
	v42 =	vor.u32 v2, v5;
	v2 =	vcombine.low v6, v10;
	v10 =	vld [tilespmem:$0x1F930]  }
0x287: {  	v48 =	vor.u32 v39, v23;
	v39 =	vlaneseq.u32;
	v23 =	vld.idx.msk [tilespmem:v43+s16+$0x0], $0xffff  }
0x288: {  	v56 =	vor.u32 s2, v39;
	v60 =	vld [tilespmem:$0x1F950]  }
0x289: {  	[tilespmem:$0x1F600] =	vst v41;
	v40 =	vand.u32 $0xFFFFFF80, v20;
	v41 =	vand.u32 $0x7F, v20;
	v45 =	vld.idx.msk [tilespmem:v49+s16+$0x0], $0xffff;
	v20 =	vshll.u32 v56, $0x7  }
0x28a: {  	v62 =	vld [tilespmem:$0x1FF90];
	v57 =	vadd.s32 v20, v40  }
0x28b: {  	v50 =	vld.idx.msk [tilespmem:v50+s16+$0x0], $0xffff;
	v57 =	vor.u32 v41, v57;
	v43 =	vor.u32 v10, v0  }
0x28c: {  	v51 =	vld.idx.msk [tilespmem:v51+s16+$0x0], $0xffff;
	v49 =	vor.u32 v34, v0  }
0x28d: {  	v40 =	vld [tilespmem:$0x1F970];
	v34 =	vadd.s32 v11, v19;
	v59 =	vor.u32 v60, v0  }
0x28e: {  	v1 =	vand.u32 $0x7F, v34;
	v60 =	vor.u32 v61, v0;
	v61 =	vand.u32 $0xFFFFFF80, v34;
	v34 =	vld [tilespmem:$0x1FEA0]  }
0x28f: {  	v41 =	vmov s2;
	v5 =	vadd.s32 v62, v19;
	v62 =	vld [tilespmem:$0x1F2C0]  }
0x290: {  	v58 =	vshll.u32 v41, $0x3;
	v6 =	vand.u32 $0xFFFFFF80, v5;
	v41 =	vld.idx.msk [tilespmem:v57+s16+$0x0], $0xffff;
	[tilespmem:v43+s20+$0x0] =	vst.idx.msk $0xffff, v23  }
0x291: {  	v39 =	vadd.s32 v20, v6;
	v23 =	vand.u32 $0x7F, v5;
	v5 =	vadd.s32 v20, v61;
	v61 =	vld [tilespmem:$0x1F980];
	[tilespmem:v49+s20+$0x0] =	vst.idx.msk $0xffff, v45  }
0x292: {  	v6 =	vadd.s32 v2, v4;
	v45 =	vor.u32 v1, v5;
	v5 =	vld [tilespmem:$0x1F2D0];
	[tilespmem:v59+s20+$0x0] =	vst.idx.msk $0xffff, v50  }
0x293: {  	v11 =	vand.u32 $0x7F, v6;
	v50 =	vor.u32 v23, v39;
	v23 =	vand.u32 $0xFFFFFF80, v6;
	v6 =	vld [tilespmem:$0x1F6A0];
	[tilespmem:v60+s20+$0x0] =	vst.idx.msk $0xffff, v51  }
0x294: {  	v51 =	vld.idx.msk [tilespmem:v52+s16+$0x0], $0xffff  }
0x295: {  	v23 =	vadd.s32 v3, v23;
	v53 =	vld.idx.msk [tilespmem:v53+s16+$0x0], $0xffff  }
0x296: {  	v56 =	vand.u32 $0x7F, v56;
	v43 =	vor.u32 v11, v23;
	v11 =	vld [tilespmem:$0x1F700]  }
0x297: {  	v58 =	vand.u32 $0x400, v58;
	v39 =	vadd.s32 v34, v19;
	v34 =	vcombine.low v5, v62;
	v5 =	vld [tilespmem:$0x1F6E0]  }
0x298: {  	v23 =	vor.u32 v58, v56;
	v62 =	vld [tilespmem:$0x1F6D0]  }
0x299: {  	v56 =	vor.u32 v6, v23;
	v6 =	vld [tilespmem:$0x1FFB0]  }
0x29a: {  	v60 =	vand.u32 $0xFFFFFF80, v39;
	v45 =	vld.idx.msk [tilespmem:v45+s16+$0x0], $0xffff  }
0x29b: {  	v49 =	vand.u32 $0x7F, v39;
	v52 =	vor.u32 v40, v0;
	v59 =	vadd.s32 v20, v60;
	v50 =	vld.idx.msk [tilespmem:v50+s16+$0x0], $0xffff  }
0x29c: {  	v49 =	vor.u32 v49, v59;
	v58 =	vor.u32 v5, v23;
	v5 =	vld [tilespmem:$0x1F6F0]  }
0x29d: {  	v57 =	vor.u32 v62, v23;
	v62 =	vld [tilespmem:$0x1FFD0]  }
0x29e: {  	v39 =	vadd.s32 v11, v19;
	v11 =	vadd.s32 v6, v19;
	v6 =	vld [tilespmem:$0x1FFC0]  }
0x29f: {  	v54 =	vld.idx.msk [tilespmem:v54+s16+$0x0], $0xffff;
	v60 =	vor.u32 v61, v0;
	v40 =	vand.u32 $0xFFFFFF80, v39  }
0x2a0: {  	v55 =	vld.idx.msk [tilespmem:v55+s16+$0x0], $0xffff;
	[tilespmem:v52+s20+$0x0] =	vst.idx.msk $0xffff, v51;
	v61 =	vand.u32 $0x7F, v39;
	v51 =	vadd.s32 v20, v40;
	v39 =	vand.u32 $0xFFFFFF80, v11  }
0x2a1: {  	v49 =	vld.idx.msk [tilespmem:v49+s16+$0x0], $0xffff;
	v51 =	vor.u32 v61, v51;
	[tilespmem:v56+s20+$0x0] =	vst.idx.msk $0xffff, v41;
	v52 =	vadd.s32 v20, v39  }
0x2a2: {  	v33 =	vld [tilespmem:$0x1F710];
	v40 =	vand.u32 $0x7F, v11;
	v59 =	vor.u32 v5, v23;
	v5 =	vadd.s32 v62, v19;
	[tilespmem:v57+s20+$0x0] =	vst.idx.msk $0xffff, v50  }
0x2a3: {  	v57 =	vld [tilespmem:$0x1F990];
	v11 =	vadd.s32 v6, v19;
	[tilespmem:v58+s20+$0x0] =	vst.idx.msk $0xffff, v45;
	v39 =	vand.u32 $0x7F, v5;
	v58 =	vadd.s32 v34, v4  }
0x2a4: {  	v61 =	vand.u32 $0xFFFFFF80, v11;
	v6 =	vand.u32 $0x7F, v11;
	v11 =	vand.u32 $0xFFFFFF80, v5;
	v5 =	vld [tilespmem:$0x1F750]  }
0x2a5: {  	[tilespmem:v60+s20+$0x0] =	vst.idx.msk $0xffff, v53;
	v60 =	vand.u32 $0xFFFFFF80, v58;
	v45 =	vand.u32 $0x7F, v58;
	v58 =	vld [tilespmem:$0x1F760]  }
0x2a6: {  	v41 =	vor.u32 v40, v52;
	v40 =	vadd.s32 v20, v11;
	v11 =	vld [tilespmem:$0x1F9A0]  }
0x2a7: {  	v52 =	vadd.s32 v20, v61;
	v61 =	vld [tilespmem:$0x1F780]  }
0x2a8: {  	v50 =	vor.u32 v6, v52;
	v52 =	vor.u32 v39, v40;
	v39 =	vld [tilespmem:$0x1F2F0]  }
0x2a9: {  	v56 =	vor.u32 v57, v0;
	v57 =	vor.u32 v33, v23;
	v33 =	vld [tilespmem:$0x1F2E0]  }
0x2aa: {  	[tilespmem:v59+s20+$0x0] =	vst.idx.msk $0xffff, v49;
	v59 =	vld [tilespmem:$0x1FFE0]  }
0x2ab: {  	v51 =	vld.idx.msk [tilespmem:v51+s16+$0x0], $0xffff  }
0x2ac: {  	v41 =	vld.idx.msk [tilespmem:v41+s16+$0x0], $0xffff;
	v62 =	vadd.s32 v61, v19  }
0x2ad: {  	v6 =	vand.u32 $0xFFFFFF80, v62;
	v15 =	vand.u32 $0x7F, v62;
	v62 =	vld [tilespmem:$0x1FED0]  }
0x2ae: {  	v52 =	vld.idx.msk [tilespmem:v52+s16+$0x0], $0xffff  }
0x2af: {  	v49 =	vadd.s32 v3, v60;
	v40 =	vadd.s32 v20, v6;
	v60 =	vadd.s32 v59, v19;
	v6 =	vld [tilespmem:$0x1F770]  }
0x2b0: {  	[tilespmem:v56+s20+$0x0] =	vst.idx.msk $0xffff, v54;
	v54 =	vor.u32 v15, v40;
	v15 =	vld.idx.msk [tilespmem:v50+s16+$0x0], $0xffff;
	v61 =	vand.u32 $0xFFFFFF80, v60  }
0x2b1: {  	v53 =	vor.u32 v11, v0;
	[tilespmem:v57+s20+$0x0] =	vst.idx.msk $0xffff, v51;
	v51 =	vadd.s32 v20, v61;
	v61 =	vld [tilespmem:$0x1FC30]  }
0x2b2: {  	v45 =	vor.u32 v45, v49;
	v49 =	vor.u32 v5, v23;
	v5 =	vadd.s32 v62, v19;
	v62 =	vld [tilespmem:$0x1FC40];
	_ =	sdelay $0x2  }
0x2b3: {  	[tilespmem:$0x1F610] =	vst v2;
	v2 =	vcombine.low v39, v33  }
0x2b4: {  	v16 =	vld [tilespmem:$0x1F9C0];
	v50 =	vor.u32 v58, v23;
	[tilespmem:v53+s20+$0x0] =	vst.idx.msk $0xffff, v55;
	v55 =	vand.u32 $0x7F, v60;
	v33 =	vand.u32 $0xFFFFFF80, v5  }
0x2b5: {  	v53 =	vor.u32 v6, v23;
	v60 =	vadd.s32 v20, v33;
	v33 =	vcombine.low v61, v62;
	v62 =	vld [tilespmem:$0x1FF00]  }
0x2b6: {  	v44 =	vld.idx.msk [tilespmem:v44+s16+$0x0], $0xffff  }
0x2b7: {  	[tilespmem:v49+s20+$0x0] =	vst.idx.msk $0xffff, v41;
	v59 =	vadd.s32 v2, v4;
	v57 =	vld.idx.msk [tilespmem:v46+s16+$0x0], $0xffff;
	v41 =	vand.u32 $0x7F, v5  }
0x2b8: {  	v48 =	vld.idx.msk [tilespmem:v48+s16+$0x0], $0xffff;
	v49 =	vor.u32 v41, v60;
	v60 =	vand.u32 $0xFFFFFF80, v59  }
0x2b9: {  	v51 =	vor.u32 v55, v51;
	[tilespmem:v50+s20+$0x0] =	vst.idx.msk $0xffff, v15;
	v50 =	vadd.s32 v3, v60;
	v60 =	vld [tilespmem:$0x1F790];
	v5 =	vand.u32 $0xF, v33  }
0x2ba: {  	v41 =	vand.u32 $0x7F, v59;
	[tilespmem:v53+s20+$0x0] =	vst.idx.msk $0xffff, v52;
	v53 =	vld [tilespmem:$0x1F300];
	v61 =	vadd.s32 v5, v4;
	v6 =	vadd.s32 v62, v19  }
0x2bb: {  	v33 =	vand.u32 $0xFFFFFF80, v61;
	v39 =	vand.u32 $0x7F, v61;
	v61 =	vld [tilespmem:$0x1F7A0];
	v40 =	vand.u32 $0xFFFFFF80, v6  }
0x2bc: {  	v52 =	vadd.s32 v3, v33;
	v33 =	vld [tilespmem:$0x1F9B0];
	v56 =	vand.u32 $0x7F, v6;
	v55 =	vadd.s32 v20, v40  }
0x2bd: {  	v46 =	vor.u32 v41, v50;
	v50 =	vor.u32 v56, v55;
	v55 =	vld [tilespmem:$0x1F310]  }
0x2be: {  	v56 =	vld [tilespmem:$0x1F320]  }
0x2bf: {  	v62 =	vld [tilespmem:$0x1F330]  }
0x2c0: {  	v47 =	vld.idx.msk [tilespmem:v47+s16+$0x0], $0xffff  }
0x2c1: {  	v51 =	vld.idx.msk [tilespmem:v51+s16+$0x0], $0xffff;
	v40 =	vor.u32 v33, v0  }
0x2c2: {  	v31 =	vcombine.low v55, v53;
	v55 =	vor.u32 v60, v23;
	v60 =	vld [tilespmem:$0x1F7B0]  }
0x2c3: {  	v58 =	vadd.s32 v56, v19;
	v56 =	vor.u32 v61, v23;
	v61 =	vld [tilespmem:$0x1F7D0]  }
0x2c4: {  	v49 =	vld.idx.msk [tilespmem:v49+s16+$0x0], $0xffff;
	v41 =	vor.u32 v39, v52;
	v6 =	vadd.s32 v62, v19  }
0x2c5: {  	v39 =	vand.u32 $0xFFFFFF80, v6;
	v53 =	vld.idx.msk [tilespmem:v54+s16+$0x0], $0xffff;
	v59 =	vand.u32 $0xFFFFFF80, v58;
	v52 =	vand.u32 $0x7F, v58  }
0x2c6: {  	v62 =	vld [tilespmem:$0x1F340];
	v58 =	vand.u32 $0x7F, v6;
	v54 =	vadd.s32 v20, v59;
	v59 =	vadd.s32 v20, v39;
	[tilespmem:v40+s20+$0x0] =	vst.idx.msk $0xffff, v44  }
0x2c7: {  	v44 =	vor.u32 v52, v54;
	v52 =	vor.u32 v58, v59;
	v59 =	vld [tilespmem:$0x1F350];
	v60 =	vor.u32 v60, v23  }
0x2c8: {  	v50 =	vld.idx.msk [tilespmem:v50+s16+$0x0], $0xffff;
	v61 =	vor.u32 v61, v23  }
0x2c9: {  	[tilespmem:$0x1F620] =	vst v2  }
0x2ca: {  	[tilespmem:v55+s20+$0x0] =	vst.idx.msk $0xffff, v53  }
0x2cb: {  	v2 =	vadd.s32 v62, v19;
	v53 =	vor.u32 v16, v0;
	[tilespmem:v56+s20+$0x0] =	vst.idx.msk $0xffff, v51  }
0x2cc: {  	v6 =	vand.u32 $0xFFFFFF80, v2;
	v62 =	vadd.s32 v59, v19;
	v59 =	vld [tilespmem:$0x1F360];
	[tilespmem:v60+s20+$0x0] =	vst.idx.msk $0xffff, v49  }
0x2cd: {  	v58 =	vand.u32 $0x7F, v2;
	v40 =	vadd.s32 v20, v6;
	[tilespmem:v61+s20+$0x0] =	vst.idx.msk $0xffff, v50;
	v61 =	vld [tilespmem:$0x1F7F0]  }
0x2ce: {  	v6 =	vadd.s32 v31, v4;
	v51 =	vor.u32 v58, v40  }
0x2cf: {  	v56 =	vand.u32 $0xFFFFFF80, v6;
	v58 =	vand.u32 $0x7F, v6;
	v6 =	vld [tilespmem:$0x1F9D0];
	v1 =	vand.u32 $0xFFFFFF80, v62  }
0x2d0: {  	v2 =	vand.u32 $0x7F, v62;
	v40 =	vadd.s32 v20, v1;
	[tilespmem:v53+s20+$0x0] =	vst.idx.msk $0xffff, v57;
	v53 =	vld [tilespmem:$0x1F370]  }
0x2d1: {  	v57 =	vld [tilespmem:$0x1F380];
	v49 =	vor.u32 v2, v40;
	v60 =	vadd.s32 v59, v19  }
0x2d2: {  	v40 =	vadd.s32 v3, v56;
	v62 =	vand.u32 $0xFFFFFF80, v60;
	v50 =	vor.u32 v61, v23;
	v61 =	vld [tilespmem:$0x1F390]  }
0x2d3: {  	v40 =	vor.u32 v58, v40;
	v58 =	vand.u32 $0x7F, v60;
	v60 =	vld [tilespmem:$0x1F800];
	v59 =	vadd.s32 v20, v62  }
0x2d4: {  	v39 =	vor.u32 v58, v59;
	v59 =	vld [tilespmem:$0x1F3A0];
	_ =	sdelay $0x1  }
0x2d5: {  	v54 =	vor.u32 v6, v0;
	v44 =	vld.idx.msk [tilespmem:v44+s16+$0x0], $0xffff  }
0x2d6: {  	v58 =	vld [tilespmem:$0x1F810];
	v62 =	vadd.s32 v61, v19  }
0x2d7: {  	v2 =	vcombine.low v53, v57;
	v57 =	vand.u32 $0xFFFFFF80, v62;
	v61 =	vand.u32 $0x7F, v62;
	v62 =	vld [tilespmem:$0x1F820]  }
0x2d8: {  	v53 =	vor.u32 v60, v23;
	v60 =	vadd.s32 v59, v19;
	v59 =	vld [tilespmem:$0x1F3B0]  }
0x2d9: {  	v52 =	vld.idx.msk [tilespmem:v52+s16+$0x0], $0xffff  }
0x2da: {  	v51 =	vld.idx.msk [tilespmem:v51+s16+$0x0], $0xffff;
	[tilespmem:v54+s20+$0x0] =	vst.idx.msk $0xffff, v48  }
0x2db: {  	v48 =	vld.idx.msk [tilespmem:v49+s16+$0x0], $0xffff;
	v56 =	vor.u32 v58, v23;
	[tilespmem:v50+s20+$0x0] =	vst.idx.msk $0xffff, v44;
	v1 =	vand.u32 $0xFFFFFF80, v60;
	v58 =	vand.u32 $0x7F, v60  }
0x2dc: {  	v57 =	vadd.s32 v20, v57;
	v55 =	vadd.s32 v20, v1;
	v54 =	vor.u32 v62, v23  }
0x2dd: {  	v49 =	vor.u32 v61, v57;
	v50 =	vor.u32 v58, v55;
	v60 =	vadd.s32 v59, v19  }
0x2de: {  	v15 =	vld [tilespmem:$0x1F3E0];
	[tilespmem:$0x1F650] =	vst v2;
	v61 =	vand.u32 $0xFFFFFF80, v60;
	v44 =	vand.u32 $0x7F, v60;
	v62 =	vadd.s32 v2, v4  }
0x2df: {  	[tilespmem:v53+s20+$0x0] =	vst.idx.msk $0xffff, v52;
	v2 =	vld [tilespmem:$0x1F9E0];
	v58 =	vand.u32 $0xFFFFFF80, v62;
	v59 =	vand.u32 $0x7F, v62;
	v62 =	vadd.s32 v28, v19  }
0x2e0: {  	[tilespmem:v56+s20+$0x0] =	vst.idx.msk $0xffff, v51;
	v57 =	vadd.s32 v20, v61;
	v61 =	vld [tilespmem:$0x1F830];
	v60 =	vadd.s32 v3, v58;
	v53 =	vand.u32 $0x7F, v62  }
0x2e1: {  	[tilespmem:v54+s20+$0x0] =	vst.idx.msk $0xffff, v48;
	v48 =	vor.u32 v44, v57;
	v44 =	vor.u32 v59, v60;
	v60 =	vand.u32 $0xFFFFFF80, v62;
	v62 =	vld [tilespmem:$0x1F3F0]  }
0x2e2: {  	v58 =	vld [tilespmem:$0x1F840]  }
0x2e3: {  	v57 =	vld [tilespmem:$0x1F3D0]  }
0x2e4: {  	v39 =	vld.idx.msk [tilespmem:v39+s16+$0x0], $0xffff  }
0x2e5: {  	v52 =	vor.u32 v2, v0;
	v51 =	vor.u32 v61, v23;
	v61 =	vld [tilespmem:$0x1F850]  }
0x2e6: {  	v1 =	vadd.s32 v62, v19;
	v62 =	vld [tilespmem:$0x1F860]  }
0x2e7: {  	v21 =	vld.idx.msk [tilespmem:v49+s16+$0x0], $0xffff  }
0x2e8: {  	v50 =	vld.idx.msk [tilespmem:v50+s16+$0x0], $0xffff;
	v49 =	vor.u32 v58, v23  }
0x2e9: {  	v48 =	vld.idx.msk [tilespmem:v48+s16+$0x0], $0xffff  }
0x2ea: {  	v59 =	vcombine.low v57, v15;
	[tilespmem:v52+s20+$0x0] =	vst.idx.msk $0xffff, v47;
	v47 =	vadd.s32 v20, v60;
	v15 =	vld [tilespmem:$0x1FD20]  }
0x2eb: {  	v55 =	vor.u32 v61, v23;
	v60 =	vand.u32 $0xFFFFFF80, v1;
	v56 =	vor.u32 v62, v23;
	v62 =	vld [tilespmem:$0x1FD10]  }
0x2ec: {  	v61 =	vand.u32 $0x7F, v1;
	v1 =	vadd.s32 v37, v19;
	[tilespmem:v51+s20+$0x0] =	vst.idx.msk $0xffff, v39;
	v39 =	vor.u32 v53, v47  }
0x2ed: {  	v52 =	vadd.s32 v20, v60;
	v58 =	vand.u32 $0xFFFFFF80, v1;
	[tilespmem:v49+s20+$0x0] =	vst.idx.msk $0xffff, v21;
	v21 =	vand.u32 $0x7F, v1  }
0x2ee: {  	v47 =	vor.u32 v61, v52;
	v60 =	vadd.s32 v20, v58;
	v61 =	vadd.s32 v38, v19  }
0x2ef: {  	[tilespmem:$0x1F400] =	vst v37;
	v49 =	vor.u32 v21, v60;
	v37 =	vand.u32 $0xFFFFFF80, v61  }
0x2f0: {  	[tilespmem:v55+s20+$0x0] =	vst.idx.msk $0xffff, v50;
	v50 =	vadd.s32 v20, v37;
	v37 =	vld [tilespmem:$0x1F420];
	v21 =	vcombine.low v62, v15  }
0x2f1: {  	v62 =	vld [tilespmem:$0x1F870]  }
0x2f2: {  	[tilespmem:v56+s20+$0x0] =	vst.idx.msk $0xffff, v48;
	v15 =	vld [tilespmem:$0x1F440];
	v60 =	vand.u32 $0xF, v21  }
0x2f3: {  	v54 =	vld.idx.msk [tilespmem:v39+s16+$0x0], $0xffff;
	v58 =	vadd.s32 v60, v4  }
0x2f4: {  	v51 =	vand.u32 $0x7F, v61;
	v21 =	vld [tilespmem:$0x1F9F0];
	v61 =	vand.u32 $0xFFFFFF80, v58  }
0x2f5: {  	[tilespmem:$0x1F3C0] =	vst v28;
	v39 =	vadd.s32 v3, v61;
	v61 =	vld [tilespmem:$0x1F430]  }
0x2f6: {  	[tilespmem:$0x1F410] =	vst v38;
	v28 =	vld [tilespmem:$0x1FA00];
	v38 =	vadd.s32 v59, v4  }
0x2f7: {  	v42 =	vld.idx.msk [tilespmem:v42+s16+$0x0], $0xffff;
	v57 =	vand.u32 $0x7F, v38  }
0x2f8: {  	v48 =	vor.u32 v51, v50;
	v56 =	vand.u32 $0xFFFFFF80, v38;
	v38 =	vadd.s32 v37, v19;
	v37 =	vld [tilespmem:$0x1F8A0]  }
0x2f9: {  	v50 =	vadd.s32 v3, v56;
	v56 =	vor.u32 v17, v23;
	v17 =	vld [tilespmem:$0x1F470];
	v55 =	vor.u32 v62, v23  }
0x2fa: {  	v52 =	vor.u32 v21, v0;
	v62 =	vadd.s32 v61, v19;
	v61 =	vadd.s32 v15, v19;
	v15 =	vld [tilespmem:$0x1F460]  }
0x2fb: {  	v43 =	vld.idx.msk [tilespmem:v43+s16+$0x0], $0xffff  }
0x2fc: {  	v45 =	vld.idx.msk [tilespmem:v45+s16+$0x0], $0xffff;
	v51 =	vor.u32 v35, v23;
	v50 =	vor.u32 v57, v50  }
0x2fd: {  	v46 =	vld.idx.msk [tilespmem:v46+s16+$0x0], $0xffff;
	v57 =	vand.u32 $0xFFFFFF80, v38;
	v35 =	vand.u32 $0x7F, v38;
	v1 =	vand.u32 $0x7F, v58  }
0x2fe: {  	v47 =	vld.idx.msk [tilespmem:v47+s16+$0x0], $0xffff;
	v38 =	vand.u32 $0xFFFFFF80, v62;
	v58 =	vand.u32 $0x7F, v62;
	v62 =	vand.u32 $0xFFFFFF80, v61  }
0x2ff: {  	[tilespmem:v52+s20+$0x0] =	vst.idx.msk $0xffff, v42;
	v52 =	vor.u32 v37, v23;
	v37 =	vand.u32 $0x7F, v61;
	v61 =	vcombine.low v15, v17;
	v15 =	vld [tilespmem:$0x1F490]  }
0x300: {  	v17 =	vld [tilespmem:$0x1F4A0]  }
0x301: {  	v49 =	vld.idx.msk [tilespmem:v49+s16+$0x0], $0xffff  }
0x302: {  	v57 =	vadd.s32 v20, v57;
	v39 =	vor.u32 v1, v39;
	v42 =	vld.idx.msk [tilespmem:v48+s16+$0x0], $0xffff;
	[tilespmem:v55+s20+$0x0] =	vst.idx.msk $0xffff, v54  }
0x303: {  	v53 =	vadd.s32 v20, v38;
	v48 =	vor.u32 v35, v57;
	v35 =	vadd.s32 v26, v19  }
0x304: {  	v53 =	vor.u32 v58, v53;
	[tilespmem:v51+s20+$0x0] =	vst.idx.msk $0xffff, v47;
	v47 =	vor.u32 v28, v0  }
0x305: {  	v38 =	vand.u32 $0xFFFFFF80, v35;
	v57 =	vand.u32 $0x7F, v35;
	v35 =	vcombine.low v15, v17;
	v15 =	vld [tilespmem:$0x1F8B0]  }
0x306: {  	v51 =	vadd.s32 v20, v62;
	v62 =	vadd.s32 v24, v19;
	[tilespmem:v56+s20+$0x0] =	vst.idx.msk $0xffff, v49  }
0x307: {  	v1 =	vld [tilespmem:$0x1F720];
	v58 =	vadd.s32 v20, v38;
	v54 =	vand.u32 $0xFFFFFF80, v62;
	[tilespmem:v52+s20+$0x0] =	vst.idx.msk $0xffff, v42;
	v42 =	vor.u32 v37, v51  }
0x308: {  	[tilespmem:$0x1F4C0] =	vst v22;
	v55 =	vand.u32 $0x7F, v62;
	v62 =	vadd.s32 v22, v19;
	v22 =	vld [tilespmem:$0x1FA20];
	v49 =	vor.u32 v57, v58  }
0x309: {  	v51 =	vor.u32 v27, v23;
	v27 =	vld [tilespmem:$0x1FA30]  }
0x30a: {  	v37 =	vld.idx.msk [tilespmem:v48+s16+$0x0], $0xffff;
	v38 =	vor.u32 v15, v23  }
0x30b: {  	[tilespmem:v47+s20+$0x0] =	vst.idx.msk $0xffff, v43;
	v47 =	vld.idx.msk [tilespmem:v53+s16+$0x0], $0xffff  }
0x30c: {  	v56 =	vadd.s32 v20, v54;
	v57 =	vadd.s32 v25, v19;
	v53 =	vor.u32 v63, v23;
	v42 =	vld.idx.msk [tilespmem:v42+s16+$0x0], $0xffff  }
0x30d: {  	v58 =	vand.u32 $0xFFFFFF80, v57;
	v43 =	vor.u32 v55, v56;
	v55 =	vor.u32 v29, v23;
	v49 =	vld.idx.msk [tilespmem:v49+s16+$0x0], $0xffff  }
0x30e: {  	v52 =	vadd.s32 v20, v58;
	v48 =	vand.u32 $0x7F, v57;
	v63 =	vand.u32 $0xFFFFFF80, v62  }
0x30f: {  	v54 =	vand.u32 $0x7F, v62;
	v56 =	vadd.s32 v20, v63;
	[tilespmem:v38+s20+$0x0] =	vst.idx.msk $0xffff, v37;
	v37 =	vor.u32 v48, v52  }
0x310: {  	v48 =	vor.u32 v54, v56;
	v52 =	vor.u32 v22, v0;
	[tilespmem:v51+s20+$0x0] =	vst.idx.msk $0xffff, v47  }
0x311: {  	v57 =	vadd.s32 v32, v19;
	v15 =	vld [tilespmem:$0x1F4E0];
	v47 =	vor.u32 v27, v0;
	[tilespmem:v53+s20+$0x0] =	vst.idx.msk $0xffff, v42  }
0x312: {  	v51 =	vor.u32 v36, v23;
	v36 =	vadd.s32 v1, v19;
	v1 =	vld [tilespmem:$0x1FA40];
	[tilespmem:v55+s20+$0x0] =	vst.idx.msk $0xffff, v49  }
0x313: {  	v62 =	vadd.s32 v61, v4;
	v58 =	vand.u32 $0xFFFFFF80, v57;
	v43 =	vld.idx.msk [tilespmem:v43+s16+$0x0], $0xffff  }
0x314: {  	[tilespmem:$0x1F4D0] =	vst v32;
	v63 =	vadd.s32 v20, v58;
	v58 =	vadd.s32 v35, v4;
	v38 =	vand.u32 $0x7F, v57;
	v37 =	vld.idx.msk [tilespmem:v37+s16+$0x0], $0xffff  }
0x315: {  	v32 =	vand.u32 $0xFFFFFF80, v62;
	v56 =	vand.u32 $0x7F, v62;
	v49 =	vor.u32 v38, v63;
	[tilespmem:v52+s20+$0x0] =	vst.idx.msk $0xffff, v45;
	v48 =	vld.idx.msk [tilespmem:v48+s16+$0x0], $0xffff  }
0x316: {  	v57 =	vadd.s32 v3, v32;
	v62 =	vand.u32 $0xFFFFFF80, v58;
	v63 =	vor.u32 v30, v23;
	[tilespmem:v47+s20+$0x0] =	vst.idx.msk $0xffff, v46;
	v46 =	vld [tilespmem:$0x1F4F0]  }
0x317: {  	v32 =	vor.u32 v8, v23;
	v54 =	vadd.s32 v15, v19;
	v55 =	vadd.s32 v12, v19;
	v47 =	vld [tilespmem:$0x1F500]  }
0x318: {  	v42 =	vand.u32 $0x7F, v58;
	v29 =	vand.u32 $0xFFFFFF80, v36;
	v58 =	vld [tilespmem:$0x1FD30];
	v8 =	vand.u32 $0xFFFFFF80, v55  }
0x319: {  	[tilespmem:$0x1F510] =	vst v12;
	v29 =	vadd.s32 v20, v29;
	v45 =	vadd.s32 v3, v62;
	v12 =	vadd.s32 v20, v8;
	v8 =	vld [tilespmem:$0x1FA60]  }
0x31a: {  	v42 =	vor.u32 v42, v45;
	v45 =	vld.idx.msk [tilespmem:v49+s16+$0x0], $0xffff;
	v49 =	vand.u32 $0x7F, v36;
	[tilespmem:v51+s20+$0x0] =	vst.idx.msk $0xffff, v43  }
0x31b: {  	v38 =	vor.u32 v56, v57;
	v43 =	vor.u32 v49, v29;
	[tilespmem:v63+s20+$0x0] =	vst.idx.msk $0xffff, v37;
	v63 =	vld [tilespmem:$0x1F530]  }
0x31c: {  	v29 =	vand.u32 $0xFFFFFF80, v54;
	v56 =	vcombine.low v46, v47;
	v47 =	vor.u32 v9, v23;
	[tilespmem:v32+s20+$0x0] =	vst.idx.msk $0xffff, v48;
	v32 =	vld [tilespmem:$0x1FD40]  }
0x31d: {  	v57 =	vand.u32 $0x7F, v54;
	v40 =	vld.idx.msk [tilespmem:v40+s16+$0x0], $0xffff;
	v29 =	vadd.s32 v20, v29  }
0x31e: {  	v44 =	vld.idx.msk [tilespmem:v44+s16+$0x0], $0xffff;
	v49 =	vor.u32 v57, v29;
	v29 =	vadd.s32 v13, v19  }
0x31f: {  	v37 =	vld.idx.msk [tilespmem:v41+s16+$0x0], $0xffff;
	v41 =	vor.u32 v1, v0;
	v46 =	vand.u32 $0x7F, v55;
	v57 =	vand.u32 $0xFFFFFF80, v29  }
0x320: {  	v48 =	vld.idx.msk [tilespmem:v50+s16+$0x0], $0xffff;
	v46 =	vor.u32 v46, v12;
	v51 =	vadd.s32 v20, v57;
	v63 =	vadd.s32 v63, v19  }
0x321: {  	v15 =	vld [tilespmem:$0x1F590];
	v29 =	vand.u32 $0x7F, v29;
	v36 =	vcombine.low v58, v32;
	v58 =	vadd.s32 v56, v4;
	[tilespmem:v47+s20+$0x0] =	vst.idx.msk $0xffff, v45  }
0x322: {  	v45 =	vor.u32 v29, v51;
	v51 =	vor.u32 v8, v0;
	v62 =	vand.u32 $0xFFFFFF80, v58;
	v43 =	vld.idx.msk [tilespmem:v43+s16+$0x0], $0xffff  }
0x323: {  	[tilespmem:$0x1F520] =	vst v13;
	v12 =	vand.u32 $0x7F, v58;
	v30 =	vand.u32 $0xF, v36;
	v47 =	vadd.s32 v3, v62;
	v62 =	vld [tilespmem:$0x1F940]  }
0x324: {  	[tilespmem:v41+s20+$0x0] =	vst.idx.msk $0xffff, v37;
	v36 =	vand.u32 $0x7F, v63;
	v13 =	vadd.s32 v30, v4;
	v41 =	vor.u32 v12, v47;
	v12 =	vld [tilespmem:$0x1F950]  }
0x325: {  	v32 =	vand.u32 $0xFFFFFF80, v13;
	v57 =	vand.u32 $0x7F, v13;
	v13 =	vand.u32 $0xFFFFFF80, v63;
	v63 =	vld [tilespmem:$0x1F550]  }
0x326: {  	v54 =	vor.u32 v10, v23;
	v46 =	vld.idx.msk [tilespmem:v46+s16+$0x0], $0xffff;
	v58 =	vadd.s32 v3, v32  }
0x327: {  	v37 =	vor.u32 v57, v58;
	v58 =	vld [tilespmem:$0x1F960]  }
0x328: {  	v47 =	vld.idx.msk [tilespmem:v49+s16+$0x0], $0xffff;
	v49 =	vor.u32 v62, v23  }
0x329: {  	[tilespmem:v51+s20+$0x0] =	vst.idx.msk $0xffff, v40;
	v40 =	vld.idx.msk [tilespmem:v45+s16+$0x0], $0xffff;
	v52 =	vor.u32 v12, v23  }
0x32a: {  	[tilespmem:$0x1F560] =	vst v14;
	v32 =	vadd.s32 v18, v19;
	v9 =	vadd.s32 v20, v13;
	v12 =	vadd.s32 v63, v19;
	v63 =	vld [tilespmem:$0x1F580]  }
0x32b: {  	v14 =	vadd.s32 v14, v19;
	[tilespmem:v54+s20+$0x0] =	vst.idx.msk $0xffff, v43;
	v43 =	vor.u32 v36, v9;
	v9 =	vld [tilespmem:$0x1FA80];
	v62 =	vand.u32 $0xFFFFFF80, v32  }
0x32c: {  	v10 =	vand.u32 $0x7F, v32;
	v51 =	vadd.s32 v20, v62;
	v62 =	vld [tilespmem:$0x1F570];
	v50 =	vor.u32 v58, v23  }
0x32d: {  	v36 =	vand.u32 $0xFFFFFF80, v14;
	v45 =	vor.u32 v10, v51;
	v10 =	vld [tilespmem:$0x1FA90];
	[tilespmem:v49+s20+$0x0] =	vst.idx.msk $0xffff, v47  }
0x32e: {  	v54 =	vand.u32 $0x7F, v14;
	v55 =	vadd.s32 v20, v36;
	[tilespmem:v52+s20+$0x0] =	vst.idx.msk $0xffff, v46;
	v52 =	vld [tilespmem:$0x1F5F0]  }
0x32f: {  	v13 =	vand.u32 $0xFFFFFF80, v12;
	v46 =	vor.u32 v54, v55;
	v17 =	vcombine.low v63, v15;
	v15 =	vld [tilespmem:$0x1F5B0]  }
0x330: {  	v32 =	vand.u32 $0x7F, v12;
	v47 =	vor.u32 v9, v0;
	v49 =	vadd.s32 v20, v13;
	v63 =	vld [tilespmem:$0x1F980]  }
0x331: {  	[tilespmem:v50+s20+$0x0] =	vst.idx.msk $0xffff, v40;
	v40 =	vor.u32 v32, v49;
	v32 =	vld [tilespmem:$0x1F970]  }
0x332: {  	v50 =	vadd.s32 v62, v19;
	v62 =	vld [tilespmem:$0x1F5A0]  }
0x333: {  	v43 =	vld.idx.msk [tilespmem:v43+s16+$0x0], $0xffff  }
0x334: {  	[tilespmem:$0x1F450] =	vst v26;
	v49 =	vor.u32 v10, v0;
	v46 =	vld.idx.msk [tilespmem:v46+s16+$0x0], $0xffff  }
0x335: {  	v36 =	vand.u32 $0xFFFFFF80, v50;
	[tilespmem:v47+s20+$0x0] =	vst.idx.msk $0xffff, v44;
	v44 =	vor.u32 v63, v23;
	v63 =	vld [tilespmem:$0x1F990]  }
0x336: {  	[tilespmem:$0x1F4B0] =	vst v25;
	v25 =	vand.u32 $0x7F, v50;
	v26 =	vadd.s32 v20, v36;
	v51 =	vor.u32 v32, v23;
	v32 =	vld [tilespmem:$0x1F5C0]  }
0x337: {  	v25 =	vor.u32 v25, v26;
	v26 =	vld.idx.msk [tilespmem:v45+s16+$0x0], $0xffff  }
0x338: {  	v40 =	vld.idx.msk [tilespmem:v40+s16+$0x0], $0xffff  }
0x339: {  	v13 =	vadd.s32 v7, v19;
	v29 =	vcombine.low v62, v15;
	v62 =	vmov v7;
	[tilespmem:v49+s20+$0x0] =	vst.idx.msk $0xffff, v48;
	v7 =	vld [tilespmem:$0x1FAA0]  }
0x33a: {  	v39 =	vld.idx.msk [tilespmem:v39+s16+$0x0], $0xffff;
	v47 =	vor.u32 v63, v23  }
0x33b: {  	v14 =	vor.u32 v11, v23;
	v38 =	vld.idx.msk [tilespmem:v38+s16+$0x0], $0xffff;
	v36 =	vadd.s32 v32, v19  }
0x33c: {  	v54 =	vadd.s32 v17, v4;
	v42 =	vld.idx.msk [tilespmem:v42+s16+$0x0], $0xffff;
	v63 =	vadd.s32 v29, v4;
	v12 =	vand.u32 $0xFFFFFF80, v36  }
0x33d: {  	v32 =	vand.u32 $0xFFFFFF80, v13;
	[tilespmem:v51+s20+$0x0] =	vst.idx.msk $0xffff, v43;
	v45 =	vand.u32 $0x7F, v36;
	v36 =	vadd.s32 v20, v12;
	v12 =	vld [tilespmem:$0x1F5D0]  }
0x33e: {  	v11 =	vand.u32 $0xFFFFFF80, v63;
	v51 =	vld [tilespmem:$0x1F5E0];
	v49 =	vadd.s32 v20, v32;
	[tilespmem:v44+s20+$0x0] =	vst.idx.msk $0xffff, v26;
	v43 =	vor.u32 v45, v36  }
0x33f: {  	v53 =	vand.u32 $0x7F, v13;
	[tilespmem:v47+s20+$0x0] =	vst.idx.msk $0xffff, v40;
	v40 =	vadd.s32 v3, v11;
	v36 =	vor.u32 v7, v0;
	v11 =	vld [tilespmem:$0x1FAB0]  }
0x340: {  	v26 =	vand.u32 $0xFFFFFF80, v54;
	v45 =	vor.u32 v53, v49;
	[tilespmem:v14+s20+$0x0] =	vst.idx.msk $0xffff, v46;
	v14 =	vand.u32 $0x7F, v63;
	v63 =	vld [tilespmem:$0x1F610]  }
0x341: {  	[tilespmem:$0x1F480] =	vst v24;
	v55 =	vand.u32 $0x7F, v54;
	v50 =	vor.u32 v16, v23;
	v24 =	vld.idx.msk [tilespmem:v41+s16+$0x0], $0xffff;
	v26 =	vadd.s32 v3, v26  }
0x342: {  	v26 =	vor.u32 v55, v26;
	v53 =	vld [tilespmem:$0x1F600];
	v40 =	vor.u32 v14, v40;
	v13 =	vadd.s32 v12, v19  }
0x343: {  	[tilespmem:$0x1F540] =	vst v18;
	v18 =	vcombine.low v51, v52;
	v25 =	vld.idx.msk [tilespmem:v25+s16+$0x0], $0xffff;
	v32 =	vand.u32 $0xFFFFFF80, v13;
	v47 =	vand.u32 $0x7F, v13  }
0x344: {  	v41 =	vor.u32 v11, v0;
	v43 =	vld.idx.msk [tilespmem:v43+s16+$0x0], $0xffff;
	[tilespmem:v36+s20+$0x0] =	vst.idx.msk $0xffff, v39;
	v48 =	vadd.s32 v20, v32  }
0x345: {  	v39 =	vld.idx.msk [tilespmem:v45+s16+$0x0], $0xffff;
	v12 =	vadd.s32 v63, v19;
	v32 =	vor.u32 v47, v48;
	v48 =	vor.u32 v33, v23  }
0x346: {  	v51 =	vor.u32 v6, v23;
	v63 =	vor.u32 v2, v23;
	v2 =	vld [tilespmem:$0x1FAC0];
	v13 =	vand.u32 $0xFFFFFF80, v12  }
0x347: {  	v6 =	vadd.s32 v34, v19;
	v54 =	vadd.s32 v53, v19;
	v45 =	vadd.s32 v20, v13;
	v13 =	vld [tilespmem:$0x1F620]  }
0x348: {  	v53 =	vadd.s32 v31, v19;
	v55 =	vand.u32 $0xFFFFFF80, v54;
	v46 =	vand.u32 $0x7F, v54  }
0x349: {  	v47 =	vadd.s32 v20, v55;
	v14 =	vand.u32 $0x7F, v12;
	v12 =	vand.u32 $0xFFFFFF80, v6;
	[tilespmem:v41+s20+$0x0] =	vst.idx.msk $0xffff, v38  }
0x34a: {  	v38 =	vor.u32 v46, v47;
	v41 =	vor.u32 v14, v45;
	v44 =	vld.idx.msk [tilespmem:v32+s16+$0x0], $0xffff;
	[tilespmem:v48+s20+$0x0] =	vst.idx.msk $0xffff, v25  }
0x34b: {  	v45 =	vadd.s32 v20, v12;
	v25 =	vand.u32 $0x7F, v6;
	[tilespmem:v50+s20+$0x0] =	vst.idx.msk $0xffff, v43;
	v43 =	vor.u32 v2, v0  }
0x34c: {  	v14 =	vadd.s32 v13, v19;
	v25 =	vor.u32 v25, v45;
	v50 =	vadd.s32 v5, v19  }
0x34d: {  	v52 =	vmovc v31;
	v33 =	vmovc v34;
	v12 =	vld [tilespmem:$0x1F640];
	v32 =	vand.u32 $0xFFFFFF80, v14;
	[tilespmem:v51+s20+$0x0] =	vst.idx.msk $0xffff, v39;
	v34 =	vand.u32 $0x7F, v14;
	v14 =	vand.u32 $0xFFFFFF80, v50  }
0x34e: {  	v31 =	vmovc v59;
	v45 =	vadd.s32 v20, v32;
	v39 =	vadd.s32 v20, v14;
	v14 =	vadd.s32 v59, v19;
	v59 =	vld [tilespmem:$0x1FD50]  }
0x34f: {  	v13 =	vor.u32 v34, v45;
	[tilespmem:v63+s20+$0x0] =	vst.idx.msk $0xffff, v44;
	v63 =	vld [tilespmem:$0x1F630]  }
0x350: {  	[tilespmem:v43+s20+$0x0] =	vst.idx.msk $0xffff, v42;
	v43 =	vor.u32 v22, v23;
	v22 =	vld [tilespmem:$0x1F650]  }
0x351: {  	v38 =	vld.idx.msk [tilespmem:v38+s16+$0x0], $0xffff  }
0x352: {  	v45 =	vor.u32 v21, v23;
	v41 =	vld.idx.msk [tilespmem:v41+s16+$0x0], $0xffff  }
0x353: {  	v54 =	vor.u32 v28, v23;
	v48 =	vor.u32 v27, v23;
	v51 =	vmovc v5;
	v5 =	vand.u32 $0x7F, v53;
	v25 =	vld.idx.msk [tilespmem:v25+s16+$0x0], $0xffff  }
0x354: {  	v32 =	vand.u32 $0x7F, v50;
	v46 =	vld.idx.msk [tilespmem:v13+s16+$0x0], $0xffff;
	v55 =	vcombine.low v12, v63;
	v63 =	vand.u32 $0xFFFFFF80, v53  }
0x355: {  	v39 =	vor.u32 v32, v39;
	v6 =	vadd.s32 v20, v63;
	v12 =	vadd.s32 v22, v19;
	v63 =	vld [tilespmem:$0x1FD60]  }
0x356: {  	v53 =	vand.u32 $0xFFFFFF80, v14;
	v13 =	vand.u32 $0xFFFFFF80, v12;
	v50 =	vand.u32 $0x7F, v12;
	v12 =	vld [tilespmem:$0x1FAD0]  }
0x357: {  	v32 =	vor.u32 v1, v23;
	[tilespmem:v45+s20+$0x0] =	vst.idx.msk $0xffff, v38;
	v44 =	vadd.s32 v20, v53  }
0x358: {  	v57 =	vld [tilespmem:$0x1F7E0];
	v42 =	vor.u32 v5, v6;
	[tilespmem:v54+s20+$0x0] =	vst.idx.msk $0xffff, v41;
	v54 =	vand.u32 $0x7F, v14;
	v6 =	vadd.s32 v18, v4  }
0x359: {  	v58 =	vld [tilespmem:$0x1F7C0];
	v53 =	vadd.s32 v55, v4;
	v34 =	vadd.s32 v20, v13;
	v41 =	vor.u32 v54, v44  }
0x35a: {  	v49 =	vld [tilespmem:$0x1F680];
	[tilespmem:v43+s20+$0x0] =	vst.idx.msk $0xffff, v25;
	v13 =	vand.u32 $0xFFFFFF80, v6;
	v38 =	vor.u32 v50, v34;
	v5 =	vcombine.low v59, v63  }
0x35b: {  	v44 =	vand.u32 $0x7F, v6;
	[tilespmem:v48+s20+$0x0] =	vst.idx.msk $0xffff, v46;
	v43 =	vadd.s32 v3, v13;
	v13 =	vld [tilespmem:$0x1F670];
	v25 =	vor.u32 v12, v0  }
0x35c: {  	v54 =	vor.u32 v8, v23;
	v43 =	vor.u32 v44, v43;
	v39 =	vld.idx.msk [tilespmem:v39+s16+$0x0], $0xffff;
	v34 =	vand.u32 $0xF, v5  }
0x35d: {  	v59 =	vand.u32 $0xFFFFFF80, v53;
	v63 =	vor.u32 v9, v23;
	v42 =	vld.idx.msk [tilespmem:v42+s16+$0x0], $0xffff;
	v45 =	vadd.s32 v34, v4  }
0x35e: {  	v9 =	vadd.s32 v60, v19;
	v8 =	vadd.s32 v3, v59;
	v41 =	vld.idx.msk [tilespmem:v41+s16+$0x0], $0xffff;
	v14 =	vand.u32 $0xFFFFFF80, v45  }
0x35f: {  	v36 =	vand.u32 $0x7F, v9;
	v38 =	vld.idx.msk [tilespmem:v38+s16+$0x0], $0xffff;
	v45 =	vand.u32 $0x7F, v45;
	v44 =	vadd.s32 v3, v14  }
0x360: {  	[tilespmem:v25+s20+$0x0] =	vst.idx.msk $0xffff, v24;
	v24 =	vor.u32 v45, v44;
	v25 =	vand.u32 $0x7F, v53;
	v44 =	vor.u32 v10, v23;
	v10 =	vld [tilespmem:$0x1F660]  }
0x361: {  	[tilespmem:v32+s20+$0x0] =	vst.idx.msk $0xffff, v39;
	v32 =	vadd.s32 v61, v19;
	v14 =	vand.u32 $0xFFFFFF80, v9;
	v25 =	vor.u32 v25, v8;
	v8 =	vld [tilespmem:$0x1FF10]  }
0x362: {  	v28 =	vld [tilespmem:$0x1FB00];
	v9 =	vadd.s32 v35, v19;
	v6 =	vadd.s32 v20, v14;
	v53 =	vand.u32 $0xFFFFFF80, v32  }
0x363: {  	v50 =	vld [tilespmem:$0x1F690];
	[tilespmem:v54+s20+$0x0] =	vst.idx.msk $0xffff, v42;
	v54 =	vand.u32 $0x7F, v32;
	v6 =	vor.u32 v36, v6;
	v59 =	vadd.s32 v20, v53  }
0x364: {  	v42 =	vand.u32 $0x7F, v9;
	v37 =	vld.idx.msk [tilespmem:v37+s16+$0x0], $0xffff;
	[tilespmem:v63+s20+$0x0] =	vst.idx.msk $0xffff, v38;
	v38 =	vor.u32 v54, v59  }
0x365: {  	v21 =	vcombine.low v13, v10;
	v10 =	vand.u32 $0xFFFFFF80, v9;
	v13 =	vadd.s32 v56, v19;
	v9 =	vld [tilespmem:$0x1FF20]  }
0x366: {  	v47 =	vld [tilespmem:$0x1FAF0];
	[tilespmem:v44+s20+$0x0] =	vst.idx.msk $0xffff, v41;
	v63 =	vor.u32 v8, v0;
	v41 =	vadd.s32 v20, v10;
	v14 =	vand.u32 $0xFFFFFF80, v13  }
0x367: {  	v26 =	vld.idx.msk [tilespmem:v26+s16+$0x0], $0xffff;
	v32 =	vand.u32 $0x7F, v13;
	v41 =	vor.u32 v42, v41;
	v36 =	vadd.s32 v20, v14  }
0x368: {  	v6 =	vld.idx.msk [tilespmem:v6+s16+$0x0], $0xffff;
	v10 =	vor.u32 v7, v23;
	v53 =	vor.u32 v32, v36  }
0x369: {  	v11 =	vor.u32 v11, v23;
	v38 =	vld.idx.msk [tilespmem:v38+s16+$0x0], $0xffff  }
0x36a: {  	v40 =	vld.idx.msk [tilespmem:v40+s16+$0x0], $0xffff;
	v59 =	vcombine.low v50, v49;
	v45 =	vor.u32 v9, v0  }
0x36b: {  	v54 =	vadd.s32 v30, v19;
	v49 =	vor.u32 v2, v23;
	v50 =	vadd.s32 v29, v19;
	v42 =	vld.idx.msk [tilespmem:v43+s16+$0x0], $0xffff  }
0x36c: {  	v1 =	vand.u32 $0x7F, v54;
	v13 =	vadd.s32 v17, v19;
	[tilespmem:v63+s20+$0x0] =	vst.idx.msk $0xffff, v37;
	v41 =	vld.idx.msk [tilespmem:v41+s16+$0x0], $0xffff  }
0x36d: {  	v14 =	vand.u32 $0xFFFFFF80, v13;
	v32 =	vand.u32 $0x7F, v13;
	v63 =	vand.u32 $0xFFFFFF80, v54;
	v5 =	vld.idx.msk [tilespmem:v53+s16+$0x0], $0xffff;
	[tilespmem:v10+s20+$0x0] =	vst.idx.msk $0xffff, v6  }
0x36e: {  	v27 =	vld [tilespmem:$0x1FB10];
	v54 =	vand.u32 $0xFFFFFF80, v50;
	v37 =	vadd.s32 v20, v63;
	v53 =	vor.u32 v12, v23;
	[tilespmem:v11+s20+$0x0] =	vst.idx.msk $0xffff, v38  }
0x36f: {  	v48 =	vld [tilespmem:$0x1FB20];
	v63 =	vand.u32 $0x7F, v50;
	[tilespmem:v45+s20+$0x0] =	vst.idx.msk $0xffff, v26;
	v26 =	vor.u32 v1, v37;
	v37 =	vadd.s32 v20, v14  }
0x370: {  	v13 =	vld [tilespmem:$0x1FF30];
	v11 =	vadd.s32 v18, v19;
	v1 =	vadd.s32 v20, v54;
	v37 =	vor.u32 v32, v37  }
0x371: {  	v46 =	vld [tilespmem:$0x1FAE0];
	v12 =	vand.u32 $0xFFFFFF80, v11;
	v6 =	vor.u32 v63, v1  }
0x372: {  	v44 =	vand.u32 $0x7F, v11;
	v32 =	vadd.s32 v20, v12;
	[tilespmem:v49+s20+$0x0] =	vst.idx.msk $0xffff, v41;
	v49 =	vld [tilespmem:$0x1FFF0]  }
0x373: {  	v2 =	vadd.s32 v21, v4;
	v12 =	vld [tilespmem:$0x1FF30];
	[tilespmem:v53+s20+$0x0] =	vst.idx.msk $0xffff, v5;
	v5 =	vor.u32 v44, v32  }
0x374: {  	v7 =	vand.u32 $0xFFFFFF80, v2;
	v54 =	vor.u32 v8, v23;
	v26 =	vld.idx.msk [tilespmem:v26+s16+$0x0], $0xffff  }
0x375: {  	v10 =	vand.u32 $0x7F, v2;
	v38 =	vadd.s32 v3, v7;
	v14 =	vor.u32 v13, v0;
	v2 =	vld.idx.msk [tilespmem:v37+s16+$0x0], $0xffff  }
0x376: {  	v38 =	vor.u32 v10, v38;
	v10 =	vor.u32 v9, v23;
	v6 =	vld.idx.msk [tilespmem:v6+s16+$0x0], $0xffff  }
0x377: {  	v63 =	vadd.s32 v34, v19;
	v37 =	vld [tilespmem:$0x1FA50];
	v50 =	vor.u32 v49, v0  }
0x378: {  	v4 =	vadd.s32 v59, v4;
	v11 =	vand.u32 $0xFFFFFF80, v63;
	v32 =	vadd.s32 v55, v19;
	v5 =	vld.idx.msk [tilespmem:v5+s16+$0x0], $0xffff  }
0x379: {  	v13 =	vand.u32 $0x7F, v63;
	v53 =	vand.u32 $0xFFFFFF80, v4;
	v36 =	vand.u32 $0xFFFFFF80, v32;
	[tilespmem:v54+s20+$0x0] =	vst.idx.msk $0xffff, v26;
	v54 =	vld [tilespmem:$0x1FFF0]  }
0x37a: {  	v3 =	vadd.s32 v3, v53;
	[tilespmem:v14+s20+$0x0] =	vst.idx.msk $0xffff, v40;
	v40 =	vadd.s32 v20, v36;
	v49 =	vand.u32 $0x7F, v32;
	v32 =	vld [tilespmem:$0x1FF50]  }
0x37b: {  	v4 =	vand.u32 $0x7F, v4;
	v53 =	vadd.s32 v21, v19;
	v26 =	vor.u32 v49, v40;
	v49 =	vld [tilespmem:$0x1FF60];
	[tilespmem:v10+s20+$0x0] =	vst.idx.msk $0xffff, v2  }
0x37c: {  	v9 =	vand.u32 $0xFFFFFF80, v53;
	v10 =	vand.u32 $0x7F, v53;
	v53 =	vld [tilespmem:$0x1FF70];
	[tilespmem:v50+s20+$0x0] =	vst.idx.msk $0xffff, v42;
	v50 =	vor.u32 v12, v23  }
0x37d: {  	v19 =	vadd.s32 v59, v19;
	v3 =	vor.u32 v4, v3;
	v14 =	vadd.s32 v20, v11;
	v12 =	vld [tilespmem:$0x1FF40]  }
0x37e: {  	v39 =	vor.u32 v13, v14;
	v14 =	vand.u32 $0xFFFFFF80, v19;
	v24 =	vld.idx.msk [tilespmem:v24+s16+$0x0], $0xffff;
	v63 =	vor.u32 v54, v23  }
0x37f: {  	v11 =	vadd.s32 v20, v9;
	v19 =	vand.u32 $0x7F, v19;
	v20 =	vadd.s32 v20, v14;
	v25 =	vld.idx.msk [tilespmem:v25+s16+$0x0], $0xffff  }
0x380: {  	v45 =	vor.u32 v19, v20;
	v19 =	vld.idx.msk [tilespmem:v38+s16+$0x0], $0xffff  }
0x381: {  	[tilespmem:v50+s20+$0x0] =	vst.idx.msk $0xffff, v6;
	v50 =	vld [tilespmem:$0x1FF40]  }
0x382: {  	v3 =	vld.idx.msk [tilespmem:v3+s16+$0x0], $0xffff;
	v13 =	vor.u32 v12, v0  }
0x383: {  	v4 =	vor.u32 v10, v11;
	v44 =	vor.u32 v32, v0;
	[tilespmem:v63+s20+$0x0] =	vst.idx.msk $0xffff, v5;
	v63 =	vld [tilespmem:$0x1FF60]  }
0x384: {  	v38 =	vld [tilespmem:$0x1FA70];
	v20 =	vor.u32 v49, v0  }
0x385: {  	v0 =	vor.u32 v53, v0;
	v5 =	vld.idx.msk [tilespmem:v39+s16+$0x0], $0xffff  }
0x386: {  	v39 =	vld [tilespmem:$0x1FF80];
	v54 =	vor.u32 v50, v23  }
0x387: {  	[tilespmem:v13+s20+$0x0] =	vst.idx.msk $0xffff, v24;
	v24 =	vld.idx.msk [tilespmem:v26+s16+$0x0], $0xffff;
	v26 =	vor.u32 v32, v23  }
0x388: {  	s31 =	sadd.s32 $0x2, s31;
	v4 =	vld.idx.msk [tilespmem:v4+s16+$0x0], $0xffff;
	[tilespmem:v44+s20+$0x0] =	vst.idx.msk $0xffff, v25;
	v25 =	vor.u32 v63, v23  }
0x389: {  	p1 =	slt.u32 s31, $0xE;
	v6 =	vld.idx.msk [tilespmem:v45+s16+$0x0], $0xffff;
	[tilespmem:v20+s20+$0x0] =	vst.idx.msk $0xffff, v19;
	v19 =	vor.u32 v53, v23  }
.Ltmp0:
0x38a: {  	v20 =	vld [tilespmem:$0x1FFB0];
	[tilespmem:v0+s20+$0x0] =	vst.idx.msk $0xffff, v3;
	(pc) =	sbr.rel @p1 .LBB2_3-.Ltmp0, $4  }
0x38b: {  	v23 =	vld [tilespmem:$0x1FFC0];
	[tilespmem:v54+s20+$0x0] =	vst.idx.msk $0xffff, v5  }
0x38c: {  	[tilespmem:v26+s20+$0x0] =	vst.idx.msk $0xffff, v24;
	v24 =	vld [tilespmem:$0x1FFD0]  }
0x38d: {  	[tilespmem:v25+s20+$0x0] =	vst.idx.msk $0xffff, v4;
	v25 =	vld [tilespmem:$0x1FFE0]  }
0x38e: {  	s0 =	sadd.s32 $0x20, s0;
	s2 =	sadd.s32 $0x20, s2;
	[tilespmem:v19+s20+$0x0] =	vst.idx.msk $0xffff, v6;
	v19 =	vld [tilespmem:$0x1FFA0]  }
0x38f: {  	p1 =	sne.s32 s29, $0x31  }
.Ltmp1:
0x390: {  	_ = 	snop;
	(pc) =	sbr.rel @p1 .LBB2_6-.Ltmp1, $4  }
0x391: {  	_ = 	snop  }
0x392: {  	[tilespmem:$0x1F270] =	vst v55;
	s0 =	sshll.u32 s29, $0x11  }
0x393: {  	[tilespmem:$0x1F280] =	vst v18;
	s2 =	sadd.s32 s0, s10  }
0x394: {  	v46 =	vmovc v56;
	v58 =	vmov v35;
	v48 =	vmov v33;
	v9 =	vmov v62;
	[hbm4b:s2+s21] =	stream.strided.scatter [tilespmem:s20], [sflag:$0x3], $0x4000, s22, s21, $0x38;
	[tilespmem:$0x18400] =	vst v63  }
0x395: {  	_ =	swait.ge [sflag:s23], $0x8000  }
.Ltmp2:
0x396: {  	v62 =	vld [tilespmem:$0x1F790];
	(pc) =	sbr.rel .LBB2_7-.Ltmp2, $4  }
0x397: {  	v56 =	vld [tilespmem:$0x1F930]  }
0x398: {  	v57 =	vld [tilespmem:$0x1F940]  }
0x399: {  	[sflag:s23] =	ssyncset.done $0x0;
	v55 =	vld [tilespmem:$0x1F970]  }
0x39a: {  	v1 =	vld [tilespmem:$0x1FF90];
	[sflag:s23] =	ssyncadd.s32 $0xFFFF8000  }
.LBB2_6:
0x39b: {  	s2 =	sadd.s32 s9, s30  }
0x39c: {  	s2 =	sshrl.u32 s2, $0x3  }
0x39d: {  	s6 =	sadd.s32 s4, s2  }
0x39e: {  	[tilespmem:s1], [sflag:$0x5] =	stream.linear.gather [hbm4b:s6+s1], $0x100, $0x38;
	[tilespmem:$0x18400] =	vst v63  }
0x39f: {  	_ =	swait.ge [sflag:s13], $0x100  }
0x3a0: {  	[sflag:s13] =	ssyncset.done $0x0  }
0x3a1: {  	s2 =	sadd.s32 s5, s2;
	[sflag:s13] =	ssyncadd.s32 $0xFFFFFF00  }
0x3a2: {  	[tilespmem:s14], [sflag:$0x5] =	stream.linear.gather [hbm4b:s2+s1], $0x100, $0x38;
	[tilespmem:$0x18400] =	vst v63  }
0x3a3: {  	_ =	swait.ge [sflag:s13], $0x100  }
0x3a4: {  	[sflag:s13] =	ssyncset.done $0x0  }
0x3a5: {  	[sflag:s13] =	ssyncadd.s32 $0xFFFFFF00  }
0x3a6: {  	[tilespmem:s16], [sflag:$0x1] =	stream.indirect.gather [hbm4b:s3+s15], $0x80, s1, s15, $0xb8;
	[tilespmem:$0x18400] =	vst v63  }
0x3a7: {  	_ =	swait.ge [sflag:s23], $0x8000  }
.Ltmp3:
0x3a8: {  	v62 =	vld [tilespmem:$0x1F790];
	(pc) =	sbr.rel @p0 .LBB2_8-.Ltmp3, $4  }
0x3a9: {  	v56 =	vld [tilespmem:$0x1F930]  }
0x3aa: {  	v57 =	vld [tilespmem:$0x1F940]  }
0x3ab: {  	[sflag:s23] =	ssyncset.done $0x0;
	v55 =	vld [tilespmem:$0x1F970]  }
0x3ac: {  	v1 =	vld [tilespmem:$0x1FF90];
	[sflag:s23] =	ssyncadd.s32 $0xFFFF8000  }
.LBB2_7:
0x3ad: {  	_ =	swait.ge [sflag:s24], $0x4000  }
0x3ae: {  	[sflag:s24] =	ssyncset.done $0x0  }
0x3af: {  	[sflag:s24] =	ssyncadd.s32 $0xFFFFC000  }
.LBB2_8:
0x3b0: {  	[tilespmem:$0x1F180] =	vst v9  }
0x3b1: {  	[tilespmem:$0x1F190] =	vst v48  }
0x3b2: {  	[tilespmem:$0x1F1A0] =	vst v51  }
0x3b3: {  	[tilespmem:$0x1F1B0] =	vst v52  }
0x3b4: {  	[tilespmem:$0x1F1C0] =	vst v31  }
0x3b5: {  	[tilespmem:$0x1F1D0] =	vst v60  }
0x3b6: {  	[tilespmem:$0x1F1E0] =	vst v61  }
0x3b7: {  	[tilespmem:$0x1F1F0] =	vst v58  }
0x3b8: {  	[tilespmem:$0x1F200] =	vst v46  }
0x3b9: {  	[tilespmem:$0x1F210] =	vst v30  }
0x3ba: {  	[tilespmem:$0x1F220] =	vst v17  }
0x3bb: {  	[tilespmem:$0x1F230] =	vst v29  }
0x3bc: {  	[tilespmem:$0x1F240] =	vst v34  }
0x3bd: {  	[tilespmem:$0x1F250] =	vst v21  }
0x3be: {  	s2 =	simm.s32 $0xFFFFFFFE;
	s30 =	simm.s32 $0x310;
	s31 =	simm.s32 $0x10;
	[tilespmem:$0x1F260] =	vst v59  }
.LBB2_9:
0x3bf: {  	v4 =	vld [tilespmem:s30+$0xFFFFFFF0]  }
0x3c0: {  	v8 =	vld [tilespmem:$0x1FFA0]  }
0x3c1: {  	v9 =	vld [tilespmem:$0x1FEA0]  }
0x3c2: {  	v10 =	vld [tilespmem:$0x1F700]  }
0x3c3: {  	v25 =	vld [tilespmem:$0x1F6D0]  }
0x3c4: {  	v35 =	vld [tilespmem:$0x1F6E0]  }
0x3c5: {  	v11 =	vld [tilespmem:$0x1FFB0]  }
0x3c6: {  	v36 =	vld [tilespmem:$0x1F6F0]  }
0x3c7: {  	s6 =	sadd.s32 $0xFFFFFFF0, s31;
	v12 =	vld [tilespmem:$0x1FFC0]  }
0x3c8: {  	v2 =	vlaneseq.u32;
	v13 =	vld [tilespmem:$0x1FFD0];
	v6 =	vmov s6  }
0x3c9: {  	v30 =	vld [tilespmem:$0x1F780];
	v0 =	vor.u32 s6, v2;
	v6 =	vshll.u32 v6, $0x3  }
0x3ca: {  	v32 =	vld [tilespmem:$0x1F750];
	v3 =	vshll.u32 v0, $0x7;
	v0 =	vand.u32 $0x6F, v0;
	v6 =	vand.u32 $0x400, v6  }
0x3cb: {  	v14 =	vld [tilespmem:$0x1FFE0];
	v0 =	vor.u32 v6, v0;
	v5 =	vadd.s32 v2, v4  }
0x3cc: {  	v20 =	vadd.s32 v1, v4;
	v23 =	vadd.s32 v8, v4;
	v50 =	vadd.s32 v9, v4  }
0x3cd: {  	v54 =	vadd.s32 v10, v4;
	v25 =	vor.u32 v25, v0;
	v26 =	vor.u32 v35, v0  }
0x3ce: {  	v38 =	vadd.s32 v11, v4;
	v39 =	vor.u32 v36, v0;
	v40 =	vadd.s32 v12, v4  }
0x3cf: {  	v7 =	vld [tilespmem:$0x1F710];
	v41 =	vadd.s32 v13, v4;
	v31 =	vadd.s32 v30, v4;
	v43 =	vor.u32 v32, v0  }
0x3d0: {  	v15 =	vld [tilespmem:$0x1F760];
	v46 =	vadd.s32 v14, v4;
	v19 =	vand.u32 $0xFFFFFF80, v5;
	v5 =	vand.u32 $0x7F, v5  }
0x3d1: {  	v17 =	vld [tilespmem:$0x1F770];
	v47 =	vand.u32 $0xFFFFFF80, v20;
	v20 =	vand.u32 $0x7F, v20;
	v24 =	vand.u32 $0xFFFFFF80, v23  }
0x3d2: {  	v16 =	vld [tilespmem:$0x1FED0];
	v48 =	vand.u32 $0x7F, v23;
	v51 =	vand.u32 $0xFFFFFF80, v50;
	v23 =	vand.u32 $0x7F, v50  }
0x3d3: {  	v18 =	vld [tilespmem:$0x1FF00];
	v37 =	vand.u32 $0xFFFFFF80, v54;
	v58 =	vand.u32 $0xFFFFFF80, v38;
	v38 =	vand.u32 $0x7F, v38  }
0x3d4: {  	v21 =	vld [tilespmem:$0x1F320];
	v59 =	vand.u32 $0xFFFFFF80, v40;
	v40 =	vand.u32 $0x7F, v40;
	v19 =	vadd.s32 v3, v19  }
0x3d5: {  	v1 =	vld [tilespmem:$0x1F6A0];
	v42 =	vand.u32 $0xFFFFFF80, v41;
	v5 =	vor.u32 v5, v19;
	v19 =	vadd.s32 v3, v47  }
0x3d6: {  	v22 =	vld [tilespmem:$0x1F330];
	v60 =	vand.u32 $0x7F, v41;
	v45 =	vand.u32 $0xFFFFFF80, v31;
	v19 =	vor.u32 v20, v19  }
0x3d7: {  	v27 =	vld [tilespmem:$0x1F7A0];
	v49 =	vadd.s32 v3, v24;
	v24 =	vadd.s32 v3, v51;
	v37 =	vadd.s32 v3, v37  }
0x3d8: {  	v28 =	vld [tilespmem:$0x1F7B0];
	v52 =	vor.u32 v23, v24;
	v24 =	vand.u32 $0x7F, v54;
	v20 =	vor.u32 v48, v49  }
0x3d9: {  	v30 =	vld [tilespmem:$0x1F350];
	v33 =	vand.u32 $0xFFFFFF80, v46;
	v24 =	vor.u32 v24, v37;
	v37 =	vadd.s32 v3, v58  }
0x3da: {  	v53 =	vor.u32 v1, v0;
	v37 =	vor.u32 v38, v37;
	v38 =	vadd.s32 v3, v59;
	v5 =	vld.idx.msk [tilespmem:v5+s18+$0x0], $0xffff  }
0x3db: {  	v61 =	vadd.s32 v3, v42;
	v59 =	vadd.s32 v22, v4;
	v38 =	vor.u32 v40, v38;
	v19 =	vld.idx.msk [tilespmem:v19+s18+$0x0], $0xffff  }
0x3dc: {  	v40 =	vor.u32 v60, v61;
	v60 =	vand.u32 $0xFFFFFF80, v59;
	v61 =	vand.u32 $0x7F, v59;
	v59 =	vld [tilespmem:$0x1F3B0]  }
0x3dd: {  	v34 =	vand.u32 $0x7F, v46;
	v42 =	vand.u32 $0x7F, v31;
	v45 =	vadd.s32 v3, v45;
	v20 =	vld.idx.msk [tilespmem:v20+s18+$0x0], $0xffff  }
0x3de: {  	v46 =	vadd.s32 v16, v4;
	v23 =	vor.u32 v42, v45;
	v45 =	vadd.s32 v3, v33;
	v6 =	vld.idx.msk [tilespmem:v52+s18+$0x0], $0xffff  }
0x3df: {  	v29 =	vld [tilespmem:$0x1F340];
	v47 =	vand.u32 $0xFFFFFF80, v46;
	v48 =	vadd.s32 v18, v4;
	v32 =	vadd.s32 v30, v4;
	[tilespmem:v53+s25+$0x0] =	vst.idx.msk $0xffff, v5  }
0x3e0: {  	v31 =	vld [tilespmem:$0x1F7D0];
	v49 =	vand.u32 $0x7F, v46;
	[tilespmem:v25+s25+$0x0] =	vst.idx.msk $0xffff, v19;
	v19 =	vor.u32 v34, v45;
	v25 =	vor.u32 v62, v0  }
0x3e1: {  	v62 =	vadd.s32 v3, v60;
	v34 =	vand.u32 $0xFFFFFF80, v32;
	v60 =	vadd.s32 v59, v4;
	v59 =	vld [tilespmem:$0x1F400]  }
0x3e2: {  	v50 =	vand.u32 $0xFFFFFF80, v48;
	[tilespmem:v26+s25+$0x0] =	vst.idx.msk $0xffff, v20;
	v20 =	vadd.s32 v3, v47;
	v46 =	vadd.s32 v3, v34;
	v34 =	vld [tilespmem:$0x1F7F0]  }
0x3e3: {  	v51 =	vand.u32 $0x7F, v48;
	v52 =	vadd.s32 v3, v50;
	[tilespmem:v39+s25+$0x0] =	vst.idx.msk $0xffff, v6;
	v6 =	vor.u32 v49, v20;
	v49 =	vld [tilespmem:$0x1F810]  }
0x3e4: {  	v20 =	vor.u32 v51, v52;
	v52 =	vld [tilespmem:$0x1F820]  }
0x3e5: {  	v63 =	vor.u32 v7, v0;
	v24 =	vld.idx.msk [tilespmem:v24+s18+$0x0], $0xffff  }
0x3e6: {  	v53 =	vld.idx.msk [tilespmem:v37+s18+$0x0], $0xffff  }
0x3e7: {  	v44 =	vor.u32 v15, v0;
	v54 =	vadd.s32 v21, v4;
	v38 =	vld.idx.msk [tilespmem:v38+s18+$0x0], $0xffff  }
0x3e8: {  	v58 =	vand.u32 $0xFFFFFF80, v54;
	v5 =	vor.u32 v17, v0;
	v40 =	vld.idx.msk [tilespmem:v40+s18+$0x0], $0xffff  }
0x3e9: {  	v45 =	vadd.s32 v3, v58;
	v37 =	vand.u32 $0x7F, v54;
	v54 =	vld [tilespmem:$0x1F3A0]  }
0x3ea: {  	v37 =	vor.u32 v37, v45;
	v45 =	vand.u32 $0x7F, v32;
	v32 =	vld [tilespmem:$0x1F360];
	[tilespmem:v63+s25+$0x0] =	vst.idx.msk $0xffff, v24;
	v63 =	vadd.s32 v29, v4  }
0x3eb: {  	[tilespmem:v43+s25+$0x0] =	vst.idx.msk $0xffff, v53;
	v7 =	vand.u32 $0xFFFFFF80, v63;
	v33 =	vand.u32 $0x7F, v63;
	v63 =	vld [tilespmem:$0x1F800]  }
0x3ec: {  	v43 =	vor.u32 v49, v0;
	v49 =	vld [tilespmem:$0x1F840];
	[tilespmem:v44+s25+$0x0] =	vst.idx.msk $0xffff, v38;
	v26 =	vadd.s32 v3, v7  }
0x3ed: {  	[tilespmem:v5+s25+$0x0] =	vst.idx.msk $0xffff, v40;
	v5 =	vor.u32 v33, v26;
	v33 =	vld [tilespmem:$0x1F390]  }
0x3ee: {  	v26 =	vor.u32 v45, v46;
	v46 =	vor.u32 v52, v0;
	v52 =	vld [tilespmem:$0x1F3F0]  }
0x3ef: {  	v23 =	vld.idx.msk [tilespmem:v23+s18+$0x0], $0xffff  }
0x3f0: {  	v42 =	vor.u32 v28, v0;
	v47 =	vor.u32 v31, v0;
	v39 =	vor.u32 v27, v0;
	v19 =	vld.idx.msk [tilespmem:v19+s18+$0x0], $0xffff  }
0x3f1: {  	v24 =	vor.u32 v61, v62;
	v62 =	vand.u32 $0xFFFFFF80, v60;
	v48 =	vadd.s32 v32, v4;
	v6 =	vld.idx.msk [tilespmem:v6+s18+$0x0], $0xffff  }
0x3f2: {  	v50 =	vand.u32 $0xFFFFFF80, v48;
	v7 =	vand.u32 $0x7F, v60;
	v60 =	vadd.s32 v59, v4;
	v20 =	vld.idx.msk [tilespmem:v20+s18+$0x0], $0xffff  }
0x3f3: {  	v59 =	vld [tilespmem:$0x1F890];
	v40 =	vand.u32 $0x7F, v48;
	v44 =	vadd.s32 v3, v50;
	v51 =	vadd.s32 v33, v4  }
0x3f4: {  	v48 =	vadd.s32 v54, v4;
	v54 =	vld [tilespmem:$0x1F860];
	v40 =	vor.u32 v40, v44;
	v53 =	vand.u32 $0xFFFFFF80, v51;
	[tilespmem:v25+s25+$0x0] =	vst.idx.msk $0xffff, v23  }
0x3f5: {  	v45 =	vand.u32 $0x7F, v51;
	v44 =	vadd.s32 v3, v53;
	[tilespmem:v39+s25+$0x0] =	vst.idx.msk $0xffff, v19;
	v53 =	vadd.s32 v52, v4;
	v52 =	vld [tilespmem:$0x1F870]  }
0x3f6: {  	v23 =	vor.u32 v45, v44;
	[tilespmem:v42+s25+$0x0] =	vst.idx.msk $0xffff, v6;
	v45 =	vld [tilespmem:$0x1F3C0]  }
0x3f7: {  	v44 =	vld [tilespmem:$0x1F830];
	[tilespmem:v47+s25+$0x0] =	vst.idx.msk $0xffff, v20  }
0x3f8: {  	v38 =	vor.u32 v34, v0;
	v58 =	vand.u32 $0xFFFFFF80, v48;
	v37 =	vld.idx.msk [tilespmem:v37+s18+$0x0], $0xffff  }
0x3f9: {  	v61 =	vand.u32 $0x7F, v48;
	v41 =	vor.u32 v63, v0;
	v25 =	vadd.s32 v3, v58;
	v24 =	vld.idx.msk [tilespmem:v24+s18+$0x0], $0xffff  }
0x3fa: {  	v6 =	vor.u32 v61, v25;
	v5 =	vld.idx.msk [tilespmem:v5+s18+$0x0], $0xffff  }
0x3fb: {  	v58 =	vand.u32 $0xFFFFFF80, v53;
	v48 =	vadd.s32 v45, v4;
	v45 =	vand.u32 $0x7F, v53;
	v53 =	vld [tilespmem:$0x1F420]  }
0x3fc: {  	v42 =	vadd.s32 v3, v62;
	v47 =	vor.u32 v54, v0;
	v26 =	vld.idx.msk [tilespmem:v26+s18+$0x0], $0xffff;
	v51 =	vand.u32 $0xFFFFFF80, v48  }
0x3fd: {  	v50 =	vld [tilespmem:$0x1F850];
	v25 =	vor.u32 v44, v0;
	v39 =	vand.u32 $0x7F, v48;
	v44 =	vadd.s32 v3, v51;
	[tilespmem:v38+s25+$0x0] =	vst.idx.msk $0xffff, v37  }
0x3fe: {  	v61 =	vand.u32 $0xFFFFFF80, v60;
	v62 =	vld [tilespmem:$0x1F410];
	v39 =	vor.u32 v39, v44;
	v44 =	vadd.s32 v3, v58;
	[tilespmem:v41+s25+$0x0] =	vst.idx.msk $0xffff, v24  }
0x3ff: {  	v48 =	vand.u32 $0x7F, v60;
	v58 =	vld [tilespmem:$0x1F880];
	v44 =	vor.u32 v45, v44;
	v45 =	vadd.s32 v3, v61;
	[tilespmem:v43+s25+$0x0] =	vst.idx.msk $0xffff, v5  }
0x400: {  	v37 =	vor.u32 v48, v45;
	v45 =	vor.u32 v52, v0;
	v54 =	vadd.s32 v53, v4;
	v52 =	vld [tilespmem:$0x1F430]  }
0x401: {  	[tilespmem:v46+s25+$0x0] =	vst.idx.msk $0xffff, v26;
	v60 =	vand.u32 $0xFFFFFF80, v54;
	v61 =	vand.u32 $0x7F, v54;
	v54 =	vld [tilespmem:$0x1F8A0]  }
0x402: {  	v19 =	vor.u32 v7, v42;
	v40 =	vld.idx.msk [tilespmem:v40+s18+$0x0], $0xffff  }
0x403: {  	v23 =	vld.idx.msk [tilespmem:v23+s18+$0x0], $0xffff  }
0x404: {  	v20 =	vor.u32 v49, v0;
	v49 =	vadd.s32 v62, v4;
	v62 =	vadd.s32 v3, v60;
	v60 =	vld [tilespmem:$0x1F440]  }
0x405: {  	v6 =	vld.idx.msk [tilespmem:v6+s18+$0x0], $0xffff  }
0x406: {  	v42 =	vor.u32 v50, v0;
	v53 =	vadd.s32 v52, v4;
	v52 =	vld [tilespmem:$0x1F450]  }
0x407: {  	v50 =	vand.u32 $0xFFFFFF80, v49;
	v19 =	vld.idx.msk [tilespmem:v19+s18+$0x0], $0xffff  }
0x408: {  	v51 =	vadd.s32 v3, v50;
	v41 =	vor.u32 v59, v0;
	v24 =	vor.u32 v58, v0  }
0x409: {  	v49 =	vand.u32 $0x7F, v49;
	v5 =	vor.u32 v61, v62;
	[tilespmem:v25+s25+$0x0] =	vst.idx.msk $0xffff, v40;
	v61 =	vadd.s32 v60, v4  }
0x40a: {  	v58 =	vand.u32 $0xFFFFFF80, v53;
	[tilespmem:v20+s25+$0x0] =	vst.idx.msk $0xffff, v23;
	v62 =	vand.u32 $0xFFFFFF80, v61;
	v48 =	vand.u32 $0x7F, v61;
	v61 =	vld [tilespmem:$0x1F480]  }
0x40b: {  	v59 =	vand.u32 $0x7F, v53;
	v43 =	vadd.s32 v3, v58;
	v60 =	vld [tilespmem:$0x1F8B0];
	[tilespmem:v42+s25+$0x0] =	vst.idx.msk $0xffff, v6;
	v53 =	vadd.s32 v52, v4  }
0x40c: {  	v26 =	vor.u32 v54, v0;
	v43 =	vor.u32 v59, v43;
	[tilespmem:v47+s25+$0x0] =	vst.idx.msk $0xffff, v19;
	v52 =	vld [tilespmem:$0x1F8E0];
	v54 =	vand.u32 $0xFFFFFF80, v53  }
0x40d: {  	v46 =	vadd.s32 v3, v62;
	v39 =	vld.idx.msk [tilespmem:v39+s18+$0x0], $0xffff;
	v58 =	vand.u32 $0x7F, v53;
	v59 =	vadd.s32 v3, v54  }
0x40e: {  	v38 =	vor.u32 v49, v51;
	v46 =	vor.u32 v48, v46;
	v48 =	vor.u32 v58, v59;
	v58 =	vld [tilespmem:$0x1F8D0]  }
0x40f: {  	v62 =	vadd.s32 v61, v4;
	v61 =	vld [tilespmem:$0x1F4B0]  }
0x410: {  	v44 =	vld.idx.msk [tilespmem:v44+s18+$0x0], $0xffff  }
0x411: {  	v54 =	vld [tilespmem:$0x1F8C0]  }
0x412: {  	v37 =	vld.idx.msk [tilespmem:v37+s18+$0x0], $0xffff  }
0x413: {  	v38 =	vld.idx.msk [tilespmem:v38+s18+$0x0], $0xffff;
	v51 =	vand.u32 $0xFFFFFF80, v62  }
0x414: {  	v59 =	vand.u32 $0x7F, v62;
	v40 =	vor.u32 v58, v0;
	v62 =	vadd.s32 v61, v4;
	v58 =	vld [tilespmem:$0x1F4C0]  }
0x415: {  	v61 =	vld [tilespmem:$0x1F4D0];
	v53 =	vand.u32 $0xFFFFFF80, v62  }
0x416: {  	v25 =	vor.u32 v54, v0;
	v54 =	vand.u32 $0x7F, v62;
	v23 =	vadd.s32 v3, v53;
	v53 =	vld [tilespmem:$0x1F8F0]  }
0x417: {  	v49 =	vor.u32 v60, v0;
	v19 =	vor.u32 v54, v23;
	v54 =	vld [tilespmem:$0x1F720]  }
0x418: {  	v60 =	vadd.s32 v3, v51;
	v6 =	vor.u32 v52, v0;
	[tilespmem:v45+s25+$0x0] =	vst.idx.msk $0xffff, v39  }
0x419: {  	v50 =	vld [tilespmem:$0x1F4E0];
	v20 =	vor.u32 v59, v60;
	[tilespmem:v24+s25+$0x0] =	vst.idx.msk $0xffff, v44;
	v59 =	vadd.s32 v58, v4  }
0x41a: {  	[tilespmem:v41+s25+$0x0] =	vst.idx.msk $0xffff, v37;
	v62 =	vadd.s32 v61, v4;
	v60 =	vand.u32 $0xFFFFFF80, v59;
	v42 =	vand.u32 $0x7F, v59;
	v59 =	vld [tilespmem:$0x1F900]  }
0x41b: {  	[tilespmem:v26+s25+$0x0] =	vst.idx.msk $0xffff, v38;
	v7 =	vand.u32 $0xFFFFFF80, v62;
	v51 =	vand.u32 $0x7F, v62;
	v23 =	vadd.s32 v3, v60;
	v60 =	vld [tilespmem:$0x1F910]  }
0x41c: {  	v5 =	vld.idx.msk [tilespmem:v5+s18+$0x0], $0xffff;
	v52 =	vadd.s32 v3, v7;
	v47 =	vor.u32 v53, v0;
	v58 =	vadd.s32 v54, v4  }
0x41d: {  	v43 =	vld.idx.msk [tilespmem:v43+s18+$0x0], $0xffff;
	v23 =	vor.u32 v42, v23;
	v42 =	vor.u32 v51, v52;
	v53 =	vand.u32 $0xFFFFFF80, v58  }
0x41e: {  	v54 =	vld [tilespmem:$0x1F920];
	v61 =	vand.u32 $0x7F, v58;
	v62 =	vadd.s32 v3, v53;
	v53 =	vadd.s32 v50, v4  }
0x41f: {  	v50 =	vld [tilespmem:$0x1F520];
	v51 =	vor.u32 v59, v0;
	v39 =	vor.u32 v61, v62;
	v58 =	vand.u32 $0xFFFFFF80, v53  }
0x420: {  	v59 =	vand.u32 $0x7F, v53;
	v61 =	vld [tilespmem:$0x1F510];
	v52 =	vor.u32 v60, v0;
	v60 =	vadd.s32 v3, v58  }
0x421: {  	v26 =	vor.u32 v59, v60;
	v60 =	vld [tilespmem:$0x1F530]  }
0x422: {  	v44 =	vld.idx.msk [tilespmem:v46+s18+$0x0], $0xffff  }
0x423: {  	v41 =	vor.u32 v56, v0;
	v56 =	vld [tilespmem:$0x1F540]  }
0x424: {  	v46 =	vld.idx.msk [tilespmem:v48+s18+$0x0], $0xffff;
	v48 =	vor.u32 v57, v0;
	v24 =	vor.u32 v54, v0;
	v53 =	vadd.s32 v50, v4  }
0x425: {  	v57 =	vld [tilespmem:$0x1F960];
	[tilespmem:v49+s25+$0x0] =	vst.idx.msk $0xffff, v5;
	v62 =	vadd.s32 v61, v4;
	v58 =	vand.u32 $0xFFFFFF80, v53;
	v38 =	vand.u32 $0x7F, v53  }
0x426: {  	[tilespmem:v25+s25+$0x0] =	vst.idx.msk $0xffff, v43;
	v45 =	vand.u32 $0xFFFFFF80, v62;
	v54 =	vand.u32 $0x7F, v62;
	v62 =	vld [tilespmem:$0x1F950];
	v61 =	vadd.s32 v60, v4  }
0x427: {  	[tilespmem:v40+s25+$0x0] =	vst.idx.msk $0xffff, v44;
	v37 =	vadd.s32 v3, v45;
	v7 =	vand.u32 $0xFFFFFF80, v61;
	v45 =	vand.u32 $0x7F, v61;
	v61 =	vld [tilespmem:$0x1F550]  }
0x428: {  	v59 =	vadd.s32 v3, v58;
	v37 =	vor.u32 v54, v37;
	v54 =	vadd.s32 v56, v4  }
0x429: {  	[tilespmem:v6+s25+$0x0] =	vst.idx.msk $0xffff, v46;
	v38 =	vor.u32 v38, v59;
	v58 =	vand.u32 $0xFFFFFF80, v54;
	v59 =	vand.u32 $0x7F, v54;
	v54 =	vld [tilespmem:$0x1F560]  }
0x42a: {  	v20 =	vld.idx.msk [tilespmem:v20+s18+$0x0], $0xffff  }
0x42b: {  	v19 =	vld.idx.msk [tilespmem:v19+s18+$0x0], $0xffff  }
0x42c: {  	v5 =	vor.u32 v57, v0;
	v50 =	vor.u32 v62, v0;
	v62 =	vadd.s32 v61, v4;
	v61 =	vld [tilespmem:$0x1F570]  }
0x42d: {  	v43 =	vor.u32 v55, v0;
	v23 =	vld.idx.msk [tilespmem:v23+s18+$0x0], $0xffff;
	v53 =	vadd.s32 v3, v7;
	v60 =	vadd.s32 v3, v58  }
0x42e: {  	v42 =	vld.idx.msk [tilespmem:v42+s18+$0x0], $0xffff;
	v45 =	vor.u32 v45, v53;
	v25 =	vor.u32 v59, v60;
	v56 =	vadd.s32 v54, v4  }
0x42f: {  	[tilespmem:v47+s25+$0x0] =	vst.idx.msk $0xffff, v20;
	v53 =	vand.u32 $0xFFFFFF80, v62;
	v57 =	vand.u32 $0x7F, v62;
	v58 =	vand.u32 $0xFFFFFF80, v56  }
0x430: {  	v55 =	vld [tilespmem:$0x1F980];
	[tilespmem:v51+s25+$0x0] =	vst.idx.msk $0xffff, v19;
	v40 =	vadd.s32 v3, v53;
	v59 =	vand.u32 $0x7F, v56;
	v60 =	vadd.s32 v3, v58  }
0x431: {  	v6 =	vor.u32 v57, v40;
	v40 =	vor.u32 v59, v60;
	v60 =	vld [tilespmem:$0x1F9A0];
	v62 =	vadd.s32 v61, v4  }
0x432: {  	[tilespmem:v52+s25+$0x0] =	vst.idx.msk $0xffff, v23;
	v58 =	vld [tilespmem:$0x1F5C0];
	v57 =	vand.u32 $0xFFFFFF80, v62  }
0x433: {  	[tilespmem:v24+s25+$0x0] =	vst.idx.msk $0xffff, v42;
	v53 =	vadd.s32 v3, v57;
	v57 =	vld [tilespmem:$0x1F180]  }
0x434: {  	v39 =	vld.idx.msk [tilespmem:v39+s18+$0x0], $0xffff  }
0x435: {  	v56 =	vld [tilespmem:$0x1F990]  }
0x436: {  	v46 =	vor.u32 v55, v0;
	v55 =	vor.u32 v60, v0;
	v60 =	vld [tilespmem:$0x1F5D0]  }
0x437: {  	v26 =	vld.idx.msk [tilespmem:v26+s18+$0x0], $0xffff  }
0x438: {  	v38 =	vld.idx.msk [tilespmem:v38+s18+$0x0], $0xffff;
	v44 =	vand.u32 $0x7F, v62;
	v59 =	vadd.s32 v58, v4;
	v58 =	vadd.s32 v57, v4  }
0x439: {  	v37 =	vld.idx.msk [tilespmem:v37+s18+$0x0], $0xffff;
	v61 =	vand.u32 $0xFFFFFF80, v59;
	v62 =	vand.u32 $0x7F, v59;
	v59 =	vand.u32 $0xFFFFFF80, v58  }
0x43a: {  	v49 =	vor.u32 v56, v0;
	v56 =	vadd.s32 v3, v61;
	v20 =	vadd.s32 v3, v59;
	v59 =	vld [tilespmem:$0x1F9D0]  }
0x43b: {  	v19 =	vor.u32 v62, v56;
	v56 =	vld [tilespmem:$0x1F600];
	v61 =	vadd.s32 v60, v4  }
0x43c: {  	v7 =	vand.u32 $0xFFFFFF80, v61;
	v52 =	vand.u32 $0x7F, v61;
	v61 =	vld [tilespmem:$0x1F610]  }
0x43d: {  	[tilespmem:v41+s25+$0x0] =	vst.idx.msk $0xffff, v39;
	v62 =	vand.u32 $0x7F, v58;
	v58 =	vld [tilespmem:$0x1F9C0]  }
0x43e: {  	[tilespmem:v48+s25+$0x0] =	vst.idx.msk $0xffff, v26  }
0x43f: {  	v44 =	vor.u32 v44, v53;
	v53 =	vadd.s32 v3, v7;
	v51 =	vor.u32 v59, v0;
	v59 =	vld [tilespmem:$0x1F190]  }
0x440: {  	v20 =	vor.u32 v62, v20;
	v57 =	vadd.s32 v56, v4;
	v23 =	vor.u32 v52, v53  }
0x441: {  	v54 =	vld [tilespmem:$0x1F9B0];
	[tilespmem:v50+s25+$0x0] =	vst.idx.msk $0xffff, v37;
	v60 =	vand.u32 $0xFFFFFF80, v57;
	v42 =	vand.u32 $0x7F, v57;
	v62 =	vadd.s32 v61, v4  }
0x442: {  	[tilespmem:v5+s25+$0x0] =	vst.idx.msk $0xffff, v38;
	v38 =	vld [tilespmem:$0x1FA00];
	v47 =	vor.u32 v58, v0;
	v52 =	vadd.s32 v3, v60;
	v58 =	vand.u32 $0xFFFFFF80, v62  }
0x443: {  	v52 =	vor.u32 v42, v52;
	v53 =	vand.u32 $0x7F, v62;
	v62 =	vld [tilespmem:$0x1F620];
	v42 =	vadd.s32 v3, v58  }
0x444: {  	v53 =	vor.u32 v53, v42;
	v42 =	vld [tilespmem:$0x1F1B0];
	v60 =	vadd.s32 v59, v4  }
0x445: {  	v57 =	vld [tilespmem:$0x1F9E0];
	v61 =	vand.u32 $0xFFFFFF80, v60  }
0x446: {  	v56 =	vand.u32 $0x7F, v60;
	v39 =	vadd.s32 v3, v61;
	v61 =	vld [tilespmem:$0x1F1A0]  }
0x447: {  	v48 =	vor.u32 v56, v39;
	v39 =	vld [tilespmem:$0x1FA20]  }
0x448: {  	v37 =	vld.idx.msk [tilespmem:v45+s18+$0x0], $0xffff  }
0x449: {  	v7 =	vadd.s32 v62, v4;
	v45 =	vadd.s32 v42, v4;
	v42 =	vld [tilespmem:$0x1F650]  }
0x44a: {  	v24 =	vor.u32 v54, v0;
	v54 =	vor.u32 v57, v0;
	v60 =	vld [tilespmem:$0x1F9F0];
	v57 =	vand.u32 $0xFFFFFF80, v7  }
0x44b: {  	v25 =	vld.idx.msk [tilespmem:v25+s18+$0x0], $0xffff;
	v58 =	vand.u32 $0x7F, v7;
	v59 =	vadd.s32 v3, v57  }
0x44c: {  	v6 =	vld.idx.msk [tilespmem:v6+s18+$0x0], $0xffff;
	v50 =	vor.u32 v58, v59;
	v62 =	vadd.s32 v61, v4;
	v58 =	vor.u32 v39, v0  }
0x44d: {  	v41 =	vand.u32 $0xFFFFFF80, v62;
	v26 =	vand.u32 $0x7F, v62;
	v62 =	vld [tilespmem:$0x1FA30];
	v39 =	vand.u32 $0xFFFFFF80, v45  }
0x44e: {  	v5 =	vadd.s32 v3, v41;
	v41 =	vand.u32 $0x7F, v45;
	v45 =	vadd.s32 v42, v4;
	v42 =	vld [tilespmem:$0x1F1C0]  }
0x44f: {  	v56 =	vor.u32 v60, v0;
	v60 =	vor.u32 v26, v5;
	v5 =	vadd.s32 v3, v39;
	v39 =	vld.idx.msk [tilespmem:v40+s18+$0x0], $0xffff  }
0x450: {  	[tilespmem:v43+s25+$0x0] =	vst.idx.msk $0xffff, v37;
	v43 =	vld [tilespmem:$0x1F1D0];
	_ =	sdelay $0x1  }
0x451: {  	v57 =	vor.u32 v38, v0;
	[tilespmem:v46+s25+$0x0] =	vst.idx.msk $0xffff, v25;
	v46 =	vld [tilespmem:$0x1FA80]  }
0x452: {  	v38 =	vand.u32 $0x7F, v45;
	[tilespmem:v49+s25+$0x0] =	vst.idx.msk $0xffff, v6;
	v49 =	vld [tilespmem:$0x1F1F0];
	v59 =	vor.u32 v62, v0;
	v62 =	vand.u32 $0xFFFFFF80, v45  }
0x453: {  	v61 =	vor.u32 v41, v5;
	v26 =	vadd.s32 v42, v4;
	v5 =	vadd.s32 v3, v62;
	v42 =	vld [tilespmem:$0x1FA40]  }
0x454: {  	v45 =	vand.u32 $0xFFFFFF80, v26;
	v62 =	vor.u32 v38, v5;
	v5 =	vadd.s32 v43, v4;
	v43 =	vld [tilespmem:$0x1F1E0]  }
0x455: {  	v41 =	vadd.s32 v3, v45;
	v45 =	vld [tilespmem:$0x1FA60]  }
0x456: {  	[tilespmem:v55+s25+$0x0] =	vst.idx.msk $0xffff, v39  }
0x457: {  	v38 =	vand.u32 $0x7F, v26;
	v37 =	vand.u32 $0xFFFFFF80, v5;
	v6 =	vld.idx.msk [tilespmem:v44+s18+$0x0], $0xffff  }
0x458: {  	v7 =	vor.u32 v38, v41;
	v38 =	vor.u32 v42, v0;
	v42 =	vadd.s32 v3, v37;
	v37 =	vld [tilespmem:$0x1F200]  }
0x459: {  	v40 =	vor.u32 v46, v0;
	v19 =	vld.idx.msk [tilespmem:v19+s18+$0x0], $0xffff  }
0x45a: {  	v26 =	vadd.s32 v49, v4;
	v25 =	vadd.s32 v43, v4;
	v41 =	vor.u32 v45, v0;
	v45 =	vld [tilespmem:$0x1FA90]  }
0x45b: {  	v5 =	vand.u32 $0x7F, v5;
	v20 =	vld.idx.msk [tilespmem:v20+s18+$0x0], $0xffff;
	v55 =	vand.u32 $0xFFFFFF80, v26;
	v46 =	vand.u32 $0xFFFFFF80, v25  }
0x45c: {  	v23 =	vld.idx.msk [tilespmem:v23+s18+$0x0], $0xffff;
	v42 =	vor.u32 v5, v42;
	v25 =	vand.u32 $0x7F, v25;
	v5 =	vadd.s32 v3, v46  }
0x45d: {  	v26 =	vand.u32 $0x7F, v26;
	[tilespmem:v24+s25+$0x0] =	vst.idx.msk $0xffff, v6;
	v46 =	vor.u32 v25, v5;
	v25 =	vadd.s32 v37, v4  }
0x45e: {  	[tilespmem:v47+s25+$0x0] =	vst.idx.msk $0xffff, v19;
	v47 =	vld [tilespmem:$0x1FAD0];
	v5 =	vadd.s32 v3, v55;
	v43 =	vand.u32 $0xFFFFFF80, v25;
	v49 =	vand.u32 $0x7F, v25  }
0x45f: {  	v39 =	vor.u32 v45, v0;
	v45 =	vor.u32 v26, v5;
	v55 =	vadd.s32 v3, v43;
	v26 =	vld [tilespmem:$0x1FAA0]  }
0x460: {  	v44 =	vor.u32 v49, v55;
	v55 =	vld [tilespmem:$0x1FAC0]  }
0x461: {  	[tilespmem:v51+s25+$0x0] =	vst.idx.msk $0xffff, v20;
	v37 =	vld [tilespmem:$0x1F210]  }
0x462: {  	[tilespmem:v54+s25+$0x0] =	vst.idx.msk $0xffff, v23;
	v54 =	vld [tilespmem:$0x1F230]  }
0x463: {  	v5 =	vld [tilespmem:s30+$0x0]  }
0x464: {  	v49 =	vld [tilespmem:$0x1FAB0]  }
0x465: {  	v43 =	vor.u32 v26, v0;
	v26 =	vor.u32 v55, v0;
	v55 =	vld [tilespmem:$0x1F220];
	_ =	sdelay $0x1  }
0x466: {  	v25 =	vadd.s32 v37, v4  }
0x467: {  	v23 =	vadd.s32 v54, v4;
	v24 =	vand.u32 $0xFFFFFF80, v25  }
0x468: {  	v6 =	vadd.s32 v3, v24;
	v54 =	vadd.s32 v8, v5;
	v37 =	vor.u32 v49, v0  }
0x469: {  	v49 =	vand.u32 $0x7F, v25;
	v25 =	vor.u32 v47, v0;
	v47 =	vld.idx.msk [tilespmem:v52+s18+$0x0], $0xffff;
	v24 =	vadd.s32 v55, v4  }
0x46a: {  	v52 =	vadd.s32 v2, v5;
	v20 =	vor.u32 v49, v6;
	v49 =	vand.u32 $0xFFFFFF80, v24  }
0x46b: {  	v8 =	vand.u32 $0xFFFFFF80, v54;
	v51 =	vand.u32 $0x7F, v24;
	v6 =	vadd.s32 v3, v49;
	v49 =	vld.idx.msk [tilespmem:v53+s18+$0x0], $0xffff  }
0x46c: {  	v19 =	vand.u32 $0xFFFFFF80, v52;
	v24 =	vor.u32 v51, v6;
	v51 =	vor.u32 s31, v2;
	v2 =	vld [tilespmem:$0x1FF90]  }
0x46d: {  	v48 =	vld.idx.msk [tilespmem:v48+s18+$0x0], $0xffff;
	v52 =	vand.u32 $0x7F, v52;
	v55 =	vand.u32 $0xFFFFFF80, v23;
	v23 =	vand.u32 $0x7F, v23  }
0x46e: {  	v50 =	vld.idx.msk [tilespmem:v50+s18+$0x0], $0xffff;
	v53 =	vmov s31;
	[tilespmem:v56+s25+$0x0] =	vst.idx.msk $0xffff, v47;
	v56 =	vadd.s32 v9, v5;
	v6 =	vadd.s32 v3, v55  }
0x46f: {  	v53 =	vshll.u32 v53, $0x3;
	v23 =	vor.u32 v23, v6;
	v6 =	vshll.u32 v51, $0x7  }
0x470: {  	v19 =	vadd.s32 v6, v19;
	v8 =	vadd.s32 v6, v8;
	[tilespmem:v57+s25+$0x0] =	vst.idx.msk $0xffff, v49;
	v57 =	vand.u32 $0x7F, v54  }
0x471: {  	v52 =	vor.u32 v52, v19;
	v19 =	vadd.s32 v2, v5;
	v49 =	vor.u32 v57, v8  }
0x472: {  	[tilespmem:v58+s25+$0x0] =	vst.idx.msk $0xffff, v48;
	v57 =	vand.u32 $0xFFFFFF80, v56;
	v58 =	vand.u32 $0x7F, v51;
	v47 =	vand.u32 $0xFFFFFF80, v19  }
0x473: {  	v19 =	vand.u32 $0x7F, v19;
	v48 =	vadd.s32 v6, v57;
	v47 =	vadd.s32 v6, v47  }
0x474: {  	v9 =	vld [tilespmem:$0x1F280];
	[tilespmem:v59+s25+$0x0] =	vst.idx.msk $0xffff, v50;
	v59 =	vand.u32 $0x400, v53;
	v47 =	vor.u32 v19, v47;
	v19 =	vand.u32 $0x7F, v56  }
0x475: {  	v50 =	vld.idx.msk [tilespmem:v60+s18+$0x0], $0xffff;
	v48 =	vor.u32 v19, v48;
	v19 =	vor.u32 v59, v58  }
0x476: {  	v54 =	vor.u32 v1, v19;
	v1 =	vld [tilespmem:$0x1F6D0]  }
0x477: {  	v52 =	vld.idx.msk [tilespmem:v52+s18+$0x0], $0xffff  }
0x478: {  	v61 =	vld.idx.msk [tilespmem:v61+s18+$0x0], $0xffff  }
0x479: {  	v49 =	vld.idx.msk [tilespmem:v49+s18+$0x0], $0xffff  }
0x47a: {  	v11 =	vadd.s32 v11, v5;
	v8 =	vadd.s32 v10, v5;
	v47 =	vld.idx.msk [tilespmem:v47+s18+$0x0], $0xffff  }
0x47b: {  	v2 =	vadd.s32 v13, v5;
	v10 =	vand.u32 $0xFFFFFF80, v8;
	v48 =	vld.idx.msk [tilespmem:v48+s18+$0x0], $0xffff;
	v56 =	vor.u32 v1, v19  }
0x47c: {  	v55 =	vand.u32 $0x7F, v8;
	v58 =	vadd.s32 v6, v10;
	v59 =	vand.u32 $0x7F, v11;
	[tilespmem:v54+s25+$0x0] =	vst.idx.msk $0xffff, v52;
	v52 =	vld.idx.msk [tilespmem:v62+s18+$0x0], $0xffff  }
0x47d: {  	v57 =	vor.u32 v35, v19;
	v35 =	vor.u32 v36, v19;
	v36 =	vand.u32 $0xFFFFFF80, v11;
	v54 =	vld.idx.msk [tilespmem:v7+s18+$0x0], $0xffff  }
0x47e: {  	v55 =	vor.u32 v55, v58;
	v11 =	vand.u32 $0xFFFFFF80, v2;
	v58 =	vadd.s32 v6, v36;
	v62 =	vld [tilespmem:$0x1F780];
	[tilespmem:v38+s25+$0x0] =	vst.idx.msk $0xffff, v50  }
0x47f: {  	v13 =	vld [tilespmem:$0x1F710];
	v2 =	vand.u32 $0x7F, v2;
	v1 =	vadd.s32 v12, v5;
	v12 =	vadd.s32 v6, v11;
	[tilespmem:v41+s25+$0x0] =	vst.idx.msk $0xffff, v61  }
0x480: {  	v58 =	vor.u32 v59, v58;
	v8 =	vand.u32 $0xFFFFFF80, v1;
	v2 =	vor.u32 v2, v12;
	v61 =	vld [tilespmem:$0x1F3A0];
	[tilespmem:v56+s25+$0x0] =	vst.idx.msk $0xffff, v47  }
0x481: {  	v12 =	vadd.s32 v14, v5;
	v10 =	vadd.s32 v6, v8;
	v8 =	vld [tilespmem:$0x1F750];
	[tilespmem:v40+s25+$0x0] =	vst.idx.msk $0xffff, v52  }
0x482: {  	v14 =	vand.u32 $0xFFFFFF80, v12;
	v59 =	vand.u32 $0x7F, v12;
	v12 =	vadd.s32 v22, v5;
	v22 =	vld [tilespmem:$0x1FF10];
	[tilespmem:v57+s25+$0x0] =	vst.idx.msk $0xffff, v49  }
0x483: {  	v1 =	vand.u32 $0x7F, v1;
	v49 =	vadd.s32 v62, v5;
	v62 =	vld [tilespmem:$0x1F790];
	[tilespmem:v39+s25+$0x0] =	vst.idx.msk $0xffff, v54  }
0x484: {  	v1 =	vor.u32 v1, v10;
	v46 =	vld.idx.msk [tilespmem:v46+s18+$0x0], $0xffff  }
0x485: {  	v45 =	vld.idx.msk [tilespmem:v45+s18+$0x0], $0xffff  }
0x486: {  	v18 =	vadd.s32 v18, v5;
	[tilespmem:v35+s25+$0x0] =	vst.idx.msk $0xffff, v48;
	v44 =	vld.idx.msk [tilespmem:v44+s18+$0x0], $0xffff  }
0x487: {  	v53 =	vadd.s32 v9, v4;
	v36 =	vand.u32 $0xFFFFFF80, v18;
	v7 =	vld.idx.msk [tilespmem:v55+s18+$0x0], $0xffff  }
0x488: {  	v10 =	vor.u32 v15, v19;
	v15 =	vadd.s32 v16, v5;
	v56 =	vand.u32 $0x7F, v12;
	v58 =	vld.idx.msk [tilespmem:v58+s18+$0x0], $0xffff  }
0x489: {  	v35 =	vor.u32 v13, v19;
	v11 =	vand.u32 $0xFFFFFF80, v49;
	v49 =	vand.u32 $0x7F, v49;
	v1 =	vld.idx.msk [tilespmem:v1+s18+$0x0], $0xffff  }
0x48a: {  	v13 =	vor.u32 v17, v19;
	v17 =	vand.u32 $0xFFFFFF80, v15;
	v55 =	vor.u32 v8, v19;
	v2 =	vld.idx.msk [tilespmem:v2+s18+$0x0], $0xffff  }
0x48b: {  	v57 =	vadd.s32 v6, v11;
	v38 =	vadd.s32 v6, v17;
	v17 =	vadd.s32 v30, v5;
	v30 =	vld [tilespmem:$0x1F810]  }
0x48c: {  	v49 =	vor.u32 v49, v57;
	v57 =	vadd.s32 v6, v14;
	v14 =	vand.u32 $0xFFFFFF80, v12;
	v12 =	vld [tilespmem:$0x1F3B0]  }
0x48d: {  	v16 =	vor.u32 v59, v57;
	v59 =	vand.u32 $0x7F, v18;
	v18 =	vand.u32 $0xFFFFFF80, v17;
	v57 =	vld.idx.msk [tilespmem:v42+s18+$0x0], $0xffff  }
0x48e: {  	[tilespmem:v35+s25+$0x0] =	vst.idx.msk $0xffff, v7;
	v35 =	vand.u32 $0x7F, v15;
	v7 =	vadd.s32 v21, v5;
	v21 =	vand.u32 $0x7F, v17;
	v17 =	vld [tilespmem:$0x1F830]  }
0x48f: {  	v51 =	vand.u32 $0xFFFFFF80, v53;
	[tilespmem:v55+s25+$0x0] =	vst.idx.msk $0xffff, v58;
	v48 =	vor.u32 v35, v38;
	v35 =	vld [tilespmem:$0x1F820]  }
0x490: {  	v51 =	vadd.s32 v3, v51;
	v47 =	vand.u32 $0x7F, v53;
	v53 =	vadd.s32 v6, v36;
	v58 =	vld [tilespmem:$0x1F720];
	[tilespmem:v10+s25+$0x0] =	vst.idx.msk $0xffff, v1  }
0x491: {  	v38 =	vor.u32 v47, v51;
	v51 =	vld [tilespmem:$0x1F200];
	v1 =	vor.u32 v59, v53;
	[tilespmem:v13+s25+$0x0] =	vst.idx.msk $0xffff, v2  }
0x492: {  	v8 =	vor.u32 v27, v19;
	v10 =	vor.u32 v28, v19;
	v28 =	vadd.s32 v32, v5;
	v49 =	vld.idx.msk [tilespmem:v49+s18+$0x0], $0xffff  }
0x493: {  	v15 =	vadd.s32 v29, v5;
	v2 =	vor.u32 v62, v19;
	v32 =	vand.u32 $0xFFFFFF80, v28;
	v50 =	vld.idx.msk [tilespmem:v16+s18+$0x0], $0xffff  }
0x494: {  	v11 =	vand.u32 $0xFFFFFF80, v7;
	v47 =	vand.u32 $0x7F, v7;
	[tilespmem:v43+s25+$0x0] =	vst.idx.msk $0xffff, v57;
	v53 =	vadd.s32 v6, v32;
	v32 =	vld [tilespmem:$0x1F3F0]  }
0x495: {  	v55 =	vadd.s32 v6, v11;
	v13 =	vor.u32 v31, v19;
	[tilespmem:v37+s25+$0x0] =	vst.idx.msk $0xffff, v46;
	v48 =	vld.idx.msk [tilespmem:v48+s18+$0x0], $0xffff  }
0x496: {  	v47 =	vor.u32 v47, v55;
	v16 =	vand.u32 $0xFFFFFF80, v15;
	[tilespmem:v26+s25+$0x0] =	vst.idx.msk $0xffff, v45;
	v1 =	vld.idx.msk [tilespmem:v1+s18+$0x0], $0xffff  }
0x497: {  	v55 =	vadd.s32 v6, v14;
	v41 =	vadd.s32 v6, v16;
	v16 =	vld [tilespmem:$0x1FF20];
	[tilespmem:v25+s25+$0x0] =	vst.idx.msk $0xffff, v44  }
0x498: {  	v55 =	vor.u32 v56, v55;
	v20 =	vld.idx.msk [tilespmem:v20+s18+$0x0], $0xffff;
	[tilespmem:v2+s25+$0x0] =	vst.idx.msk $0xffff, v49  }
0x499: {  	v24 =	vld.idx.msk [tilespmem:v24+s18+$0x0], $0xffff;
	[tilespmem:v8+s25+$0x0] =	vst.idx.msk $0xffff, v50  }
0x49a: {  	v23 =	vld.idx.msk [tilespmem:v23+s18+$0x0], $0xffff;
	v2 =	vand.u32 $0x7F, v15;
	v49 =	vadd.s32 v6, v18;
	[tilespmem:v10+s25+$0x0] =	vst.idx.msk $0xffff, v48  }
0x49b: {  	v2 =	vor.u32 v2, v41;
	v27 =	vor.u32 v21, v49;
	v21 =	vld [tilespmem:$0x1F3C0];
	[tilespmem:v13+s25+$0x0] =	vst.idx.msk $0xffff, v1  }
0x49c: {  	v47 =	vld.idx.msk [tilespmem:v47+s18+$0x0], $0xffff  }
0x49d: {  	v1 =	vor.u32 v34, v19;
	v34 =	vadd.s32 v33, v5;
	v55 =	vld.idx.msk [tilespmem:v55+s18+$0x0], $0xffff  }
0x49e: {  	v49 =	vand.u32 $0x7F, v28;
	v60 =	vand.u32 $0xFFFFFF80, v34;
	v56 =	vand.u32 $0x7F, v34;
	v34 =	vld [tilespmem:$0x1F860]  }
0x49f: {  	v49 =	vor.u32 v49, v53;
	v53 =	vadd.s32 v6, v60;
	v60 =	vld [tilespmem:$0x1F400]  }
0x4a0: {  	v29 =	vor.u32 v63, v19;
	v63 =	vadd.s32 v61, v5;
	v2 =	vld.idx.msk [tilespmem:v2+s18+$0x0], $0xffff  }
0x4a1: {  	v11 =	vand.u32 $0xFFFFFF80, v63;
	v48 =	vld.idx.msk [tilespmem:v27+s18+$0x0], $0xffff  }
0x4a2: {  	v31 =	vor.u32 v30, v19;
	v40 =	vadd.s32 v6, v11;
	v27 =	vld [tilespmem:$0x1F840]  }
0x4a3: {  	v36 =	vor.u32 v35, v19;
	v41 =	vor.u32 v22, v0;
	v10 =	vor.u32 v56, v53;
	v56 =	vld [tilespmem:$0x1F930]  }
0x4a4: {  	v13 =	vadd.s32 v12, v5;
	[tilespmem:v1+s25+$0x0] =	vst.idx.msk $0xffff, v47;
	v35 =	vor.u32 v34, v19;
	v34 =	vld [tilespmem:$0x1F440]  }
0x4a5: {  	v14 =	vand.u32 $0xFFFFFF80, v13;
	v15 =	vand.u32 $0x7F, v13;
	v1 =	vand.u32 $0x7F, v63;
	[tilespmem:v29+s25+$0x0] =	vst.idx.msk $0xffff, v55;
	v29 =	vld [tilespmem:$0x1F850]  }
0x4a6: {  	v47 =	vadd.s32 v6, v14;
	v1 =	vor.u32 v1, v40;
	v40 =	vor.u32 v16, v0;
	v16 =	vld [tilespmem:$0x1F420]  }
0x4a7: {  	v22 =	vadd.s32 v21, v5;
	[tilespmem:v31+s25+$0x0] =	vst.idx.msk $0xffff, v2;
	v2 =	vor.u32 v15, v47;
	v15 =	vld [tilespmem:$0x1FF30]  }
0x4a8: {  	v31 =	vand.u32 $0xFFFFFF80, v22;
	[tilespmem:v36+s25+$0x0] =	vst.idx.msk $0xffff, v48;
	v48 =	vand.u32 $0x7F, v22;
	v22 =	vld [tilespmem:$0x1F890]  }
0x4a9: {  	v53 =	vadd.s32 v6, v31;
	v31 =	vld [tilespmem:$0x1F8A0]  }
0x4aa: {  	v49 =	vld.idx.msk [tilespmem:v49+s18+$0x0], $0xffff  }
0x4ab: {  	v33 =	vadd.s32 v32, v5;
	v52 =	vld.idx.msk [tilespmem:v10+s18+$0x0], $0xffff  }
0x4ac: {  	v59 =	vand.u32 $0xFFFFFF80, v33;
	v10 =	vld [tilespmem:$0x1F410]  }
0x4ad: {  	v18 =	vor.u32 v17, v19;
	v48 =	vor.u32 v48, v53;
	v53 =	vadd.s32 v6, v59;
	v59 =	vld [tilespmem:$0x1F450]  }
0x4ae: {  	v61 =	vadd.s32 v60, v5;
	v28 =	vor.u32 v27, v19;
	v1 =	vld.idx.msk [tilespmem:v1+s18+$0x0], $0xffff  }
0x4af: {  	v63 =	vand.u32 $0xFFFFFF80, v61;
	v30 =	vor.u32 v29, v19;
	v29 =	vld [tilespmem:$0x1F430]  }
0x4b0: {  	v12 =	vand.u32 $0x7F, v61;
	v39 =	vadd.s32 v6, v63;
	v2 =	vld.idx.msk [tilespmem:v2+s18+$0x0], $0xffff  }
0x4b1: {  	v47 =	vor.u32 v12, v39;
	v39 =	vor.u32 v15, v0;
	v15 =	vld [tilespmem:$0x1F8C0]  }
0x4b2: {  	v11 =	vadd.s32 v10, v5;
	[tilespmem:v18+s25+$0x0] =	vst.idx.msk $0xffff, v49;
	v18 =	vld [tilespmem:$0x1F880];
	v60 =	vadd.s32 v59, v5  }
0x4b3: {  	v13 =	vand.u32 $0xFFFFFF80, v11;
	[tilespmem:v28+s25+$0x0] =	vst.idx.msk $0xffff, v52;
	v61 =	vand.u32 $0xFFFFFF80, v60;
	v63 =	vand.u32 $0x7F, v60;
	v60 =	vld [tilespmem:$0x1F4D0]  }
0x4b4: {  	v17 =	vadd.s32 v16, v5;
	v49 =	vadd.s32 v6, v13;
	[tilespmem:v30+s25+$0x0] =	vst.idx.msk $0xffff, v1;
	v13 =	vld [tilespmem:$0x1F480]  }
0x4b5: {  	v55 =	vand.u32 $0x7F, v33;
	v28 =	vand.u32 $0xFFFFFF80, v17;
	[tilespmem:v35+s25+$0x0] =	vst.idx.msk $0xffff, v2;
	v2 =	vld [tilespmem:$0x1F870]  }
0x4b6: {  	v53 =	vor.u32 v55, v53;
	v52 =	vadd.s32 v6, v28;
	v28 =	vld [tilespmem:$0x1F4B0]  }
0x4b7: {  	v14 =	vand.u32 $0x7F, v11;
	v35 =	vadd.s32 v34, v5;
	v34 =	vld [tilespmem:$0x1F240]  }
0x4b8: {  	v30 =	vadd.s32 v29, v5;
	v1 =	vor.u32 v14, v49;
	v49 =	vand.u32 $0x7F, v17;
	v17 =	vld [tilespmem:$0x1F8D0]  }
0x4b9: {  	v33 =	vand.u32 $0xFFFFFF80, v30;
	v54 =	vand.u32 $0x7F, v30;
	v30 =	vld [tilespmem:$0x1F8E0]  }
0x4ba: {  	v48 =	vld.idx.msk [tilespmem:v48+s18+$0x0], $0xffff;
	v2 =	vor.u32 v2, v19  }
0x4bb: {  	v53 =	vld.idx.msk [tilespmem:v53+s18+$0x0], $0xffff;
	v21 =	vor.u32 v18, v19  }
0x4bc: {  	v27 =	vor.u32 v22, v19;
	v47 =	vld.idx.msk [tilespmem:v47+s18+$0x0], $0xffff  }
0x4bd: {  	v32 =	vor.u32 v31, v19;
	v1 =	vld.idx.msk [tilespmem:v1+s18+$0x0], $0xffff  }
0x4be: {  	v16 =	vor.u32 v15, v19;
	v15 =	vld [tilespmem:$0x1F900];
	v49 =	vor.u32 v49, v52;
	v52 =	vadd.s32 v6, v33  }
0x4bf: {  	v33 =	vld [tilespmem:$0x1F4C0];
	v14 =	vadd.s32 v13, v5;
	v18 =	vor.u32 v17, v19;
	[tilespmem:v2+s25+$0x0] =	vst.idx.msk $0xffff, v48  }
0x4c0: {  	v36 =	vand.u32 $0xFFFFFF80, v35;
	v17 =	vld [tilespmem:$0x1F910];
	v48 =	vadd.s32 v6, v61;
	v61 =	vadd.s32 v60, v5;
	[tilespmem:v21+s25+$0x0] =	vst.idx.msk $0xffff, v53  }
0x4c1: {  	v12 =	vor.u32 v63, v48;
	v7 =	vand.u32 $0xFFFFFF80, v61;
	v10 =	vand.u32 $0x7F, v61;
	v61 =	vld [tilespmem:$0x1F520];
	[tilespmem:v27+s25+$0x0] =	vst.idx.msk $0xffff, v47  }
0x4c2: {  	v52 =	vor.u32 v54, v52;
	v42 =	vadd.s32 v6, v36;
	v27 =	vand.u32 $0xFFFFFF80, v14;
	[tilespmem:v32+s25+$0x0] =	vst.idx.msk $0xffff, v1;
	v1 =	vld [tilespmem:$0x1F8B0]  }
0x4c3: {  	v29 =	vadd.s32 v28, v5;
	v2 =	vand.u32 $0x7F, v35;
	v53 =	vadd.s32 v6, v27;
	v27 =	vld [tilespmem:$0x1F4E0]  }
0x4c4: {  	v2 =	vor.u32 v2, v42;
	v48 =	vand.u32 $0x7F, v14;
	v32 =	vand.u32 $0xFFFFFF80, v29;
	v49 =	vld.idx.msk [tilespmem:v49+s18+$0x0], $0xffff  }
0x4c5: {  	v48 =	vor.u32 v48, v53;
	v53 =	vadd.s32 v6, v32;
	v32 =	vld [tilespmem:$0x1F510]  }
0x4c6: {  	v47 =	vld.idx.msk [tilespmem:v12+s18+$0x0], $0xffff  }
0x4c7: {  	v12 =	vld [tilespmem:$0x1F8F0];
	v1 =	vor.u32 v1, v19  }
0x4c8: {  	v35 =	vadd.s32 v33, v5;
	v52 =	vld.idx.msk [tilespmem:v52+s18+$0x0], $0xffff  }
0x4c9: {  	v31 =	vor.u32 v30, v19;
	v57 =	vand.u32 $0xFFFFFF80, v35;
	v2 =	vld.idx.msk [tilespmem:v2+s18+$0x0], $0xffff  }
0x4ca: {  	v54 =	vand.u32 $0x7F, v29;
	v63 =	vadd.s32 v6, v57;
	v11 =	vadd.s32 v6, v7;
	v57 =	vld [tilespmem:$0x1F940]  }
0x4cb: {  	v29 =	vld [tilespmem:$0x1F920];
	v36 =	vor.u32 v54, v53;
	v28 =	vadd.s32 v27, v5;
	v33 =	vadd.s32 v32, v5  }
0x4cc: {  	v27 =	vld [tilespmem:$0x1F5C0];
	v60 =	vand.u32 $0xFFFFFF80, v33;
	v13 =	vor.u32 v12, v19;
	[tilespmem:v1+s25+$0x0] =	vst.idx.msk $0xffff, v49;
	v1 =	vand.u32 $0x7F, v35  }
0x4cd: {  	v7 =	vand.u32 $0x7F, v33;
	v33 =	vld [tilespmem:$0x1F960];
	[tilespmem:v16+s25+$0x0] =	vst.idx.msk $0xffff, v52;
	v1 =	vor.u32 v1, v63;
	v63 =	vadd.s32 v61, v5  }
0x4ce: {  	[tilespmem:v18+s25+$0x0] =	vst.idx.msk $0xffff, v2;
	v2 =	vor.u32 v10, v11;
	v10 =	vand.u32 $0xFFFFFF80, v63;
	v12 =	vand.u32 $0x7F, v63;
	v63 =	vld [tilespmem:$0x1F560]  }
0x4cf: {  	v14 =	vadd.s32 v58, v5;
	v55 =	vand.u32 $0x7F, v28;
	[tilespmem:v31+s25+$0x0] =	vst.idx.msk $0xffff, v47;
	v31 =	vand.u32 $0xFFFFFF80, v28;
	v28 =	vld [tilespmem:$0x1F950]  }
0x4d0: {  	v22 =	vand.u32 $0xFFFFFF80, v14;
	v48 =	vld.idx.msk [tilespmem:v48+s18+$0x0], $0xffff  }
0x4d1: {  	v50 =	vand.u32 $0x7F, v14;
	v54 =	vadd.s32 v6, v22;
	v43 =	vld.idx.msk [tilespmem:v36+s18+$0x0], $0xffff  }
0x4d2: {  	v50 =	vor.u32 v50, v54;
	v16 =	vor.u32 v15, v19;
	v54 =	vadd.s32 v6, v31;
	v31 =	vld [tilespmem:$0x1F540]  }
0x4d3: {  	v35 =	vor.u32 v55, v54;
	v55 =	vld [tilespmem:$0x1F550]  }
0x4d4: {  	v18 =	vor.u32 v17, v19;
	v1 =	vld.idx.msk [tilespmem:v1+s18+$0x0], $0xffff  }
0x4d5: {  	v30 =	vor.u32 v29, v19;
	v52 =	vadd.s32 v34, v4;
	v2 =	vld.idx.msk [tilespmem:v2+s18+$0x0], $0xffff  }
0x4d6: {  	v29 =	vor.u32 v28, v19;
	v28 =	vadd.s32 v27, v5;
	v27 =	vld [tilespmem:$0x1F9E0];
	[tilespmem:v13+s25+$0x0] =	vst.idx.msk $0xffff, v48  }
0x4d7: {  	v22 =	vor.u32 v57, v19;
	v46 =	vadd.s32 v6, v60;
	v49 =	vand.u32 $0xFFFFFF80, v52;
	[tilespmem:v16+s25+$0x0] =	vst.idx.msk $0xffff, v43;
	v16 =	vld [tilespmem:$0x1F530]  }
0x4d8: {  	v11 =	vor.u32 v7, v46;
	v32 =	vadd.s32 v31, v5;
	v58 =	vadd.s32 v55, v5;
	v55 =	vld [tilespmem:$0x1F970]  }
0x4d9: {  	v13 =	vadd.s32 v6, v10;
	v36 =	vand.u32 $0xFFFFFF80, v32;
	v53 =	vand.u32 $0x7F, v32;
	v32 =	vld [tilespmem:$0x1F180];
	[tilespmem:v18+s25+$0x0] =	vst.idx.msk $0xffff, v1  }
0x4da: {  	v15 =	vand.u32 $0x7F, v52;
	v7 =	vadd.s32 v63, v5;
	v1 =	vor.u32 v12, v13;
	v12 =	vld [tilespmem:$0x1F570];
	[tilespmem:v30+s25+$0x0] =	vst.idx.msk $0xffff, v2  }
0x4db: {  	v14 =	vadd.s32 v3, v49;
	v10 =	vand.u32 $0xFFFFFF80, v7;
	v2 =	vor.u32 v56, v19;
	v18 =	vld.idx.msk [tilespmem:v50+s18+$0x0], $0xffff  }
0x4dc: {  	v31 =	vand.u32 $0xFFFFFF80, v28;
	v61 =	vand.u32 $0xFFFFFF80, v58;
	v37 =	vld.idx.msk [tilespmem:v35+s18+$0x0], $0xffff;
	v17 =	vadd.s32 v16, v5  }
0x4dd: {  	v49 =	vadd.s32 v6, v10;
	v26 =	vadd.s32 v6, v61;
	v43 =	vld.idx.msk [tilespmem:v11+s18+$0x0], $0xffff;
	v30 =	vand.u32 $0xFFFFFF80, v17  }
0x4de: {  	v61 =	vld [tilespmem:$0x1F9B0];
	v35 =	vor.u32 v33, v19;
	v47 =	vand.u32 $0x7F, v17;
	v52 =	vadd.s32 v6, v30  }
0x4df: {  	v11 =	vand.u32 $0x7F, v7;
	v1 =	vld.idx.msk [tilespmem:v1+s18+$0x0], $0xffff;
	v47 =	vor.u32 v47, v52;
	v52 =	vadd.s32 v6, v36  }
0x4e0: {  	v13 =	vadd.s32 v12, v5;
	v17 =	vld [tilespmem:$0x1F990];
	[tilespmem:v2+s25+$0x0] =	vst.idx.msk $0xffff, v18;
	v2 =	vand.u32 $0x7F, v58;
	v60 =	vor.u32 v53, v52  }
0x4e1: {  	[tilespmem:v22+s25+$0x0] =	vst.idx.msk $0xffff, v37;
	v2 =	vor.u32 v2, v26;
	v26 =	vor.u32 v15, v14;
	v15 =	vld [tilespmem:$0x1F980];
	v22 =	vand.u32 $0xFFFFFF80, v13  }
0x4e2: {  	v37 =	vor.u32 v11, v49;
	v11 =	vld [tilespmem:$0x1F600];
	[tilespmem:v29+s25+$0x0] =	vst.idx.msk $0xffff, v43;
	v43 =	vand.u32 $0x7F, v13;
	v49 =	vadd.s32 v6, v22  }
0x4e3: {  	v50 =	vand.u32 $0x7F, v28;
	v29 =	vld [tilespmem:$0x1F9A0];
	v43 =	vor.u32 v43, v49;
	v49 =	vadd.s32 v6, v31  }
0x4e4: {  	[tilespmem:v35+s25+$0x0] =	vst.idx.msk $0xffff, v1;
	v35 =	vor.u32 v50, v49;
	v50 =	vld [tilespmem:$0x1F5D0]  }
0x4e5: {  	v1 =	vor.u32 v55, v19;
	v14 =	vld.idx.msk [tilespmem:v47+s18+$0x0], $0xffff  }
0x4e6: {  	v16 =	vor.u32 v15, v19;
	v45 =	vld.idx.msk [tilespmem:v60+s18+$0x0], $0xffff  }
0x4e7: {  	v18 =	vor.u32 v17, v19;
	v2 =	vld.idx.msk [tilespmem:v2+s18+$0x0], $0xffff  }
0x4e8: {  	v33 =	vadd.s32 v32, v5;
	v37 =	vld.idx.msk [tilespmem:v37+s18+$0x0], $0xffff;
	v30 =	vor.u32 v29, v19  }
0x4e9: {  	v36 =	vand.u32 $0xFFFFFF80, v33;
	v13 =	vld [tilespmem:$0x1F9C0];
	v53 =	vadd.s32 v50, v5  }
0x4ea: {  	v44 =	vadd.s32 v6, v36;
	v15 =	vld [tilespmem:$0x1F9D0];
	[tilespmem:v1+s25+$0x0] =	vst.idx.msk $0xffff, v14;
	v1 =	vand.u32 $0x7F, v33;
	v54 =	vand.u32 $0xFFFFFF80, v53  }
0x4eb: {  	v58 =	vand.u32 $0x7F, v53;
	v33 =	vld [tilespmem:$0x1F620];
	[tilespmem:v16+s25+$0x0] =	vst.idx.msk $0xffff, v45;
	v1 =	vor.u32 v1, v44;
	v60 =	vadd.s32 v6, v54  }
0x4ec: {  	[tilespmem:v18+s25+$0x0] =	vst.idx.msk $0xffff, v2;
	v2 =	vor.u32 v58, v60;
	v18 =	vld [tilespmem:$0x1F610]  }
0x4ed: {  	[tilespmem:v30+s25+$0x0] =	vst.idx.msk $0xffff, v37;
	v30 =	vld [tilespmem:$0x1F190]  }
0x4ee: {  	v63 =	vor.u32 v61, v19;
	v43 =	vld.idx.msk [tilespmem:v43+s18+$0x0], $0xffff  }
0x4ef: {  	v14 =	vor.u32 v13, v19;
	v25 =	vld.idx.msk [tilespmem:v35+s18+$0x0], $0xffff  }
0x4f0: {  	v12 =	vadd.s32 v11, v5;
	v16 =	vor.u32 v15, v19;
	v1 =	vld.idx.msk [tilespmem:v1+s18+$0x0], $0xffff  }
0x4f1: {  	v28 =	vor.u32 v27, v19;
	v17 =	vand.u32 $0xFFFFFF80, v12;
	v2 =	vld.idx.msk [tilespmem:v2+s18+$0x0], $0xffff  }
0x4f2: {  	v21 =	vld [tilespmem:$0x1F250];
	v49 =	vadd.s32 v6, v17;
	v45 =	vand.u32 $0x7F, v12  }
0x4f3: {  	v10 =	vld [tilespmem:$0x1F270];
	v45 =	vor.u32 v45, v49;
	[tilespmem:v63+s25+$0x0] =	vst.idx.msk $0xffff, v43  }
0x4f4: {  	v27 =	vld [tilespmem:$0x1F1B0];
	v35 =	vadd.s32 v33, v5;
	v22 =	vadd.s32 v18, v5;
	[tilespmem:v14+s25+$0x0] =	vst.idx.msk $0xffff, v25  }
0x4f5: {  	v11 =	vld [tilespmem:$0x1F1A0];
	v60 =	vand.u32 $0xFFFFFF80, v35;
	v29 =	vand.u32 $0xFFFFFF80, v22;
	v31 =	vadd.s32 v30, v5;
	[tilespmem:v16+s25+$0x0] =	vst.idx.msk $0xffff, v1  }
0x4f6: {  	v50 =	vand.u32 $0x7F, v22;
	v49 =	vadd.s32 v6, v29;
	v32 =	vand.u32 $0xFFFFFF80, v31;
	[tilespmem:v28+s25+$0x0] =	vst.idx.msk $0xffff, v2;
	v2 =	vld [tilespmem:$0x1F9F0]  }
0x4f7: {  	v54 =	vand.u32 $0x7F, v31;
	v49 =	vor.u32 v50, v49;
	v58 =	vadd.s32 v6, v32;
	v14 =	vld [tilespmem:$0x1FA00]  }
0x4f8: {  	v7 =	vadd.s32 v6, v60;
	v63 =	vand.u32 $0x7F, v35;
	v61 =	vor.u32 v54, v58;
	v16 =	vld [tilespmem:$0x1FA20]  }
0x4f9: {  	v29 =	vld [tilespmem:$0x1FA30];
	v1 =	vor.u32 v63, v7  }
0x4fa: {  	v32 =	vld [tilespmem:$0x1F650]  }
0x4fb: {  	v13 =	vld.idx.msk [tilespmem:v45+s18+$0x0], $0xffff;
	v2 =	vor.u32 v2, v19  }
0x4fc: {  	v15 =	vor.u32 v14, v19;
	v49 =	vld.idx.msk [tilespmem:v49+s18+$0x0], $0xffff  }
0x4fd: {  	v17 =	vor.u32 v16, v19;
	v25 =	vld.idx.msk [tilespmem:v61+s18+$0x0], $0xffff  }
0x4fe: {  	v30 =	vor.u32 v29, v19;
	v1 =	vld.idx.msk [tilespmem:v1+s18+$0x0], $0xffff  }
0x4ff: {  	v53 =	vld [tilespmem:$0x1F1C0];
	v12 =	vadd.s32 v11, v5  }
0x500: {  	v37 =	vld.idx.msk [tilespmem:v38+s18+$0x0], $0xffff;
	v22 =	vand.u32 $0xFFFFFF80, v12;
	[tilespmem:v2+s25+$0x0] =	vst.idx.msk $0xffff, v13  }
0x501: {  	v11 =	vld [tilespmem:$0x1F1D0];
	v38 =	vand.u32 $0x7F, v12;
	v48 =	vadd.s32 v6, v22;
	v28 =	vadd.s32 v27, v5;
	[tilespmem:v15+s25+$0x0] =	vst.idx.msk $0xffff, v49  }
0x502: {  	v38 =	vor.u32 v38, v48;
	v27 =	vld [tilespmem:$0x1FA80];
	v31 =	vand.u32 $0xFFFFFF80, v28;
	v33 =	vadd.s32 v32, v5;
	[tilespmem:v17+s25+$0x0] =	vst.idx.msk $0xffff, v25  }
0x503: {  	v50 =	vand.u32 $0x7F, v28;
	v48 =	vadd.s32 v6, v31;
	v36 =	vand.u32 $0xFFFFFF80, v33;
	[tilespmem:v30+s25+$0x0] =	vst.idx.msk $0xffff, v1;
	v1 =	vld [tilespmem:$0x1FA40]  }
0x504: {  	[tilespmem:v41+s25+$0x0] =	vst.idx.msk $0xffff, v20;
	v35 =	vor.u32 v50, v48;
	v41 =	vadd.s32 v6, v36;
	v2 =	vand.u32 $0x7F, v33;
	v13 =	vld [tilespmem:$0x1FA60]  }
0x505: {  	v54 =	vadd.s32 v53, v5;
	v32 =	vld [tilespmem:$0x1FA90];
	v2 =	vor.u32 v2, v41  }
0x506: {  	v46 =	vadd.s32 v10, v4;
	v52 =	vadd.s32 v51, v5;
	v58 =	vand.u32 $0xFFFFFF80, v54;
	v16 =	vld [tilespmem:$0x1F1E0]  }
0x507: {  	v44 =	vand.u32 $0xFFFFFF80, v46;
	v60 =	vand.u32 $0x7F, v54;
	v43 =	vadd.s32 v6, v58;
	v30 =	vld [tilespmem:$0x1F1F0]  }
0x508: {  	v44 =	vadd.s32 v3, v44;
	v63 =	vor.u32 v60, v43;
	v38 =	vld.idx.msk [tilespmem:v38+s18+$0x0], $0xffff;
	v1 =	vor.u32 v1, v19  }
0x509: {  	v12 =	vadd.s32 v11, v5;
	v53 =	vand.u32 $0xFFFFFF80, v52;
	v20 =	vld.idx.msk [tilespmem:v35+s18+$0x0], $0xffff;
	v14 =	vor.u32 v13, v19  }
0x50a: {  	v58 =	vand.u32 $0x7F, v52;
	v61 =	vand.u32 $0x7F, v46;
	v28 =	vor.u32 v27, v19;
	v2 =	vld.idx.msk [tilespmem:v2+s18+$0x0], $0xffff  }
0x50b: {  	v11 =	vld [tilespmem:$0x1F210];
	v33 =	vor.u32 v32, v19;
	v15 =	vand.u32 $0xFFFFFF80, v12;
	v17 =	vadd.s32 v16, v5  }
0x50c: {  	v41 =	vand.u32 $0x7F, v12;
	v46 =	vadd.s32 v6, v15;
	v16 =	vld [tilespmem:$0x1FAC0];
	v29 =	vand.u32 $0xFFFFFF80, v17  }
0x50d: {  	v41 =	vor.u32 v41, v46;
	v46 =	vadd.s32 v6, v29;
	v25 =	vld.idx.msk [tilespmem:v63+s18+$0x0], $0xffff;
	[tilespmem:v1+s25+$0x0] =	vst.idx.msk $0xffff, v38  }
0x50e: {  	v47 =	vand.u32 $0x7F, v17;
	v29 =	vld [tilespmem:$0x1F220];
	v31 =	vadd.s32 v30, v5;
	v38 =	vadd.s32 v6, v53;
	[tilespmem:v14+s25+$0x0] =	vst.idx.msk $0xffff, v20  }
0x50f: {  	v35 =	vand.u32 $0xFFFFFF80, v31;
	[tilespmem:v28+s25+$0x0] =	vst.idx.msk $0xffff, v2;
	v2 =	vor.u32 v58, v38;
	v38 =	vor.u32 v61, v44;
	v61 =	vld [tilespmem:$0x1FAA0]  }
0x510: {  	v46 =	vor.u32 v47, v46;
	v36 =	vand.u32 $0x7F, v31;
	v49 =	vadd.s32 v6, v35;
	v14 =	vld [tilespmem:$0x1FAB0]  }
0x511: {  	v8 =	vld [tilespmem:$0x1FFF0];
	[tilespmem:v40+s25+$0x0] =	vst.idx.msk $0xffff, v24;
	v24 =	vor.u32 v36, v49  }
0x512: {  	v12 =	vadd.s32 v11, v5;
	v31 =	vld [tilespmem:$0x1FAD0]  }
0x513: {  	v40 =	vand.u32 $0x7F, v12;
	v49 =	vld [tilespmem:$0x1F230];
	[tilespmem:v33+s25+$0x0] =	vst.idx.msk $0xffff, v25  }
0x514: {  	v17 =	vor.u32 v16, v19;
	v30 =	vadd.s32 v29, v5;
	v60 =	vld.idx.msk [tilespmem:v41+s18+$0x0], $0xffff;
	v63 =	vor.u32 v61, v19  }
0x515: {  	v35 =	vand.u32 $0x7F, v30;
	v1 =	vadd.s32 v21, v4;
	v13 =	vld.idx.msk [tilespmem:v46+s18+$0x0], $0xffff;
	v15 =	vor.u32 v14, v19  }
0x516: {  	v53 =	vadd.s32 v9, v5;
	v54 =	vand.u32 $0xFFFFFF80, v1;
	v28 =	vand.u32 $0xFFFFFF80, v12;
	v24 =	vld.idx.msk [tilespmem:v24+s18+$0x0], $0xffff  }
0x517: {  	v32 =	vor.u32 v31, v19;
	v20 =	vadd.s32 v3, v54;
	v45 =	vadd.s32 v6, v28;
	v2 =	vld.idx.msk [tilespmem:v2+s18+$0x0], $0xffff  }
0x518: {  	v59 =	vld [tilespmem:$0x1F260];
	[tilespmem:v39+s25+$0x0] =	vst.idx.msk $0xffff, v23;
	v33 =	vand.u32 $0xFFFFFF80, v30;
	v50 =	vadd.s32 v49, v5;
	v40 =	vor.u32 v40, v45  }
0x519: {  	v54 =	vld [tilespmem:$0x1FF10];
	v48 =	vadd.s32 v6, v33;
	v52 =	vand.u32 $0xFFFFFF80, v50;
	v58 =	vand.u32 $0x7F, v50;
	[tilespmem:v63+s25+$0x0] =	vst.idx.msk $0xffff, v60  }
0x51a: {  	v51 =	vor.u32 v35, v48;
	v23 =	vadd.s32 v6, v52;
	v61 =	vand.u32 $0xFFFFFF80, v53;
	v63 =	vld [tilespmem:$0x1FF20];
	[tilespmem:v15+s25+$0x0] =	vst.idx.msk $0xffff, v13  }
0x51b: {  	v9 =	vand.u32 $0x7F, v53;
	v23 =	vor.u32 v58, v23;
	v11 =	vadd.s32 v6, v61;
	v60 =	vld [tilespmem:$0x1FF30];
	[tilespmem:v17+s25+$0x0] =	vst.idx.msk $0xffff, v24  }
0x51c: {  	[tilespmem:v32+s25+$0x0] =	vst.idx.msk $0xffff, v2;
	v2 =	vor.u32 v9, v11  }
0x51d: {  	v42 =	vor.u32 v8, v0;
	v45 =	vld [tilespmem:$0x1FF40]  }
0x51e: {  	v4 =	vadd.s32 v59, v4;
	v14 =	vor.u32 v54, v19;
	v13 =	vld.idx.msk [tilespmem:v40+s18+$0x0], $0xffff  }
0x51f: {  	v12 =	vand.u32 $0xFFFFFF80, v4;
	v16 =	vld.idx.msk [tilespmem:v51+s18+$0x0], $0xffff;
	v17 =	vor.u32 v63, v19  }
0x520: {  	v4 =	vand.u32 $0x7F, v4;
	v3 =	vadd.s32 v3, v12;
	v23 =	vld.idx.msk [tilespmem:v23+s18+$0x0], $0xffff;
	v32 =	vor.u32 v60, v19  }
0x521: {  	v3 =	vor.u32 v4, v3;
	v35 =	vor.u32 v8, v19;
	v2 =	vld.idx.msk [tilespmem:v2+s18+$0x0], $0xffff  }
0x522: {  	[tilespmem:v42+s25+$0x0] =	vst.idx.msk $0xffff, v37;
	v1 =	vand.u32 $0x7F, v1;
	v31 =	vadd.s32 v10, v5  }
0x523: {  	v26 =	vld.idx.msk [tilespmem:v26+s18+$0x0], $0xffff;
	v1 =	vor.u32 v1, v20;
	v33 =	vand.u32 $0xFFFFFF80, v31;
	[tilespmem:v14+s25+$0x0] =	vst.idx.msk $0xffff, v13  }
0x524: {  	v39 =	vadd.s32 v6, v33;
	v52 =	vld [tilespmem:$0x1FF60];
	v49 =	vor.u32 v45, v0;
	[tilespmem:v17+s25+$0x0] =	vst.idx.msk $0xffff, v16  }
0x525: {  	v15 =	vadd.s32 v34, v5;
	v34 =	vadd.s32 v21, v5;
	v51 =	vld [tilespmem:$0x1FF50];
	[tilespmem:v32+s25+$0x0] =	vst.idx.msk $0xffff, v23  }
0x526: {  	v5 =	vadd.s32 v59, v5;
	v28 =	vand.u32 $0xFFFFFF80, v15;
	v29 =	vand.u32 $0x7F, v15;
	[tilespmem:v35+s25+$0x0] =	vst.idx.msk $0xffff, v2;
	v2 =	vld.idx.msk [tilespmem:v3+s18+$0x0], $0xffff  }
0x527: {  	v46 =	vand.u32 $0xFFFFFF80, v34;
	v47 =	vand.u32 $0x7F, v34;
	v30 =	vadd.s32 v6, v28;
	v3 =	vld [tilespmem:$0x1FF70]  }
0x528: {  	v58 =	vld [tilespmem:$0x1FF50];
	v50 =	vand.u32 $0xFFFFFF80, v5;
	v37 =	vor.u32 v29, v30;
	v40 =	vand.u32 $0x7F, v31  }
0x529: {  	v38 =	vld.idx.msk [tilespmem:v38+s18+$0x0], $0xffff;
	v5 =	vand.u32 $0x7F, v5;
	v48 =	vadd.s32 v6, v46;
	v44 =	vor.u32 v40, v39  }
0x52a: {  	v1 =	vld.idx.msk [tilespmem:v1+s18+$0x0], $0xffff;
	v6 =	vadd.s32 v6, v50;
	v4 =	vor.u32 v47, v48;
	v20 =	vor.u32 v51, v0  }
0x52b: {  	v61 =	vld [tilespmem:$0x1FF70];
	v53 =	vor.u32 v52, v0;
	v5 =	vor.u32 v5, v6  }
0x52c: {  	v0 =	vor.u32 v3, v0  }
0x52d: {  	v54 =	vor.u32 v45, v19;
	v3 =	vld.idx.msk [tilespmem:v37+s18+$0x0], $0xffff  }
0x52e: {  	v59 =	vor.u32 v58, v19;
	[tilespmem:v49+s25+$0x0] =	vst.idx.msk $0xffff, v26;
	v24 =	vld.idx.msk [tilespmem:v44+s18+$0x0], $0xffff  }
0x52f: {  	s2 =	sadd.s32 $0x2, s2;
	v60 =	vor.u32 v52, v19;
	[tilespmem:v20+s25+$0x0] =	vst.idx.msk $0xffff, v38;
	v4 =	vld.idx.msk [tilespmem:v4+s18+$0x0], $0xffff  }
0x530: {  	p0 =	slt.u32 s2, $0xE;
	v63 =	vor.u32 v61, v19;
	[tilespmem:v53+s25+$0x0] =	vst.idx.msk $0xffff, v1;
	v1 =	vld.idx.msk [tilespmem:v5+s18+$0x0], $0xffff  }
.Ltmp4:
0x531: {  	[tilespmem:v0+s25+$0x0] =	vst.idx.msk $0xffff, v2;
	(pc) =	sbr.rel @p0 .LBB2_9-.Ltmp4, $4  }
0x532: {  	[tilespmem:v54+s25+$0x0] =	vst.idx.msk $0xffff, v3  }
0x533: {  	[tilespmem:v59+s25+$0x0] =	vst.idx.msk $0xffff, v24  }
0x534: {  	[tilespmem:v60+s25+$0x0] =	vst.idx.msk $0xffff, v4  }
0x535: {  	s30 =	sadd.s32 $0x20, s30;
	s31 =	sadd.s32 $0x20, s31;
	[tilespmem:v63+s25+$0x0] =	vst.idx.msk $0xffff, v1;
	v1 =	vld [tilespmem:$0x1FF90]  }
0x536: {  	v37 =	vld [tilespmem:$0x1FA50]  }
0x537: {  	v38 =	vld [tilespmem:$0x1FA70]  }
0x538: {  	v46 =	vld [tilespmem:$0x1FAE0]  }
0x539: {  	v47 =	vld [tilespmem:$0x1FAF0]  }
0x53a: {  	v28 =	vld [tilespmem:$0x1FB00]  }
0x53b: {  	v27 =	vld [tilespmem:$0x1FB10]  }
0x53c: {  	v48 =	vld [tilespmem:$0x1FB20]  }
0x53d: {  	v12 =	vld [tilespmem:$0x1F7E0]  }
0x53e: {  	s29 =	sadd.s32 $0x1, s29;
	v11 =	vld [tilespmem:$0x1F7C0]  }
0x53f: {  	v39 =	vld [tilespmem:$0x1FF80];
	p0 =	sne.s32 s29, $0x32  }
.Ltmp5:
0x540: {  	v19 =	vld [tilespmem:$0x1FFA0];
	(pc) =	sbr.rel @p0 .LBB2_2-.Ltmp5, $4  }
0x541: {  	v20 =	vld [tilespmem:$0x1FFB0]  }
0x542: {  	v23 =	vld [tilespmem:$0x1FFC0]  }
0x543: {  	s0 =	sadd.s32 s0, s11;
	v24 =	vld [tilespmem:$0x1FFD0]  }
0x544: {  	v25 =	vld [tilespmem:$0x1FFE0];
	[hbm4b:s0+s21] =	stream.strided.scatter [tilespmem:s25], [sflag:$0x4], $0x4000, s22, s21, $0x38  }
0x545: {  	s28 =	sadd.s32 $0x1, s28  }
0x546: {  	_ =	swait.ge [sflag:s26], $0x4000;
	p0 =	sne.s32 s28, s12  }
.Ltmp6:
0x547: {  	[sflag:s26] =	ssyncset.done $0x0;
	(pc) =	sbr.rel @p0 .LBB2_1-.Ltmp6, $4  }
0x548: {  	[sflag:s26] =	ssyncadd.s32 $0xFFFFC000  }
0x549: {  	_ =	swait.ge [sflag:s24], $0x4000  }
0x54a: {  	[sflag:s24] =	ssyncset.done $0x0  }
0x54b: {  	[sflag:s24] =	ssyncadd.s32 $0xFFFFC000  }
0x54c: {  	_ =	sfence.sel $0x180000  }
0x54d: {  	[bflag:$0x0] =	sbarrier.arrive $0xFFFF  }
0x54e: {  	_ =	strace $0x90000047  }
0x54f: {  	s0 =	stileid.u32;
	[bflag:$0x2] =	sbarrier.arrive $0xFFFF  }
0x550: {  	p0 =	sne.s32 s0, $0x0;
	s0 =	rddreg [dreg:$0x2]  }
0x551: {  	s0 =	sadd.s32 @!p0 $0x100000, s0  }
0x552: {  	[sflag:s0] =	ssyncadd.tile.s32 @!p0 $0x1;
	_ =	shalt  }
.Lfunc_end2:
_tile_overlayer_lowered:
.L_overlay_start_2:
0x553: {  	(tag) =	ssettag $0x2  }
0x554: {  	s0 =	rddreg [dreg:$0x0];
	s2 =	stileid.u32  }
0x555: {  	s1 =	rddreg [dreg:$0x1];
	p0 =	sne.s32 s2, $0x0  }
0x556: {  	s3 =	rddreg [dreg:$0x2];
	[bflag:$0x3] =	sbarrier.arrive $0xFFFF;
	s2 =	simm.s32 @!p0 $0x1C05  }
0x557: {  	[timem:s3], [sflag:s2] =	dma.local @!p0 [hbm:s0], s1  }
0x558: {  	s0 =	simm.s32 @!p0 $0x5  }
0x559: {  	_ =	swait.ge @!p0 [sflag:s0], s1  }
0x55a: {  	s1 =	ssub.s32 @!p0 $0x0, s1;
	[sflag:s0] =	ssyncset.done @!p0 $0x0  }
0x55b: {  	[sflag:s0] =	ssyncadd.s32 @!p0 s1  }
0x55c: {  	[bflag:$0x3] =	sbarrier.arrive $0xFFFF  }
0x55d: {  	_ =	shalt  }

</sc_bundles>
